<compile_context>
chip_gen: v7x
topology: tpu7x:2x2x1
jax: 0.10.2.dev20260603
libtpu: 0.0.44.dev20260713+nightly
codegen_flags: <defaults>
</compile_context>

<pallas_src>
import functools

import jax
import jax.numpy as jnp
from jax import lax
from jax.experimental import pallas as pl
from jax.experimental.pallas import tpu as pltpu
from jax.experimental.pallas import tpu_sc as plsc

B = 4096
L = 200
D = 32
V = 1000000
HALF = L // 2

NC, NS = 2, 16
NW = NC * NS
ROWS_PER_W = B // NW
HALVES_PER_W = ROWS_PER_W * 2
NBUF = 4

NFULL = V // 128
VFULL = NFULL * 128
K1_MAX = 246

_mesh = plsc.VectorSubcoreMesh(core_axis_name="c", subcore_axis_name="s")


@functools.partial(
    pl.kernel,
    mesh=_mesh,
    out_type=jax.ShapeDtypeStruct((V * D,), jnp.float32),
    compiler_params=pltpu.CompilerParams(use_tc_tiling_on_sc=True,
                                         needs_layout_passes=False,
                                         disable_bounds_checks=True),
    scratch_types=[pltpu.VMEM((D, 128), jnp.float32)] * 4
    + [pltpu.VMEM((128 * D,), jnp.float32)] * 4
    + [pltpu.SemaphoreType.DMA] * 8,
)
def _transpose(wt_hbm, wtail_hbm, out_hbm, *refs):
    wid = lax.axis_index("s") * NC + lax.axis_index("c")
    in_refs = refs[0:4]
    st_refs = refs[4:8]
    sin = refs[8:12]
    sout = refs[12:16]
    def blk(k):
        return wid + NW * k

    def in_copy(k, s):
        b = blk(k)
        return pltpu.make_async_copy(
            wt_hbm.at[pl.ds(0, D), pl.ds(b * 128, 128)], in_refs[s], sin[s])

    def out_copy(k, s):
        b = blk(k)
        return pltpu.make_async_copy(
            st_refs[s], out_hbm.at[pl.ds(b * 128 * D, 128 * D)], sout[s])

    lane = lax.iota(jnp.int32, 16)

    def transpose_block(s, ntok):
        def tb(t8, _):
            t0 = t8 * 16
            tvec = lane + t0
            t32 = tvec * D
            for d0 in range(D):
                c = lane ^ d0
                v = plsc.load_gather(in_refs[s], [c, tvec])
                plsc.store_scatter(st_refs[s], [t32 + c], v)
            return 0
        lax.fori_loop(0, ntok // 16, tb, 0)

    def start_in(k, s):
        @pl.when(blk(k) < NFULL)
        def _():
            in_copy(k, s).start()

    for s in range(3):
        start_in(s, s)

    @pl.loop(0, K1_MAX, step=3)
    def _(k):
        for s in range(3):
            kk = k + s

            @pl.when(blk(kk) < NFULL)
            def _():
                in_copy(kk, s).wait()

                @pl.when(kk >= 3)
                def _():
                    out_copy(kk - 3, s).wait()

                transpose_block(s, 128)
                out_copy(kk, s).start()

            start_in(kk + 3, s)

    @pl.loop(0, K1_MAX, step=3)
    def _(k):
        for s in range(3):
            kk = k + s

            @pl.when((blk(kk) < NFULL) & (blk(kk) + 3 * NW >= NFULL))
            def _():
                out_copy(kk, s).wait()

    @pl.when(wid == 0)
    def _():
        pltpu.sync_copy(wtail_hbm, in_refs[0])
        transpose_block(0, V - VFULL)
        pltpu.sync_copy(
            st_refs[0].at[pl.ds(0, (V - VFULL) * D)],
            out_hbm.at[pl.ds(VFULL * D, (V - VFULL) * D)])


@functools.partial(
    pl.kernel,
    mesh=_mesh,
    out_type=jax.ShapeDtypeStruct((B, D), jnp.float32),
    compiler_params=pltpu.CompilerParams(use_tc_tiling_on_sc=False,
                                         disable_bounds_checks=True),
    scratch_types=[
        pltpu.VMEM((HALVES_PER_W, HALF), jnp.int32),
        pltpu.VMEM((NBUF, HALF, D), jnp.float32),
        pltpu.VMEM((ROWS_PER_W, D), jnp.float32),
        pltpu.VMEM((D,), jnp.float32),
    ] + [pltpu.SemaphoreType.DMA] * NBUF,
)
def _emb_sum(x_hbm, w_hbm, b_hbm, out_hbm, idx_v, buf_v, out_v, bias_v,
             *sems):
    wid = lax.axis_index("s") * NC + lax.axis_index("c")
    base = wid * HALVES_PER_W

    pltpu.sync_copy(x_hbm.at[pl.ds(base, HALVES_PER_W)], idx_v)
    pltpu.sync_copy(b_hbm, bias_v)
    bias0 = bias_v[pl.ds(0, 16)]
    bias1 = bias_v[pl.ds(16, 16)]

    def start(i, slot):
        pltpu.async_copy(w_hbm.at[idx_v.at[i]], buf_v.at[slot], sems[slot])

    def wait(i, slot):
        pltpu.make_async_copy(
            w_hbm.at[idx_v.at[i]], buf_v.at[slot], sems[slot]).wait()

    def accum(slot, accs):
        def inner(j, accs):
            a0, a1 = accs
            a0 = a0 + buf_v[slot, j, pl.ds(0, 16)]
            a1 = a1 + buf_v[slot, j, pl.ds(16, 16)]
            return (a0, a1)
        return lax.fori_loop(0, HALF, inner, accs, unroll=10)

    for slot in range(NBUF):
        start(slot, slot)

    @pl.loop(0, HALVES_PER_W, step=NBUF)
    def _(g):
        for half in range(NBUF // 2):
            accs = (bias0, bias1)
            for s2 in range(2):
                slot = half * 2 + s2
                wait(g + slot, slot)
                accs = accum(slot, accs)

                @pl.when(g < HALVES_PER_W - NBUF)
                def _():
                    start(g + slot + NBUF, slot)

            row = g // 2 + half
            out_v[row, pl.ds(0, 16)] = accs[0]
            out_v[row, pl.ds(16, 16)] = accs[1]

    pltpu.sync_copy(out_v, out_hbm.at[pl.ds(wid * ROWS_PER_W, ROWS_PER_W)])


def kernel(x, emb_weight, emb_bias):
    wt = emb_weight.T
    wtail = jnp.pad(emb_weight[VFULL:], ((0, 128 - (V - VFULL)), (0, 0))).T
    wlin = _transpose(wt, wtail)
    w2 = wlin.reshape(V, D)
    x2 = x.reshape(B * 2, HALF)
    return _emb_sum(x2, w2, emb_bias)

# --- scband reference (transcript-rebuilt; emitter-appended) ---
"""Pipeline reference for scband-biased-embedding-sum-38946763440483 (READ-ONLY COPY).

The authoritative reference and input builder live on the scoring server;
editing this copy changes nothing except your own understanding.
"""

import jax, jax.numpy as jnp
import numpy as np

N_TOKS = 1000000
EMB_DIM = 32
BATCH = 4096
HIST = 200

def setup_inputs(seed: int = 0):
    key = jax.random.key(seed)
    k1, k2 = jax.random.split(key, 2)
    x = jax.random.randint(k1, (BATCH, HIST), 0, N_TOKS, dtype=jnp.int64 if jax.config.jax_enable_x64 else jnp.int32).astype(jnp.int32)
    emb_weight = 0.01 * jax.random.normal(k2, (N_TOKS, EMB_DIM), dtype=jnp.float32)
    emb_weight = emb_weight.at[0].set(0.0)  # padding_idx=0 row zeroed
    emb_bias = jnp.zeros((EMB_DIM,), dtype=jnp.float32)
    return {"x": x, "emb_weight": emb_weight, "emb_bias": emb_bias}

def reference(x, emb_weight, emb_bias):
    # nn.Embedding with padding_idx=0: row 0 is forced to zero
    w = emb_weight.at[0].set(0.0)
    gathered = jnp.take(w, x, axis=0)          # [B, L, D] gather
    out = gathered.sum(axis=1) + emb_bias       # sum over history + bias
    return out

if __name__ == "__main__":
    import jax
    _d = setup_inputs()
    print(jax.jit(kernel)(*tuple(_d.values())))

</pallas_src>

<mosaic_0001>
#map = affine_map<(d0, d1) -> (0, 0)>
#map1 = affine_map<(d0, d1) -> (0)>
module attributes {stable_mosaic.version = 14 : i64} {
  func.func @_transpose(%arg0: i32, %arg1: i32, %arg2: memref<32x1000000xf32, #tpu.memory_space<hbm>>, %arg3: memref<32x128xf32, #tpu.memory_space<hbm>>, %arg4: memref<32000000xf32, #tpu.memory_space<hbm>>, %arg5: memref<32x128xf32, #tpu.memory_space<vmem>>, %arg6: memref<32x128xf32, #tpu.memory_space<vmem>>, %arg7: memref<32x128xf32, #tpu.memory_space<vmem>>, %arg8: memref<32x128xf32, #tpu.memory_space<vmem>>, %arg9: memref<4096xf32, #tpu.memory_space<vmem>>, %arg10: memref<4096xf32, #tpu.memory_space<vmem>>, %arg11: memref<4096xf32, #tpu.memory_space<vmem>>, %arg12: memref<4096xf32, #tpu.memory_space<vmem>>, %arg13: memref<!tpu.dma_semaphore, #tpu.memory_space<semaphore_mem>>, %arg14: memref<!tpu.dma_semaphore, #tpu.memory_space<semaphore_mem>>, %arg15: memref<!tpu.dma_semaphore, #tpu.memory_space<semaphore_mem>>, %arg16: memref<!tpu.dma_semaphore, #tpu.memory_space<semaphore_mem>>, %arg17: memref<!tpu.dma_semaphore, #tpu.memory_space<semaphore_mem>>, %arg18: memref<!tpu.dma_semaphore, #tpu.memory_space<semaphore_mem>>, %arg19: memref<!tpu.dma_semaphore, #tpu.memory_space<semaphore_mem>>, %arg20: memref<!tpu.dma_semaphore, #tpu.memory_space<semaphore_mem>>) attributes {dimension_semantics = [#tpu.dimension_semantics<core_parallel>, #tpu.dimension_semantics<subcore_parallel>], iteration_bounds = array<i64: 2, 16>, scalar_prefetch = 0 : i64, scratch_operands = 16 : i64, tpu.core_type = #tpu.core_type<sc_vector_subcore>, window_params = [{transform_indices = #map}, {transform_indices = #map}, {transform_indices = #map1}]} {
    %mul3A = arith.constant 2 : i32
    %mul3A_0 = arith.muli %arg1, %mul3A : i32
    %add3A = arith.addi %mul3A_0, %arg0 : i32
    %iota3A = tpu.iota {dimensions = array<i32: 0>} : vector<16xi32>
    %add3A_1 = arith.constant 0 : i32
    %add3A_2 = arith.addi %add3A, %add3A_1 : i32
    %lt3A = arith.constant 7812 : i32
    %lt3A_3 = arith.cmpi slt, %add3A_2, %lt3A : i32
    %convert_element_type3A = arith.extui %lt3A_3 : i1 to i32
    %cond3A = arith.constant 0 : i32
    %cond3A_4 = arith.cmpi ne, %convert_element_type3A, %cond3A : i32
    scf.if %cond3A_4 {
      %add3A_32 = arith.constant 0 : i32
      %add3A_33 = arith.addi %add3A, %add3A_32 : i32
      %mul3A_34 = arith.constant 128 : i32
      %mul3A_35 = arith.muli %add3A_33, %mul3A_34 : i32
      %dma_start3A = arith.constant 0 : i32
      %dma_start3A_36 = tpu.memref_slice %arg2[%dma_start3A, %mul3A_35] : memref<32x1000000xf32, #tpu.memory_space<hbm>> -> memref<32x128xf32, #tpu.memory_space<hbm>>
      %dma_start3A_37 = arith.constant 0 : i32
      %dma_start3A_38 = tpu.memref_slice %arg2[%dma_start3A_37, %mul3A_35] : memref<32x1000000xf32, #tpu.memory_space<hbm>> -> memref<32x128xf32, #tpu.memory_space<hbm>>
      tpu.enqueue_dma source(%dma_start3A_38 : memref<32x128xf32, #tpu.memory_space<hbm>>) target(%arg5 : memref<32x128xf32, #tpu.memory_space<vmem>>) target_semaphore(%arg13 : memref<!tpu.dma_semaphore, #tpu.memory_space<semaphore_mem>>)
    } else {
    }
    %add3A_5 = arith.constant 32 : i32
    %add3A_6 = arith.addi %add3A, %add3A_5 : i32
    %lt3A_7 = arith.constant 7812 : i32
    %lt3A_8 = arith.cmpi slt, %add3A_6, %lt3A_7 : i32
    %convert_element_type3A_9 = arith.extui %lt3A_8 : i1 to i32
    %cond3A_10 = arith.constant 0 : i32
    %cond3A_11 = arith.cmpi ne, %convert_element_type3A_9, %cond3A_10 : i32
    scf.if %cond3A_11 {
      %add3A_32 = arith.constant 32 : i32
      %add3A_33 = arith.addi %add3A, %add3A_32 : i32
      %mul3A_34 = arith.constant 128 : i32
      %mul3A_35 = arith.muli %add3A_33, %mul3A_34 : i32
      %dma_start3A = arith.constant 0 : i32
      %dma_start3A_36 = tpu.memref_slice %arg2[%dma_start3A, %mul3A_35] : memref<32x1000000xf32, #tpu.memory_space<hbm>> -> memref<32x128xf32, #tpu.memory_space<hbm>>
      %dma_start3A_37 = arith.constant 0 : i32
      %dma_start3A_38 = tpu.memref_slice %arg2[%dma_start3A_37, %mul3A_35] : memref<32x1000000xf32, #tpu.memory_space<hbm>> -> memref<32x128xf32, #tpu.memory_space<hbm>>
      tpu.enqueue_dma source(%dma_start3A_38 : memref<32x128xf32, #tpu.memory_space<hbm>>) target(%arg6 : memref<32x128xf32, #tpu.memory_space<vmem>>) target_semaphore(%arg14 : memref<!tpu.dma_semaphore, #tpu.memory_space<semaphore_mem>>)
    } else {
    }
    %add3A_12 = arith.constant 64 : i32
    %add3A_13 = arith.addi %add3A, %add3A_12 : i32
    %lt3A_14 = arith.constant 7812 : i32
    %lt3A_15 = arith.cmpi slt, %add3A_13, %lt3A_14 : i32
    %convert_element_type3A_16 = arith.extui %lt3A_15 : i1 to i32
    %cond3A_17 = arith.constant 0 : i32
    %cond3A_18 = arith.cmpi ne, %convert_element_type3A_16, %cond3A_17 : i32
    scf.if %cond3A_18 {
      %add3A_32 = arith.constant 64 : i32
      %add3A_33 = arith.addi %add3A, %add3A_32 : i32
      %mul3A_34 = arith.constant 128 : i32
      %mul3A_35 = arith.muli %add3A_33, %mul3A_34 : i32
      %dma_start3A = arith.constant 0 : i32
      %dma_start3A_36 = tpu.memref_slice %arg2[%dma_start3A, %mul3A_35] : memref<32x1000000xf32, #tpu.memory_space<hbm>> -> memref<32x128xf32, #tpu.memory_space<hbm>>
      %dma_start3A_37 = arith.constant 0 : i32
      %dma_start3A_38 = tpu.memref_slice %arg2[%dma_start3A_37, %mul3A_35] : memref<32x1000000xf32, #tpu.memory_space<hbm>> -> memref<32x128xf32, #tpu.memory_space<hbm>>
      tpu.enqueue_dma source(%dma_start3A_38 : memref<32x128xf32, #tpu.memory_space<hbm>>) target(%arg7 : memref<32x128xf32, #tpu.memory_space<vmem>>) target_semaphore(%arg15 : memref<!tpu.dma_semaphore, #tpu.memory_space<semaphore_mem>>)
    } else {
    }
    %scan3A = arith.constant 0 : i32
    %scan3A_19 = arith.constant 82 : i32
    %scan3A_20 = arith.addi %scan3A, %scan3A_19 : i32
    %scan3A_21 = arith.constant 1 : i32
    scf.for %scan3A_32 = %scan3A to %scan3A_20 step %scan3A_21  : i32 {
      %mul3A_33 = arith.constant 3 : i32
      %mul3A_34 = arith.muli %scan3A_32, %mul3A_33 : i32
      %add3A_35 = arith.constant 0 : i32
      %add3A_36 = arith.addi %add3A_35, %mul3A_34 : i32
      %add3A_37 = arith.constant 0 : i32
      %add3A_38 = arith.addi %add3A_36, %add3A_37 : i32
      %mul3A_39 = arith.constant 32 : i32
      %mul3A_40 = arith.muli %mul3A_39, %add3A_38 : i32
      %add3A_41 = arith.addi %add3A, %mul3A_40 : i32
      %lt3A_42 = arith.constant 7812 : i32
      %lt3A_43 = arith.cmpi slt, %add3A_41, %lt3A_42 : i32
      %convert_element_type3A_44 = arith.extui %lt3A_43 : i1 to i32
      %cond3A_45 = arith.constant 0 : i32
      %cond3A_46 = arith.cmpi ne, %convert_element_type3A_44, %cond3A_45 : i32
      scf.if %cond3A_46 {
        %mul3A_97 = arith.constant 32 : i32
        %mul3A_98 = arith.muli %mul3A_97, %add3A_38 : i32
        %add3A_99 = arith.addi %add3A, %mul3A_98 : i32
        %mul3A_100 = arith.constant 128 : i32
        %mul3A_101 = arith.muli %add3A_99, %mul3A_100 : i32
        %dma_wait3A = arith.constant 0 : i32
        %dma_wait3A_102 = tpu.memref_slice %arg2[%dma_wait3A, %mul3A_101] : memref<32x1000000xf32, #tpu.memory_space<hbm>> -> memref<32x128xf32, #tpu.memory_space<hbm>>
        %dma_wait3A_103 = arith.constant 0 : i32
        %dma_wait3A_104 = tpu.memref_slice %arg2[%dma_wait3A_103, %mul3A_101] : memref<32x1000000xf32, #tpu.memory_space<hbm>> -> memref<32x128xf32, #tpu.memory_space<hbm>>
        tpu.wait_dma2 semaphore(%arg13 : memref<!tpu.dma_semaphore, #tpu.memory_space<semaphore_mem>>) src(%dma_wait3A_104 : memref<32x128xf32, #tpu.memory_space<hbm>>) dst(%arg5 : memref<32x128xf32, #tpu.memory_space<vmem>>)
        %ge3A = arith.constant 3 : i32
        %ge3A_105 = arith.cmpi sge, %add3A_38, %ge3A : i32
        %convert_element_type3A_106 = arith.extui %ge3A_105 : i1 to i32
        %cond3A_107 = arith.constant 0 : i32
        %cond3A_108 = arith.cmpi ne, %convert_element_type3A_106, %cond3A_107 : i32
        scf.if %cond3A_108 {
          %sub3A = arith.constant 3 : i32
          %sub3A_124 = arith.subi %add3A_38, %sub3A : i32
          %mul3A_125 = arith.constant 32 : i32
          %mul3A_126 = arith.muli %mul3A_125, %sub3A_124 : i32
          %add3A_127 = arith.addi %add3A, %mul3A_126 : i32
          %mul3A_128 = arith.constant 128 : i32
          %mul3A_129 = arith.muli %add3A_127, %mul3A_128 : i32
          %mul3A_130 = arith.constant 32 : i32
          %mul3A_131 = arith.muli %mul3A_129, %mul3A_130 : i32
          %dma_wait3A_132 = tpu.memref_slice %arg4[%mul3A_131] : memref<32000000xf32, #tpu.memory_space<hbm>> -> memref<4096xf32, #tpu.memory_space<hbm>>
          %dma_wait3A_133 = tpu.memref_slice %arg4[%mul3A_131] : memref<32000000xf32, #tpu.memory_space<hbm>> -> memref<4096xf32, #tpu.memory_space<hbm>>
          tpu.wait_dma2 semaphore(%arg17 : memref<!tpu.dma_semaphore, #tpu.memory_space<semaphore_mem>>) src(%arg9 : memref<4096xf32, #tpu.memory_space<vmem>>) dst(%dma_wait3A_133 : memref<4096xf32, #tpu.memory_space<hbm>>)
        } else {
        }
        %scan3A_109 = arith.constant 0 : i32
        %scan3A_110 = arith.constant 0 : i32
        %scan3A_111 = arith.constant 8 : i32
        %scan3A_112 = arith.addi %scan3A_110, %scan3A_111 : i32
        %scan3A_113 = arith.constant 1 : i32
        %scan3A_114 = scf.for %scan3A_124 = %scan3A_110 to %scan3A_112 step %scan3A_113 iter_args(%scan3A_125 = %scan3A_109) -> (i32)  : i32 {
          %mul3A_126 = arith.constant 16 : i32
          %mul3A_127 = arith.muli %scan3A_124, %mul3A_126 : i32
          %add3A_128 = vector.broadcast %mul3A_127 : i32 to vector<16xi32>
          %add3A_129 = arith.addi %iota3A, %add3A_128 : vector<16xi32>
          %mul3A_130 = arith.constant 32 : i32
          %mul3A_131 = vector.broadcast %mul3A_130 : i32 to vector<16xi32>
          %mul3A_132 = arith.muli %add3A_129, %mul3A_131 : vector<16xi32>
          %xor3A = arith.constant 0 : i32
          %xor3A_133 = vector.broadcast %xor3A : i32 to vector<16xi32>
          %xor3A_134 = arith.xori %iota3A, %xor3A_133 : vector<16xi32>
          %gather3A = tpu.vector_load_idx %arg5[%xor3A_134, %add3A_129] : memref<32x128xf32, #tpu.memory_space<vmem>>[vector<16xi32>, vector<16xi32>], vector<16xf32>,
          %add3A_135 = arith.addi %mul3A_132, %xor3A_134 : vector<16xi32>
          tpu.vector_store_idx %arg9[%add3A_135], %gather3A : memref<4096xf32, #tpu.memory_space<vmem>>[vector<16xi32>], vector<16xf32>,
          %xor3A_136 = arith.constant 1 : i32
          %xor3A_137 = vector.broadcast %xor3A_136 : i32 to vector<16xi32>
          %xor3A_138 = arith.xori %iota3A, %xor3A_137 : vector<16xi32>
          %gather3A_139 = tpu.vector_load_idx %arg5[%xor3A_138, %add3A_129] : memref<32x128xf32, #tpu.memory_space<vmem>>[vector<16xi32>, vector<16xi32>], vector<16xf32>,
          %add3A_140 = arith.addi %mul3A_132, %xor3A_138 : vector<16xi32>
          tpu.vector_store_idx %arg9[%add3A_140], %gather3A_139 : memref<4096xf32, #tpu.memory_space<vmem>>[vector<16xi32>], vector<16xf32>,
          %xor3A_141 = arith.constant 2 : i32
          %xor3A_142 = vector.broadcast %xor3A_141 : i32 to vector<16xi32>
          %xor3A_143 = arith.xori %iota3A, %xor3A_142 : vector<16xi32>
          %gather3A_144 = tpu.vector_load_idx %arg5[%xor3A_143, %add3A_129] : memref<32x128xf32, #tpu.memory_space<vmem>>[vector<16xi32>, vector<16xi32>], vector<16xf32>,
          %add3A_145 = arith.addi %mul3A_132, %xor3A_143 : vector<16xi32>
          tpu.vector_store_idx %arg9[%add3A_145], %gather3A_144 : memref<4096xf32, #tpu.memory_space<vmem>>[vector<16xi32>], vector<16xf32>,
          %xor3A_146 = arith.constant 3 : i32
          %xor3A_147 = vector.broadcast %xor3A_146 : i32 to vector<16xi32>
          %xor3A_148 = arith.xori %iota3A, %xor3A_147 : vector<16xi32>
          %gather3A_149 = tpu.vector_load_idx %arg5[%xor3A_148, %add3A_129] : memref<32x128xf32, #tpu.memory_space<vmem>>[vector<16xi32>, vector<16xi32>], vector<16xf32>,
          %add3A_150 = arith.addi %mul3A_132, %xor3A_148 : vector<16xi32>
          tpu.vector_store_idx %arg9[%add3A_150], %gather3A_149 : memref<4096xf32, #tpu.memory_space<vmem>>[vector<16xi32>], vector<16xf32>,
          %xor3A_151 = arith.constant 4 : i32
          %xor3A_152 = vector.broadcast %xor3A_151 : i32 to vector<16xi32>
          %xor3A_153 = arith.xori %iota3A, %xor3A_152 : vector<16xi32>
          %gather3A_154 = tpu.vector_load_idx %arg5[%xor3A_153, %add3A_129] : memref<32x128xf32, #tpu.memory_space<vmem>>[vector<16xi32>, vector<16xi32>], vector<16xf32>,
          %add3A_155 = arith.addi %mul3A_132, %xor3A_153 : vector<16xi32>
          tpu.vector_store_idx %arg9[%add3A_155], %gather3A_154 : memref<4096xf32, #tpu.memory_space<vmem>>[vector<16xi32>], vector<16xf32>,
          %xor3A_156 = arith.constant 5 : i32
          %xor3A_157 = vector.broadcast %xor3A_156 : i32 to vector<16xi32>
          %xor3A_158 = arith.xori %iota3A, %xor3A_157 : vector<16xi32>
          %gather3A_159 = tpu.vector_load_idx %arg5[%xor3A_158, %add3A_129] : memref<32x128xf32, #tpu.memory_space<vmem>>[vector<16xi32>, vector<16xi32>], vector<16xf32>,
          %add3A_160 = arith.addi %mul3A_132, %xor3A_158 : vector<16xi32>
          tpu.vector_store_idx %arg9[%add3A_160], %gather3A_159 : memref<4096xf32, #tpu.memory_space<vmem>>[vector<16xi32>], vector<16xf32>,
          %xor3A_161 = arith.constant 6 : i32
          %xor3A_162 = vector.broadcast %xor3A_161 : i32 to vector<16xi32>
          %xor3A_163 = arith.xori %iota3A, %xor3A_162 : vector<16xi32>
          %gather3A_164 = tpu.vector_load_idx %arg5[%xor3A_163, %add3A_129] : memref<32x128xf32, #tpu.memory_space<vmem>>[vector<16xi32>, vector<16xi32>], vector<16xf32>,
          %add3A_165 = arith.addi %mul3A_132, %xor3A_163 : vector<16xi32>
          tpu.vector_store_idx %arg9[%add3A_165], %gather3A_164 : memref<4096xf32, #tpu.memory_space<vmem>>[vector<16xi32>], vector<16xf32>,
          %xor3A_166 = arith.constant 7 : i32
          %xor3A_167 = vector.broadcast %xor3A_166 : i32 to vector<16xi32>
          %xor3A_168 = arith.xori %iota3A, %xor3A_167 : vector<16xi32>
          %gather3A_169 = tpu.vector_load_idx %arg5[%xor3A_168, %add3A_129] : memref<32x128xf32, #tpu.memory_space<vmem>>[vector<16xi32>, vector<16xi32>], vector<16xf32>,
          %add3A_170 = arith.addi %mul3A_132, %xor3A_168 : vector<16xi32>
          tpu.vector_store_idx %arg9[%add3A_170], %gather3A_169 : memref<4096xf32, #tpu.memory_space<vmem>>[vector<16xi32>], vector<16xf32>,
          %xor3A_171 = arith.constant 8 : i32
          %xor3A_172 = vector.broadcast %xor3A_171 : i32 to vector<16xi32>
          %xor3A_173 = arith.xori %iota3A, %xor3A_172 : vector<16xi32>
          %gather3A_174 = tpu.vector_load_idx %arg5[%xor3A_173, %add3A_129] : memref<32x128xf32, #tpu.memory_space<vmem>>[vector<16xi32>, vector<16xi32>], vector<16xf32>,
          %add3A_175 = arith.addi %mul3A_132, %xor3A_173 : vector<16xi32>
          tpu.vector_store_idx %arg9[%add3A_175], %gather3A_174 : memref<4096xf32, #tpu.memory_space<vmem>>[vector<16xi32>], vector<16xf32>,
          %xor3A_176 = arith.constant 9 : i32
          %xor3A_177 = vector.broadcast %xor3A_176 : i32 to vector<16xi32>
          %xor3A_178 = arith.xori %iota3A, %xor3A_177 : vector<16xi32>
          %gather3A_179 = tpu.vector_load_idx %arg5[%xor3A_178, %add3A_129] : memref<32x128xf32, #tpu.memory_space<vmem>>[vector<16xi32>, vector<16xi32>], vector<16xf32>,
          %add3A_180 = arith.addi %mul3A_132, %xor3A_178 : vector<16xi32>
          tpu.vector_store_idx %arg9[%add3A_180], %gather3A_179 : memref<4096xf32, #tpu.memory_space<vmem>>[vector<16xi32>], vector<16xf32>,
          %xor3A_181 = arith.constant 10 : i32
          %xor3A_182 = vector.broadcast %xor3A_181 : i32 to vector<16xi32>
          %xor3A_183 = arith.xori %iota3A, %xor3A_182 : vector<16xi32>
          %gather3A_184 = tpu.vector_load_idx %arg5[%xor3A_183, %add3A_129] : memref<32x128xf32, #tpu.memory_space<vmem>>[vector<16xi32>, vector<16xi32>], vector<16xf32>,
          %add3A_185 = arith.addi %mul3A_132, %xor3A_183 : vector<16xi32>
          tpu.vector_store_idx %arg9[%add3A_185], %gather3A_184 : memref<4096xf32, #tpu.memory_space<vmem>>[vector<16xi32>], vector<16xf32>,
          %xor3A_186 = arith.constant 11 : i32
          %xor3A_187 = vector.broadcast %xor3A_186 : i32 to vector<16xi32>
          %xor3A_188 = arith.xori %iota3A, %xor3A_187 : vector<16xi32>
          %gather3A_189 = tpu.vector_load_idx %arg5[%xor3A_188, %add3A_129] : memref<32x128xf32, #tpu.memory_space<vmem>>[vector<16xi32>, vector<16xi32>], vector<16xf32>,
          %add3A_190 = arith.addi %mul3A_132, %xor3A_188 : vector<16xi32>
          tpu.vector_store_idx %arg9[%add3A_190], %gather3A_189 : memref<4096xf32, #tpu.memory_space<vmem>>[vector<16xi32>], vector<16xf32>,
          %xor3A_191 = arith.constant 12 : i32
          %xor3A_192 = vector.broadcast %xor3A_191 : i32 to vector<16xi32>
          %xor3A_193 = arith.xori %iota3A, %xor3A_192 : vector<16xi32>
          %gather3A_194 = tpu.vector_load_idx %arg5[%xor3A_193, %add3A_129] : memref<32x128xf32, #tpu.memory_space<vmem>>[vector<16xi32>, vector<16xi32>], vector<16xf32>,
          %add3A_195 = arith.addi %mul3A_132, %xor3A_193 : vector<16xi32>
          tpu.vector_store_idx %arg9[%add3A_195], %gather3A_194 : memref<4096xf32, #tpu.memory_space<vmem>>[vector<16xi32>], vector<16xf32>,
          %xor3A_196 = arith.constant 13 : i32
          %xor3A_197 = vector.broadcast %xor3A_196 : i32 to vector<16xi32>
          %xor3A_198 = arith.xori %iota3A, %xor3A_197 : vector<16xi32>
          %gather3A_199 = tpu.vector_load_idx %arg5[%xor3A_198, %add3A_129] : memref<32x128xf32, #tpu.memory_space<vmem>>[vector<16xi32>, vector<16xi32>], vector<16xf32>,
          %add3A_200 = arith.addi %mul3A_132, %xor3A_198 : vector<16xi32>
          tpu.vector_store_idx %arg9[%add3A_200], %gather3A_199 : memref<4096xf32, #tpu.memory_space<vmem>>[vector<16xi32>], vector<16xf32>,
          %xor3A_201 = arith.constant 14 : i32
          %xor3A_202 = vector.broadcast %xor3A_201 : i32 to vector<16xi32>
          %xor3A_203 = arith.xori %iota3A, %xor3A_202 : vector<16xi32>
          %gather3A_204 = tpu.vector_load_idx %arg5[%xor3A_203, %add3A_129] : memref<32x128xf32, #tpu.memory_space<vmem>>[vector<16xi32>, vector<16xi32>], vector<16xf32>,
          %add3A_205 = arith.addi %mul3A_132, %xor3A_203 : vector<16xi32>
          tpu.vector_store_idx %arg9[%add3A_205], %gather3A_204 : memref<4096xf32, #tpu.memory_space<vmem>>[vector<16xi32>], vector<16xf32>,
          %xor3A_206 = arith.constant 15 : i32
          %xor3A_207 = vector.broadcast %xor3A_206 : i32 to vector<16xi32>
          %xor3A_208 = arith.xori %iota3A, %xor3A_207 : vector<16xi32>
          %gather3A_209 = tpu.vector_load_idx %arg5[%xor3A_208, %add3A_129] : memref<32x128xf32, #tpu.memory_space<vmem>>[vector<16xi32>, vector<16xi32>], vector<16xf32>,
          %add3A_210 = arith.addi %mul3A_132, %xor3A_208 : vector<16xi32>
          tpu.vector_store_idx %arg9[%add3A_210], %gather3A_209 : memref<4096xf32, #tpu.memory_space<vmem>>[vector<16xi32>], vector<16xf32>,
          %xor3A_211 = arith.constant 16 : i32
          %xor3A_212 = vector.broadcast %xor3A_211 : i32 to vector<16xi32>
          %xor3A_213 = arith.xori %iota3A, %xor3A_212 : vector<16xi32>
          %gather3A_214 = tpu.vector_load_idx %arg5[%xor3A_213, %add3A_129] : memref<32x128xf32, #tpu.memory_space<vmem>>[vector<16xi32>, vector<16xi32>], vector<16xf32>,
          %add3A_215 = arith.addi %mul3A_132, %xor3A_213 : vector<16xi32>
          tpu.vector_store_idx %arg9[%add3A_215], %gather3A_214 : memref<4096xf32, #tpu.memory_space<vmem>>[vector<16xi32>], vector<16xf32>,
          %xor3A_216 = arith.constant 17 : i32
          %xor3A_217 = vector.broadcast %xor3A_216 : i32 to vector<16xi32>
          %xor3A_218 = arith.xori %iota3A, %xor3A_217 : vector<16xi32>
          %gather3A_219 = tpu.vector_load_idx %arg5[%xor3A_218, %add3A_129] : memref<32x128xf32, #tpu.memory_space<vmem>>[vector<16xi32>, vector<16xi32>], vector<16xf32>,
          %add3A_220 = arith.addi %mul3A_132, %xor3A_218 : vector<16xi32>
          tpu.vector_store_idx %arg9[%add3A_220], %gather3A_219 : memref<4096xf32, #tpu.memory_space<vmem>>[vector<16xi32>], vector<16xf32>,
          %xor3A_221 = arith.constant 18 : i32
          %xor3A_222 = vector.broadcast %xor3A_221 : i32 to vector<16xi32>
          %xor3A_223 = arith.xori %iota3A, %xor3A_222 : vector<16xi32>
          %gather3A_224 = tpu.vector_load_idx %arg5[%xor3A_223, %add3A_129] : memref<32x128xf32, #tpu.memory_space<vmem>>[vector<16xi32>, vector<16xi32>], vector<16xf32>,
          %add3A_225 = arith.addi %mul3A_132, %xor3A_223 : vector<16xi32>
          tpu.vector_store_idx %arg9[%add3A_225], %gather3A_224 : memref<4096xf32, #tpu.memory_space<vmem>>[vector<16xi32>], vector<16xf32>,
          %xor3A_226 = arith.constant 19 : i32
          %xor3A_227 = vector.broadcast %xor3A_226 : i32 to vector<16xi32>
          %xor3A_228 = arith.xori %iota3A, %xor3A_227 : vector<16xi32>
          %gather3A_229 = tpu.vector_load_idx %arg5[%xor3A_228, %add3A_129] : memref<32x128xf32, #tpu.memory_space<vmem>>[vector<16xi32>, vector<16xi32>], vector<16xf32>,
          %add3A_230 = arith.addi %mul3A_132, %xor3A_228 : vector<16xi32>
          tpu.vector_store_idx %arg9[%add3A_230], %gather3A_229 : memref<4096xf32, #tpu.memory_space<vmem>>[vector<16xi32>], vector<16xf32>,
          %xor3A_231 = arith.constant 20 : i32
          %xor3A_232 = vector.broadcast %xor3A_231 : i32 to vector<16xi32>
          %xor3A_233 = arith.xori %iota3A, %xor3A_232 : vector<16xi32>
          %gather3A_234 = tpu.vector_load_idx %arg5[%xor3A_233, %add3A_129] : memref<32x128xf32, #tpu.memory_space<vmem>>[vector<16xi32>, vector<16xi32>], vector<16xf32>,
          %add3A_235 = arith.addi %mul3A_132, %xor3A_233 : vector<16xi32>
          tpu.vector_store_idx %arg9[%add3A_235], %gather3A_234 : memref<4096xf32, #tpu.memory_space<vmem>>[vector<16xi32>], vector<16xf32>,
          %xor3A_236 = arith.constant 21 : i32
          %xor3A_237 = vector.broadcast %xor3A_236 : i32 to vector<16xi32>
          %xor3A_238 = arith.xori %iota3A, %xor3A_237 : vector<16xi32>
          %gather3A_239 = tpu.vector_load_idx %arg5[%xor3A_238, %add3A_129] : memref<32x128xf32, #tpu.memory_space<vmem>>[vector<16xi32>, vector<16xi32>], vector<16xf32>,
          %add3A_240 = arith.addi %mul3A_132, %xor3A_238 : vector<16xi32>
          tpu.vector_store_idx %arg9[%add3A_240], %gather3A_239 : memref<4096xf32, #tpu.memory_space<vmem>>[vector<16xi32>], vector<16xf32>,
          %xor3A_241 = arith.constant 22 : i32
          %xor3A_242 = vector.broadcast %xor3A_241 : i32 to vector<16xi32>
          %xor3A_243 = arith.xori %iota3A, %xor3A_242 : vector<16xi32>
          %gather3A_244 = tpu.vector_load_idx %arg5[%xor3A_243, %add3A_129] : memref<32x128xf32, #tpu.memory_space<vmem>>[vector<16xi32>, vector<16xi32>], vector<16xf32>,
          %add3A_245 = arith.addi %mul3A_132, %xor3A_243 : vector<16xi32>
          tpu.vector_store_idx %arg9[%add3A_245], %gather3A_244 : memref<4096xf32, #tpu.memory_space<vmem>>[vector<16xi32>], vector<16xf32>,
          %xor3A_246 = arith.constant 23 : i32
          %xor3A_247 = vector.broadcast %xor3A_246 : i32 to vector<16xi32>
          %xor3A_248 = arith.xori %iota3A, %xor3A_247 : vector<16xi32>
          %gather3A_249 = tpu.vector_load_idx %arg5[%xor3A_248, %add3A_129] : memref<32x128xf32, #tpu.memory_space<vmem>>[vector<16xi32>, vector<16xi32>], vector<16xf32>,
          %add3A_250 = arith.addi %mul3A_132, %xor3A_248 : vector<16xi32>
          tpu.vector_store_idx %arg9[%add3A_250], %gather3A_249 : memref<4096xf32, #tpu.memory_space<vmem>>[vector<16xi32>], vector<16xf32>,
          %xor3A_251 = arith.constant 24 : i32
          %xor3A_252 = vector.broadcast %xor3A_251 : i32 to vector<16xi32>
          %xor3A_253 = arith.xori %iota3A, %xor3A_252 : vector<16xi32>
          %gather3A_254 = tpu.vector_load_idx %arg5[%xor3A_253, %add3A_129] : memref<32x128xf32, #tpu.memory_space<vmem>>[vector<16xi32>, vector<16xi32>], vector<16xf32>,
          %add3A_255 = arith.addi %mul3A_132, %xor3A_253 : vector<16xi32>
          tpu.vector_store_idx %arg9[%add3A_255], %gather3A_254 : memref<4096xf32, #tpu.memory_space<vmem>>[vector<16xi32>], vector<16xf32>,
          %xor3A_256 = arith.constant 25 : i32
          %xor3A_257 = vector.broadcast %xor3A_256 : i32 to vector<16xi32>
          %xor3A_258 = arith.xori %iota3A, %xor3A_257 : vector<16xi32>
          %gather3A_259 = tpu.vector_load_idx %arg5[%xor3A_258, %add3A_129] : memref<32x128xf32, #tpu.memory_space<vmem>>[vector<16xi32>, vector<16xi32>], vector<16xf32>,
          %add3A_260 = arith.addi %mul3A_132, %xor3A_258 : vector<16xi32>
          tpu.vector_store_idx %arg9[%add3A_260], %gather3A_259 : memref<4096xf32, #tpu.memory_space<vmem>>[vector<16xi32>], vector<16xf32>,
          %xor3A_261 = arith.constant 26 : i32
          %xor3A_262 = vector.broadcast %xor3A_261 : i32 to vector<16xi32>
          %xor3A_263 = arith.xori %iota3A, %xor3A_262 : vector<16xi32>
          %gather3A_264 = tpu.vector_load_idx %arg5[%xor3A_263, %add3A_129] : memref<32x128xf32, #tpu.memory_space<vmem>>[vector<16xi32>, vector<16xi32>], vector<16xf32>,
          %add3A_265 = arith.addi %mul3A_132, %xor3A_263 : vector<16xi32>
          tpu.vector_store_idx %arg9[%add3A_265], %gather3A_264 : memref<4096xf32, #tpu.memory_space<vmem>>[vector<16xi32>], vector<16xf32>,
          %xor3A_266 = arith.constant 27 : i32
          %xor3A_267 = vector.broadcast %xor3A_266 : i32 to vector<16xi32>
          %xor3A_268 = arith.xori %iota3A, %xor3A_267 : vector<16xi32>
          %gather3A_269 = tpu.vector_load_idx %arg5[%xor3A_268, %add3A_129] : memref<32x128xf32, #tpu.memory_space<vmem>>[vector<16xi32>, vector<16xi32>], vector<16xf32>,
          %add3A_270 = arith.addi %mul3A_132, %xor3A_268 : vector<16xi32>
          tpu.vector_store_idx %arg9[%add3A_270], %gather3A_269 : memref<4096xf32, #tpu.memory_space<vmem>>[vector<16xi32>], vector<16xf32>,
          %xor3A_271 = arith.constant 28 : i32
          %xor3A_272 = vector.broadcast %xor3A_271 : i32 to vector<16xi32>
          %xor3A_273 = arith.xori %iota3A, %xor3A_272 : vector<16xi32>
          %gather3A_274 = tpu.vector_load_idx %arg5[%xor3A_273, %add3A_129] : memref<32x128xf32, #tpu.memory_space<vmem>>[vector<16xi32>, vector<16xi32>], vector<16xf32>,
          %add3A_275 = arith.addi %mul3A_132, %xor3A_273 : vector<16xi32>
          tpu.vector_store_idx %arg9[%add3A_275], %gather3A_274 : memref<4096xf32, #tpu.memory_space<vmem>>[vector<16xi32>], vector<16xf32>,
          %xor3A_276 = arith.constant 29 : i32
          %xor3A_277 = vector.broadcast %xor3A_276 : i32 to vector<16xi32>
          %xor3A_278 = arith.xori %iota3A, %xor3A_277 : vector<16xi32>
          %gather3A_279 = tpu.vector_load_idx %arg5[%xor3A_278, %add3A_129] : memref<32x128xf32, #tpu.memory_space<vmem>>[vector<16xi32>, vector<16xi32>], vector<16xf32>,
          %add3A_280 = arith.addi %mul3A_132, %xor3A_278 : vector<16xi32>
          tpu.vector_store_idx %arg9[%add3A_280], %gather3A_279 : memref<4096xf32, #tpu.memory_space<vmem>>[vector<16xi32>], vector<16xf32>,
          %xor3A_281 = arith.constant 30 : i32
          %xor3A_282 = vector.broadcast %xor3A_281 : i32 to vector<16xi32>
          %xor3A_283 = arith.xori %iota3A, %xor3A_282 : vector<16xi32>
          %gather3A_284 = tpu.vector_load_idx %arg5[%xor3A_283, %add3A_129] : memref<32x128xf32, #tpu.memory_space<vmem>>[vector<16xi32>, vector<16xi32>], vector<16xf32>,
          %add3A_285 = arith.addi %mul3A_132, %xor3A_283 : vector<16xi32>
          tpu.vector_store_idx %arg9[%add3A_285], %gather3A_284 : memref<4096xf32, #tpu.memory_space<vmem>>[vector<16xi32>], vector<16xf32>,
          %xor3A_286 = arith.constant 31 : i32
          %xor3A_287 = vector.broadcast %xor3A_286 : i32 to vector<16xi32>
          %xor3A_288 = arith.xori %iota3A, %xor3A_287 : vector<16xi32>
          %gather3A_289 = tpu.vector_load_idx %arg5[%xor3A_288, %add3A_129] : memref<32x128xf32, #tpu.memory_space<vmem>>[vector<16xi32>, vector<16xi32>], vector<16xf32>,
          %add3A_290 = arith.addi %mul3A_132, %xor3A_288 : vector<16xi32>
          tpu.vector_store_idx %arg9[%add3A_290], %gather3A_289 : memref<4096xf32, #tpu.memory_space<vmem>>[vector<16xi32>], vector<16xf32>,
          %scan3A_291 = arith.constant 0 : i32
          scf.yield %scan3A_291 : i32
        }
        %scan3A_115 = arith.constant 8 : i32
        %mul3A_116 = arith.constant 32 : i32
        %mul3A_117 = arith.muli %mul3A_116, %add3A_38 : i32
        %add3A_118 = arith.addi %add3A, %mul3A_117 : i32
        %mul3A_119 = arith.constant 128 : i32
        %mul3A_120 = arith.muli %add3A_118, %mul3A_119 : i32
        %mul3A_121 = arith.constant 32 : i32
        %mul3A_122 = arith.muli %mul3A_120, %mul3A_121 : i32
        %dma_start3A = tpu.memref_slice %arg4[%mul3A_122] : memref<32000000xf32, #tpu.memory_space<hbm>> -> memref<4096xf32, #tpu.memory_space<hbm>>
        %dma_start3A_123 = tpu.memref_slice %arg4[%mul3A_122] : memref<32000000xf32, #tpu.memory_space<hbm>> -> memref<4096xf32, #tpu.memory_space<hbm>>
        tpu.enqueue_dma source(%arg9 : memref<4096xf32, #tpu.memory_space<vmem>>) target(%dma_start3A_123 : memref<4096xf32, #tpu.memory_space<hbm>>) target_semaphore(%arg17 : memref<!tpu.dma_semaphore, #tpu.memory_space<semaphore_mem>>)
      } else {
      }
      %add3A_47 = arith.constant 3 : i32
      %add3A_48 = arith.addi %add3A_38, %add3A_47 : i32
      %mul3A_49 = arith.constant 32 : i32
      %mul3A_50 = arith.muli %mul3A_49, %add3A_48 : i32
      %add3A_51 = arith.addi %add3A, %mul3A_50 : i32
      %lt3A_52 = arith.constant 7812 : i32
      %lt3A_53 = arith.cmpi slt, %add3A_51, %lt3A_52 : i32
      %convert_element_type3A_54 = arith.extui %lt3A_53 : i1 to i32
      %cond3A_55 = arith.constant 0 : i32
      %cond3A_56 = arith.cmpi ne, %convert_element_type3A_54, %cond3A_55 : i32
      scf.if %cond3A_56 {
        %mul3A_97 = arith.constant 32 : i32
        %mul3A_98 = arith.muli %mul3A_97, %add3A_48 : i32
        %add3A_99 = arith.addi %add3A, %mul3A_98 : i32
        %mul3A_100 = arith.constant 128 : i32
        %mul3A_101 = arith.muli %add3A_99, %mul3A_100 : i32
        %dma_start3A = arith.constant 0 : i32
        %dma_start3A_102 = tpu.memref_slice %arg2[%dma_start3A, %mul3A_101] : memref<32x1000000xf32, #tpu.memory_space<hbm>> -> memref<32x128xf32, #tpu.memory_space<hbm>>
        %dma_start3A_103 = arith.constant 0 : i32
        %dma_start3A_104 = tpu.memref_slice %arg2[%dma_start3A_103, %mul3A_101] : memref<32x1000000xf32, #tpu.memory_space<hbm>> -> memref<32x128xf32, #tpu.memory_space<hbm>>
        tpu.enqueue_dma source(%dma_start3A_104 : memref<32x128xf32, #tpu.memory_space<hbm>>) target(%arg5 : memref<32x128xf32, #tpu.memory_space<vmem>>) target_semaphore(%arg13 : memref<!tpu.dma_semaphore, #tpu.memory_space<semaphore_mem>>)
      } else {
      }
      %add3A_57 = arith.constant 1 : i32
      %add3A_58 = arith.addi %add3A_36, %add3A_57 : i32
      %mul3A_59 = arith.constant 32 : i32
      %mul3A_60 = arith.muli %mul3A_59, %add3A_58 : i32
      %add3A_61 = arith.addi %add3A, %mul3A_60 : i32
      %lt3A_62 = arith.constant 7812 : i32
      %lt3A_63 = arith.cmpi slt, %add3A_61, %lt3A_62 : i32
      %convert_element_type3A_64 = arith.extui %lt3A_63 : i1 to i32
      %cond3A_65 = arith.constant 0 : i32
      %cond3A_66 = arith.cmpi ne, %convert_element_type3A_64, %cond3A_65 : i32
      scf.if %cond3A_66 {
        %mul3A_97 = arith.constant 32 : i32
        %mul3A_98 = arith.muli %mul3A_97, %add3A_58 : i32
        %add3A_99 = arith.addi %add3A, %mul3A_98 : i32
        %mul3A_100 = arith.constant 128 : i32
        %mul3A_101 = arith.muli %add3A_99, %mul3A_100 : i32
        %dma_wait3A = arith.constant 0 : i32
        %dma_wait3A_102 = tpu.memref_slice %arg2[%dma_wait3A, %mul3A_101] : memref<32x1000000xf32, #tpu.memory_space<hbm>> -> memref<32x128xf32, #tpu.memory_space<hbm>>
        %dma_wait3A_103 = arith.constant 0 : i32
        %dma_wait3A_104 = tpu.memref_slice %arg2[%dma_wait3A_103, %mul3A_101] : memref<32x1000000xf32, #tpu.memory_space<hbm>> -> memref<32x128xf32, #tpu.memory_space<hbm>>
        tpu.wait_dma2 semaphore(%arg14 : memref<!tpu.dma_semaphore, #tpu.memory_space<semaphore_mem>>) src(%dma_wait3A_104 : memref<32x128xf32, #tpu.memory_space<hbm>>) dst(%arg6 : memref<32x128xf32, #tpu.memory_space<vmem>>)
        %ge3A = arith.constant 3 : i32
        %ge3A_105 = arith.cmpi sge, %add3A_58, %ge3A : i32
        %convert_element_type3A_106 = arith.extui %ge3A_105 : i1 to i32
        %cond3A_107 = arith.constant 0 : i32
        %cond3A_108 = arith.cmpi ne, %convert_element_type3A_106, %cond3A_107 : i32
        scf.if %cond3A_108 {
          %sub3A = arith.constant 3 : i32
          %sub3A_124 = arith.subi %add3A_58, %sub3A : i32
          %mul3A_125 = arith.constant 32 : i32
          %mul3A_126 = arith.muli %mul3A_125, %sub3A_124 : i32
          %add3A_127 = arith.addi %add3A, %mul3A_126 : i32
          %mul3A_128 = arith.constant 128 : i32
          %mul3A_129 = arith.muli %add3A_127, %mul3A_128 : i32
          %mul3A_130 = arith.constant 32 : i32
          %mul3A_131 = arith.muli %mul3A_129, %mul3A_130 : i32
          %dma_wait3A_132 = tpu.memref_slice %arg4[%mul3A_131] : memref<32000000xf32, #tpu.memory_space<hbm>> -> memref<4096xf32, #tpu.memory_space<hbm>>
          %dma_wait3A_133 = tpu.memref_slice %arg4[%mul3A_131] : memref<32000000xf32, #tpu.memory_space<hbm>> -> memref<4096xf32, #tpu.memory_space<hbm>>
          tpu.wait_dma2 semaphore(%arg18 : memref<!tpu.dma_semaphore, #tpu.memory_space<semaphore_mem>>) src(%arg10 : memref<4096xf32, #tpu.memory_space<vmem>>) dst(%dma_wait3A_133 : memref<4096xf32, #tpu.memory_space<hbm>>)
        } else {
        }
        %scan3A_109 = arith.constant 0 : i32
        %scan3A_110 = arith.constant 0 : i32
        %scan3A_111 = arith.constant 8 : i32
        %scan3A_112 = arith.addi %scan3A_110, %scan3A_111 : i32
        %scan3A_113 = arith.constant 1 : i32
        %scan3A_114 = scf.for %scan3A_124 = %scan3A_110 to %scan3A_112 step %scan3A_113 iter_args(%scan3A_125 = %scan3A_109) -> (i32)  : i32 {
          %mul3A_126 = arith.constant 16 : i32
          %mul3A_127 = arith.muli %scan3A_124, %mul3A_126 : i32
          %add3A_128 = vector.broadcast %mul3A_127 : i32 to vector<16xi32>
          %add3A_129 = arith.addi %iota3A, %add3A_128 : vector<16xi32>
          %mul3A_130 = arith.constant 32 : i32
          %mul3A_131 = vector.broadcast %mul3A_130 : i32 to vector<16xi32>
          %mul3A_132 = arith.muli %add3A_129, %mul3A_131 : vector<16xi32>
          %xor3A = arith.constant 0 : i32
          %xor3A_133 = vector.broadcast %xor3A : i32 to vector<16xi32>
          %xor3A_134 = arith.xori %iota3A, %xor3A_133 : vector<16xi32>
          %gather3A = tpu.vector_load_idx %arg6[%xor3A_134, %add3A_129] : memref<32x128xf32, #tpu.memory_space<vmem>>[vector<16xi32>, vector<16xi32>], vector<16xf32>,
          %add3A_135 = arith.addi %mul3A_132, %xor3A_134 : vector<16xi32>
          tpu.vector_store_idx %arg10[%add3A_135], %gather3A : memref<4096xf32, #tpu.memory_space<vmem>>[vector<16xi32>], vector<16xf32>,
          %xor3A_136 = arith.constant 1 : i32
          %xor3A_137 = vector.broadcast %xor3A_136 : i32 to vector<16xi32>
          %xor3A_138 = arith.xori %iota3A, %xor3A_137 : vector<16xi32>
          %gather3A_139 = tpu.vector_load_idx %arg6[%xor3A_138, %add3A_129] : memref<32x128xf32, #tpu.memory_space<vmem>>[vector<16xi32>, vector<16xi32>], vector<16xf32>,
          %add3A_140 = arith.addi %mul3A_132, %xor3A_138 : vector<16xi32>
          tpu.vector_store_idx %arg10[%add3A_140], %gather3A_139 : memref<4096xf32, #tpu.memory_space<vmem>>[vector<16xi32>], vector<16xf32>,
          %xor3A_141 = arith.constant 2 : i32
          %xor3A_142 = vector.broadcast %xor3A_141 : i32 to vector<16xi32>
          %xor3A_143 = arith.xori %iota3A, %xor3A_142 : vector<16xi32>
          %gather3A_144 = tpu.vector_load_idx %arg6[%xor3A_143, %add3A_129] : memref<32x128xf32, #tpu.memory_space<vmem>>[vector<16xi32>, vector<16xi32>], vector<16xf32>,
          %add3A_145 = arith.addi %mul3A_132, %xor3A_143 : vector<16xi32>
          tpu.vector_store_idx %arg10[%add3A_145], %gather3A_144 : memref<4096xf32, #tpu.memory_space<vmem>>[vector<16xi32>], vector<16xf32>,
          %xor3A_146 = arith.constant 3 : i32
          %xor3A_147 = vector.broadcast %xor3A_146 : i32 to vector<16xi32>
          %xor3A_148 = arith.xori %iota3A, %xor3A_147 : vector<16xi32>
          %gather3A_149 = tpu.vector_load_idx %arg6[%xor3A_148, %add3A_129] : memref<32x128xf32, #tpu.memory_space<vmem>>[vector<16xi32>, vector<16xi32>], vector<16xf32>,
          %add3A_150 = arith.addi %mul3A_132, %xor3A_148 : vector<16xi32>
          tpu.vector_store_idx %arg10[%add3A_150], %gather3A_149 : memref<4096xf32, #tpu.memory_space<vmem>>[vector<16xi32>], vector<16xf32>,
          %xor3A_151 = arith.constant 4 : i32
          %xor3A_152 = vector.broadcast %xor3A_151 : i32 to vector<16xi32>
          %xor3A_153 = arith.xori %iota3A, %xor3A_152 : vector<16xi32>
          %gather3A_154 = tpu.vector_load_idx %arg6[%xor3A_153, %add3A_129] : memref<32x128xf32, #tpu.memory_space<vmem>>[vector<16xi32>, vector<16xi32>], vector<16xf32>,
          %add3A_155 = arith.addi %mul3A_132, %xor3A_153 : vector<16xi32>
          tpu.vector_store_idx %arg10[%add3A_155], %gather3A_154 : memref<4096xf32, #tpu.memory_space<vmem>>[vector<16xi32>], vector<16xf32>,
          %xor3A_156 = arith.constant 5 : i32
          %xor3A_157 = vector.broadcast %xor3A_156 : i32 to vector<16xi32>
          %xor3A_158 = arith.xori %iota3A, %xor3A_157 : vector<16xi32>
          %gather3A_159 = tpu.vector_load_idx %arg6[%xor3A_158, %add3A_129] : memref<32x128xf32, #tpu.memory_space<vmem>>[vector<16xi32>, vector<16xi32>], vector<16xf32>,
          %add3A_160 = arith.addi %mul3A_132, %xor3A_158 : vector<16xi32>
          tpu.vector_store_idx %arg10[%add3A_160], %gather3A_159 : memref<4096xf32, #tpu.memory_space<vmem>>[vector<16xi32>], vector<16xf32>,
          %xor3A_161 = arith.constant 6 : i32
          %xor3A_162 = vector.broadcast %xor3A_161 : i32 to vector<16xi32>
          %xor3A_163 = arith.xori %iota3A, %xor3A_162 : vector<16xi32>
          %gather3A_164 = tpu.vector_load_idx %arg6[%xor3A_163, %add3A_129] : memref<32x128xf32, #tpu.memory_space<vmem>>[vector<16xi32>, vector<16xi32>], vector<16xf32>,
          %add3A_165 = arith.addi %mul3A_132, %xor3A_163 : vector<16xi32>
          tpu.vector_store_idx %arg10[%add3A_165], %gather3A_164 : memref<4096xf32, #tpu.memory_space<vmem>>[vector<16xi32>], vector<16xf32>,
          %xor3A_166 = arith.constant 7 : i32
          %xor3A_167 = vector.broadcast %xor3A_166 : i32 to vector<16xi32>
          %xor3A_168 = arith.xori %iota3A, %xor3A_167 : vector<16xi32>
          %gather3A_169 = tpu.vector_load_idx %arg6[%xor3A_168, %add3A_129] : memref<32x128xf32, #tpu.memory_space<vmem>>[vector<16xi32>, vector<16xi32>], vector<16xf32>,
          %add3A_170 = arith.addi %mul3A_132, %xor3A_168 : vector<16xi32>
          tpu.vector_store_idx %arg10[%add3A_170], %gather3A_169 : memref<4096xf32, #tpu.memory_space<vmem>>[vector<16xi32>], vector<16xf32>,
          %xor3A_171 = arith.constant 8 : i32
          %xor3A_172 = vector.broadcast %xor3A_171 : i32 to vector<16xi32>
          %xor3A_173 = arith.xori %iota3A, %xor3A_172 : vector<16xi32>
          %gather3A_174 = tpu.vector_load_idx %arg6[%xor3A_173, %add3A_129] : memref<32x128xf32, #tpu.memory_space<vmem>>[vector<16xi32>, vector<16xi32>], vector<16xf32>,
          %add3A_175 = arith.addi %mul3A_132, %xor3A_173 : vector<16xi32>
          tpu.vector_store_idx %arg10[%add3A_175], %gather3A_174 : memref<4096xf32, #tpu.memory_space<vmem>>[vector<16xi32>], vector<16xf32>,
          %xor3A_176 = arith.constant 9 : i32
          %xor3A_177 = vector.broadcast %xor3A_176 : i32 to vector<16xi32>
          %xor3A_178 = arith.xori %iota3A, %xor3A_177 : vector<16xi32>
          %gather3A_179 = tpu.vector_load_idx %arg6[%xor3A_178, %add3A_129] : memref<32x128xf32, #tpu.memory_space<vmem>>[vector<16xi32>, vector<16xi32>], vector<16xf32>,
          %add3A_180 = arith.addi %mul3A_132, %xor3A_178 : vector<16xi32>
          tpu.vector_store_idx %arg10[%add3A_180], %gather3A_179 : memref<4096xf32, #tpu.memory_space<vmem>>[vector<16xi32>], vector<16xf32>,
          %xor3A_181 = arith.constant 10 : i32
          %xor3A_182 = vector.broadcast %xor3A_181 : i32 to vector<16xi32>
          %xor3A_183 = arith.xori %iota3A, %xor3A_182 : vector<16xi32>
          %gather3A_184 = tpu.vector_load_idx %arg6[%xor3A_183, %add3A_129] : memref<32x128xf32, #tpu.memory_space<vmem>>[vector<16xi32>, vector<16xi32>], vector<16xf32>,
          %add3A_185 = arith.addi %mul3A_132, %xor3A_183 : vector<16xi32>
          tpu.vector_store_idx %arg10[%add3A_185], %gather3A_184 : memref<4096xf32, #tpu.memory_space<vmem>>[vector<16xi32>], vector<16xf32>,
          %xor3A_186 = arith.constant 11 : i32
          %xor3A_187 = vector.broadcast %xor3A_186 : i32 to vector<16xi32>
          %xor3A_188 = arith.xori %iota3A, %xor3A_187 : vector<16xi32>
          %gather3A_189 = tpu.vector_load_idx %arg6[%xor3A_188, %add3A_129] : memref<32x128xf32, #tpu.memory_space<vmem>>[vector<16xi32>, vector<16xi32>], vector<16xf32>,
          %add3A_190 = arith.addi %mul3A_132, %xor3A_188 : vector<16xi32>
          tpu.vector_store_idx %arg10[%add3A_190], %gather3A_189 : memref<4096xf32, #tpu.memory_space<vmem>>[vector<16xi32>], vector<16xf32>,
          %xor3A_191 = arith.constant 12 : i32
          %xor3A_192 = vector.broadcast %xor3A_191 : i32 to vector<16xi32>
          %xor3A_193 = arith.xori %iota3A, %xor3A_192 : vector<16xi32>
          %gather3A_194 = tpu.vector_load_idx %arg6[%xor3A_193, %add3A_129] : memref<32x128xf32, #tpu.memory_space<vmem>>[vector<16xi32>, vector<16xi32>], vector<16xf32>,
          %add3A_195 = arith.addi %mul3A_132, %xor3A_193 : vector<16xi32>
          tpu.vector_store_idx %arg10[%add3A_195], %gather3A_194 : memref<4096xf32, #tpu.memory_space<vmem>>[vector<16xi32>], vector<16xf32>,
          %xor3A_196 = arith.constant 13 : i32
          %xor3A_197 = vector.broadcast %xor3A_196 : i32 to vector<16xi32>
          %xor3A_198 = arith.xori %iota3A, %xor3A_197 : vector<16xi32>
          %gather3A_199 = tpu.vector_load_idx %arg6[%xor3A_198, %add3A_129] : memref<32x128xf32, #tpu.memory_space<vmem>>[vector<16xi32>, vector<16xi32>], vector<16xf32>,
          %add3A_200 = arith.addi %mul3A_132, %xor3A_198 : vector<16xi32>
          tpu.vector_store_idx %arg10[%add3A_200], %gather3A_199 : memref<4096xf32, #tpu.memory_space<vmem>>[vector<16xi32>], vector<16xf32>,
          %xor3A_201 = arith.constant 14 : i32
          %xor3A_202 = vector.broadcast %xor3A_201 : i32 to vector<16xi32>
          %xor3A_203 = arith.xori %iota3A, %xor3A_202 : vector<16xi32>
          %gather3A_204 = tpu.vector_load_idx %arg6[%xor3A_203, %add3A_129] : memref<32x128xf32, #tpu.memory_space<vmem>>[vector<16xi32>, vector<16xi32>], vector<16xf32>,
          %add3A_205 = arith.addi %mul3A_132, %xor3A_203 : vector<16xi32>
          tpu.vector_store_idx %arg10[%add3A_205], %gather3A_204 : memref<4096xf32, #tpu.memory_space<vmem>>[vector<16xi32>], vector<16xf32>,
          %xor3A_206 = arith.constant 15 : i32
          %xor3A_207 = vector.broadcast %xor3A_206 : i32 to vector<16xi32>
          %xor3A_208 = arith.xori %iota3A, %xor3A_207 : vector<16xi32>
          %gather3A_209 = tpu.vector_load_idx %arg6[%xor3A_208, %add3A_129] : memref<32x128xf32, #tpu.memory_space<vmem>>[vector<16xi32>, vector<16xi32>], vector<16xf32>,
          %add3A_210 = arith.addi %mul3A_132, %xor3A_208 : vector<16xi32>
          tpu.vector_store_idx %arg10[%add3A_210], %gather3A_209 : memref<4096xf32, #tpu.memory_space<vmem>>[vector<16xi32>], vector<16xf32>,
          %xor3A_211 = arith.constant 16 : i32
          %xor3A_212 = vector.broadcast %xor3A_211 : i32 to vector<16xi32>
          %xor3A_213 = arith.xori %iota3A, %xor3A_212 : vector<16xi32>
          %gather3A_214 = tpu.vector_load_idx %arg6[%xor3A_213, %add3A_129] : memref<32x128xf32, #tpu.memory_space<vmem>>[vector<16xi32>, vector<16xi32>], vector<16xf32>,
          %add3A_215 = arith.addi %mul3A_132, %xor3A_213 : vector<16xi32>
          tpu.vector_store_idx %arg10[%add3A_215], %gather3A_214 : memref<4096xf32, #tpu.memory_space<vmem>>[vector<16xi32>], vector<16xf32>,
          %xor3A_216 = arith.constant 17 : i32
          %xor3A_217 = vector.broadcast %xor3A_216 : i32 to vector<16xi32>
          %xor3A_218 = arith.xori %iota3A, %xor3A_217 : vector<16xi32>
          %gather3A_219 = tpu.vector_load_idx %arg6[%xor3A_218, %add3A_129] : memref<32x128xf32, #tpu.memory_space<vmem>>[vector<16xi32>, vector<16xi32>], vector<16xf32>,
          %add3A_220 = arith.addi %mul3A_132, %xor3A_218 : vector<16xi32>
          tpu.vector_store_idx %arg10[%add3A_220], %gather3A_219 : memref<4096xf32, #tpu.memory_space<vmem>>[vector<16xi32>], vector<16xf32>,
          %xor3A_221 = arith.constant 18 : i32
          %xor3A_222 = vector.broadcast %xor3A_221 : i32 to vector<16xi32>
          %xor3A_223 = arith.xori %iota3A, %xor3A_222 : vector<16xi32>
          %gather3A_224 = tpu.vector_load_idx %arg6[%xor3A_223, %add3A_129] : memref<32x128xf32, #tpu.memory_space<vmem>>[vector<16xi32>, vector<16xi32>], vector<16xf32>,
          %add3A_225 = arith.addi %mul3A_132, %xor3A_223 : vector<16xi32>
          tpu.vector_store_idx %arg10[%add3A_225], %gather3A_224 : memref<4096xf32, #tpu.memory_space<vmem>>[vector<16xi32>], vector<16xf32>,
          %xor3A_226 = arith.constant 19 : i32
          %xor3A_227 = vector.broadcast %xor3A_226 : i32 to vector<16xi32>
          %xor3A_228 = arith.xori %iota3A, %xor3A_227 : vector<16xi32>
          %gather3A_229 = tpu.vector_load_idx %arg6[%xor3A_228, %add3A_129] : memref<32x128xf32, #tpu.memory_space<vmem>>[vector<16xi32>, vector<16xi32>], vector<16xf32>,
          %add3A_230 = arith.addi %mul3A_132, %xor3A_228 : vector<16xi32>
          tpu.vector_store_idx %arg10[%add3A_230], %gather3A_229 : memref<4096xf32, #tpu.memory_space<vmem>>[vector<16xi32>], vector<16xf32>,
          %xor3A_231 = arith.constant 20 : i32
          %xor3A_232 = vector.broadcast %xor3A_231 : i32 to vector<16xi32>
          %xor3A_233 = arith.xori %iota3A, %xor3A_232 : vector<16xi32>
          %gather3A_234 = tpu.vector_load_idx %arg6[%xor3A_233, %add3A_129] : memref<32x128xf32, #tpu.memory_space<vmem>>[vector<16xi32>, vector<16xi32>], vector<16xf32>,
          %add3A_235 = arith.addi %mul3A_132, %xor3A_233 : vector<16xi32>
          tpu.vector_store_idx %arg10[%add3A_235], %gather3A_234 : memref<4096xf32, #tpu.memory_space<vmem>>[vector<16xi32>], vector<16xf32>,
          %xor3A_236 = arith.constant 21 : i32
          %xor3A_237 = vector.broadcast %xor3A_236 : i32 to vector<16xi32>
          %xor3A_238 = arith.xori %iota3A, %xor3A_237 : vector<16xi32>
          %gather3A_239 = tpu.vector_load_idx %arg6[%xor3A_238, %add3A_129] : memref<32x128xf32, #tpu.memory_space<vmem>>[vector<16xi32>, vector<16xi32>], vector<16xf32>,
          %add3A_240 = arith.addi %mul3A_132, %xor3A_238 : vector<16xi32>
          tpu.vector_store_idx %arg10[%add3A_240], %gather3A_239 : memref<4096xf32, #tpu.memory_space<vmem>>[vector<16xi32>], vector<16xf32>,
          %xor3A_241 = arith.constant 22 : i32
          %xor3A_242 = vector.broadcast %xor3A_241 : i32 to vector<16xi32>
          %xor3A_243 = arith.xori %iota3A, %xor3A_242 : vector<16xi32>
          %gather3A_244 = tpu.vector_load_idx %arg6[%xor3A_243, %add3A_129] : memref<32x128xf32, #tpu.memory_space<vmem>>[vector<16xi32>, vector<16xi32>], vector<16xf32>,
          %add3A_245 = arith.addi %mul3A_132, %xor3A_243 : vector<16xi32>
          tpu.vector_store_idx %arg10[%add3A_245], %gather3A_244 : memref<4096xf32, #tpu.memory_space<vmem>>[vector<16xi32>], vector<16xf32>,
          %xor3A_246 = arith.constant 23 : i32
          %xor3A_247 = vector.broadcast %xor3A_246 : i32 to vector<16xi32>
          %xor3A_248 = arith.xori %iota3A, %xor3A_247 : vector<16xi32>
          %gather3A_249 = tpu.vector_load_idx %arg6[%xor3A_248, %add3A_129] : memref<32x128xf32, #tpu.memory_space<vmem>>[vector<16xi32>, vector<16xi32>], vector<16xf32>,
          %add3A_250 = arith.addi %mul3A_132, %xor3A_248 : vector<16xi32>
          tpu.vector_store_idx %arg10[%add3A_250], %gather3A_249 : memref<4096xf32, #tpu.memory_space<vmem>>[vector<16xi32>], vector<16xf32>,
          %xor3A_251 = arith.constant 24 : i32
          %xor3A_252 = vector.broadcast %xor3A_251 : i32 to vector<16xi32>
          %xor3A_253 = arith.xori %iota3A, %xor3A_252 : vector<16xi32>
          %gather3A_254 = tpu.vector_load_idx %arg6[%xor3A_253, %add3A_129] : memref<32x128xf32, #tpu.memory_space<vmem>>[vector<16xi32>, vector<16xi32>], vector<16xf32>,
          %add3A_255 = arith.addi %mul3A_132, %xor3A_253 : vector<16xi32>
          tpu.vector_store_idx %arg10[%add3A_255], %gather3A_254 : memref<4096xf32, #tpu.memory_space<vmem>>[vector<16xi32>], vector<16xf32>,
          %xor3A_256 = arith.constant 25 : i32
          %xor3A_257 = vector.broadcast %xor3A_256 : i32 to vector<16xi32>
          %xor3A_258 = arith.xori %iota3A, %xor3A_257 : vector<16xi32>
          %gather3A_259 = tpu.vector_load_idx %arg6[%xor3A_258, %add3A_129] : memref<32x128xf32, #tpu.memory_space<vmem>>[vector<16xi32>, vector<16xi32>], vector<16xf32>,
          %add3A_260 = arith.addi %mul3A_132, %xor3A_258 : vector<16xi32>
          tpu.vector_store_idx %arg10[%add3A_260], %gather3A_259 : memref<4096xf32, #tpu.memory_space<vmem>>[vector<16xi32>], vector<16xf32>,
          %xor3A_261 = arith.constant 26 : i32
          %xor3A_262 = vector.broadcast %xor3A_261 : i32 to vector<16xi32>
          %xor3A_263 = arith.xori %iota3A, %xor3A_262 : vector<16xi32>
          %gather3A_264 = tpu.vector_load_idx %arg6[%xor3A_263, %add3A_129] : memref<32x128xf32, #tpu.memory_space<vmem>>[vector<16xi32>, vector<16xi32>], vector<16xf32>,
          %add3A_265 = arith.addi %mul3A_132, %xor3A_263 : vector<16xi32>
          tpu.vector_store_idx %arg10[%add3A_265], %gather3A_264 : memref<4096xf32, #tpu.memory_space<vmem>>[vector<16xi32>], vector<16xf32>,
          %xor3A_266 = arith.constant 27 : i32
          %xor3A_267 = vector.broadcast %xor3A_266 : i32 to vector<16xi32>
          %xor3A_268 = arith.xori %iota3A, %xor3A_267 : vector<16xi32>
          %gather3A_269 = tpu.vector_load_idx %arg6[%xor3A_268, %add3A_129] : memref<32x128xf32, #tpu.memory_space<vmem>>[vector<16xi32>, vector<16xi32>], vector<16xf32>,
          %add3A_270 = arith.addi %mul3A_132, %xor3A_268 : vector<16xi32>
          tpu.vector_store_idx %arg10[%add3A_270], %gather3A_269 : memref<4096xf32, #tpu.memory_space<vmem>>[vector<16xi32>], vector<16xf32>,
          %xor3A_271 = arith.constant 28 : i32
          %xor3A_272 = vector.broadcast %xor3A_271 : i32 to vector<16xi32>
          %xor3A_273 = arith.xori %iota3A, %xor3A_272 : vector<16xi32>
          %gather3A_274 = tpu.vector_load_idx %arg6[%xor3A_273, %add3A_129] : memref<32x128xf32, #tpu.memory_space<vmem>>[vector<16xi32>, vector<16xi32>], vector<16xf32>,
          %add3A_275 = arith.addi %mul3A_132, %xor3A_273 : vector<16xi32>
          tpu.vector_store_idx %arg10[%add3A_275], %gather3A_274 : memref<4096xf32, #tpu.memory_space<vmem>>[vector<16xi32>], vector<16xf32>,
          %xor3A_276 = arith.constant 29 : i32
          %xor3A_277 = vector.broadcast %xor3A_276 : i32 to vector<16xi32>
          %xor3A_278 = arith.xori %iota3A, %xor3A_277 : vector<16xi32>
          %gather3A_279 = tpu.vector_load_idx %arg6[%xor3A_278, %add3A_129] : memref<32x128xf32, #tpu.memory_space<vmem>>[vector<16xi32>, vector<16xi32>], vector<16xf32>,
          %add3A_280 = arith.addi %mul3A_132, %xor3A_278 : vector<16xi32>
          tpu.vector_store_idx %arg10[%add3A_280], %gather3A_279 : memref<4096xf32, #tpu.memory_space<vmem>>[vector<16xi32>], vector<16xf32>,
          %xor3A_281 = arith.constant 30 : i32
          %xor3A_282 = vector.broadcast %xor3A_281 : i32 to vector<16xi32>
          %xor3A_283 = arith.xori %iota3A, %xor3A_282 : vector<16xi32>
          %gather3A_284 = tpu.vector_load_idx %arg6[%xor3A_283, %add3A_129] : memref<32x128xf32, #tpu.memory_space<vmem>>[vector<16xi32>, vector<16xi32>], vector<16xf32>,
          %add3A_285 = arith.addi %mul3A_132, %xor3A_283 : vector<16xi32>
          tpu.vector_store_idx %arg10[%add3A_285], %gather3A_284 : memref<4096xf32, #tpu.memory_space<vmem>>[vector<16xi32>], vector<16xf32>,
          %xor3A_286 = arith.constant 31 : i32
          %xor3A_287 = vector.broadcast %xor3A_286 : i32 to vector<16xi32>
          %xor3A_288 = arith.xori %iota3A, %xor3A_287 : vector<16xi32>
          %gather3A_289 = tpu.vector_load_idx %arg6[%xor3A_288, %add3A_129] : memref<32x128xf32, #tpu.memory_space<vmem>>[vector<16xi32>, vector<16xi32>], vector<16xf32>,
          %add3A_290 = arith.addi %mul3A_132, %xor3A_288 : vector<16xi32>
          tpu.vector_store_idx %arg10[%add3A_290], %gather3A_289 : memref<4096xf32, #tpu.memory_space<vmem>>[vector<16xi32>], vector<16xf32>,
          %scan3A_291 = arith.constant 0 : i32
          scf.yield %scan3A_291 : i32
        }
        %scan3A_115 = arith.constant 8 : i32
        %mul3A_116 = arith.constant 32 : i32
        %mul3A_117 = arith.muli %mul3A_116, %add3A_58 : i32
        %add3A_118 = arith.addi %add3A, %mul3A_117 : i32
        %mul3A_119 = arith.constant 128 : i32
        %mul3A_120 = arith.muli %add3A_118, %mul3A_119 : i32
        %mul3A_121 = arith.constant 32 : i32
        %mul3A_122 = arith.muli %mul3A_120, %mul3A_121 : i32
        %dma_start3A = tpu.memref_slice %arg4[%mul3A_122] : memref<32000000xf32, #tpu.memory_space<hbm>> -> memref<4096xf32, #tpu.memory_space<hbm>>
        %dma_start3A_123 = tpu.memref_slice %arg4[%mul3A_122] : memref<32000000xf32, #tpu.memory_space<hbm>> -> memref<4096xf32, #tpu.memory_space<hbm>>
        tpu.enqueue_dma source(%arg10 : memref<4096xf32, #tpu.memory_space<vmem>>) target(%dma_start3A_123 : memref<4096xf32, #tpu.memory_space<hbm>>) target_semaphore(%arg18 : memref<!tpu.dma_semaphore, #tpu.memory_space<semaphore_mem>>)
      } else {
      }
      %add3A_67 = arith.constant 3 : i32
      %add3A_68 = arith.addi %add3A_58, %add3A_67 : i32
      %mul3A_69 = arith.constant 32 : i32
      %mul3A_70 = arith.muli %mul3A_69, %add3A_68 : i32
      %add3A_71 = arith.addi %add3A, %mul3A_70 : i32
      %lt3A_72 = arith.constant 7812 : i32
      %lt3A_73 = arith.cmpi slt, %add3A_71, %lt3A_72 : i32
      %convert_element_type3A_74 = arith.extui %lt3A_73 : i1 to i32
      %cond3A_75 = arith.constant 0 : i32
      %cond3A_76 = arith.cmpi ne, %convert_element_type3A_74, %cond3A_75 : i32
      scf.if %cond3A_76 {
        %mul3A_97 = arith.constant 32 : i32
        %mul3A_98 = arith.muli %mul3A_97, %add3A_68 : i32
        %add3A_99 = arith.addi %add3A, %mul3A_98 : i32
        %mul3A_100 = arith.constant 128 : i32
        %mul3A_101 = arith.muli %add3A_99, %mul3A_100 : i32
        %dma_start3A = arith.constant 0 : i32
        %dma_start3A_102 = tpu.memref_slice %arg2[%dma_start3A, %mul3A_101] : memref<32x1000000xf32, #tpu.memory_space<hbm>> -> memref<32x128xf32, #tpu.memory_space<hbm>>
        %dma_start3A_103 = arith.constant 0 : i32
        %dma_start3A_104 = tpu.memref_slice %arg2[%dma_start3A_103, %mul3A_101] : memref<32x1000000xf32, #tpu.memory_space<hbm>> -> memref<32x128xf32, #tpu.memory_space<hbm>>
        tpu.enqueue_dma source(%dma_start3A_104 : memref<32x128xf32, #tpu.memory_space<hbm>>) target(%arg6 : memref<32x128xf32, #tpu.memory_space<vmem>>) target_semaphore(%arg14 : memref<!tpu.dma_semaphore, #tpu.memory_space<semaphore_mem>>)
      } else {
      }
      %add3A_77 = arith.constant 2 : i32
      %add3A_78 = arith.addi %add3A_36, %add3A_77 : i32
      %mul3A_79 = arith.constant 32 : i32
      %mul3A_80 = arith.muli %mul3A_79, %add3A_78 : i32
      %add3A_81 = arith.addi %add3A, %mul3A_80 : i32
      %lt3A_82 = arith.constant 7812 : i32
      %lt3A_83 = arith.cmpi slt, %add3A_81, %lt3A_82 : i32
      %convert_element_type3A_84 = arith.extui %lt3A_83 : i1 to i32
      %cond3A_85 = arith.constant 0 : i32
      %cond3A_86 = arith.cmpi ne, %convert_element_type3A_84, %cond3A_85 : i32
      scf.if %cond3A_86 {
        %mul3A_97 = arith.constant 32 : i32
        %mul3A_98 = arith.muli %mul3A_97, %add3A_78 : i32
        %add3A_99 = arith.addi %add3A, %mul3A_98 : i32
        %mul3A_100 = arith.constant 128 : i32
        %mul3A_101 = arith.muli %add3A_99, %mul3A_100 : i32
        %dma_wait3A = arith.constant 0 : i32
        %dma_wait3A_102 = tpu.memref_slice %arg2[%dma_wait3A, %mul3A_101] : memref<32x1000000xf32, #tpu.memory_space<hbm>> -> memref<32x128xf32, #tpu.memory_space<hbm>>
        %dma_wait3A_103 = arith.constant 0 : i32
        %dma_wait3A_104 = tpu.memref_slice %arg2[%dma_wait3A_103, %mul3A_101] : memref<32x1000000xf32, #tpu.memory_space<hbm>> -> memref<32x128xf32, #tpu.memory_space<hbm>>
        tpu.wait_dma2 semaphore(%arg15 : memref<!tpu.dma_semaphore, #tpu.memory_space<semaphore_mem>>) src(%dma_wait3A_104 : memref<32x128xf32, #tpu.memory_space<hbm>>) dst(%arg7 : memref<32x128xf32, #tpu.memory_space<vmem>>)
        %ge3A = arith.constant 3 : i32
        %ge3A_105 = arith.cmpi sge, %add3A_78, %ge3A : i32
        %convert_element_type3A_106 = arith.extui %ge3A_105 : i1 to i32
        %cond3A_107 = arith.constant 0 : i32
        %cond3A_108 = arith.cmpi ne, %convert_element_type3A_106, %cond3A_107 : i32
        scf.if %cond3A_108 {
          %sub3A = arith.constant 3 : i32
          %sub3A_124 = arith.subi %add3A_78, %sub3A : i32
          %mul3A_125 = arith.constant 32 : i32
          %mul3A_126 = arith.muli %mul3A_125, %sub3A_124 : i32
          %add3A_127 = arith.addi %add3A, %mul3A_126 : i32
          %mul3A_128 = arith.constant 128 : i32
          %mul3A_129 = arith.muli %add3A_127, %mul3A_128 : i32
          %mul3A_130 = arith.constant 32 : i32
          %mul3A_131 = arith.muli %mul3A_129, %mul3A_130 : i32
          %dma_wait3A_132 = tpu.memref_slice %arg4[%mul3A_131] : memref<32000000xf32, #tpu.memory_space<hbm>> -> memref<4096xf32, #tpu.memory_space<hbm>>
          %dma_wait3A_133 = tpu.memref_slice %arg4[%mul3A_131] : memref<32000000xf32, #tpu.memory_space<hbm>> -> memref<4096xf32, #tpu.memory_space<hbm>>
          tpu.wait_dma2 semaphore(%arg19 : memref<!tpu.dma_semaphore, #tpu.memory_space<semaphore_mem>>) src(%arg11 : memref<4096xf32, #tpu.memory_space<vmem>>) dst(%dma_wait3A_133 : memref<4096xf32, #tpu.memory_space<hbm>>)
        } else {
        }
        %scan3A_109 = arith.constant 0 : i32
        %scan3A_110 = arith.constant 0 : i32
        %scan3A_111 = arith.constant 8 : i32
        %scan3A_112 = arith.addi %scan3A_110, %scan3A_111 : i32
        %scan3A_113 = arith.constant 1 : i32
        %scan3A_114 = scf.for %scan3A_124 = %scan3A_110 to %scan3A_112 step %scan3A_113 iter_args(%scan3A_125 = %scan3A_109) -> (i32)  : i32 {
          %mul3A_126 = arith.constant 16 : i32
          %mul3A_127 = arith.muli %scan3A_124, %mul3A_126 : i32
          %add3A_128 = vector.broadcast %mul3A_127 : i32 to vector<16xi32>
          %add3A_129 = arith.addi %iota3A, %add3A_128 : vector<16xi32>
          %mul3A_130 = arith.constant 32 : i32
          %mul3A_131 = vector.broadcast %mul3A_130 : i32 to vector<16xi32>
          %mul3A_132 = arith.muli %add3A_129, %mul3A_131 : vector<16xi32>
          %xor3A = arith.constant 0 : i32
          %xor3A_133 = vector.broadcast %xor3A : i32 to vector<16xi32>
          %xor3A_134 = arith.xori %iota3A, %xor3A_133 : vector<16xi32>
          %gather3A = tpu.vector_load_idx %arg7[%xor3A_134, %add3A_129] : memref<32x128xf32, #tpu.memory_space<vmem>>[vector<16xi32>, vector<16xi32>], vector<16xf32>,
          %add3A_135 = arith.addi %mul3A_132, %xor3A_134 : vector<16xi32>
          tpu.vector_store_idx %arg11[%add3A_135], %gather3A : memref<4096xf32, #tpu.memory_space<vmem>>[vector<16xi32>], vector<16xf32>,
          %xor3A_136 = arith.constant 1 : i32
          %xor3A_137 = vector.broadcast %xor3A_136 : i32 to vector<16xi32>
          %xor3A_138 = arith.xori %iota3A, %xor3A_137 : vector<16xi32>
          %gather3A_139 = tpu.vector_load_idx %arg7[%xor3A_138, %add3A_129] : memref<32x128xf32, #tpu.memory_space<vmem>>[vector<16xi32>, vector<16xi32>], vector<16xf32>,
          %add3A_140 = arith.addi %mul3A_132, %xor3A_138 : vector<16xi32>
          tpu.vector_store_idx %arg11[%add3A_140], %gather3A_139 : memref<4096xf32, #tpu.memory_space<vmem>>[vector<16xi32>], vector<16xf32>,
          %xor3A_141 = arith.constant 2 : i32
          %xor3A_142 = vector.broadcast %xor3A_141 : i32 to vector<16xi32>
          %xor3A_143 = arith.xori %iota3A, %xor3A_142 : vector<16xi32>
          %gather3A_144 = tpu.vector_load_idx %arg7[%xor3A_143, %add3A_129] : memref<32x128xf32, #tpu.memory_space<vmem>>[vector<16xi32>, vector<16xi32>], vector<16xf32>,
          %add3A_145 = arith.addi %mul3A_132, %xor3A_143 : vector<16xi32>
          tpu.vector_store_idx %arg11[%add3A_145], %gather3A_144 : memref<4096xf32, #tpu.memory_space<vmem>>[vector<16xi32>], vector<16xf32>,
          %xor3A_146 = arith.constant 3 : i32
          %xor3A_147 = vector.broadcast %xor3A_146 : i32 to vector<16xi32>
          %xor3A_148 = arith.xori %iota3A, %xor3A_147 : vector<16xi32>
          %gather3A_149 = tpu.vector_load_idx %arg7[%xor3A_148, %add3A_129] : memref<32x128xf32, #tpu.memory_space<vmem>>[vector<16xi32>, vector<16xi32>], vector<16xf32>,
          %add3A_150 = arith.addi %mul3A_132, %xor3A_148 : vector<16xi32>
          tpu.vector_store_idx %arg11[%add3A_150], %gather3A_149 : memref<4096xf32, #tpu.memory_space<vmem>>[vector<16xi32>], vector<16xf32>,
          %xor3A_151 = arith.constant 4 : i32
          %xor3A_152 = vector.broadcast %xor3A_151 : i32 to vector<16xi32>
          %xor3A_153 = arith.xori %iota3A, %xor3A_152 : vector<16xi32>
          %gather3A_154 = tpu.vector_load_idx %arg7[%xor3A_153, %add3A_129] : memref<32x128xf32, #tpu.memory_space<vmem>>[vector<16xi32>, vector<16xi32>], vector<16xf32>,
          %add3A_155 = arith.addi %mul3A_132, %xor3A_153 : vector<16xi32>
          tpu.vector_store_idx %arg11[%add3A_155], %gather3A_154 : memref<4096xf32, #tpu.memory_space<vmem>>[vector<16xi32>], vector<16xf32>,
          %xor3A_156 = arith.constant 5 : i32
          %xor3A_157 = vector.broadcast %xor3A_156 : i32 to vector<16xi32>
          %xor3A_158 = arith.xori %iota3A, %xor3A_157 : vector<16xi32>
          %gather3A_159 = tpu.vector_load_idx %arg7[%xor3A_158, %add3A_129] : memref<32x128xf32, #tpu.memory_space<vmem>>[vector<16xi32>, vector<16xi32>], vector<16xf32>,
          %add3A_160 = arith.addi %mul3A_132, %xor3A_158 : vector<16xi32>
          tpu.vector_store_idx %arg11[%add3A_160], %gather3A_159 : memref<4096xf32, #tpu.memory_space<vmem>>[vector<16xi32>], vector<16xf32>,
          %xor3A_161 = arith.constant 6 : i32
          %xor3A_162 = vector.broadcast %xor3A_161 : i32 to vector<16xi32>
          %xor3A_163 = arith.xori %iota3A, %xor3A_162 : vector<16xi32>
          %gather3A_164 = tpu.vector_load_idx %arg7[%xor3A_163, %add3A_129] : memref<32x128xf32, #tpu.memory_space<vmem>>[vector<16xi32>, vector<16xi32>], vector<16xf32>,
          %add3A_165 = arith.addi %mul3A_132, %xor3A_163 : vector<16xi32>
          tpu.vector_store_idx %arg11[%add3A_165], %gather3A_164 : memref<4096xf32, #tpu.memory_space<vmem>>[vector<16xi32>], vector<16xf32>,
          %xor3A_166 = arith.constant 7 : i32
          %xor3A_167 = vector.broadcast %xor3A_166 : i32 to vector<16xi32>
          %xor3A_168 = arith.xori %iota3A, %xor3A_167 : vector<16xi32>
          %gather3A_169 = tpu.vector_load_idx %arg7[%xor3A_168, %add3A_129] : memref<32x128xf32, #tpu.memory_space<vmem>>[vector<16xi32>, vector<16xi32>], vector<16xf32>,
          %add3A_170 = arith.addi %mul3A_132, %xor3A_168 : vector<16xi32>
          tpu.vector_store_idx %arg11[%add3A_170], %gather3A_169 : memref<4096xf32, #tpu.memory_space<vmem>>[vector<16xi32>], vector<16xf32>,
          %xor3A_171 = arith.constant 8 : i32
          %xor3A_172 = vector.broadcast %xor3A_171 : i32 to vector<16xi32>
          %xor3A_173 = arith.xori %iota3A, %xor3A_172 : vector<16xi32>
          %gather3A_174 = tpu.vector_load_idx %arg7[%xor3A_173, %add3A_129] : memref<32x128xf32, #tpu.memory_space<vmem>>[vector<16xi32>, vector<16xi32>], vector<16xf32>,
          %add3A_175 = arith.addi %mul3A_132, %xor3A_173 : vector<16xi32>
          tpu.vector_store_idx %arg11[%add3A_175], %gather3A_174 : memref<4096xf32, #tpu.memory_space<vmem>>[vector<16xi32>], vector<16xf32>,
          %xor3A_176 = arith.constant 9 : i32
          %xor3A_177 = vector.broadcast %xor3A_176 : i32 to vector<16xi32>
          %xor3A_178 = arith.xori %iota3A, %xor3A_177 : vector<16xi32>
          %gather3A_179 = tpu.vector_load_idx %arg7[%xor3A_178, %add3A_129] : memref<32x128xf32, #tpu.memory_space<vmem>>[vector<16xi32>, vector<16xi32>], vector<16xf32>,
          %add3A_180 = arith.addi %mul3A_132, %xor3A_178 : vector<16xi32>
          tpu.vector_store_idx %arg11[%add3A_180], %gather3A_179 : memref<4096xf32, #tpu.memory_space<vmem>>[vector<16xi32>], vector<16xf32>,
          %xor3A_181 = arith.constant 10 : i32
          %xor3A_182 = vector.broadcast %xor3A_181 : i32 to vector<16xi32>
          %xor3A_183 = arith.xori %iota3A, %xor3A_182 : vector<16xi32>
          %gather3A_184 = tpu.vector_load_idx %arg7[%xor3A_183, %add3A_129] : memref<32x128xf32, #tpu.memory_space<vmem>>[vector<16xi32>, vector<16xi32>], vector<16xf32>,
          %add3A_185 = arith.addi %mul3A_132, %xor3A_183 : vector<16xi32>
          tpu.vector_store_idx %arg11[%add3A_185], %gather3A_184 : memref<4096xf32, #tpu.memory_space<vmem>>[vector<16xi32>], vector<16xf32>,
          %xor3A_186 = arith.constant 11 : i32
          %xor3A_187 = vector.broadcast %xor3A_186 : i32 to vector<16xi32>
          %xor3A_188 = arith.xori %iota3A, %xor3A_187 : vector<16xi32>
          %gather3A_189 = tpu.vector_load_idx %arg7[%xor3A_188, %add3A_129] : memref<32x128xf32, #tpu.memory_space<vmem>>[vector<16xi32>, vector<16xi32>], vector<16xf32>,
          %add3A_190 = arith.addi %mul3A_132, %xor3A_188 : vector<16xi32>
          tpu.vector_store_idx %arg11[%add3A_190], %gather3A_189 : memref<4096xf32, #tpu.memory_space<vmem>>[vector<16xi32>], vector<16xf32>,
          %xor3A_191 = arith.constant 12 : i32
          %xor3A_192 = vector.broadcast %xor3A_191 : i32 to vector<16xi32>
          %xor3A_193 = arith.xori %iota3A, %xor3A_192 : vector<16xi32>
          %gather3A_194 = tpu.vector_load_idx %arg7[%xor3A_193, %add3A_129] : memref<32x128xf32, #tpu.memory_space<vmem>>[vector<16xi32>, vector<16xi32>], vector<16xf32>,
          %add3A_195 = arith.addi %mul3A_132, %xor3A_193 : vector<16xi32>
          tpu.vector_store_idx %arg11[%add3A_195], %gather3A_194 : memref<4096xf32, #tpu.memory_space<vmem>>[vector<16xi32>], vector<16xf32>,
          %xor3A_196 = arith.constant 13 : i32
          %xor3A_197 = vector.broadcast %xor3A_196 : i32 to vector<16xi32>
          %xor3A_198 = arith.xori %iota3A, %xor3A_197 : vector<16xi32>
          %gather3A_199 = tpu.vector_load_idx %arg7[%xor3A_198, %add3A_129] : memref<32x128xf32, #tpu.memory_space<vmem>>[vector<16xi32>, vector<16xi32>], vector<16xf32>,
          %add3A_200 = arith.addi %mul3A_132, %xor3A_198 : vector<16xi32>
          tpu.vector_store_idx %arg11[%add3A_200], %gather3A_199 : memref<4096xf32, #tpu.memory_space<vmem>>[vector<16xi32>], vector<16xf32>,
          %xor3A_201 = arith.constant 14 : i32
          %xor3A_202 = vector.broadcast %xor3A_201 : i32 to vector<16xi32>
          %xor3A_203 = arith.xori %iota3A, %xor3A_202 : vector<16xi32>
          %gather3A_204 = tpu.vector_load_idx %arg7[%xor3A_203, %add3A_129] : memref<32x128xf32, #tpu.memory_space<vmem>>[vector<16xi32>, vector<16xi32>], vector<16xf32>,
          %add3A_205 = arith.addi %mul3A_132, %xor3A_203 : vector<16xi32>
          tpu.vector_store_idx %arg11[%add3A_205], %gather3A_204 : memref<4096xf32, #tpu.memory_space<vmem>>[vector<16xi32>], vector<16xf32>,
          %xor3A_206 = arith.constant 15 : i32
          %xor3A_207 = vector.broadcast %xor3A_206 : i32 to vector<16xi32>
          %xor3A_208 = arith.xori %iota3A, %xor3A_207 : vector<16xi32>
          %gather3A_209 = tpu.vector_load_idx %arg7[%xor3A_208, %add3A_129] : memref<32x128xf32, #tpu.memory_space<vmem>>[vector<16xi32>, vector<16xi32>], vector<16xf32>,
          %add3A_210 = arith.addi %mul3A_132, %xor3A_208 : vector<16xi32>
          tpu.vector_store_idx %arg11[%add3A_210], %gather3A_209 : memref<4096xf32, #tpu.memory_space<vmem>>[vector<16xi32>], vector<16xf32>,
          %xor3A_211 = arith.constant 16 : i32
          %xor3A_212 = vector.broadcast %xor3A_211 : i32 to vector<16xi32>
          %xor3A_213 = arith.xori %iota3A, %xor3A_212 : vector<16xi32>
          %gather3A_214 = tpu.vector_load_idx %arg7[%xor3A_213, %add3A_129] : memref<32x128xf32, #tpu.memory_space<vmem>>[vector<16xi32>, vector<16xi32>], vector<16xf32>,
          %add3A_215 = arith.addi %mul3A_132, %xor3A_213 : vector<16xi32>
          tpu.vector_store_idx %arg11[%add3A_215], %gather3A_214 : memref<4096xf32, #tpu.memory_space<vmem>>[vector<16xi32>], vector<16xf32>,
          %xor3A_216 = arith.constant 17 : i32
          %xor3A_217 = vector.broadcast %xor3A_216 : i32 to vector<16xi32>
          %xor3A_218 = arith.xori %iota3A, %xor3A_217 : vector<16xi32>
          %gather3A_219 = tpu.vector_load_idx %arg7[%xor3A_218, %add3A_129] : memref<32x128xf32, #tpu.memory_space<vmem>>[vector<16xi32>, vector<16xi32>], vector<16xf32>,
          %add3A_220 = arith.addi %mul3A_132, %xor3A_218 : vector<16xi32>
          tpu.vector_store_idx %arg11[%add3A_220], %gather3A_219 : memref<4096xf32, #tpu.memory_space<vmem>>[vector<16xi32>], vector<16xf32>,
          %xor3A_221 = arith.constant 18 : i32
          %xor3A_222 = vector.broadcast %xor3A_221 : i32 to vector<16xi32>
          %xor3A_223 = arith.xori %iota3A, %xor3A_222 : vector<16xi32>
          %gather3A_224 = tpu.vector_load_idx %arg7[%xor3A_223, %add3A_129] : memref<32x128xf32, #tpu.memory_space<vmem>>[vector<16xi32>, vector<16xi32>], vector<16xf32>,
          %add3A_225 = arith.addi %mul3A_132, %xor3A_223 : vector<16xi32>
          tpu.vector_store_idx %arg11[%add3A_225], %gather3A_224 : memref<4096xf32, #tpu.memory_space<vmem>>[vector<16xi32>], vector<16xf32>,
          %xor3A_226 = arith.constant 19 : i32
          %xor3A_227 = vector.broadcast %xor3A_226 : i32 to vector<16xi32>
          %xor3A_228 = arith.xori %iota3A, %xor3A_227 : vector<16xi32>
          %gather3A_229 = tpu.vector_load_idx %arg7[%xor3A_228, %add3A_129] : memref<32x128xf32, #tpu.memory_space<vmem>>[vector<16xi32>, vector<16xi32>], vector<16xf32>,
          %add3A_230 = arith.addi %mul3A_132, %xor3A_228 : vector<16xi32>
          tpu.vector_store_idx %arg11[%add3A_230], %gather3A_229 : memref<4096xf32, #tpu.memory_space<vmem>>[vector<16xi32>], vector<16xf32>,
          %xor3A_231 = arith.constant 20 : i32
          %xor3A_232 = vector.broadcast %xor3A_231 : i32 to vector<16xi32>
          %xor3A_233 = arith.xori %iota3A, %xor3A_232 : vector<16xi32>
          %gather3A_234 = tpu.vector_load_idx %arg7[%xor3A_233, %add3A_129] : memref<32x128xf32, #tpu.memory_space<vmem>>[vector<16xi32>, vector<16xi32>], vector<16xf32>,
          %add3A_235 = arith.addi %mul3A_132, %xor3A_233 : vector<16xi32>
          tpu.vector_store_idx %arg11[%add3A_235], %gather3A_234 : memref<4096xf32, #tpu.memory_space<vmem>>[vector<16xi32>], vector<16xf32>,
          %xor3A_236 = arith.constant 21 : i32
          %xor3A_237 = vector.broadcast %xor3A_236 : i32 to vector<16xi32>
          %xor3A_238 = arith.xori %iota3A, %xor3A_237 : vector<16xi32>
          %gather3A_239 = tpu.vector_load_idx %arg7[%xor3A_238, %add3A_129] : memref<32x128xf32, #tpu.memory_space<vmem>>[vector<16xi32>, vector<16xi32>], vector<16xf32>,
          %add3A_240 = arith.addi %mul3A_132, %xor3A_238 : vector<16xi32>
          tpu.vector_store_idx %arg11[%add3A_240], %gather3A_239 : memref<4096xf32, #tpu.memory_space<vmem>>[vector<16xi32>], vector<16xf32>,
          %xor3A_241 = arith.constant 22 : i32
          %xor3A_242 = vector.broadcast %xor3A_241 : i32 to vector<16xi32>
          %xor3A_243 = arith.xori %iota3A, %xor3A_242 : vector<16xi32>
          %gather3A_244 = tpu.vector_load_idx %arg7[%xor3A_243, %add3A_129] : memref<32x128xf32, #tpu.memory_space<vmem>>[vector<16xi32>, vector<16xi32>], vector<16xf32>,
          %add3A_245 = arith.addi %mul3A_132, %xor3A_243 : vector<16xi32>
          tpu.vector_store_idx %arg11[%add3A_245], %gather3A_244 : memref<4096xf32, #tpu.memory_space<vmem>>[vector<16xi32>], vector<16xf32>,
          %xor3A_246 = arith.constant 23 : i32
          %xor3A_247 = vector.broadcast %xor3A_246 : i32 to vector<16xi32>
          %xor3A_248 = arith.xori %iota3A, %xor3A_247 : vector<16xi32>
          %gather3A_249 = tpu.vector_load_idx %arg7[%xor3A_248, %add3A_129] : memref<32x128xf32, #tpu.memory_space<vmem>>[vector<16xi32>, vector<16xi32>], vector<16xf32>,
          %add3A_250 = arith.addi %mul3A_132, %xor3A_248 : vector<16xi32>
          tpu.vector_store_idx %arg11[%add3A_250], %gather3A_249 : memref<4096xf32, #tpu.memory_space<vmem>>[vector<16xi32>], vector<16xf32>,
          %xor3A_251 = arith.constant 24 : i32
          %xor3A_252 = vector.broadcast %xor3A_251 : i32 to vector<16xi32>
          %xor3A_253 = arith.xori %iota3A, %xor3A_252 : vector<16xi32>
          %gather3A_254 = tpu.vector_load_idx %arg7[%xor3A_253, %add3A_129] : memref<32x128xf32, #tpu.memory_space<vmem>>[vector<16xi32>, vector<16xi32>], vector<16xf32>,
          %add3A_255 = arith.addi %mul3A_132, %xor3A_253 : vector<16xi32>
          tpu.vector_store_idx %arg11[%add3A_255], %gather3A_254 : memref<4096xf32, #tpu.memory_space<vmem>>[vector<16xi32>], vector<16xf32>,
          %xor3A_256 = arith.constant 25 : i32
          %xor3A_257 = vector.broadcast %xor3A_256 : i32 to vector<16xi32>
          %xor3A_258 = arith.xori %iota3A, %xor3A_257 : vector<16xi32>
          %gather3A_259 = tpu.vector_load_idx %arg7[%xor3A_258, %add3A_129] : memref<32x128xf32, #tpu.memory_space<vmem>>[vector<16xi32>, vector<16xi32>], vector<16xf32>,
          %add3A_260 = arith.addi %mul3A_132, %xor3A_258 : vector<16xi32>
          tpu.vector_store_idx %arg11[%add3A_260], %gather3A_259 : memref<4096xf32, #tpu.memory_space<vmem>>[vector<16xi32>], vector<16xf32>,
          %xor3A_261 = arith.constant 26 : i32
          %xor3A_262 = vector.broadcast %xor3A_261 : i32 to vector<16xi32>
          %xor3A_263 = arith.xori %iota3A, %xor3A_262 : vector<16xi32>
          %gather3A_264 = tpu.vector_load_idx %arg7[%xor3A_263, %add3A_129] : memref<32x128xf32, #tpu.memory_space<vmem>>[vector<16xi32>, vector<16xi32>], vector<16xf32>,
          %add3A_265 = arith.addi %mul3A_132, %xor3A_263 : vector<16xi32>
          tpu.vector_store_idx %arg11[%add3A_265], %gather3A_264 : memref<4096xf32, #tpu.memory_space<vmem>>[vector<16xi32>], vector<16xf32>,
          %xor3A_266 = arith.constant 27 : i32
          %xor3A_267 = vector.broadcast %xor3A_266 : i32 to vector<16xi32>
          %xor3A_268 = arith.xori %iota3A, %xor3A_267 : vector<16xi32>
          %gather3A_269 = tpu.vector_load_idx %arg7[%xor3A_268, %add3A_129] : memref<32x128xf32, #tpu.memory_space<vmem>>[vector<16xi32>, vector<16xi32>], vector<16xf32>,
          %add3A_270 = arith.addi %mul3A_132, %xor3A_268 : vector<16xi32>
          tpu.vector_store_idx %arg11[%add3A_270], %gather3A_269 : memref<4096xf32, #tpu.memory_space<vmem>>[vector<16xi32>], vector<16xf32>,
          %xor3A_271 = arith.constant 28 : i32
          %xor3A_272 = vector.broadcast %xor3A_271 : i32 to vector<16xi32>
          %xor3A_273 = arith.xori %iota3A, %xor3A_272 : vector<16xi32>
          %gather3A_274 = tpu.vector_load_idx %arg7[%xor3A_273, %add3A_129] : memref<32x128xf32, #tpu.memory_space<vmem>>[vector<16xi32>, vector<16xi32>], vector<16xf32>,
          %add3A_275 = arith.addi %mul3A_132, %xor3A_273 : vector<16xi32>
          tpu.vector_store_idx %arg11[%add3A_275], %gather3A_274 : memref<4096xf32, #tpu.memory_space<vmem>>[vector<16xi32>], vector<16xf32>,
          %xor3A_276 = arith.constant 29 : i32
          %xor3A_277 = vector.broadcast %xor3A_276 : i32 to vector<16xi32>
          %xor3A_278 = arith.xori %iota3A, %xor3A_277 : vector<16xi32>
          %gather3A_279 = tpu.vector_load_idx %arg7[%xor3A_278, %add3A_129] : memref<32x128xf32, #tpu.memory_space<vmem>>[vector<16xi32>, vector<16xi32>], vector<16xf32>,
          %add3A_280 = arith.addi %mul3A_132, %xor3A_278 : vector<16xi32>
          tpu.vector_store_idx %arg11[%add3A_280], %gather3A_279 : memref<4096xf32, #tpu.memory_space<vmem>>[vector<16xi32>], vector<16xf32>,
          %xor3A_281 = arith.constant 30 : i32
          %xor3A_282 = vector.broadcast %xor3A_281 : i32 to vector<16xi32>
          %xor3A_283 = arith.xori %iota3A, %xor3A_282 : vector<16xi32>
          %gather3A_284 = tpu.vector_load_idx %arg7[%xor3A_283, %add3A_129] : memref<32x128xf32, #tpu.memory_space<vmem>>[vector<16xi32>, vector<16xi32>], vector<16xf32>,
          %add3A_285 = arith.addi %mul3A_132, %xor3A_283 : vector<16xi32>
          tpu.vector_store_idx %arg11[%add3A_285], %gather3A_284 : memref<4096xf32, #tpu.memory_space<vmem>>[vector<16xi32>], vector<16xf32>,
          %xor3A_286 = arith.constant 31 : i32
          %xor3A_287 = vector.broadcast %xor3A_286 : i32 to vector<16xi32>
          %xor3A_288 = arith.xori %iota3A, %xor3A_287 : vector<16xi32>
          %gather3A_289 = tpu.vector_load_idx %arg7[%xor3A_288, %add3A_129] : memref<32x128xf32, #tpu.memory_space<vmem>>[vector<16xi32>, vector<16xi32>], vector<16xf32>,
          %add3A_290 = arith.addi %mul3A_132, %xor3A_288 : vector<16xi32>
          tpu.vector_store_idx %arg11[%add3A_290], %gather3A_289 : memref<4096xf32, #tpu.memory_space<vmem>>[vector<16xi32>], vector<16xf32>,
          %scan3A_291 = arith.constant 0 : i32
          scf.yield %scan3A_291 : i32
        }
        %scan3A_115 = arith.constant 8 : i32
        %mul3A_116 = arith.constant 32 : i32
        %mul3A_117 = arith.muli %mul3A_116, %add3A_78 : i32
        %add3A_118 = arith.addi %add3A, %mul3A_117 : i32
        %mul3A_119 = arith.constant 128 : i32
        %mul3A_120 = arith.muli %add3A_118, %mul3A_119 : i32
        %mul3A_121 = arith.constant 32 : i32
        %mul3A_122 = arith.muli %mul3A_120, %mul3A_121 : i32
        %dma_start3A = tpu.memref_slice %arg4[%mul3A_122] : memref<32000000xf32, #tpu.memory_space<hbm>> -> memref<4096xf32, #tpu.memory_space<hbm>>
        %dma_start3A_123 = tpu.memref_slice %arg4[%mul3A_122] : memref<32000000xf32, #tpu.memory_space<hbm>> -> memref<4096xf32, #tpu.memory_space<hbm>>
        tpu.enqueue_dma source(%arg11 : memref<4096xf32, #tpu.memory_space<vmem>>) target(%dma_start3A_123 : memref<4096xf32, #tpu.memory_space<hbm>>) target_semaphore(%arg19 : memref<!tpu.dma_semaphore, #tpu.memory_space<semaphore_mem>>)
      } else {
      }
      %add3A_87 = arith.constant 3 : i32
      %add3A_88 = arith.addi %add3A_78, %add3A_87 : i32
      %mul3A_89 = arith.constant 32 : i32
      %mul3A_90 = arith.muli %mul3A_89, %add3A_88 : i32
      %add3A_91 = arith.addi %add3A, %mul3A_90 : i32
      %lt3A_92 = arith.constant 7812 : i32
      %lt3A_93 = arith.cmpi slt, %add3A_91, %lt3A_92 : i32
      %convert_element_type3A_94 = arith.extui %lt3A_93 : i1 to i32
      %cond3A_95 = arith.constant 0 : i32
      %cond3A_96 = arith.cmpi ne, %convert_element_type3A_94, %cond3A_95 : i32
      scf.if %cond3A_96 {
        %mul3A_97 = arith.constant 32 : i32
        %mul3A_98 = arith.muli %mul3A_97, %add3A_88 : i32
        %add3A_99 = arith.addi %add3A, %mul3A_98 : i32
        %mul3A_100 = arith.constant 128 : i32
        %mul3A_101 = arith.muli %add3A_99, %mul3A_100 : i32
        %dma_start3A = arith.constant 0 : i32
        %dma_start3A_102 = tpu.memref_slice %arg2[%dma_start3A, %mul3A_101] : memref<32x1000000xf32, #tpu.memory_space<hbm>> -> memref<32x128xf32, #tpu.memory_space<hbm>>
        %dma_start3A_103 = arith.constant 0 : i32
        %dma_start3A_104 = tpu.memref_slice %arg2[%dma_start3A_103, %mul3A_101] : memref<32x1000000xf32, #tpu.memory_space<hbm>> -> memref<32x128xf32, #tpu.memory_space<hbm>>
        tpu.enqueue_dma source(%dma_start3A_104 : memref<32x128xf32, #tpu.memory_space<hbm>>) target(%arg7 : memref<32x128xf32, #tpu.memory_space<vmem>>) target_semaphore(%arg15 : memref<!tpu.dma_semaphore, #tpu.memory_space<semaphore_mem>>)
      } else {
      }
    }
    %scan3A_22 = arith.constant 82 : i32
    %scan3A_23 = arith.constant 0 : i32
    %scan3A_24 = arith.constant 82 : i32
    %scan3A_25 = arith.addi %scan3A_23, %scan3A_24 : i32
    %scan3A_26 = arith.constant 1 : i32
    scf.for %scan3A_32 = %scan3A_23 to %scan3A_25 step %scan3A_26  : i32 {
      %mul3A_33 = arith.constant 3 : i32
      %mul3A_34 = arith.muli %scan3A_32, %mul3A_33 : i32
      %add3A_35 = arith.constant 0 : i32
      %add3A_36 = arith.addi %add3A_35, %mul3A_34 : i32
      %add3A_37 = arith.constant 0 : i32
      %add3A_38 = arith.addi %add3A_36, %add3A_37 : i32
      %mul3A_39 = arith.constant 32 : i32
      %mul3A_40 = arith.muli %mul3A_39, %add3A_38 : i32
      %add3A_41 = arith.addi %add3A, %mul3A_40 : i32
      %lt3A_42 = arith.constant 7812 : i32
      %lt3A_43 = arith.cmpi slt, %add3A_41, %lt3A_42 : i32
      %mul3A_44 = arith.constant 32 : i32
      %mul3A_45 = arith.muli %mul3A_44, %add3A_38 : i32
      %add3A_46 = arith.addi %add3A, %mul3A_45 : i32
      %add3A_47 = arith.constant 96 : i32
      %add3A_48 = arith.addi %add3A_46, %add3A_47 : i32
      %ge3A = arith.constant 7812 : i32
      %ge3A_49 = arith.cmpi sge, %add3A_48, %ge3A : i32
      %and3A = arith.andi %lt3A_43, %ge3A_49 : i1
      %convert_element_type3A_50 = arith.extui %and3A : i1 to i32
      %cond3A_51 = arith.constant 0 : i32
      %cond3A_52 = arith.cmpi ne, %convert_element_type3A_50, %cond3A_51 : i32
      scf.if %cond3A_52 {
        %mul3A_89 = arith.constant 32 : i32
        %mul3A_90 = arith.muli %mul3A_89, %add3A_38 : i32
        %add3A_91 = arith.addi %add3A, %mul3A_90 : i32
        %mul3A_92 = arith.constant 128 : i32
        %mul3A_93 = arith.muli %add3A_91, %mul3A_92 : i32
        %mul3A_94 = arith.constant 32 : i32
        %mul3A_95 = arith.muli %mul3A_93, %mul3A_94 : i32
        %dma_wait3A = tpu.memref_slice %arg4[%mul3A_95] : memref<32000000xf32, #tpu.memory_space<hbm>> -> memref<4096xf32, #tpu.memory_space<hbm>>
        %dma_wait3A_96 = tpu.memref_slice %arg4[%mul3A_95] : memref<32000000xf32, #tpu.memory_space<hbm>> -> memref<4096xf32, #tpu.memory_space<hbm>>
        tpu.wait_dma2 semaphore(%arg17 : memref<!tpu.dma_semaphore, #tpu.memory_space<semaphore_mem>>) src(%arg9 : memref<4096xf32, #tpu.memory_space<vmem>>) dst(%dma_wait3A_96 : memref<4096xf32, #tpu.memory_space<hbm>>)
      } else {
      }
      %add3A_53 = arith.constant 1 : i32
      %add3A_54 = arith.addi %add3A_36, %add3A_53 : i32
      %mul3A_55 = arith.constant 32 : i32
      %mul3A_56 = arith.muli %mul3A_55, %add3A_54 : i32
      %add3A_57 = arith.addi %add3A, %mul3A_56 : i32
      %lt3A_58 = arith.constant 7812 : i32
      %lt3A_59 = arith.cmpi slt, %add3A_57, %lt3A_58 : i32
      %mul3A_60 = arith.constant 32 : i32
      %mul3A_61 = arith.muli %mul3A_60, %add3A_54 : i32
      %add3A_62 = arith.addi %add3A, %mul3A_61 : i32
      %add3A_63 = arith.constant 96 : i32
      %add3A_64 = arith.addi %add3A_62, %add3A_63 : i32
      %ge3A_65 = arith.constant 7812 : i32
      %ge3A_66 = arith.cmpi sge, %add3A_64, %ge3A_65 : i32
      %and3A_67 = arith.andi %lt3A_59, %ge3A_66 : i1
      %convert_element_type3A_68 = arith.extui %and3A_67 : i1 to i32
      %cond3A_69 = arith.constant 0 : i32
      %cond3A_70 = arith.cmpi ne, %convert_element_type3A_68, %cond3A_69 : i32
      scf.if %cond3A_70 {
        %mul3A_89 = arith.constant 32 : i32
        %mul3A_90 = arith.muli %mul3A_89, %add3A_54 : i32
        %add3A_91 = arith.addi %add3A, %mul3A_90 : i32
        %mul3A_92 = arith.constant 128 : i32
        %mul3A_93 = arith.muli %add3A_91, %mul3A_92 : i32
        %mul3A_94 = arith.constant 32 : i32
        %mul3A_95 = arith.muli %mul3A_93, %mul3A_94 : i32
        %dma_wait3A = tpu.memref_slice %arg4[%mul3A_95] : memref<32000000xf32, #tpu.memory_space<hbm>> -> memref<4096xf32, #tpu.memory_space<hbm>>
        %dma_wait3A_96 = tpu.memref_slice %arg4[%mul3A_95] : memref<32000000xf32, #tpu.memory_space<hbm>> -> memref<4096xf32, #tpu.memory_space<hbm>>
        tpu.wait_dma2 semaphore(%arg18 : memref<!tpu.dma_semaphore, #tpu.memory_space<semaphore_mem>>) src(%arg10 : memref<4096xf32, #tpu.memory_space<vmem>>) dst(%dma_wait3A_96 : memref<4096xf32, #tpu.memory_space<hbm>>)
      } else {
      }
      %add3A_71 = arith.constant 2 : i32
      %add3A_72 = arith.addi %add3A_36, %add3A_71 : i32
      %mul3A_73 = arith.constant 32 : i32
      %mul3A_74 = arith.muli %mul3A_73, %add3A_72 : i32
      %add3A_75 = arith.addi %add3A, %mul3A_74 : i32
      %lt3A_76 = arith.constant 7812 : i32
      %lt3A_77 = arith.cmpi slt, %add3A_75, %lt3A_76 : i32
      %mul3A_78 = arith.constant 32 : i32
      %mul3A_79 = arith.muli %mul3A_78, %add3A_72 : i32
      %add3A_80 = arith.addi %add3A, %mul3A_79 : i32
      %add3A_81 = arith.constant 96 : i32
      %add3A_82 = arith.addi %add3A_80, %add3A_81 : i32
      %ge3A_83 = arith.constant 7812 : i32
      %ge3A_84 = arith.cmpi sge, %add3A_82, %ge3A_83 : i32
      %and3A_85 = arith.andi %lt3A_77, %ge3A_84 : i1
      %convert_element_type3A_86 = arith.extui %and3A_85 : i1 to i32
      %cond3A_87 = arith.constant 0 : i32
      %cond3A_88 = arith.cmpi ne, %convert_element_type3A_86, %cond3A_87 : i32
      scf.if %cond3A_88 {
        %mul3A_89 = arith.constant 32 : i32
        %mul3A_90 = arith.muli %mul3A_89, %add3A_72 : i32
        %add3A_91 = arith.addi %add3A, %mul3A_90 : i32
        %mul3A_92 = arith.constant 128 : i32
        %mul3A_93 = arith.muli %add3A_91, %mul3A_92 : i32
        %mul3A_94 = arith.constant 32 : i32
        %mul3A_95 = arith.muli %mul3A_93, %mul3A_94 : i32
        %dma_wait3A = tpu.memref_slice %arg4[%mul3A_95] : memref<32000000xf32, #tpu.memory_space<hbm>> -> memref<4096xf32, #tpu.memory_space<hbm>>
        %dma_wait3A_96 = tpu.memref_slice %arg4[%mul3A_95] : memref<32000000xf32, #tpu.memory_space<hbm>> -> memref<4096xf32, #tpu.memory_space<hbm>>
        tpu.wait_dma2 semaphore(%arg19 : memref<!tpu.dma_semaphore, #tpu.memory_space<semaphore_mem>>) src(%arg11 : memref<4096xf32, #tpu.memory_space<vmem>>) dst(%dma_wait3A_96 : memref<4096xf32, #tpu.memory_space<hbm>>)
      } else {
      }
    }
    %scan3A_27 = arith.constant 82 : i32
    %eq3A = arith.constant 0 : i32
    %eq3A_28 = arith.cmpi eq, %add3A, %eq3A : i32
    %convert_element_type3A_29 = arith.extui %eq3A_28 : i1 to i32
    %cond3A_30 = arith.constant 0 : i32
    %cond3A_31 = arith.cmpi ne, %convert_element_type3A_29, %cond3A_30 : i32
    scf.if %cond3A_31 {
      "tpu.region"() ({
        %run_scoped3A = tpu.sem_alloc : memref<!tpu.dma_semaphore, #tpu.memory_space<semaphore_mem>>
        tpu.enqueue_dma source(%arg3 : memref<32x128xf32, #tpu.memory_space<hbm>>) target(%arg5 : memref<32x128xf32, #tpu.memory_space<vmem>>) target_semaphore(%run_scoped3A : memref<!tpu.dma_semaphore, #tpu.memory_space<semaphore_mem>>)
        tpu.wait_dma2 semaphore(%run_scoped3A : memref<!tpu.dma_semaphore, #tpu.memory_space<semaphore_mem>>) src(%arg3 : memref<32x128xf32, #tpu.memory_space<hbm>>) dst(%arg5 : memref<32x128xf32, #tpu.memory_space<vmem>>)
        tpu.yield
      }) : () -> ()
      %scan3A_32 = arith.constant 0 : i32
      %scan3A_33 = arith.constant 0 : i32
      %scan3A_34 = arith.constant 4 : i32
      %scan3A_35 = arith.addi %scan3A_33, %scan3A_34 : i32
      %scan3A_36 = arith.constant 1 : i32
      %scan3A_37 = scf.for %scan3A_39 = %scan3A_33 to %scan3A_35 step %scan3A_36 iter_args(%scan3A_40 = %scan3A_32) -> (i32)  : i32 {
        %mul3A_41 = arith.constant 16 : i32
        %mul3A_42 = arith.muli %scan3A_39, %mul3A_41 : i32
        %add3A_43 = vector.broadcast %mul3A_42 : i32 to vector<16xi32>
        %add3A_44 = arith.addi %iota3A, %add3A_43 : vector<16xi32>
        %mul3A_45 = arith.constant 32 : i32
        %mul3A_46 = vector.broadcast %mul3A_45 : i32 to vector<16xi32>
        %mul3A_47 = arith.muli %add3A_44, %mul3A_46 : vector<16xi32>
        %xor3A = arith.constant 0 : i32
        %xor3A_48 = vector.broadcast %xor3A : i32 to vector<16xi32>
        %xor3A_49 = arith.xori %iota3A, %xor3A_48 : vector<16xi32>
        %gather3A = tpu.vector_load_idx %arg5[%xor3A_49, %add3A_44] : memref<32x128xf32, #tpu.memory_space<vmem>>[vector<16xi32>, vector<16xi32>], vector<16xf32>,
        %add3A_50 = arith.addi %mul3A_47, %xor3A_49 : vector<16xi32>
        tpu.vector_store_idx %arg9[%add3A_50], %gather3A : memref<4096xf32, #tpu.memory_space<vmem>>[vector<16xi32>], vector<16xf32>,
        %xor3A_51 = arith.constant 1 : i32
        %xor3A_52 = vector.broadcast %xor3A_51 : i32 to vector<16xi32>
        %xor3A_53 = arith.xori %iota3A, %xor3A_52 : vector<16xi32>
        %gather3A_54 = tpu.vector_load_idx %arg5[%xor3A_53, %add3A_44] : memref<32x128xf32, #tpu.memory_space<vmem>>[vector<16xi32>, vector<16xi32>], vector<16xf32>,
        %add3A_55 = arith.addi %mul3A_47, %xor3A_53 : vector<16xi32>
        tpu.vector_store_idx %arg9[%add3A_55], %gather3A_54 : memref<4096xf32, #tpu.memory_space<vmem>>[vector<16xi32>], vector<16xf32>,
        %xor3A_56 = arith.constant 2 : i32
        %xor3A_57 = vector.broadcast %xor3A_56 : i32 to vector<16xi32>
        %xor3A_58 = arith.xori %iota3A, %xor3A_57 : vector<16xi32>
        %gather3A_59 = tpu.vector_load_idx %arg5[%xor3A_58, %add3A_44] : memref<32x128xf32, #tpu.memory_space<vmem>>[vector<16xi32>, vector<16xi32>], vector<16xf32>,
        %add3A_60 = arith.addi %mul3A_47, %xor3A_58 : vector<16xi32>
        tpu.vector_store_idx %arg9[%add3A_60], %gather3A_59 : memref<4096xf32, #tpu.memory_space<vmem>>[vector<16xi32>], vector<16xf32>,
        %xor3A_61 = arith.constant 3 : i32
        %xor3A_62 = vector.broadcast %xor3A_61 : i32 to vector<16xi32>
        %xor3A_63 = arith.xori %iota3A, %xor3A_62 : vector<16xi32>
        %gather3A_64 = tpu.vector_load_idx %arg5[%xor3A_63, %add3A_44] : memref<32x128xf32, #tpu.memory_space<vmem>>[vector<16xi32>, vector<16xi32>], vector<16xf32>,
        %add3A_65 = arith.addi %mul3A_47, %xor3A_63 : vector<16xi32>
        tpu.vector_store_idx %arg9[%add3A_65], %gather3A_64 : memref<4096xf32, #tpu.memory_space<vmem>>[vector<16xi32>], vector<16xf32>,
        %xor3A_66 = arith.constant 4 : i32
        %xor3A_67 = vector.broadcast %xor3A_66 : i32 to vector<16xi32>
        %xor3A_68 = arith.xori %iota3A, %xor3A_67 : vector<16xi32>
        %gather3A_69 = tpu.vector_load_idx %arg5[%xor3A_68, %add3A_44] : memref<32x128xf32, #tpu.memory_space<vmem>>[vector<16xi32>, vector<16xi32>], vector<16xf32>,
        %add3A_70 = arith.addi %mul3A_47, %xor3A_68 : vector<16xi32>
        tpu.vector_store_idx %arg9[%add3A_70], %gather3A_69 : memref<4096xf32, #tpu.memory_space<vmem>>[vector<16xi32>], vector<16xf32>,
        %xor3A_71 = arith.constant 5 : i32
        %xor3A_72 = vector.broadcast %xor3A_71 : i32 to vector<16xi32>
        %xor3A_73 = arith.xori %iota3A, %xor3A_72 : vector<16xi32>
        %gather3A_74 = tpu.vector_load_idx %arg5[%xor3A_73, %add3A_44] : memref<32x128xf32, #tpu.memory_space<vmem>>[vector<16xi32>, vector<16xi32>], vector<16xf32>,
        %add3A_75 = arith.addi %mul3A_47, %xor3A_73 : vector<16xi32>
        tpu.vector_store_idx %arg9[%add3A_75], %gather3A_74 : memref<4096xf32, #tpu.memory_space<vmem>>[vector<16xi32>], vector<16xf32>,
        %xor3A_76 = arith.constant 6 : i32
        %xor3A_77 = vector.broadcast %xor3A_76 : i32 to vector<16xi32>
        %xor3A_78 = arith.xori %iota3A, %xor3A_77 : vector<16xi32>
        %gather3A_79 = tpu.vector_load_idx %arg5[%xor3A_78, %add3A_44] : memref<32x128xf32, #tpu.memory_space<vmem>>[vector<16xi32>, vector<16xi32>], vector<16xf32>,
        %add3A_80 = arith.addi %mul3A_47, %xor3A_78 : vector<16xi32>
        tpu.vector_store_idx %arg9[%add3A_80], %gather3A_79 : memref<4096xf32, #tpu.memory_space<vmem>>[vector<16xi32>], vector<16xf32>,
        %xor3A_81 = arith.constant 7 : i32
        %xor3A_82 = vector.broadcast %xor3A_81 : i32 to vector<16xi32>
        %xor3A_83 = arith.xori %iota3A, %xor3A_82 : vector<16xi32>
        %gather3A_84 = tpu.vector_load_idx %arg5[%xor3A_83, %add3A_44] : memref<32x128xf32, #tpu.memory_space<vmem>>[vector<16xi32>, vector<16xi32>], vector<16xf32>,
        %add3A_85 = arith.addi %mul3A_47, %xor3A_83 : vector<16xi32>
        tpu.vector_store_idx %arg9[%add3A_85], %gather3A_84 : memref<4096xf32, #tpu.memory_space<vmem>>[vector<16xi32>], vector<16xf32>,
        %xor3A_86 = arith.constant 8 : i32
        %xor3A_87 = vector.broadcast %xor3A_86 : i32 to vector<16xi32>
        %xor3A_88 = arith.xori %iota3A, %xor3A_87 : vector<16xi32>
        %gather3A_89 = tpu.vector_load_idx %arg5[%xor3A_88, %add3A_44] : memref<32x128xf32, #tpu.memory_space<vmem>>[vector<16xi32>, vector<16xi32>], vector<16xf32>,
        %add3A_90 = arith.addi %mul3A_47, %xor3A_88 : vector<16xi32>
        tpu.vector_store_idx %arg9[%add3A_90], %gather3A_89 : memref<4096xf32, #tpu.memory_space<vmem>>[vector<16xi32>], vector<16xf32>,
        %xor3A_91 = arith.constant 9 : i32
        %xor3A_92 = vector.broadcast %xor3A_91 : i32 to vector<16xi32>
        %xor3A_93 = arith.xori %iota3A, %xor3A_92 : vector<16xi32>
        %gather3A_94 = tpu.vector_load_idx %arg5[%xor3A_93, %add3A_44] : memref<32x128xf32, #tpu.memory_space<vmem>>[vector<16xi32>, vector<16xi32>], vector<16xf32>,
        %add3A_95 = arith.addi %mul3A_47, %xor3A_93 : vector<16xi32>
        tpu.vector_store_idx %arg9[%add3A_95], %gather3A_94 : memref<4096xf32, #tpu.memory_space<vmem>>[vector<16xi32>], vector<16xf32>,
        %xor3A_96 = arith.constant 10 : i32
        %xor3A_97 = vector.broadcast %xor3A_96 : i32 to vector<16xi32>
        %xor3A_98 = arith.xori %iota3A, %xor3A_97 : vector<16xi32>
        %gather3A_99 = tpu.vector_load_idx %arg5[%xor3A_98, %add3A_44] : memref<32x128xf32, #tpu.memory_space<vmem>>[vector<16xi32>, vector<16xi32>], vector<16xf32>,
        %add3A_100 = arith.addi %mul3A_47, %xor3A_98 : vector<16xi32>
        tpu.vector_store_idx %arg9[%add3A_100], %gather3A_99 : memref<4096xf32, #tpu.memory_space<vmem>>[vector<16xi32>], vector<16xf32>,
        %xor3A_101 = arith.constant 11 : i32
        %xor3A_102 = vector.broadcast %xor3A_101 : i32 to vector<16xi32>
        %xor3A_103 = arith.xori %iota3A, %xor3A_102 : vector<16xi32>
        %gather3A_104 = tpu.vector_load_idx %arg5[%xor3A_103, %add3A_44] : memref<32x128xf32, #tpu.memory_space<vmem>>[vector<16xi32>, vector<16xi32>], vector<16xf32>,
        %add3A_105 = arith.addi %mul3A_47, %xor3A_103 : vector<16xi32>
        tpu.vector_store_idx %arg9[%add3A_105], %gather3A_104 : memref<4096xf32, #tpu.memory_space<vmem>>[vector<16xi32>], vector<16xf32>,
        %xor3A_106 = arith.constant 12 : i32
        %xor3A_107 = vector.broadcast %xor3A_106 : i32 to vector<16xi32>
        %xor3A_108 = arith.xori %iota3A, %xor3A_107 : vector<16xi32>
        %gather3A_109 = tpu.vector_load_idx %arg5[%xor3A_108, %add3A_44] : memref<32x128xf32, #tpu.memory_space<vmem>>[vector<16xi32>, vector<16xi32>], vector<16xf32>,
        %add3A_110 = arith.addi %mul3A_47, %xor3A_108 : vector<16xi32>
        tpu.vector_store_idx %arg9[%add3A_110], %gather3A_109 : memref<4096xf32, #tpu.memory_space<vmem>>[vector<16xi32>], vector<16xf32>,
        %xor3A_111 = arith.constant 13 : i32
        %xor3A_112 = vector.broadcast %xor3A_111 : i32 to vector<16xi32>
        %xor3A_113 = arith.xori %iota3A, %xor3A_112 : vector<16xi32>
        %gather3A_114 = tpu.vector_load_idx %arg5[%xor3A_113, %add3A_44] : memref<32x128xf32, #tpu.memory_space<vmem>>[vector<16xi32>, vector<16xi32>], vector<16xf32>,
        %add3A_115 = arith.addi %mul3A_47, %xor3A_113 : vector<16xi32>
        tpu.vector_store_idx %arg9[%add3A_115], %gather3A_114 : memref<4096xf32, #tpu.memory_space<vmem>>[vector<16xi32>], vector<16xf32>,
        %xor3A_116 = arith.constant 14 : i32
        %xor3A_117 = vector.broadcast %xor3A_116 : i32 to vector<16xi32>
        %xor3A_118 = arith.xori %iota3A, %xor3A_117 : vector<16xi32>
        %gather3A_119 = tpu.vector_load_idx %arg5[%xor3A_118, %add3A_44] : memref<32x128xf32, #tpu.memory_space<vmem>>[vector<16xi32>, vector<16xi32>], vector<16xf32>,
        %add3A_120 = arith.addi %mul3A_47, %xor3A_118 : vector<16xi32>
        tpu.vector_store_idx %arg9[%add3A_120], %gather3A_119 : memref<4096xf32, #tpu.memory_space<vmem>>[vector<16xi32>], vector<16xf32>,
        %xor3A_121 = arith.constant 15 : i32
        %xor3A_122 = vector.broadcast %xor3A_121 : i32 to vector<16xi32>
        %xor3A_123 = arith.xori %iota3A, %xor3A_122 : vector<16xi32>
        %gather3A_124 = tpu.vector_load_idx %arg5[%xor3A_123, %add3A_44] : memref<32x128xf32, #tpu.memory_space<vmem>>[vector<16xi32>, vector<16xi32>], vector<16xf32>,
        %add3A_125 = arith.addi %mul3A_47, %xor3A_123 : vector<16xi32>
        tpu.vector_store_idx %arg9[%add3A_125], %gather3A_124 : memref<4096xf32, #tpu.memory_space<vmem>>[vector<16xi32>], vector<16xf32>,
        %xor3A_126 = arith.constant 16 : i32
        %xor3A_127 = vector.broadcast %xor3A_126 : i32 to vector<16xi32>
        %xor3A_128 = arith.xori %iota3A, %xor3A_127 : vector<16xi32>
        %gather3A_129 = tpu.vector_load_idx %arg5[%xor3A_128, %add3A_44] : memref<32x128xf32, #tpu.memory_space<vmem>>[vector<16xi32>, vector<16xi32>], vector<16xf32>,
        %add3A_130 = arith.addi %mul3A_47, %xor3A_128 : vector<16xi32>
        tpu.vector_store_idx %arg9[%add3A_130], %gather3A_129 : memref<4096xf32, #tpu.memory_space<vmem>>[vector<16xi32>], vector<16xf32>,
        %xor3A_131 = arith.constant 17 : i32
        %xor3A_132 = vector.broadcast %xor3A_131 : i32 to vector<16xi32>
        %xor3A_133 = arith.xori %iota3A, %xor3A_132 : vector<16xi32>
        %gather3A_134 = tpu.vector_load_idx %arg5[%xor3A_133, %add3A_44] : memref<32x128xf32, #tpu.memory_space<vmem>>[vector<16xi32>, vector<16xi32>], vector<16xf32>,
        %add3A_135 = arith.addi %mul3A_47, %xor3A_133 : vector<16xi32>
        tpu.vector_store_idx %arg9[%add3A_135], %gather3A_134 : memref<4096xf32, #tpu.memory_space<vmem>>[vector<16xi32>], vector<16xf32>,
        %xor3A_136 = arith.constant 18 : i32
        %xor3A_137 = vector.broadcast %xor3A_136 : i32 to vector<16xi32>
        %xor3A_138 = arith.xori %iota3A, %xor3A_137 : vector<16xi32>
        %gather3A_139 = tpu.vector_load_idx %arg5[%xor3A_138, %add3A_44] : memref<32x128xf32, #tpu.memory_space<vmem>>[vector<16xi32>, vector<16xi32>], vector<16xf32>,
        %add3A_140 = arith.addi %mul3A_47, %xor3A_138 : vector<16xi32>
        tpu.vector_store_idx %arg9[%add3A_140], %gather3A_139 : memref<4096xf32, #tpu.memory_space<vmem>>[vector<16xi32>], vector<16xf32>,
        %xor3A_141 = arith.constant 19 : i32
        %xor3A_142 = vector.broadcast %xor3A_141 : i32 to vector<16xi32>
        %xor3A_143 = arith.xori %iota3A, %xor3A_142 : vector<16xi32>
        %gather3A_144 = tpu.vector_load_idx %arg5[%xor3A_143, %add3A_44] : memref<32x128xf32, #tpu.memory_space<vmem>>[vector<16xi32>, vector<16xi32>], vector<16xf32>,
        %add3A_145 = arith.addi %mul3A_47, %xor3A_143 : vector<16xi32>
        tpu.vector_store_idx %arg9[%add3A_145], %gather3A_144 : memref<4096xf32, #tpu.memory_space<vmem>>[vector<16xi32>], vector<16xf32>,
        %xor3A_146 = arith.constant 20 : i32
        %xor3A_147 = vector.broadcast %xor3A_146 : i32 to vector<16xi32>
        %xor3A_148 = arith.xori %iota3A, %xor3A_147 : vector<16xi32>
        %gather3A_149 = tpu.vector_load_idx %arg5[%xor3A_148, %add3A_44] : memref<32x128xf32, #tpu.memory_space<vmem>>[vector<16xi32>, vector<16xi32>], vector<16xf32>,
        %add3A_150 = arith.addi %mul3A_47, %xor3A_148 : vector<16xi32>
        tpu.vector_store_idx %arg9[%add3A_150], %gather3A_149 : memref<4096xf32, #tpu.memory_space<vmem>>[vector<16xi32>], vector<16xf32>,
        %xor3A_151 = arith.constant 21 : i32
        %xor3A_152 = vector.broadcast %xor3A_151 : i32 to vector<16xi32>
        %xor3A_153 = arith.xori %iota3A, %xor3A_152 : vector<16xi32>
        %gather3A_154 = tpu.vector_load_idx %arg5[%xor3A_153, %add3A_44] : memref<32x128xf32, #tpu.memory_space<vmem>>[vector<16xi32>, vector<16xi32>], vector<16xf32>,
        %add3A_155 = arith.addi %mul3A_47, %xor3A_153 : vector<16xi32>
        tpu.vector_store_idx %arg9[%add3A_155], %gather3A_154 : memref<4096xf32, #tpu.memory_space<vmem>>[vector<16xi32>], vector<16xf32>,
        %xor3A_156 = arith.constant 22 : i32
        %xor3A_157 = vector.broadcast %xor3A_156 : i32 to vector<16xi32>
        %xor3A_158 = arith.xori %iota3A, %xor3A_157 : vector<16xi32>
        %gather3A_159 = tpu.vector_load_idx %arg5[%xor3A_158, %add3A_44] : memref<32x128xf32, #tpu.memory_space<vmem>>[vector<16xi32>, vector<16xi32>], vector<16xf32>,
        %add3A_160 = arith.addi %mul3A_47, %xor3A_158 : vector<16xi32>
        tpu.vector_store_idx %arg9[%add3A_160], %gather3A_159 : memref<4096xf32, #tpu.memory_space<vmem>>[vector<16xi32>], vector<16xf32>,
        %xor3A_161 = arith.constant 23 : i32
        %xor3A_162 = vector.broadcast %xor3A_161 : i32 to vector<16xi32>
        %xor3A_163 = arith.xori %iota3A, %xor3A_162 : vector<16xi32>
        %gather3A_164 = tpu.vector_load_idx %arg5[%xor3A_163, %add3A_44] : memref<32x128xf32, #tpu.memory_space<vmem>>[vector<16xi32>, vector<16xi32>], vector<16xf32>,
        %add3A_165 = arith.addi %mul3A_47, %xor3A_163 : vector<16xi32>
        tpu.vector_store_idx %arg9[%add3A_165], %gather3A_164 : memref<4096xf32, #tpu.memory_space<vmem>>[vector<16xi32>], vector<16xf32>,
        %xor3A_166 = arith.constant 24 : i32
        %xor3A_167 = vector.broadcast %xor3A_166 : i32 to vector<16xi32>
        %xor3A_168 = arith.xori %iota3A, %xor3A_167 : vector<16xi32>
        %gather3A_169 = tpu.vector_load_idx %arg5[%xor3A_168, %add3A_44] : memref<32x128xf32, #tpu.memory_space<vmem>>[vector<16xi32>, vector<16xi32>], vector<16xf32>,
        %add3A_170 = arith.addi %mul3A_47, %xor3A_168 : vector<16xi32>
        tpu.vector_store_idx %arg9[%add3A_170], %gather3A_169 : memref<4096xf32, #tpu.memory_space<vmem>>[vector<16xi32>], vector<16xf32>,
        %xor3A_171 = arith.constant 25 : i32
        %xor3A_172 = vector.broadcast %xor3A_171 : i32 to vector<16xi32>
        %xor3A_173 = arith.xori %iota3A, %xor3A_172 : vector<16xi32>
        %gather3A_174 = tpu.vector_load_idx %arg5[%xor3A_173, %add3A_44] : memref<32x128xf32, #tpu.memory_space<vmem>>[vector<16xi32>, vector<16xi32>], vector<16xf32>,
        %add3A_175 = arith.addi %mul3A_47, %xor3A_173 : vector<16xi32>
        tpu.vector_store_idx %arg9[%add3A_175], %gather3A_174 : memref<4096xf32, #tpu.memory_space<vmem>>[vector<16xi32>], vector<16xf32>,
        %xor3A_176 = arith.constant 26 : i32
        %xor3A_177 = vector.broadcast %xor3A_176 : i32 to vector<16xi32>
        %xor3A_178 = arith.xori %iota3A, %xor3A_177 : vector<16xi32>
        %gather3A_179 = tpu.vector_load_idx %arg5[%xor3A_178, %add3A_44] : memref<32x128xf32, #tpu.memory_space<vmem>>[vector<16xi32>, vector<16xi32>], vector<16xf32>,
        %add3A_180 = arith.addi %mul3A_47, %xor3A_178 : vector<16xi32>
        tpu.vector_store_idx %arg9[%add3A_180], %gather3A_179 : memref<4096xf32, #tpu.memory_space<vmem>>[vector<16xi32>], vector<16xf32>,
        %xor3A_181 = arith.constant 27 : i32
        %xor3A_182 = vector.broadcast %xor3A_181 : i32 to vector<16xi32>
        %xor3A_183 = arith.xori %iota3A, %xor3A_182 : vector<16xi32>
        %gather3A_184 = tpu.vector_load_idx %arg5[%xor3A_183, %add3A_44] : memref<32x128xf32, #tpu.memory_space<vmem>>[vector<16xi32>, vector<16xi32>], vector<16xf32>,
        %add3A_185 = arith.addi %mul3A_47, %xor3A_183 : vector<16xi32>
        tpu.vector_store_idx %arg9[%add3A_185], %gather3A_184 : memref<4096xf32, #tpu.memory_space<vmem>>[vector<16xi32>], vector<16xf32>,
        %xor3A_186 = arith.constant 28 : i32
        %xor3A_187 = vector.broadcast %xor3A_186 : i32 to vector<16xi32>
        %xor3A_188 = arith.xori %iota3A, %xor3A_187 : vector<16xi32>
        %gather3A_189 = tpu.vector_load_idx %arg5[%xor3A_188, %add3A_44] : memref<32x128xf32, #tpu.memory_space<vmem>>[vector<16xi32>, vector<16xi32>], vector<16xf32>,
        %add3A_190 = arith.addi %mul3A_47, %xor3A_188 : vector<16xi32>
        tpu.vector_store_idx %arg9[%add3A_190], %gather3A_189 : memref<4096xf32, #tpu.memory_space<vmem>>[vector<16xi32>], vector<16xf32>,
        %xor3A_191 = arith.constant 29 : i32
        %xor3A_192 = vector.broadcast %xor3A_191 : i32 to vector<16xi32>
        %xor3A_193 = arith.xori %iota3A, %xor3A_192 : vector<16xi32>
        %gather3A_194 = tpu.vector_load_idx %arg5[%xor3A_193, %add3A_44] : memref<32x128xf32, #tpu.memory_space<vmem>>[vector<16xi32>, vector<16xi32>], vector<16xf32>,
        %add3A_195 = arith.addi %mul3A_47, %xor3A_193 : vector<16xi32>
        tpu.vector_store_idx %arg9[%add3A_195], %gather3A_194 : memref<4096xf32, #tpu.memory_space<vmem>>[vector<16xi32>], vector<16xf32>,
        %xor3A_196 = arith.constant 30 : i32
        %xor3A_197 = vector.broadcast %xor3A_196 : i32 to vector<16xi32>
        %xor3A_198 = arith.xori %iota3A, %xor3A_197 : vector<16xi32>
        %gather3A_199 = tpu.vector_load_idx %arg5[%xor3A_198, %add3A_44] : memref<32x128xf32, #tpu.memory_space<vmem>>[vector<16xi32>, vector<16xi32>], vector<16xf32>,
        %add3A_200 = arith.addi %mul3A_47, %xor3A_198 : vector<16xi32>
        tpu.vector_store_idx %arg9[%add3A_200], %gather3A_199 : memref<4096xf32, #tpu.memory_space<vmem>>[vector<16xi32>], vector<16xf32>,
        %xor3A_201 = arith.constant 31 : i32
        %xor3A_202 = vector.broadcast %xor3A_201 : i32 to vector<16xi32>
        %xor3A_203 = arith.xori %iota3A, %xor3A_202 : vector<16xi32>
        %gather3A_204 = tpu.vector_load_idx %arg5[%xor3A_203, %add3A_44] : memref<32x128xf32, #tpu.memory_space<vmem>>[vector<16xi32>, vector<16xi32>], vector<16xf32>,
        %add3A_205 = arith.addi %mul3A_47, %xor3A_203 : vector<16xi32>
        tpu.vector_store_idx %arg9[%add3A_205], %gather3A_204 : memref<4096xf32, #tpu.memory_space<vmem>>[vector<16xi32>], vector<16xf32>,
        %scan3A_206 = arith.constant 0 : i32
        scf.yield %scan3A_206 : i32
      }
      %scan3A_38 = arith.constant 4 : i32
      "tpu.region"() ({
        %run_scoped3A = tpu.sem_alloc : memref<!tpu.dma_semaphore, #tpu.memory_space<semaphore_mem>>
        %dma_start3A = arith.constant 0 : i32
        %dma_start3A_39 = tpu.memref_slice %arg9[%dma_start3A] : memref<4096xf32, #tpu.memory_space<vmem>> -> memref<2048xf32, #tpu.memory_space<vmem>>
        %dma_start3A_40 = arith.constant 31997952 : i32
        %dma_start3A_41 = tpu.memref_slice %arg4[%dma_start3A_40] : memref<32000000xf32, #tpu.memory_space<hbm>> -> memref<2048xf32, #tpu.memory_space<hbm>>
        %dma_start3A_42 = arith.constant 31997952 : i32
        %dma_start3A_43 = tpu.memref_slice %arg4[%dma_start3A_42] : memref<32000000xf32, #tpu.memory_space<hbm>> -> memref<2048xf32, #tpu.memory_space<hbm>>
        %dma_start3A_44 = arith.constant 0 : i32
        %dma_start3A_45 = tpu.memref_slice %arg9[%dma_start3A_44] : memref<4096xf32, #tpu.memory_space<vmem>> -> memref<2048xf32, #tpu.memory_space<vmem>>
        tpu.enqueue_dma source(%dma_start3A_45 : memref<2048xf32, #tpu.memory_space<vmem>>) target(%dma_start3A_43 : memref<2048xf32, #tpu.memory_space<hbm>>) target_semaphore(%run_scoped3A : memref<!tpu.dma_semaphore, #tpu.memory_space<semaphore_mem>>)
        %dma_wait3A = arith.constant 0 : i32
        %dma_wait3A_46 = tpu.memref_slice %arg9[%dma_wait3A] : memref<4096xf32, #tpu.memory_space<vmem>> -> memref<2048xf32, #tpu.memory_space<vmem>>
        %dma_wait3A_47 = arith.constant 31997952 : i32
        %dma_wait3A_48 = tpu.memref_slice %arg4[%dma_wait3A_47] : memref<32000000xf32, #tpu.memory_space<hbm>> -> memref<2048xf32, #tpu.memory_space<hbm>>
        %dma_wait3A_49 = arith.constant 31997952 : i32
        %dma_wait3A_50 = tpu.memref_slice %arg4[%dma_wait3A_49] : memref<32000000xf32, #tpu.memory_space<hbm>> -> memref<2048xf32, #tpu.memory_space<hbm>>
        %dma_wait3A_51 = arith.constant 0 : i32
        %dma_wait3A_52 = tpu.memref_slice %arg9[%dma_wait3A_51] : memref<4096xf32, #tpu.memory_space<vmem>> -> memref<2048xf32, #tpu.memory_space<vmem>>
        tpu.wait_dma2 semaphore(%run_scoped3A : memref<!tpu.dma_semaphore, #tpu.memory_space<semaphore_mem>>) src(%dma_wait3A_52 : memref<2048xf32, #tpu.memory_space<vmem>>) dst(%dma_wait3A_50 : memref<2048xf32, #tpu.memory_space<hbm>>)
        tpu.yield
      }) : () -> ()
    } else {
    }
    return
  }
}

#map = affine_map<(d0, d1) -> (0, 0)>
#map1 = affine_map<(d0, d1) -> (0)>
module attributes {stable_mosaic.version = 14 : i64} {
  func.func @_emb_sum(%arg0: i32, %arg1: i32, %arg2: memref<8192x100xi32, #tpu.memory_space<hbm>>, %arg3: memref<1000000x32xf32, #tpu.memory_space<hbm>>, %arg4: memref<32xf32, #tpu.memory_space<hbm>>, %arg5: memref<4096x32xf32, #tpu.memory_space<hbm>>, %arg6: memref<256x100xi32, #tpu.memory_space<vmem>>, %arg7: memref<4x100x32xf32, #tpu.memory_space<vmem>>, %arg8: memref<128x32xf32, #tpu.memory_space<vmem>>, %arg9: memref<32xf32, #tpu.memory_space<vmem>>, %arg10: memref<!tpu.dma_semaphore, #tpu.memory_space<semaphore_mem>>, %arg11: memref<!tpu.dma_semaphore, #tpu.memory_space<semaphore_mem>>, %arg12: memref<!tpu.dma_semaphore, #tpu.memory_space<semaphore_mem>>, %arg13: memref<!tpu.dma_semaphore, #tpu.memory_space<semaphore_mem>>) attributes {dimension_semantics = [#tpu.dimension_semantics<core_parallel>, #tpu.dimension_semantics<subcore_parallel>], iteration_bounds = array<i64: 2, 16>, scalar_prefetch = 0 : i64, scratch_operands = 8 : i64, tpu.core_type = #tpu.core_type<sc_vector_subcore>, window_params = [{transform_indices = #map}, {transform_indices = #map}, {transform_indices = #map1}, {transform_indices = #map}]} {
    %mul3A = arith.constant 2 : i32
    %mul3A_0 = arith.muli %arg1, %mul3A : i32
    %add3A = arith.addi %mul3A_0, %arg0 : i32
    %mul3A_1 = arith.constant 256 : i32
    %mul3A_2 = arith.muli %add3A, %mul3A_1 : i32
    "tpu.region"() ({
      %run_scoped3A = tpu.sem_alloc : memref<!tpu.dma_semaphore, #tpu.memory_space<semaphore_mem>>
      %dma_start3A_61 = arith.constant 0 : i32
      %dma_start3A_62 = tpu.memref_slice %arg2[%mul3A_2, %dma_start3A_61] : memref<8192x100xi32, #tpu.memory_space<hbm>> -> memref<256x100xi32, #tpu.memory_space<hbm>>
      %dma_start3A_63 = arith.constant 0 : i32
      %dma_start3A_64 = tpu.memref_slice %arg2[%mul3A_2, %dma_start3A_63] : memref<8192x100xi32, #tpu.memory_space<hbm>> -> memref<256x100xi32, #tpu.memory_space<hbm>>
      tpu.enqueue_dma source(%dma_start3A_64 : memref<256x100xi32, #tpu.memory_space<hbm>>) target(%arg6 : memref<256x100xi32, #tpu.memory_space<vmem>>) target_semaphore(%run_scoped3A : memref<!tpu.dma_semaphore, #tpu.memory_space<semaphore_mem>>)
      %dma_wait3A = arith.constant 0 : i32
      %dma_wait3A_65 = tpu.memref_slice %arg2[%mul3A_2, %dma_wait3A] : memref<8192x100xi32, #tpu.memory_space<hbm>> -> memref<256x100xi32, #tpu.memory_space<hbm>>
      %dma_wait3A_66 = arith.constant 0 : i32
      %dma_wait3A_67 = tpu.memref_slice %arg2[%mul3A_2, %dma_wait3A_66] : memref<8192x100xi32, #tpu.memory_space<hbm>> -> memref<256x100xi32, #tpu.memory_space<hbm>>
      tpu.wait_dma2 semaphore(%run_scoped3A : memref<!tpu.dma_semaphore, #tpu.memory_space<semaphore_mem>>) src(%dma_wait3A_67 : memref<256x100xi32, #tpu.memory_space<hbm>>) dst(%arg6 : memref<256x100xi32, #tpu.memory_space<vmem>>)
      tpu.yield
    }) : () -> ()
    "tpu.region"() ({
      %run_scoped3A = tpu.sem_alloc : memref<!tpu.dma_semaphore, #tpu.memory_space<semaphore_mem>>
      tpu.enqueue_dma source(%arg4 : memref<32xf32, #tpu.memory_space<hbm>>) target(%arg9 : memref<32xf32, #tpu.memory_space<vmem>>) target_semaphore(%run_scoped3A : memref<!tpu.dma_semaphore, #tpu.memory_space<semaphore_mem>>)
      tpu.wait_dma2 semaphore(%run_scoped3A : memref<!tpu.dma_semaphore, #tpu.memory_space<semaphore_mem>>) src(%arg4 : memref<32xf32, #tpu.memory_space<hbm>>) dst(%arg9 : memref<32xf32, #tpu.memory_space<vmem>>)
      tpu.yield
    }) : () -> ()
    %get3A = arith.constant 0 : index
    %get3A_3 = tpu.vector_load %arg9[%get3A] {strides = array<i32>} : memref<32xf32, #tpu.memory_space<vmem>>, vector<16xf32>,
    %get3A_4 = vector.shape_cast %get3A_3 : vector<16xf32> to vector<16xf32>
    %get3A_5 = arith.constant 16 : index
    %get3A_6 = tpu.vector_load %arg9[%get3A_5] {strides = array<i32>} : memref<32xf32, #tpu.memory_space<vmem>>, vector<16xf32>,
    %get3A_7 = vector.shape_cast %get3A_6 : vector<16xf32> to vector<16xf32>
    %dma_start3A = arith.constant 0 : i32
    %dma_start3A_8 = arith.constant 0 : i32
    %dma_start3A_9 = arith.constant 0 : i32
    %dma_start3A_10 = arith.constant 0 : i32
    %dma_start3A_11 = tpu.memref_slice %arg7[%dma_start3A_8, %dma_start3A_9, %dma_start3A_10] : memref<4x100x32xf32, #tpu.memory_space<vmem>> -> memref<1x100x32xf32, #tpu.memory_space<vmem>>
    %dma_start3A_12 = tpu.memref_squeeze %dma_start3A_11 : memref<1x100x32xf32, #tpu.memory_space<vmem>> -> memref<100x32xf32, #tpu.memory_space<vmem>>
    %dma_start3A_13 = arith.constant 0 : i32
    %dma_start3A_14 = tpu.memref_slice %arg6[%dma_start3A, %dma_start3A_13] : memref<256x100xi32, #tpu.memory_space<vmem>> -> memref<1x100xi32, #tpu.memory_space<vmem>>
    %dma_start3A_15 = tpu.memref_squeeze %dma_start3A_14 : memref<1x100xi32, #tpu.memory_space<vmem>> -> memref<100xi32, #tpu.memory_space<vmem>>
    %dma_start3A_16 = arith.constant 0 : i32
    %dma_start3A_17 = arith.constant 0 : i32
    %dma_start3A_18 = tpu.memref_slice %arg3[%dma_start3A_16, %dma_start3A_17] : memref<1000000x32xf32, #tpu.memory_space<hbm>> -> memref<1000000x32xf32, #tpu.memory_space<hbm>>
    tpu.enqueue_indirect_dma source(%dma_start3A_18 : memref<1000000x32xf32, #tpu.memory_space<hbm>>) target(%dma_start3A_12 : memref<100x32xf32, #tpu.memory_space<vmem>>) offsets(%dma_start3A_15 : memref<100xi32, #tpu.memory_space<vmem>>) semaphore(%arg10 : memref<!tpu.dma_semaphore, #tpu.memory_space<semaphore_mem>>)
    %dma_start3A_19 = arith.constant 1 : i32
    %dma_start3A_20 = arith.constant 1 : i32
    %dma_start3A_21 = arith.constant 0 : i32
    %dma_start3A_22 = arith.constant 0 : i32
    %dma_start3A_23 = tpu.memref_slice %arg7[%dma_start3A_20, %dma_start3A_21, %dma_start3A_22] : memref<4x100x32xf32, #tpu.memory_space<vmem>> -> memref<1x100x32xf32, #tpu.memory_space<vmem>>
    %dma_start3A_24 = tpu.memref_squeeze %dma_start3A_23 : memref<1x100x32xf32, #tpu.memory_space<vmem>> -> memref<100x32xf32, #tpu.memory_space<vmem>>
    %dma_start3A_25 = arith.constant 0 : i32
    %dma_start3A_26 = tpu.memref_slice %arg6[%dma_start3A_19, %dma_start3A_25] : memref<256x100xi32, #tpu.memory_space<vmem>> -> memref<1x100xi32, #tpu.memory_space<vmem>>
    %dma_start3A_27 = tpu.memref_squeeze %dma_start3A_26 : memref<1x100xi32, #tpu.memory_space<vmem>> -> memref<100xi32, #tpu.memory_space<vmem>>
    %dma_start3A_28 = arith.constant 0 : i32
    %dma_start3A_29 = arith.constant 0 : i32
    %dma_start3A_30 = tpu.memref_slice %arg3[%dma_start3A_28, %dma_start3A_29] : memref<1000000x32xf32, #tpu.memory_space<hbm>> -> memref<1000000x32xf32, #tpu.memory_space<hbm>>
    tpu.enqueue_indirect_dma source(%dma_start3A_30 : memref<1000000x32xf32, #tpu.memory_space<hbm>>) target(%dma_start3A_24 : memref<100x32xf32, #tpu.memory_space<vmem>>) offsets(%dma_start3A_27 : memref<100xi32, #tpu.memory_space<vmem>>) semaphore(%arg11 : memref<!tpu.dma_semaphore, #tpu.memory_space<semaphore_mem>>)
    %dma_start3A_31 = arith.constant 2 : i32
    %dma_start3A_32 = arith.constant 2 : i32
    %dma_start3A_33 = arith.constant 0 : i32
    %dma_start3A_34 = arith.constant 0 : i32
    %dma_start3A_35 = tpu.memref_slice %arg7[%dma_start3A_32, %dma_start3A_33, %dma_start3A_34] : memref<4x100x32xf32, #tpu.memory_space<vmem>> -> memref<1x100x32xf32, #tpu.memory_space<vmem>>
    %dma_start3A_36 = tpu.memref_squeeze %dma_start3A_35 : memref<1x100x32xf32, #tpu.memory_space<vmem>> -> memref<100x32xf32, #tpu.memory_space<vmem>>
    %dma_start3A_37 = arith.constant 0 : i32
    %dma_start3A_38 = tpu.memref_slice %arg6[%dma_start3A_31, %dma_start3A_37] : memref<256x100xi32, #tpu.memory_space<vmem>> -> memref<1x100xi32, #tpu.memory_space<vmem>>
    %dma_start3A_39 = tpu.memref_squeeze %dma_start3A_38 : memref<1x100xi32, #tpu.memory_space<vmem>> -> memref<100xi32, #tpu.memory_space<vmem>>
    %dma_start3A_40 = arith.constant 0 : i32
    %dma_start3A_41 = arith.constant 0 : i32
    %dma_start3A_42 = tpu.memref_slice %arg3[%dma_start3A_40, %dma_start3A_41] : memref<1000000x32xf32, #tpu.memory_space<hbm>> -> memref<1000000x32xf32, #tpu.memory_space<hbm>>
    tpu.enqueue_indirect_dma source(%dma_start3A_42 : memref<1000000x32xf32, #tpu.memory_space<hbm>>) target(%dma_start3A_36 : memref<100x32xf32, #tpu.memory_space<vmem>>) offsets(%dma_start3A_39 : memref<100xi32, #tpu.memory_space<vmem>>) semaphore(%arg12 : memref<!tpu.dma_semaphore, #tpu.memory_space<semaphore_mem>>)
    %dma_start3A_43 = arith.constant 3 : i32
    %dma_start3A_44 = arith.constant 3 : i32
    %dma_start3A_45 = arith.constant 0 : i32
    %dma_start3A_46 = arith.constant 0 : i32
    %dma_start3A_47 = tpu.memref_slice %arg7[%dma_start3A_44, %dma_start3A_45, %dma_start3A_46] : memref<4x100x32xf32, #tpu.memory_space<vmem>> -> memref<1x100x32xf32, #tpu.memory_space<vmem>>
    %dma_start3A_48 = tpu.memref_squeeze %dma_start3A_47 : memref<1x100x32xf32, #tpu.memory_space<vmem>> -> memref<100x32xf32, #tpu.memory_space<vmem>>
    %dma_start3A_49 = arith.constant 0 : i32
    %dma_start3A_50 = tpu.memref_slice %arg6[%dma_start3A_43, %dma_start3A_49] : memref<256x100xi32, #tpu.memory_space<vmem>> -> memref<1x100xi32, #tpu.memory_space<vmem>>
    %dma_start3A_51 = tpu.memref_squeeze %dma_start3A_50 : memref<1x100xi32, #tpu.memory_space<vmem>> -> memref<100xi32, #tpu.memory_space<vmem>>
    %dma_start3A_52 = arith.constant 0 : i32
    %dma_start3A_53 = arith.constant 0 : i32
    %dma_start3A_54 = tpu.memref_slice %arg3[%dma_start3A_52, %dma_start3A_53] : memref<1000000x32xf32, #tpu.memory_space<hbm>> -> memref<1000000x32xf32, #tpu.memory_space<hbm>>
    tpu.enqueue_indirect_dma source(%dma_start3A_54 : memref<1000000x32xf32, #tpu.memory_space<hbm>>) target(%dma_start3A_48 : memref<100x32xf32, #tpu.memory_space<vmem>>) offsets(%dma_start3A_51 : memref<100xi32, #tpu.memory_space<vmem>>) semaphore(%arg13 : memref<!tpu.dma_semaphore, #tpu.memory_space<semaphore_mem>>)
    %scan3A = arith.constant 0 : i32
    %scan3A_55 = arith.constant 64 : i32
    %scan3A_56 = arith.addi %scan3A, %scan3A_55 : i32
    %scan3A_57 = arith.constant 1 : i32
    scf.for %scan3A_61 = %scan3A to %scan3A_56 step %scan3A_57  : i32 {
      %mul3A_62 = arith.constant 4 : i32
      %mul3A_63 = arith.muli %scan3A_61, %mul3A_62 : i32
      %add3A_64 = arith.constant 0 : i32
      %add3A_65 = arith.addi %add3A_64, %mul3A_63 : i32
      %add3A_66 = arith.constant 0 : i32
      %add3A_67 = arith.addi %add3A_65, %add3A_66 : i32
      %dma_wait3A = arith.constant 0 : i32
      %dma_wait3A_68 = arith.constant 0 : i32
      %dma_wait3A_69 = arith.constant 0 : i32
      %dma_wait3A_70 = tpu.memref_slice %arg7[%dma_wait3A, %dma_wait3A_68, %dma_wait3A_69] : memref<4x100x32xf32, #tpu.memory_space<vmem>> -> memref<1x100x32xf32, #tpu.memory_space<vmem>>
      %dma_wait3A_71 = tpu.memref_squeeze %dma_wait3A_70 : memref<1x100x32xf32, #tpu.memory_space<vmem>> -> memref<100x32xf32, #tpu.memory_space<vmem>>
      %dma_wait3A_72 = arith.constant 0 : i32
      %dma_wait3A_73 = tpu.memref_slice %arg6[%add3A_67, %dma_wait3A_72] : memref<256x100xi32, #tpu.memory_space<vmem>> -> memref<1x100xi32, #tpu.memory_space<vmem>>
      %dma_wait3A_74 = tpu.memref_squeeze %dma_wait3A_73 : memref<1x100xi32, #tpu.memory_space<vmem>> -> memref<100xi32, #tpu.memory_space<vmem>>
      %dma_wait3A_75 = arith.constant 0 : i32
      %dma_wait3A_76 = arith.constant 0 : i32
      %dma_wait3A_77 = tpu.memref_slice %arg3[%dma_wait3A_75, %dma_wait3A_76] : memref<1000000x32xf32, #tpu.memory_space<hbm>> -> memref<1000000x32xf32, #tpu.memory_space<hbm>>
      tpu.wait_indirect_dma semaphore(%arg10 : memref<!tpu.dma_semaphore, #tpu.memory_space<semaphore_mem>>) src(%dma_wait3A_77 : memref<1000000x32xf32, #tpu.memory_space<hbm>>) dst(%dma_wait3A_71 : memref<100x32xf32, #tpu.memory_space<vmem>>)
      %scan3A_78 = arith.constant 0 : i32
      %scan3A_79 = arith.constant 100 : i32
      %scan3A_80 = arith.addi %scan3A_78, %scan3A_79 : i32
      %scan3A_81 = arith.constant 10 : i32
      %scan3A_82:2 = scf.for %scan3A_221 = %scan3A_78 to %scan3A_80 step %scan3A_81 iter_args(%scan3A_222 = %get3A_4, %scan3A_223 = %get3A_7) -> (vector<16xf32>, vector<16xf32>)  : i32 {
        %get3A_224 = arith.constant 0 : i32
        %get3A_225 = arith.index_cast %get3A_224 : i32 to index
        %get3A_226 = arith.index_cast %scan3A_221 : i32 to index
        %get3A_227 = arith.constant 0 : index
        %get3A_228 = tpu.vector_load %arg7[%get3A_225, %get3A_226, %get3A_227] {strides = array<i32>} : memref<4x100x32xf32, #tpu.memory_space<vmem>>, vector<1x1x16xf32>,
        %get3A_229 = vector.shape_cast %get3A_228 : vector<1x1x16xf32> to vector<16xf32>
        %add3A_230 = arith.addf %scan3A_222, %get3A_229 : vector<16xf32>
        %get3A_231 = arith.constant 0 : i32
        %get3A_232 = arith.index_cast %get3A_231 : i32 to index
        %get3A_233 = arith.index_cast %scan3A_221 : i32 to index
        %get3A_234 = arith.constant 16 : index
        %get3A_235 = tpu.vector_load %arg7[%get3A_232, %get3A_233, %get3A_234] {strides = array<i32>} : memref<4x100x32xf32, #tpu.memory_space<vmem>>, vector<1x1x16xf32>,
        %get3A_236 = vector.shape_cast %get3A_235 : vector<1x1x16xf32> to vector<16xf32>
        %add3A_237 = arith.addf %scan3A_223, %get3A_236 : vector<16xf32>
        %scan3A_238 = arith.constant 1 : i32
        %scan3A_239 = arith.addi %scan3A_221, %scan3A_238 : i32
        %get3A_240 = arith.constant 0 : i32
        %get3A_241 = arith.index_cast %get3A_240 : i32 to index
        %get3A_242 = arith.index_cast %scan3A_239 : i32 to index
        %get3A_243 = arith.constant 0 : index
        %get3A_244 = tpu.vector_load %arg7[%get3A_241, %get3A_242, %get3A_243] {strides = array<i32>} : memref<4x100x32xf32, #tpu.memory_space<vmem>>, vector<1x1x16xf32>,
        %get3A_245 = vector.shape_cast %get3A_244 : vector<1x1x16xf32> to vector<16xf32>
        %add3A_246 = arith.addf %add3A_230, %get3A_245 : vector<16xf32>
        %get3A_247 = arith.constant 0 : i32
        %get3A_248 = arith.index_cast %get3A_247 : i32 to index
        %get3A_249 = arith.index_cast %scan3A_239 : i32 to index
        %get3A_250 = arith.constant 16 : index
        %get3A_251 = tpu.vector_load %arg7[%get3A_248, %get3A_249, %get3A_250] {strides = array<i32>} : memref<4x100x32xf32, #tpu.memory_space<vmem>>, vector<1x1x16xf32>,
        %get3A_252 = vector.shape_cast %get3A_251 : vector<1x1x16xf32> to vector<16xf32>
        %add3A_253 = arith.addf %add3A_237, %get3A_252 : vector<16xf32>
        %scan3A_254 = arith.constant 2 : i32
        %scan3A_255 = arith.addi %scan3A_221, %scan3A_254 : i32
        %get3A_256 = arith.constant 0 : i32
        %get3A_257 = arith.index_cast %get3A_256 : i32 to index
        %get3A_258 = arith.index_cast %scan3A_255 : i32 to index
        %get3A_259 = arith.constant 0 : index
        %get3A_260 = tpu.vector_load %arg7[%get3A_257, %get3A_258, %get3A_259] {strides = array<i32>} : memref<4x100x32xf32, #tpu.memory_space<vmem>>, vector<1x1x16xf32>,
        %get3A_261 = vector.shape_cast %get3A_260 : vector<1x1x16xf32> to vector<16xf32>
        %add3A_262 = arith.addf %add3A_246, %get3A_261 : vector<16xf32>
        %get3A_263 = arith.constant 0 : i32
        %get3A_264 = arith.index_cast %get3A_263 : i32 to index
        %get3A_265 = arith.index_cast %scan3A_255 : i32 to index
        %get3A_266 = arith.constant 16 : index
        %get3A_267 = tpu.vector_load %arg7[%get3A_264, %get3A_265, %get3A_266] {strides = array<i32>} : memref<4x100x32xf32, #tpu.memory_space<vmem>>, vector<1x1x16xf32>,
        %get3A_268 = vector.shape_cast %get3A_267 : vector<1x1x16xf32> to vector<16xf32>
        %add3A_269 = arith.addf %add3A_253, %get3A_268 : vector<16xf32>
        %scan3A_270 = arith.constant 3 : i32
        %scan3A_271 = arith.addi %scan3A_221, %scan3A_270 : i32
        %get3A_272 = arith.constant 0 : i32
        %get3A_273 = arith.index_cast %get3A_272 : i32 to index
        %get3A_274 = arith.index_cast %scan3A_271 : i32 to index
        %get3A_275 = arith.constant 0 : index
        %get3A_276 = tpu.vector_load %arg7[%get3A_273, %get3A_274, %get3A_275] {strides = array<i32>} : memref<4x100x32xf32, #tpu.memory_space<vmem>>, vector<1x1x16xf32>,
        %get3A_277 = vector.shape_cast %get3A_276 : vector<1x1x16xf32> to vector<16xf32>
        %add3A_278 = arith.addf %add3A_262, %get3A_277 : vector<16xf32>
        %get3A_279 = arith.constant 0 : i32
        %get3A_280 = arith.index_cast %get3A_279 : i32 to index
        %get3A_281 = arith.index_cast %scan3A_271 : i32 to index
        %get3A_282 = arith.constant 16 : index
        %get3A_283 = tpu.vector_load %arg7[%get3A_280, %get3A_281, %get3A_282] {strides = array<i32>} : memref<4x100x32xf32, #tpu.memory_space<vmem>>, vector<1x1x16xf32>,
        %get3A_284 = vector.shape_cast %get3A_283 : vector<1x1x16xf32> to vector<16xf32>
        %add3A_285 = arith.addf %add3A_269, %get3A_284 : vector<16xf32>
        %scan3A_286 = arith.constant 4 : i32
        %scan3A_287 = arith.addi %scan3A_221, %scan3A_286 : i32
        %get3A_288 = arith.constant 0 : i32
        %get3A_289 = arith.index_cast %get3A_288 : i32 to index
        %get3A_290 = arith.index_cast %scan3A_287 : i32 to index
        %get3A_291 = arith.constant 0 : index
        %get3A_292 = tpu.vector_load %arg7[%get3A_289, %get3A_290, %get3A_291] {strides = array<i32>} : memref<4x100x32xf32, #tpu.memory_space<vmem>>, vector<1x1x16xf32>,
        %get3A_293 = vector.shape_cast %get3A_292 : vector<1x1x16xf32> to vector<16xf32>
        %add3A_294 = arith.addf %add3A_278, %get3A_293 : vector<16xf32>
        %get3A_295 = arith.constant 0 : i32
        %get3A_296 = arith.index_cast %get3A_295 : i32 to index
        %get3A_297 = arith.index_cast %scan3A_287 : i32 to index
        %get3A_298 = arith.constant 16 : index
        %get3A_299 = tpu.vector_load %arg7[%get3A_296, %get3A_297, %get3A_298] {strides = array<i32>} : memref<4x100x32xf32, #tpu.memory_space<vmem>>, vector<1x1x16xf32>,
        %get3A_300 = vector.shape_cast %get3A_299 : vector<1x1x16xf32> to vector<16xf32>
        %add3A_301 = arith.addf %add3A_285, %get3A_300 : vector<16xf32>
        %scan3A_302 = arith.constant 5 : i32
        %scan3A_303 = arith.addi %scan3A_221, %scan3A_302 : i32
        %get3A_304 = arith.constant 0 : i32
        %get3A_305 = arith.index_cast %get3A_304 : i32 to index
        %get3A_306 = arith.index_cast %scan3A_303 : i32 to index
        %get3A_307 = arith.constant 0 : index
        %get3A_308 = tpu.vector_load %arg7[%get3A_305, %get3A_306, %get3A_307] {strides = array<i32>} : memref<4x100x32xf32, #tpu.memory_space<vmem>>, vector<1x1x16xf32>,
        %get3A_309 = vector.shape_cast %get3A_308 : vector<1x1x16xf32> to vector<16xf32>
        %add3A_310 = arith.addf %add3A_294, %get3A_309 : vector<16xf32>
        %get3A_311 = arith.constant 0 : i32
        %get3A_312 = arith.index_cast %get3A_311 : i32 to index
        %get3A_313 = arith.index_cast %scan3A_303 : i32 to index
        %get3A_314 = arith.constant 16 : index
        %get3A_315 = tpu.vector_load %arg7[%get3A_312, %get3A_313, %get3A_314] {strides = array<i32>} : memref<4x100x32xf32, #tpu.memory_space<vmem>>, vector<1x1x16xf32>,
        %get3A_316 = vector.shape_cast %get3A_315 : vector<1x1x16xf32> to vector<16xf32>
        %add3A_317 = arith.addf %add3A_301, %get3A_316 : vector<16xf32>
        %scan3A_318 = arith.constant 6 : i32
        %scan3A_319 = arith.addi %scan3A_221, %scan3A_318 : i32
        %get3A_320 = arith.constant 0 : i32
        %get3A_321 = arith.index_cast %get3A_320 : i32 to index
        %get3A_322 = arith.index_cast %scan3A_319 : i32 to index
        %get3A_323 = arith.constant 0 : index
        %get3A_324 = tpu.vector_load %arg7[%get3A_321, %get3A_322, %get3A_323] {strides = array<i32>} : memref<4x100x32xf32, #tpu.memory_space<vmem>>, vector<1x1x16xf32>,
        %get3A_325 = vector.shape_cast %get3A_324 : vector<1x1x16xf32> to vector<16xf32>
        %add3A_326 = arith.addf %add3A_310, %get3A_325 : vector<16xf32>
        %get3A_327 = arith.constant 0 : i32
        %get3A_328 = arith.index_cast %get3A_327 : i32 to index
        %get3A_329 = arith.index_cast %scan3A_319 : i32 to index
        %get3A_330 = arith.constant 16 : index
        %get3A_331 = tpu.vector_load %arg7[%get3A_328, %get3A_329, %get3A_330] {strides = array<i32>} : memref<4x100x32xf32, #tpu.memory_space<vmem>>, vector<1x1x16xf32>,
        %get3A_332 = vector.shape_cast %get3A_331 : vector<1x1x16xf32> to vector<16xf32>
        %add3A_333 = arith.addf %add3A_317, %get3A_332 : vector<16xf32>
        %scan3A_334 = arith.constant 7 : i32
        %scan3A_335 = arith.addi %scan3A_221, %scan3A_334 : i32
        %get3A_336 = arith.constant 0 : i32
        %get3A_337 = arith.index_cast %get3A_336 : i32 to index
        %get3A_338 = arith.index_cast %scan3A_335 : i32 to index
        %get3A_339 = arith.constant 0 : index
        %get3A_340 = tpu.vector_load %arg7[%get3A_337, %get3A_338, %get3A_339] {strides = array<i32>} : memref<4x100x32xf32, #tpu.memory_space<vmem>>, vector<1x1x16xf32>,
        %get3A_341 = vector.shape_cast %get3A_340 : vector<1x1x16xf32> to vector<16xf32>
        %add3A_342 = arith.addf %add3A_326, %get3A_341 : vector<16xf32>
        %get3A_343 = arith.constant 0 : i32
        %get3A_344 = arith.index_cast %get3A_343 : i32 to index
        %get3A_345 = arith.index_cast %scan3A_335 : i32 to index
        %get3A_346 = arith.constant 16 : index
        %get3A_347 = tpu.vector_load %arg7[%get3A_344, %get3A_345, %get3A_346] {strides = array<i32>} : memref<4x100x32xf32, #tpu.memory_space<vmem>>, vector<1x1x16xf32>,
        %get3A_348 = vector.shape_cast %get3A_347 : vector<1x1x16xf32> to vector<16xf32>
        %add3A_349 = arith.addf %add3A_333, %get3A_348 : vector<16xf32>
        %scan3A_350 = arith.constant 8 : i32
        %scan3A_351 = arith.addi %scan3A_221, %scan3A_350 : i32
        %get3A_352 = arith.constant 0 : i32
        %get3A_353 = arith.index_cast %get3A_352 : i32 to index
        %get3A_354 = arith.index_cast %scan3A_351 : i32 to index
        %get3A_355 = arith.constant 0 : index
        %get3A_356 = tpu.vector_load %arg7[%get3A_353, %get3A_354, %get3A_355] {strides = array<i32>} : memref<4x100x32xf32, #tpu.memory_space<vmem>>, vector<1x1x16xf32>,
        %get3A_357 = vector.shape_cast %get3A_356 : vector<1x1x16xf32> to vector<16xf32>
        %add3A_358 = arith.addf %add3A_342, %get3A_357 : vector<16xf32>
        %get3A_359 = arith.constant 0 : i32
        %get3A_360 = arith.index_cast %get3A_359 : i32 to index
        %get3A_361 = arith.index_cast %scan3A_351 : i32 to index
        %get3A_362 = arith.constant 16 : index
        %get3A_363 = tpu.vector_load %arg7[%get3A_360, %get3A_361, %get3A_362] {strides = array<i32>} : memref<4x100x32xf32, #tpu.memory_space<vmem>>, vector<1x1x16xf32>,
        %get3A_364 = vector.shape_cast %get3A_363 : vector<1x1x16xf32> to vector<16xf32>
        %add3A_365 = arith.addf %add3A_349, %get3A_364 : vector<16xf32>
        %scan3A_366 = arith.constant 9 : i32
        %scan3A_367 = arith.addi %scan3A_221, %scan3A_366 : i32
        %get3A_368 = arith.constant 0 : i32
        %get3A_369 = arith.index_cast %get3A_368 : i32 to index
        %get3A_370 = arith.index_cast %scan3A_367 : i32 to index
        %get3A_371 = arith.constant 0 : index
        %get3A_372 = tpu.vector_load %arg7[%get3A_369, %get3A_370, %get3A_371] {strides = array<i32>} : memref<4x100x32xf32, #tpu.memory_space<vmem>>, vector<1x1x16xf32>,
        %get3A_373 = vector.shape_cast %get3A_372 : vector<1x1x16xf32> to vector<16xf32>
        %add3A_374 = arith.addf %add3A_358, %get3A_373 : vector<16xf32>
        %get3A_375 = arith.constant 0 : i32
        %get3A_376 = arith.index_cast %get3A_375 : i32 to index
        %get3A_377 = arith.index_cast %scan3A_367 : i32 to index
        %get3A_378 = arith.constant 16 : index
        %get3A_379 = tpu.vector_load %arg7[%get3A_376, %get3A_377, %get3A_378] {strides = array<i32>} : memref<4x100x32xf32, #tpu.memory_space<vmem>>, vector<1x1x16xf32>,
        %get3A_380 = vector.shape_cast %get3A_379 : vector<1x1x16xf32> to vector<16xf32>
        %add3A_381 = arith.addf %add3A_365, %get3A_380 : vector<16xf32>
        scf.yield %add3A_374, %add3A_381 : vector<16xf32>, vector<16xf32>
      }
      %scan3A_83 = arith.constant 100 : i32
      %lt3A = arith.constant 252 : i32
      %lt3A_84 = arith.cmpi slt, %add3A_65, %lt3A : i32
      %convert_element_type3A = arith.extui %lt3A_84 : i1 to i32
      %cond3A = arith.constant 0 : i32
      %cond3A_85 = arith.cmpi ne, %convert_element_type3A, %cond3A : i32
      scf.if %cond3A_85 {
        %add3A_221 = arith.constant 0 : i32
        %add3A_222 = arith.addi %add3A_65, %add3A_221 : i32
        %add3A_223 = arith.constant 4 : i32
        %add3A_224 = arith.addi %add3A_222, %add3A_223 : i32
        %dma_start3A_225 = arith.constant 0 : i32
        %dma_start3A_226 = arith.constant 0 : i32
        %dma_start3A_227 = arith.constant 0 : i32
        %dma_start3A_228 = tpu.memref_slice %arg7[%dma_start3A_225, %dma_start3A_226, %dma_start3A_227] : memref<4x100x32xf32, #tpu.memory_space<vmem>> -> memref<1x100x32xf32, #tpu.memory_space<vmem>>
        %dma_start3A_229 = tpu.memref_squeeze %dma_start3A_228 : memref<1x100x32xf32, #tpu.memory_space<vmem>> -> memref<100x32xf32, #tpu.memory_space<vmem>>
        %dma_start3A_230 = arith.constant 0 : i32
        %dma_start3A_231 = tpu.memref_slice %arg6[%add3A_224, %dma_start3A_230] : memref<256x100xi32, #tpu.memory_space<vmem>> -> memref<1x100xi32, #tpu.memory_space<vmem>>
        %dma_start3A_232 = tpu.memref_squeeze %dma_start3A_231 : memref<1x100xi32, #tpu.memory_space<vmem>> -> memref<100xi32, #tpu.memory_space<vmem>>
        %dma_start3A_233 = arith.constant 0 : i32
        %dma_start3A_234 = arith.constant 0 : i32
        %dma_start3A_235 = tpu.memref_slice %arg3[%dma_start3A_233, %dma_start3A_234] : memref<1000000x32xf32, #tpu.memory_space<hbm>> -> memref<1000000x32xf32, #tpu.memory_space<hbm>>
        tpu.enqueue_indirect_dma source(%dma_start3A_235 : memref<1000000x32xf32, #tpu.memory_space<hbm>>) target(%dma_start3A_229 : memref<100x32xf32, #tpu.memory_space<vmem>>) offsets(%dma_start3A_232 : memref<100xi32, #tpu.memory_space<vmem>>) semaphore(%arg10 : memref<!tpu.dma_semaphore, #tpu.memory_space<semaphore_mem>>)
      } else {
      }
      %add3A_86 = arith.constant 1 : i32
      %add3A_87 = arith.addi %add3A_65, %add3A_86 : i32
      %dma_wait3A_88 = arith.constant 1 : i32
      %dma_wait3A_89 = arith.constant 0 : i32
      %dma_wait3A_90 = arith.constant 0 : i32
      %dma_wait3A_91 = tpu.memref_slice %arg7[%dma_wait3A_88, %dma_wait3A_89, %dma_wait3A_90] : memref<4x100x32xf32, #tpu.memory_space<vmem>> -> memref<1x100x32xf32, #tpu.memory_space<vmem>>
      %dma_wait3A_92 = tpu.memref_squeeze %dma_wait3A_91 : memref<1x100x32xf32, #tpu.memory_space<vmem>> -> memref<100x32xf32, #tpu.memory_space<vmem>>
      %dma_wait3A_93 = arith.constant 0 : i32
      %dma_wait3A_94 = tpu.memref_slice %arg6[%add3A_87, %dma_wait3A_93] : memref<256x100xi32, #tpu.memory_space<vmem>> -> memref<1x100xi32, #tpu.memory_space<vmem>>
      %dma_wait3A_95 = tpu.memref_squeeze %dma_wait3A_94 : memref<1x100xi32, #tpu.memory_space<vmem>> -> memref<100xi32, #tpu.memory_space<vmem>>
      %dma_wait3A_96 = arith.constant 0 : i32
      %dma_wait3A_97 = arith.constant 0 : i32
      %dma_wait3A_98 = tpu.memref_slice %arg3[%dma_wait3A_96, %dma_wait3A_97] : memref<1000000x32xf32, #tpu.memory_space<hbm>> -> memref<1000000x32xf32, #tpu.memory_space<hbm>>
      tpu.wait_indirect_dma semaphore(%arg11 : memref<!tpu.dma_semaphore, #tpu.memory_space<semaphore_mem>>) src(%dma_wait3A_98 : memref<1000000x32xf32, #tpu.memory_space<hbm>>) dst(%dma_wait3A_92 : memref<100x32xf32, #tpu.memory_space<vmem>>)
      %scan3A_99 = arith.constant 0 : i32
      %scan3A_100 = arith.constant 100 : i32
      %scan3A_101 = arith.addi %scan3A_99, %scan3A_100 : i32
      %scan3A_102 = arith.constant 10 : i32
      %scan3A_103:2 = scf.for %scan3A_221 = %scan3A_99 to %scan3A_101 step %scan3A_102 iter_args(%scan3A_222 = %scan3A_82#0, %scan3A_223 = %scan3A_82#1) -> (vector<16xf32>, vector<16xf32>)  : i32 {
        %get3A_224 = arith.constant 1 : i32
        %get3A_225 = arith.index_cast %get3A_224 : i32 to index
        %get3A_226 = arith.index_cast %scan3A_221 : i32 to index
        %get3A_227 = arith.constant 0 : index
        %get3A_228 = tpu.vector_load %arg7[%get3A_225, %get3A_226, %get3A_227] {strides = array<i32>} : memref<4x100x32xf32, #tpu.memory_space<vmem>>, vector<1x1x16xf32>,
        %get3A_229 = vector.shape_cast %get3A_228 : vector<1x1x16xf32> to vector<16xf32>
        %add3A_230 = arith.addf %scan3A_222, %get3A_229 : vector<16xf32>
        %get3A_231 = arith.constant 1 : i32
        %get3A_232 = arith.index_cast %get3A_231 : i32 to index
        %get3A_233 = arith.index_cast %scan3A_221 : i32 to index
        %get3A_234 = arith.constant 16 : index
        %get3A_235 = tpu.vector_load %arg7[%get3A_232, %get3A_233, %get3A_234] {strides = array<i32>} : memref<4x100x32xf32, #tpu.memory_space<vmem>>, vector<1x1x16xf32>,
        %get3A_236 = vector.shape_cast %get3A_235 : vector<1x1x16xf32> to vector<16xf32>
        %add3A_237 = arith.addf %scan3A_223, %get3A_236 : vector<16xf32>
        %scan3A_238 = arith.constant 1 : i32
        %scan3A_239 = arith.addi %scan3A_221, %scan3A_238 : i32
        %get3A_240 = arith.constant 1 : i32
        %get3A_241 = arith.index_cast %get3A_240 : i32 to index
        %get3A_242 = arith.index_cast %scan3A_239 : i32 to index
        %get3A_243 = arith.constant 0 : index
        %get3A_244 = tpu.vector_load %arg7[%get3A_241, %get3A_242, %get3A_243] {strides = array<i32>} : memref<4x100x32xf32, #tpu.memory_space<vmem>>, vector<1x1x16xf32>,
        %get3A_245 = vector.shape_cast %get3A_244 : vector<1x1x16xf32> to vector<16xf32>
        %add3A_246 = arith.addf %add3A_230, %get3A_245 : vector<16xf32>
        %get3A_247 = arith.constant 1 : i32
        %get3A_248 = arith.index_cast %get3A_247 : i32 to index
        %get3A_249 = arith.index_cast %scan3A_239 : i32 to index
        %get3A_250 = arith.constant 16 : index
        %get3A_251 = tpu.vector_load %arg7[%get3A_248, %get3A_249, %get3A_250] {strides = array<i32>} : memref<4x100x32xf32, #tpu.memory_space<vmem>>, vector<1x1x16xf32>,
        %get3A_252 = vector.shape_cast %get3A_251 : vector<1x1x16xf32> to vector<16xf32>
        %add3A_253 = arith.addf %add3A_237, %get3A_252 : vector<16xf32>
        %scan3A_254 = arith.constant 2 : i32
        %scan3A_255 = arith.addi %scan3A_221, %scan3A_254 : i32
        %get3A_256 = arith.constant 1 : i32
        %get3A_257 = arith.index_cast %get3A_256 : i32 to index
        %get3A_258 = arith.index_cast %scan3A_255 : i32 to index
        %get3A_259 = arith.constant 0 : index
        %get3A_260 = tpu.vector_load %arg7[%get3A_257, %get3A_258, %get3A_259] {strides = array<i32>} : memref<4x100x32xf32, #tpu.memory_space<vmem>>, vector<1x1x16xf32>,
        %get3A_261 = vector.shape_cast %get3A_260 : vector<1x1x16xf32> to vector<16xf32>
        %add3A_262 = arith.addf %add3A_246, %get3A_261 : vector<16xf32>
        %get3A_263 = arith.constant 1 : i32
        %get3A_264 = arith.index_cast %get3A_263 : i32 to index
        %get3A_265 = arith.index_cast %scan3A_255 : i32 to index
        %get3A_266 = arith.constant 16 : index
        %get3A_267 = tpu.vector_load %arg7[%get3A_264, %get3A_265, %get3A_266] {strides = array<i32>} : memref<4x100x32xf32, #tpu.memory_space<vmem>>, vector<1x1x16xf32>,
        %get3A_268 = vector.shape_cast %get3A_267 : vector<1x1x16xf32> to vector<16xf32>
        %add3A_269 = arith.addf %add3A_253, %get3A_268 : vector<16xf32>
        %scan3A_270 = arith.constant 3 : i32
        %scan3A_271 = arith.addi %scan3A_221, %scan3A_270 : i32
        %get3A_272 = arith.constant 1 : i32
        %get3A_273 = arith.index_cast %get3A_272 : i32 to index
        %get3A_274 = arith.index_cast %scan3A_271 : i32 to index
        %get3A_275 = arith.constant 0 : index
        %get3A_276 = tpu.vector_load %arg7[%get3A_273, %get3A_274, %get3A_275] {strides = array<i32>} : memref<4x100x32xf32, #tpu.memory_space<vmem>>, vector<1x1x16xf32>,
        %get3A_277 = vector.shape_cast %get3A_276 : vector<1x1x16xf32> to vector<16xf32>
        %add3A_278 = arith.addf %add3A_262, %get3A_277 : vector<16xf32>
        %get3A_279 = arith.constant 1 : i32
        %get3A_280 = arith.index_cast %get3A_279 : i32 to index
        %get3A_281 = arith.index_cast %scan3A_271 : i32 to index
        %get3A_282 = arith.constant 16 : index
        %get3A_283 = tpu.vector_load %arg7[%get3A_280, %get3A_281, %get3A_282] {strides = array<i32>} : memref<4x100x32xf32, #tpu.memory_space<vmem>>, vector<1x1x16xf32>,
        %get3A_284 = vector.shape_cast %get3A_283 : vector<1x1x16xf32> to vector<16xf32>
        %add3A_285 = arith.addf %add3A_269, %get3A_284 : vector<16xf32>
        %scan3A_286 = arith.constant 4 : i32
        %scan3A_287 = arith.addi %scan3A_221, %scan3A_286 : i32
        %get3A_288 = arith.constant 1 : i32
        %get3A_289 = arith.index_cast %get3A_288 : i32 to index
        %get3A_290 = arith.index_cast %scan3A_287 : i32 to index
        %get3A_291 = arith.constant 0 : index
        %get3A_292 = tpu.vector_load %arg7[%get3A_289, %get3A_290, %get3A_291] {strides = array<i32>} : memref<4x100x32xf32, #tpu.memory_space<vmem>>, vector<1x1x16xf32>,
        %get3A_293 = vector.shape_cast %get3A_292 : vector<1x1x16xf32> to vector<16xf32>
        %add3A_294 = arith.addf %add3A_278, %get3A_293 : vector<16xf32>
        %get3A_295 = arith.constant 1 : i32
        %get3A_296 = arith.index_cast %get3A_295 : i32 to index
        %get3A_297 = arith.index_cast %scan3A_287 : i32 to index
        %get3A_298 = arith.constant 16 : index
        %get3A_299 = tpu.vector_load %arg7[%get3A_296, %get3A_297, %get3A_298] {strides = array<i32>} : memref<4x100x32xf32, #tpu.memory_space<vmem>>, vector<1x1x16xf32>,
        %get3A_300 = vector.shape_cast %get3A_299 : vector<1x1x16xf32> to vector<16xf32>
        %add3A_301 = arith.addf %add3A_285, %get3A_300 : vector<16xf32>
        %scan3A_302 = arith.constant 5 : i32
        %scan3A_303 = arith.addi %scan3A_221, %scan3A_302 : i32
        %get3A_304 = arith.constant 1 : i32
        %get3A_305 = arith.index_cast %get3A_304 : i32 to index
        %get3A_306 = arith.index_cast %scan3A_303 : i32 to index
        %get3A_307 = arith.constant 0 : index
        %get3A_308 = tpu.vector_load %arg7[%get3A_305, %get3A_306, %get3A_307] {strides = array<i32>} : memref<4x100x32xf32, #tpu.memory_space<vmem>>, vector<1x1x16xf32>,
        %get3A_309 = vector.shape_cast %get3A_308 : vector<1x1x16xf32> to vector<16xf32>
        %add3A_310 = arith.addf %add3A_294, %get3A_309 : vector<16xf32>
        %get3A_311 = arith.constant 1 : i32
        %get3A_312 = arith.index_cast %get3A_311 : i32 to index
        %get3A_313 = arith.index_cast %scan3A_303 : i32 to index
        %get3A_314 = arith.constant 16 : index
        %get3A_315 = tpu.vector_load %arg7[%get3A_312, %get3A_313, %get3A_314] {strides = array<i32>} : memref<4x100x32xf32, #tpu.memory_space<vmem>>, vector<1x1x16xf32>,
        %get3A_316 = vector.shape_cast %get3A_315 : vector<1x1x16xf32> to vector<16xf32>
        %add3A_317 = arith.addf %add3A_301, %get3A_316 : vector<16xf32>
        %scan3A_318 = arith.constant 6 : i32
        %scan3A_319 = arith.addi %scan3A_221, %scan3A_318 : i32
        %get3A_320 = arith.constant 1 : i32
        %get3A_321 = arith.index_cast %get3A_320 : i32 to index
        %get3A_322 = arith.index_cast %scan3A_319 : i32 to index
        %get3A_323 = arith.constant 0 : index
        %get3A_324 = tpu.vector_load %arg7[%get3A_321, %get3A_322, %get3A_323] {strides = array<i32>} : memref<4x100x32xf32, #tpu.memory_space<vmem>>, vector<1x1x16xf32>,
        %get3A_325 = vector.shape_cast %get3A_324 : vector<1x1x16xf32> to vector<16xf32>
        %add3A_326 = arith.addf %add3A_310, %get3A_325 : vector<16xf32>
        %get3A_327 = arith.constant 1 : i32
        %get3A_328 = arith.index_cast %get3A_327 : i32 to index
        %get3A_329 = arith.index_cast %scan3A_319 : i32 to index
        %get3A_330 = arith.constant 16 : index
        %get3A_331 = tpu.vector_load %arg7[%get3A_328, %get3A_329, %get3A_330] {strides = array<i32>} : memref<4x100x32xf32, #tpu.memory_space<vmem>>, vector<1x1x16xf32>,
        %get3A_332 = vector.shape_cast %get3A_331 : vector<1x1x16xf32> to vector<16xf32>
        %add3A_333 = arith.addf %add3A_317, %get3A_332 : vector<16xf32>
        %scan3A_334 = arith.constant 7 : i32
        %scan3A_335 = arith.addi %scan3A_221, %scan3A_334 : i32
        %get3A_336 = arith.constant 1 : i32
        %get3A_337 = arith.index_cast %get3A_336 : i32 to index
        %get3A_338 = arith.index_cast %scan3A_335 : i32 to index
        %get3A_339 = arith.constant 0 : index
        %get3A_340 = tpu.vector_load %arg7[%get3A_337, %get3A_338, %get3A_339] {strides = array<i32>} : memref<4x100x32xf32, #tpu.memory_space<vmem>>, vector<1x1x16xf32>,
        %get3A_341 = vector.shape_cast %get3A_340 : vector<1x1x16xf32> to vector<16xf32>
        %add3A_342 = arith.addf %add3A_326, %get3A_341 : vector<16xf32>
        %get3A_343 = arith.constant 1 : i32
        %get3A_344 = arith.index_cast %get3A_343 : i32 to index
        %get3A_345 = arith.index_cast %scan3A_335 : i32 to index
        %get3A_346 = arith.constant 16 : index
        %get3A_347 = tpu.vector_load %arg7[%get3A_344, %get3A_345, %get3A_346] {strides = array<i32>} : memref<4x100x32xf32, #tpu.memory_space<vmem>>, vector<1x1x16xf32>,
        %get3A_348 = vector.shape_cast %get3A_347 : vector<1x1x16xf32> to vector<16xf32>
        %add3A_349 = arith.addf %add3A_333, %get3A_348 : vector<16xf32>
        %scan3A_350 = arith.constant 8 : i32
        %scan3A_351 = arith.addi %scan3A_221, %scan3A_350 : i32
        %get3A_352 = arith.constant 1 : i32
        %get3A_353 = arith.index_cast %get3A_352 : i32 to index
        %get3A_354 = arith.index_cast %scan3A_351 : i32 to index
        %get3A_355 = arith.constant 0 : index
        %get3A_356 = tpu.vector_load %arg7[%get3A_353, %get3A_354, %get3A_355] {strides = array<i32>} : memref<4x100x32xf32, #tpu.memory_space<vmem>>, vector<1x1x16xf32>,
        %get3A_357 = vector.shape_cast %get3A_356 : vector<1x1x16xf32> to vector<16xf32>
        %add3A_358 = arith.addf %add3A_342, %get3A_357 : vector<16xf32>
        %get3A_359 = arith.constant 1 : i32
        %get3A_360 = arith.index_cast %get3A_359 : i32 to index
        %get3A_361 = arith.index_cast %scan3A_351 : i32 to index
        %get3A_362 = arith.constant 16 : index
        %get3A_363 = tpu.vector_load %arg7[%get3A_360, %get3A_361, %get3A_362] {strides = array<i32>} : memref<4x100x32xf32, #tpu.memory_space<vmem>>, vector<1x1x16xf32>,
        %get3A_364 = vector.shape_cast %get3A_363 : vector<1x1x16xf32> to vector<16xf32>
        %add3A_365 = arith.addf %add3A_349, %get3A_364 : vector<16xf32>
        %scan3A_366 = arith.constant 9 : i32
        %scan3A_367 = arith.addi %scan3A_221, %scan3A_366 : i32
        %get3A_368 = arith.constant 1 : i32
        %get3A_369 = arith.index_cast %get3A_368 : i32 to index
        %get3A_370 = arith.index_cast %scan3A_367 : i32 to index
        %get3A_371 = arith.constant 0 : index
        %get3A_372 = tpu.vector_load %arg7[%get3A_369, %get3A_370, %get3A_371] {strides = array<i32>} : memref<4x100x32xf32, #tpu.memory_space<vmem>>, vector<1x1x16xf32>,
        %get3A_373 = vector.shape_cast %get3A_372 : vector<1x1x16xf32> to vector<16xf32>
        %add3A_374 = arith.addf %add3A_358, %get3A_373 : vector<16xf32>
        %get3A_375 = arith.constant 1 : i32
        %get3A_376 = arith.index_cast %get3A_375 : i32 to index
        %get3A_377 = arith.index_cast %scan3A_367 : i32 to index
        %get3A_378 = arith.constant 16 : index
        %get3A_379 = tpu.vector_load %arg7[%get3A_376, %get3A_377, %get3A_378] {strides = array<i32>} : memref<4x100x32xf32, #tpu.memory_space<vmem>>, vector<1x1x16xf32>,
        %get3A_380 = vector.shape_cast %get3A_379 : vector<1x1x16xf32> to vector<16xf32>
        %add3A_381 = arith.addf %add3A_365, %get3A_380 : vector<16xf32>
        scf.yield %add3A_374, %add3A_381 : vector<16xf32>, vector<16xf32>
      }
      %scan3A_104 = arith.constant 100 : i32
      %lt3A_105 = arith.constant 252 : i32
      %lt3A_106 = arith.cmpi slt, %add3A_65, %lt3A_105 : i32
      %convert_element_type3A_107 = arith.extui %lt3A_106 : i1 to i32
      %cond3A_108 = arith.constant 0 : i32
      %cond3A_109 = arith.cmpi ne, %convert_element_type3A_107, %cond3A_108 : i32
      scf.if %cond3A_109 {
        %add3A_221 = arith.constant 1 : i32
        %add3A_222 = arith.addi %add3A_65, %add3A_221 : i32
        %add3A_223 = arith.constant 4 : i32
        %add3A_224 = arith.addi %add3A_222, %add3A_223 : i32
        %dma_start3A_225 = arith.constant 1 : i32
        %dma_start3A_226 = arith.constant 0 : i32
        %dma_start3A_227 = arith.constant 0 : i32
        %dma_start3A_228 = tpu.memref_slice %arg7[%dma_start3A_225, %dma_start3A_226, %dma_start3A_227] : memref<4x100x32xf32, #tpu.memory_space<vmem>> -> memref<1x100x32xf32, #tpu.memory_space<vmem>>
        %dma_start3A_229 = tpu.memref_squeeze %dma_start3A_228 : memref<1x100x32xf32, #tpu.memory_space<vmem>> -> memref<100x32xf32, #tpu.memory_space<vmem>>
        %dma_start3A_230 = arith.constant 0 : i32
        %dma_start3A_231 = tpu.memref_slice %arg6[%add3A_224, %dma_start3A_230] : memref<256x100xi32, #tpu.memory_space<vmem>> -> memref<1x100xi32, #tpu.memory_space<vmem>>
        %dma_start3A_232 = tpu.memref_squeeze %dma_start3A_231 : memref<1x100xi32, #tpu.memory_space<vmem>> -> memref<100xi32, #tpu.memory_space<vmem>>
        %dma_start3A_233 = arith.constant 0 : i32
        %dma_start3A_234 = arith.constant 0 : i32
        %dma_start3A_235 = tpu.memref_slice %arg3[%dma_start3A_233, %dma_start3A_234] : memref<1000000x32xf32, #tpu.memory_space<hbm>> -> memref<1000000x32xf32, #tpu.memory_space<hbm>>
        tpu.enqueue_indirect_dma source(%dma_start3A_235 : memref<1000000x32xf32, #tpu.memory_space<hbm>>) target(%dma_start3A_229 : memref<100x32xf32, #tpu.memory_space<vmem>>) offsets(%dma_start3A_232 : memref<100xi32, #tpu.memory_space<vmem>>) semaphore(%arg11 : memref<!tpu.dma_semaphore, #tpu.memory_space<semaphore_mem>>)
      } else {
      }
      %jit3A = arith.constant 2 : i32
      %div3A = arith.divsi %add3A_65, %jit3A : i32
      %sign3A = arith.constant 0 : i32
      %sign3A_110 = arith.cmpi sgt, %add3A_65, %sign3A : i32
      %sign3A_111 = arith.extui %sign3A_110 : i1 to i32
      %sign3A_112 = arith.constant 0 : i32
      %sign3A_113 = arith.cmpi slt, %add3A_65, %sign3A_112 : i32
      %sign3A_114 = arith.extui %sign3A_113 : i1 to i32
      %sign3A_115 = arith.subi %sign3A_111, %sign3A_114 : i32
      %sign3A_116 = arith.constant 0 : i32
      %sign3A_117 = arith.cmpi sgt, %jit3A, %sign3A_116 : i32
      %sign3A_118 = arith.extui %sign3A_117 : i1 to i32
      %sign3A_119 = arith.constant 0 : i32
      %sign3A_120 = arith.cmpi slt, %jit3A, %sign3A_119 : i32
      %sign3A_121 = arith.extui %sign3A_120 : i1 to i32
      %sign3A_122 = arith.subi %sign3A_118, %sign3A_121 : i32
      %ne3A = arith.cmpi ne, %sign3A_115, %sign3A_122 : i32
      %rem3A = arith.remsi %add3A_65, %jit3A : i32
      %ne3A_123 = arith.constant 0 : i32
      %ne3A_124 = arith.cmpi ne, %rem3A, %ne3A_123 : i32
      %and3A = arith.andi %ne3A, %ne3A_124 : i1
      %sub3A = arith.constant 1 : i32
      %sub3A_125 = arith.subi %div3A, %sub3A : i32
      %select_n3A = arith.select %and3A, %sub3A_125, %div3A : i32
      %add3A_126 = arith.constant 0 : i32
      %add3A_127 = arith.addi %select_n3A, %add3A_126 : i32
      %swap3A = arith.index_cast %add3A_127 : i32 to index
      %swap3A_128 = arith.constant 0 : index
      %swap3A_129 = tpu.vector_load %arg8[%swap3A, %swap3A_128] {strides = array<i32>} : memref<128x32xf32, #tpu.memory_space<vmem>>, vector<1x16xf32>,
      %swap3A_130 = vector.shape_cast %swap3A_129 : vector<1x16xf32> to vector<16xf32>
      %swap3A_131 = vector.shape_cast %scan3A_103#0 : vector<16xf32> to vector<1x16xf32>
      tpu.vector_store %arg8[%swap3A, %swap3A_128], %swap3A_131 {strides = array<i32>} : memref<128x32xf32, #tpu.memory_space<vmem>>, vector<1x16xf32>,
      %swap3A_132 = arith.index_cast %add3A_127 : i32 to index
      %swap3A_133 = arith.constant 16 : index
      %swap3A_134 = tpu.vector_load %arg8[%swap3A_132, %swap3A_133] {strides = array<i32>} : memref<128x32xf32, #tpu.memory_space<vmem>>, vector<1x16xf32>,
      %swap3A_135 = vector.shape_cast %swap3A_134 : vector<1x16xf32> to vector<16xf32>
      %swap3A_136 = vector.shape_cast %scan3A_103#1 : vector<16xf32> to vector<1x16xf32>
      tpu.vector_store %arg8[%swap3A_132, %swap3A_133], %swap3A_136 {strides = array<i32>} : memref<128x32xf32, #tpu.memory_space<vmem>>, vector<1x16xf32>,
      %add3A_137 = arith.constant 2 : i32
      %add3A_138 = arith.addi %add3A_65, %add3A_137 : i32
      %dma_wait3A_139 = arith.constant 2 : i32
      %dma_wait3A_140 = arith.constant 0 : i32
      %dma_wait3A_141 = arith.constant 0 : i32
      %dma_wait3A_142 = tpu.memref_slice %arg7[%dma_wait3A_139, %dma_wait3A_140, %dma_wait3A_141] : memref<4x100x32xf32, #tpu.memory_space<vmem>> -> memref<1x100x32xf32, #tpu.memory_space<vmem>>
      %dma_wait3A_143 = tpu.memref_squeeze %dma_wait3A_142 : memref<1x100x32xf32, #tpu.memory_space<vmem>> -> memref<100x32xf32, #tpu.memory_space<vmem>>
      %dma_wait3A_144 = arith.constant 0 : i32
      %dma_wait3A_145 = tpu.memref_slice %arg6[%add3A_138, %dma_wait3A_144] : memref<256x100xi32, #tpu.memory_space<vmem>> -> memref<1x100xi32, #tpu.memory_space<vmem>>
      %dma_wait3A_146 = tpu.memref_squeeze %dma_wait3A_145 : memref<1x100xi32, #tpu.memory_space<vmem>> -> memref<100xi32, #tpu.memory_space<vmem>>
      %dma_wait3A_147 = arith.constant 0 : i32
      %dma_wait3A_148 = arith.constant 0 : i32
      %dma_wait3A_149 = tpu.memref_slice %arg3[%dma_wait3A_147, %dma_wait3A_148] : memref<1000000x32xf32, #tpu.memory_space<hbm>> -> memref<1000000x32xf32, #tpu.memory_space<hbm>>
      tpu.wait_indirect_dma semaphore(%arg12 : memref<!tpu.dma_semaphore, #tpu.memory_space<semaphore_mem>>) src(%dma_wait3A_149 : memref<1000000x32xf32, #tpu.memory_space<hbm>>) dst(%dma_wait3A_143 : memref<100x32xf32, #tpu.memory_space<vmem>>)
      %scan3A_150 = arith.constant 0 : i32
      %scan3A_151 = arith.constant 100 : i32
      %scan3A_152 = arith.addi %scan3A_150, %scan3A_151 : i32
      %scan3A_153 = arith.constant 10 : i32
      %scan3A_154:2 = scf.for %scan3A_221 = %scan3A_150 to %scan3A_152 step %scan3A_153 iter_args(%scan3A_222 = %get3A_4, %scan3A_223 = %get3A_7) -> (vector<16xf32>, vector<16xf32>)  : i32 {
        %get3A_224 = arith.constant 2 : i32
        %get3A_225 = arith.index_cast %get3A_224 : i32 to index
        %get3A_226 = arith.index_cast %scan3A_221 : i32 to index
        %get3A_227 = arith.constant 0 : index
        %get3A_228 = tpu.vector_load %arg7[%get3A_225, %get3A_226, %get3A_227] {strides = array<i32>} : memref<4x100x32xf32, #tpu.memory_space<vmem>>, vector<1x1x16xf32>,
        %get3A_229 = vector.shape_cast %get3A_228 : vector<1x1x16xf32> to vector<16xf32>
        %add3A_230 = arith.addf %scan3A_222, %get3A_229 : vector<16xf32>
        %get3A_231 = arith.constant 2 : i32
        %get3A_232 = arith.index_cast %get3A_231 : i32 to index
        %get3A_233 = arith.index_cast %scan3A_221 : i32 to index
        %get3A_234 = arith.constant 16 : index
        %get3A_235 = tpu.vector_load %arg7[%get3A_232, %get3A_233, %get3A_234] {strides = array<i32>} : memref<4x100x32xf32, #tpu.memory_space<vmem>>, vector<1x1x16xf32>,
        %get3A_236 = vector.shape_cast %get3A_235 : vector<1x1x16xf32> to vector<16xf32>
        %add3A_237 = arith.addf %scan3A_223, %get3A_236 : vector<16xf32>
        %scan3A_238 = arith.constant 1 : i32
        %scan3A_239 = arith.addi %scan3A_221, %scan3A_238 : i32
        %get3A_240 = arith.constant 2 : i32
        %get3A_241 = arith.index_cast %get3A_240 : i32 to index
        %get3A_242 = arith.index_cast %scan3A_239 : i32 to index
        %get3A_243 = arith.constant 0 : index
        %get3A_244 = tpu.vector_load %arg7[%get3A_241, %get3A_242, %get3A_243] {strides = array<i32>} : memref<4x100x32xf32, #tpu.memory_space<vmem>>, vector<1x1x16xf32>,
        %get3A_245 = vector.shape_cast %get3A_244 : vector<1x1x16xf32> to vector<16xf32>
        %add3A_246 = arith.addf %add3A_230, %get3A_245 : vector<16xf32>
        %get3A_247 = arith.constant 2 : i32
        %get3A_248 = arith.index_cast %get3A_247 : i32 to index
        %get3A_249 = arith.index_cast %scan3A_239 : i32 to index
        %get3A_250 = arith.constant 16 : index
        %get3A_251 = tpu.vector_load %arg7[%get3A_248, %get3A_249, %get3A_250] {strides = array<i32>} : memref<4x100x32xf32, #tpu.memory_space<vmem>>, vector<1x1x16xf32>,
        %get3A_252 = vector.shape_cast %get3A_251 : vector<1x1x16xf32> to vector<16xf32>
        %add3A_253 = arith.addf %add3A_237, %get3A_252 : vector<16xf32>
        %scan3A_254 = arith.constant 2 : i32
        %scan3A_255 = arith.addi %scan3A_221, %scan3A_254 : i32
        %get3A_256 = arith.constant 2 : i32
        %get3A_257 = arith.index_cast %get3A_256 : i32 to index
        %get3A_258 = arith.index_cast %scan3A_255 : i32 to index
        %get3A_259 = arith.constant 0 : index
        %get3A_260 = tpu.vector_load %arg7[%get3A_257, %get3A_258, %get3A_259] {strides = array<i32>} : memref<4x100x32xf32, #tpu.memory_space<vmem>>, vector<1x1x16xf32>,
        %get3A_261 = vector.shape_cast %get3A_260 : vector<1x1x16xf32> to vector<16xf32>
        %add3A_262 = arith.addf %add3A_246, %get3A_261 : vector<16xf32>
        %get3A_263 = arith.constant 2 : i32
        %get3A_264 = arith.index_cast %get3A_263 : i32 to index
        %get3A_265 = arith.index_cast %scan3A_255 : i32 to index
        %get3A_266 = arith.constant 16 : index
        %get3A_267 = tpu.vector_load %arg7[%get3A_264, %get3A_265, %get3A_266] {strides = array<i32>} : memref<4x100x32xf32, #tpu.memory_space<vmem>>, vector<1x1x16xf32>,
        %get3A_268 = vector.shape_cast %get3A_267 : vector<1x1x16xf32> to vector<16xf32>
        %add3A_269 = arith.addf %add3A_253, %get3A_268 : vector<16xf32>
        %scan3A_270 = arith.constant 3 : i32
        %scan3A_271 = arith.addi %scan3A_221, %scan3A_270 : i32
        %get3A_272 = arith.constant 2 : i32
        %get3A_273 = arith.index_cast %get3A_272 : i32 to index
        %get3A_274 = arith.index_cast %scan3A_271 : i32 to index
        %get3A_275 = arith.constant 0 : index
        %get3A_276 = tpu.vector_load %arg7[%get3A_273, %get3A_274, %get3A_275] {strides = array<i32>} : memref<4x100x32xf32, #tpu.memory_space<vmem>>, vector<1x1x16xf32>,
        %get3A_277 = vector.shape_cast %get3A_276 : vector<1x1x16xf32> to vector<16xf32>
        %add3A_278 = arith.addf %add3A_262, %get3A_277 : vector<16xf32>
        %get3A_279 = arith.constant 2 : i32
        %get3A_280 = arith.index_cast %get3A_279 : i32 to index
        %get3A_281 = arith.index_cast %scan3A_271 : i32 to index
        %get3A_282 = arith.constant 16 : index
        %get3A_283 = tpu.vector_load %arg7[%get3A_280, %get3A_281, %get3A_282] {strides = array<i32>} : memref<4x100x32xf32, #tpu.memory_space<vmem>>, vector<1x1x16xf32>,
        %get3A_284 = vector.shape_cast %get3A_283 : vector<1x1x16xf32> to vector<16xf32>
        %add3A_285 = arith.addf %add3A_269, %get3A_284 : vector<16xf32>
        %scan3A_286 = arith.constant 4 : i32
        %scan3A_287 = arith.addi %scan3A_221, %scan3A_286 : i32
        %get3A_288 = arith.constant 2 : i32
        %get3A_289 = arith.index_cast %get3A_288 : i32 to index
        %get3A_290 = arith.index_cast %scan3A_287 : i32 to index
        %get3A_291 = arith.constant 0 : index
        %get3A_292 = tpu.vector_load %arg7[%get3A_289, %get3A_290, %get3A_291] {strides = array<i32>} : memref<4x100x32xf32, #tpu.memory_space<vmem>>, vector<1x1x16xf32>,
        %get3A_293 = vector.shape_cast %get3A_292 : vector<1x1x16xf32> to vector<16xf32>
        %add3A_294 = arith.addf %add3A_278, %get3A_293 : vector<16xf32>
        %get3A_295 = arith.constant 2 : i32
        %get3A_296 = arith.index_cast %get3A_295 : i32 to index
        %get3A_297 = arith.index_cast %scan3A_287 : i32 to index
        %get3A_298 = arith.constant 16 : index
        %get3A_299 = tpu.vector_load %arg7[%get3A_296, %get3A_297, %get3A_298] {strides = array<i32>} : memref<4x100x32xf32, #tpu.memory_space<vmem>>, vector<1x1x16xf32>,
        %get3A_300 = vector.shape_cast %get3A_299 : vector<1x1x16xf32> to vector<16xf32>
        %add3A_301 = arith.addf %add3A_285, %get3A_300 : vector<16xf32>
        %scan3A_302 = arith.constant 5 : i32
        %scan3A_303 = arith.addi %scan3A_221, %scan3A_302 : i32
        %get3A_304 = arith.constant 2 : i32
        %get3A_305 = arith.index_cast %get3A_304 : i32 to index
        %get3A_306 = arith.index_cast %scan3A_303 : i32 to index
        %get3A_307 = arith.constant 0 : index
        %get3A_308 = tpu.vector_load %arg7[%get3A_305, %get3A_306, %get3A_307] {strides = array<i32>} : memref<4x100x32xf32, #tpu.memory_space<vmem>>, vector<1x1x16xf32>,
        %get3A_309 = vector.shape_cast %get3A_308 : vector<1x1x16xf32> to vector<16xf32>
        %add3A_310 = arith.addf %add3A_294, %get3A_309 : vector<16xf32>
        %get3A_311 = arith.constant 2 : i32
        %get3A_312 = arith.index_cast %get3A_311 : i32 to index
        %get3A_313 = arith.index_cast %scan3A_303 : i32 to index
        %get3A_314 = arith.constant 16 : index
        %get3A_315 = tpu.vector_load %arg7[%get3A_312, %get3A_313, %get3A_314] {strides = array<i32>} : memref<4x100x32xf32, #tpu.memory_space<vmem>>, vector<1x1x16xf32>,
        %get3A_316 = vector.shape_cast %get3A_315 : vector<1x1x16xf32> to vector<16xf32>
        %add3A_317 = arith.addf %add3A_301, %get3A_316 : vector<16xf32>
        %scan3A_318 = arith.constant 6 : i32
        %scan3A_319 = arith.addi %scan3A_221, %scan3A_318 : i32
        %get3A_320 = arith.constant 2 : i32
        %get3A_321 = arith.index_cast %get3A_320 : i32 to index
        %get3A_322 = arith.index_cast %scan3A_319 : i32 to index
        %get3A_323 = arith.constant 0 : index
        %get3A_324 = tpu.vector_load %arg7[%get3A_321, %get3A_322, %get3A_323] {strides = array<i32>} : memref<4x100x32xf32, #tpu.memory_space<vmem>>, vector<1x1x16xf32>,
        %get3A_325 = vector.shape_cast %get3A_324 : vector<1x1x16xf32> to vector<16xf32>
        %add3A_326 = arith.addf %add3A_310, %get3A_325 : vector<16xf32>
        %get3A_327 = arith.constant 2 : i32
        %get3A_328 = arith.index_cast %get3A_327 : i32 to index
        %get3A_329 = arith.index_cast %scan3A_319 : i32 to index
        %get3A_330 = arith.constant 16 : index
        %get3A_331 = tpu.vector_load %arg7[%get3A_328, %get3A_329, %get3A_330] {strides = array<i32>} : memref<4x100x32xf32, #tpu.memory_space<vmem>>, vector<1x1x16xf32>,
        %get3A_332 = vector.shape_cast %get3A_331 : vector<1x1x16xf32> to vector<16xf32>
        %add3A_333 = arith.addf %add3A_317, %get3A_332 : vector<16xf32>
        %scan3A_334 = arith.constant 7 : i32
        %scan3A_335 = arith.addi %scan3A_221, %scan3A_334 : i32
        %get3A_336 = arith.constant 2 : i32
        %get3A_337 = arith.index_cast %get3A_336 : i32 to index
        %get3A_338 = arith.index_cast %scan3A_335 : i32 to index
        %get3A_339 = arith.constant 0 : index
        %get3A_340 = tpu.vector_load %arg7[%get3A_337, %get3A_338, %get3A_339] {strides = array<i32>} : memref<4x100x32xf32, #tpu.memory_space<vmem>>, vector<1x1x16xf32>,
        %get3A_341 = vector.shape_cast %get3A_340 : vector<1x1x16xf32> to vector<16xf32>
        %add3A_342 = arith.addf %add3A_326, %get3A_341 : vector<16xf32>
        %get3A_343 = arith.constant 2 : i32
        %get3A_344 = arith.index_cast %get3A_343 : i32 to index
        %get3A_345 = arith.index_cast %scan3A_335 : i32 to index
        %get3A_346 = arith.constant 16 : index
        %get3A_347 = tpu.vector_load %arg7[%get3A_344, %get3A_345, %get3A_346] {strides = array<i32>} : memref<4x100x32xf32, #tpu.memory_space<vmem>>, vector<1x1x16xf32>,
        %get3A_348 = vector.shape_cast %get3A_347 : vector<1x1x16xf32> to vector<16xf32>
        %add3A_349 = arith.addf %add3A_333, %get3A_348 : vector<16xf32>
        %scan3A_350 = arith.constant 8 : i32
        %scan3A_351 = arith.addi %scan3A_221, %scan3A_350 : i32
        %get3A_352 = arith.constant 2 : i32
        %get3A_353 = arith.index_cast %get3A_352 : i32 to index
        %get3A_354 = arith.index_cast %scan3A_351 : i32 to index
        %get3A_355 = arith.constant 0 : index
        %get3A_356 = tpu.vector_load %arg7[%get3A_353, %get3A_354, %get3A_355] {strides = array<i32>} : memref<4x100x32xf32, #tpu.memory_space<vmem>>, vector<1x1x16xf32>,
        %get3A_357 = vector.shape_cast %get3A_356 : vector<1x1x16xf32> to vector<16xf32>
        %add3A_358 = arith.addf %add3A_342, %get3A_357 : vector<16xf32>
        %get3A_359 = arith.constant 2 : i32
        %get3A_360 = arith.index_cast %get3A_359 : i32 to index
        %get3A_361 = arith.index_cast %scan3A_351 : i32 to index
        %get3A_362 = arith.constant 16 : index
        %get3A_363 = tpu.vector_load %arg7[%get3A_360, %get3A_361, %get3A_362] {strides = array<i32>} : memref<4x100x32xf32, #tpu.memory_space<vmem>>, vector<1x1x16xf32>,
        %get3A_364 = vector.shape_cast %get3A_363 : vector<1x1x16xf32> to vector<16xf32>
        %add3A_365 = arith.addf %add3A_349, %get3A_364 : vector<16xf32>
        %scan3A_366 = arith.constant 9 : i32
        %scan3A_367 = arith.addi %scan3A_221, %scan3A_366 : i32
        %get3A_368 = arith.constant 2 : i32
        %get3A_369 = arith.index_cast %get3A_368 : i32 to index
        %get3A_370 = arith.index_cast %scan3A_367 : i32 to index
        %get3A_371 = arith.constant 0 : index
        %get3A_372 = tpu.vector_load %arg7[%get3A_369, %get3A_370, %get3A_371] {strides = array<i32>} : memref<4x100x32xf32, #tpu.memory_space<vmem>>, vector<1x1x16xf32>,
        %get3A_373 = vector.shape_cast %get3A_372 : vector<1x1x16xf32> to vector<16xf32>
        %add3A_374 = arith.addf %add3A_358, %get3A_373 : vector<16xf32>
        %get3A_375 = arith.constant 2 : i32
        %get3A_376 = arith.index_cast %get3A_375 : i32 to index
        %get3A_377 = arith.index_cast %scan3A_367 : i32 to index
        %get3A_378 = arith.constant 16 : index
        %get3A_379 = tpu.vector_load %arg7[%get3A_376, %get3A_377, %get3A_378] {strides = array<i32>} : memref<4x100x32xf32, #tpu.memory_space<vmem>>, vector<1x1x16xf32>,
        %get3A_380 = vector.shape_cast %get3A_379 : vector<1x1x16xf32> to vector<16xf32>
        %add3A_381 = arith.addf %add3A_365, %get3A_380 : vector<16xf32>
        scf.yield %add3A_374, %add3A_381 : vector<16xf32>, vector<16xf32>
      }
      %scan3A_155 = arith.constant 100 : i32
      %lt3A_156 = arith.constant 252 : i32
      %lt3A_157 = arith.cmpi slt, %add3A_65, %lt3A_156 : i32
      %convert_element_type3A_158 = arith.extui %lt3A_157 : i1 to i32
      %cond3A_159 = arith.constant 0 : i32
      %cond3A_160 = arith.cmpi ne, %convert_element_type3A_158, %cond3A_159 : i32
      scf.if %cond3A_160 {
        %add3A_221 = arith.constant 2 : i32
        %add3A_222 = arith.addi %add3A_65, %add3A_221 : i32
        %add3A_223 = arith.constant 4 : i32
        %add3A_224 = arith.addi %add3A_222, %add3A_223 : i32
        %dma_start3A_225 = arith.constant 2 : i32
        %dma_start3A_226 = arith.constant 0 : i32
        %dma_start3A_227 = arith.constant 0 : i32
        %dma_start3A_228 = tpu.memref_slice %arg7[%dma_start3A_225, %dma_start3A_226, %dma_start3A_227] : memref<4x100x32xf32, #tpu.memory_space<vmem>> -> memref<1x100x32xf32, #tpu.memory_space<vmem>>
        %dma_start3A_229 = tpu.memref_squeeze %dma_start3A_228 : memref<1x100x32xf32, #tpu.memory_space<vmem>> -> memref<100x32xf32, #tpu.memory_space<vmem>>
        %dma_start3A_230 = arith.constant 0 : i32
        %dma_start3A_231 = tpu.memref_slice %arg6[%add3A_224, %dma_start3A_230] : memref<256x100xi32, #tpu.memory_space<vmem>> -> memref<1x100xi32, #tpu.memory_space<vmem>>
        %dma_start3A_232 = tpu.memref_squeeze %dma_start3A_231 : memref<1x100xi32, #tpu.memory_space<vmem>> -> memref<100xi32, #tpu.memory_space<vmem>>
        %dma_start3A_233 = arith.constant 0 : i32
        %dma_start3A_234 = arith.constant 0 : i32
        %dma_start3A_235 = tpu.memref_slice %arg3[%dma_start3A_233, %dma_start3A_234] : memref<1000000x32xf32, #tpu.memory_space<hbm>> -> memref<1000000x32xf32, #tpu.memory_space<hbm>>
        tpu.enqueue_indirect_dma source(%dma_start3A_235 : memref<1000000x32xf32, #tpu.memory_space<hbm>>) target(%dma_start3A_229 : memref<100x32xf32, #tpu.memory_space<vmem>>) offsets(%dma_start3A_232 : memref<100xi32, #tpu.memory_space<vmem>>) semaphore(%arg12 : memref<!tpu.dma_semaphore, #tpu.memory_space<semaphore_mem>>)
      } else {
      }
      %add3A_161 = arith.constant 3 : i32
      %add3A_162 = arith.addi %add3A_65, %add3A_161 : i32
      %dma_wait3A_163 = arith.constant 3 : i32
      %dma_wait3A_164 = arith.constant 0 : i32
      %dma_wait3A_165 = arith.constant 0 : i32
      %dma_wait3A_166 = tpu.memref_slice %arg7[%dma_wait3A_163, %dma_wait3A_164, %dma_wait3A_165] : memref<4x100x32xf32, #tpu.memory_space<vmem>> -> memref<1x100x32xf32, #tpu.memory_space<vmem>>
      %dma_wait3A_167 = tpu.memref_squeeze %dma_wait3A_166 : memref<1x100x32xf32, #tpu.memory_space<vmem>> -> memref<100x32xf32, #tpu.memory_space<vmem>>
      %dma_wait3A_168 = arith.constant 0 : i32
      %dma_wait3A_169 = tpu.memref_slice %arg6[%add3A_162, %dma_wait3A_168] : memref<256x100xi32, #tpu.memory_space<vmem>> -> memref<1x100xi32, #tpu.memory_space<vmem>>
      %dma_wait3A_170 = tpu.memref_squeeze %dma_wait3A_169 : memref<1x100xi32, #tpu.memory_space<vmem>> -> memref<100xi32, #tpu.memory_space<vmem>>
      %dma_wait3A_171 = arith.constant 0 : i32
      %dma_wait3A_172 = arith.constant 0 : i32
      %dma_wait3A_173 = tpu.memref_slice %arg3[%dma_wait3A_171, %dma_wait3A_172] : memref<1000000x32xf32, #tpu.memory_space<hbm>> -> memref<1000000x32xf32, #tpu.memory_space<hbm>>
      tpu.wait_indirect_dma semaphore(%arg13 : memref<!tpu.dma_semaphore, #tpu.memory_space<semaphore_mem>>) src(%dma_wait3A_173 : memref<1000000x32xf32, #tpu.memory_space<hbm>>) dst(%dma_wait3A_167 : memref<100x32xf32, #tpu.memory_space<vmem>>)
      %scan3A_174 = arith.constant 0 : i32
      %scan3A_175 = arith.constant 100 : i32
      %scan3A_176 = arith.addi %scan3A_174, %scan3A_175 : i32
      %scan3A_177 = arith.constant 10 : i32
      %scan3A_178:2 = scf.for %scan3A_221 = %scan3A_174 to %scan3A_176 step %scan3A_177 iter_args(%scan3A_222 = %scan3A_154#0, %scan3A_223 = %scan3A_154#1) -> (vector<16xf32>, vector<16xf32>)  : i32 {
        %get3A_224 = arith.constant 3 : i32
        %get3A_225 = arith.index_cast %get3A_224 : i32 to index
        %get3A_226 = arith.index_cast %scan3A_221 : i32 to index
        %get3A_227 = arith.constant 0 : index
        %get3A_228 = tpu.vector_load %arg7[%get3A_225, %get3A_226, %get3A_227] {strides = array<i32>} : memref<4x100x32xf32, #tpu.memory_space<vmem>>, vector<1x1x16xf32>,
        %get3A_229 = vector.shape_cast %get3A_228 : vector<1x1x16xf32> to vector<16xf32>
        %add3A_230 = arith.addf %scan3A_222, %get3A_229 : vector<16xf32>
        %get3A_231 = arith.constant 3 : i32
        %get3A_232 = arith.index_cast %get3A_231 : i32 to index
        %get3A_233 = arith.index_cast %scan3A_221 : i32 to index
        %get3A_234 = arith.constant 16 : index
        %get3A_235 = tpu.vector_load %arg7[%get3A_232, %get3A_233, %get3A_234] {strides = array<i32>} : memref<4x100x32xf32, #tpu.memory_space<vmem>>, vector<1x1x16xf32>,
        %get3A_236 = vector.shape_cast %get3A_235 : vector<1x1x16xf32> to vector<16xf32>
        %add3A_237 = arith.addf %scan3A_223, %get3A_236 : vector<16xf32>
        %scan3A_238 = arith.constant 1 : i32
        %scan3A_239 = arith.addi %scan3A_221, %scan3A_238 : i32
        %get3A_240 = arith.constant 3 : i32
        %get3A_241 = arith.index_cast %get3A_240 : i32 to index
        %get3A_242 = arith.index_cast %scan3A_239 : i32 to index
        %get3A_243 = arith.constant 0 : index
        %get3A_244 = tpu.vector_load %arg7[%get3A_241, %get3A_242, %get3A_243] {strides = array<i32>} : memref<4x100x32xf32, #tpu.memory_space<vmem>>, vector<1x1x16xf32>,
        %get3A_245 = vector.shape_cast %get3A_244 : vector<1x1x16xf32> to vector<16xf32>
        %add3A_246 = arith.addf %add3A_230, %get3A_245 : vector<16xf32>
        %get3A_247 = arith.constant 3 : i32
        %get3A_248 = arith.index_cast %get3A_247 : i32 to index
        %get3A_249 = arith.index_cast %scan3A_239 : i32 to index
        %get3A_250 = arith.constant 16 : index
        %get3A_251 = tpu.vector_load %arg7[%get3A_248, %get3A_249, %get3A_250] {strides = array<i32>} : memref<4x100x32xf32, #tpu.memory_space<vmem>>, vector<1x1x16xf32>,
        %get3A_252 = vector.shape_cast %get3A_251 : vector<1x1x16xf32> to vector<16xf32>
        %add3A_253 = arith.addf %add3A_237, %get3A_252 : vector<16xf32>
        %scan3A_254 = arith.constant 2 : i32
        %scan3A_255 = arith.addi %scan3A_221, %scan3A_254 : i32
        %get3A_256 = arith.constant 3 : i32
        %get3A_257 = arith.index_cast %get3A_256 : i32 to index
        %get3A_258 = arith.index_cast %scan3A_255 : i32 to index
        %get3A_259 = arith.constant 0 : index
        %get3A_260 = tpu.vector_load %arg7[%get3A_257, %get3A_258, %get3A_259] {strides = array<i32>} : memref<4x100x32xf32, #tpu.memory_space<vmem>>, vector<1x1x16xf32>,
        %get3A_261 = vector.shape_cast %get3A_260 : vector<1x1x16xf32> to vector<16xf32>
        %add3A_262 = arith.addf %add3A_246, %get3A_261 : vector<16xf32>
        %get3A_263 = arith.constant 3 : i32
        %get3A_264 = arith.index_cast %get3A_263 : i32 to index
        %get3A_265 = arith.index_cast %scan3A_255 : i32 to index
        %get3A_266 = arith.constant 16 : index
        %get3A_267 = tpu.vector_load %arg7[%get3A_264, %get3A_265, %get3A_266] {strides = array<i32>} : memref<4x100x32xf32, #tpu.memory_space<vmem>>, vector<1x1x16xf32>,
        %get3A_268 = vector.shape_cast %get3A_267 : vector<1x1x16xf32> to vector<16xf32>
        %add3A_269 = arith.addf %add3A_253, %get3A_268 : vector<16xf32>
        %scan3A_270 = arith.constant 3 : i32
        %scan3A_271 = arith.addi %scan3A_221, %scan3A_270 : i32
        %get3A_272 = arith.constant 3 : i32
        %get3A_273 = arith.index_cast %get3A_272 : i32 to index
        %get3A_274 = arith.index_cast %scan3A_271 : i32 to index
        %get3A_275 = arith.constant 0 : index
        %get3A_276 = tpu.vector_load %arg7[%get3A_273, %get3A_274, %get3A_275] {strides = array<i32>} : memref<4x100x32xf32, #tpu.memory_space<vmem>>, vector<1x1x16xf32>,
        %get3A_277 = vector.shape_cast %get3A_276 : vector<1x1x16xf32> to vector<16xf32>
        %add3A_278 = arith.addf %add3A_262, %get3A_277 : vector<16xf32>
        %get3A_279 = arith.constant 3 : i32
        %get3A_280 = arith.index_cast %get3A_279 : i32 to index
        %get3A_281 = arith.index_cast %scan3A_271 : i32 to index
        %get3A_282 = arith.constant 16 : index
        %get3A_283 = tpu.vector_load %arg7[%get3A_280, %get3A_281, %get3A_282] {strides = array<i32>} : memref<4x100x32xf32, #tpu.memory_space<vmem>>, vector<1x1x16xf32>,
        %get3A_284 = vector.shape_cast %get3A_283 : vector<1x1x16xf32> to vector<16xf32>
        %add3A_285 = arith.addf %add3A_269, %get3A_284 : vector<16xf32>
        %scan3A_286 = arith.constant 4 : i32
        %scan3A_287 = arith.addi %scan3A_221, %scan3A_286 : i32
        %get3A_288 = arith.constant 3 : i32
        %get3A_289 = arith.index_cast %get3A_288 : i32 to index
        %get3A_290 = arith.index_cast %scan3A_287 : i32 to index
        %get3A_291 = arith.constant 0 : index
        %get3A_292 = tpu.vector_load %arg7[%get3A_289, %get3A_290, %get3A_291] {strides = array<i32>} : memref<4x100x32xf32, #tpu.memory_space<vmem>>, vector<1x1x16xf32>,
        %get3A_293 = vector.shape_cast %get3A_292 : vector<1x1x16xf32> to vector<16xf32>
        %add3A_294 = arith.addf %add3A_278, %get3A_293 : vector<16xf32>
        %get3A_295 = arith.constant 3 : i32
        %get3A_296 = arith.index_cast %get3A_295 : i32 to index
        %get3A_297 = arith.index_cast %scan3A_287 : i32 to index
        %get3A_298 = arith.constant 16 : index
        %get3A_299 = tpu.vector_load %arg7[%get3A_296, %get3A_297, %get3A_298] {strides = array<i32>} : memref<4x100x32xf32, #tpu.memory_space<vmem>>, vector<1x1x16xf32>,
        %get3A_300 = vector.shape_cast %get3A_299 : vector<1x1x16xf32> to vector<16xf32>
        %add3A_301 = arith.addf %add3A_285, %get3A_300 : vector<16xf32>
        %scan3A_302 = arith.constant 5 : i32
        %scan3A_303 = arith.addi %scan3A_221, %scan3A_302 : i32
        %get3A_304 = arith.constant 3 : i32
        %get3A_305 = arith.index_cast %get3A_304 : i32 to index
        %get3A_306 = arith.index_cast %scan3A_303 : i32 to index
        %get3A_307 = arith.constant 0 : index
        %get3A_308 = tpu.vector_load %arg7[%get3A_305, %get3A_306, %get3A_307] {strides = array<i32>} : memref<4x100x32xf32, #tpu.memory_space<vmem>>, vector<1x1x16xf32>,
        %get3A_309 = vector.shape_cast %get3A_308 : vector<1x1x16xf32> to vector<16xf32>
        %add3A_310 = arith.addf %add3A_294, %get3A_309 : vector<16xf32>
        %get3A_311 = arith.constant 3 : i32
        %get3A_312 = arith.index_cast %get3A_311 : i32 to index
        %get3A_313 = arith.index_cast %scan3A_303 : i32 to index
        %get3A_314 = arith.constant 16 : index
        %get3A_315 = tpu.vector_load %arg7[%get3A_312, %get3A_313, %get3A_314] {strides = array<i32>} : memref<4x100x32xf32, #tpu.memory_space<vmem>>, vector<1x1x16xf32>,
        %get3A_316 = vector.shape_cast %get3A_315 : vector<1x1x16xf32> to vector<16xf32>
        %add3A_317 = arith.addf %add3A_301, %get3A_316 : vector<16xf32>
        %scan3A_318 = arith.constant 6 : i32
        %scan3A_319 = arith.addi %scan3A_221, %scan3A_318 : i32
        %get3A_320 = arith.constant 3 : i32
        %get3A_321 = arith.index_cast %get3A_320 : i32 to index
        %get3A_322 = arith.index_cast %scan3A_319 : i32 to index
        %get3A_323 = arith.constant 0 : index
        %get3A_324 = tpu.vector_load %arg7[%get3A_321, %get3A_322, %get3A_323] {strides = array<i32>} : memref<4x100x32xf32, #tpu.memory_space<vmem>>, vector<1x1x16xf32>,
        %get3A_325 = vector.shape_cast %get3A_324 : vector<1x1x16xf32> to vector<16xf32>
        %add3A_326 = arith.addf %add3A_310, %get3A_325 : vector<16xf32>
        %get3A_327 = arith.constant 3 : i32
        %get3A_328 = arith.index_cast %get3A_327 : i32 to index
        %get3A_329 = arith.index_cast %scan3A_319 : i32 to index
        %get3A_330 = arith.constant 16 : index
        %get3A_331 = tpu.vector_load %arg7[%get3A_328, %get3A_329, %get3A_330] {strides = array<i32>} : memref<4x100x32xf32, #tpu.memory_space<vmem>>, vector<1x1x16xf32>,
        %get3A_332 = vector.shape_cast %get3A_331 : vector<1x1x16xf32> to vector<16xf32>
        %add3A_333 = arith.addf %add3A_317, %get3A_332 : vector<16xf32>
        %scan3A_334 = arith.constant 7 : i32
        %scan3A_335 = arith.addi %scan3A_221, %scan3A_334 : i32
        %get3A_336 = arith.constant 3 : i32
        %get3A_337 = arith.index_cast %get3A_336 : i32 to index
        %get3A_338 = arith.index_cast %scan3A_335 : i32 to index
        %get3A_339 = arith.constant 0 : index
        %get3A_340 = tpu.vector_load %arg7[%get3A_337, %get3A_338, %get3A_339] {strides = array<i32>} : memref<4x100x32xf32, #tpu.memory_space<vmem>>, vector<1x1x16xf32>,
        %get3A_341 = vector.shape_cast %get3A_340 : vector<1x1x16xf32> to vector<16xf32>
        %add3A_342 = arith.addf %add3A_326, %get3A_341 : vector<16xf32>
        %get3A_343 = arith.constant 3 : i32
        %get3A_344 = arith.index_cast %get3A_343 : i32 to index
        %get3A_345 = arith.index_cast %scan3A_335 : i32 to index
        %get3A_346 = arith.constant 16 : index
        %get3A_347 = tpu.vector_load %arg7[%get3A_344, %get3A_345, %get3A_346] {strides = array<i32>} : memref<4x100x32xf32, #tpu.memory_space<vmem>>, vector<1x1x16xf32>,
        %get3A_348 = vector.shape_cast %get3A_347 : vector<1x1x16xf32> to vector<16xf32>
        %add3A_349 = arith.addf %add3A_333, %get3A_348 : vector<16xf32>
        %scan3A_350 = arith.constant 8 : i32
        %scan3A_351 = arith.addi %scan3A_221, %scan3A_350 : i32
        %get3A_352 = arith.constant 3 : i32
        %get3A_353 = arith.index_cast %get3A_352 : i32 to index
        %get3A_354 = arith.index_cast %scan3A_351 : i32 to index
        %get3A_355 = arith.constant 0 : index
        %get3A_356 = tpu.vector_load %arg7[%get3A_353, %get3A_354, %get3A_355] {strides = array<i32>} : memref<4x100x32xf32, #tpu.memory_space<vmem>>, vector<1x1x16xf32>,
        %get3A_357 = vector.shape_cast %get3A_356 : vector<1x1x16xf32> to vector<16xf32>
        %add3A_358 = arith.addf %add3A_342, %get3A_357 : vector<16xf32>
        %get3A_359 = arith.constant 3 : i32
        %get3A_360 = arith.index_cast %get3A_359 : i32 to index
        %get3A_361 = arith.index_cast %scan3A_351 : i32 to index
        %get3A_362 = arith.constant 16 : index
        %get3A_363 = tpu.vector_load %arg7[%get3A_360, %get3A_361, %get3A_362] {strides = array<i32>} : memref<4x100x32xf32, #tpu.memory_space<vmem>>, vector<1x1x16xf32>,
        %get3A_364 = vector.shape_cast %get3A_363 : vector<1x1x16xf32> to vector<16xf32>
        %add3A_365 = arith.addf %add3A_349, %get3A_364 : vector<16xf32>
        %scan3A_366 = arith.constant 9 : i32
        %scan3A_367 = arith.addi %scan3A_221, %scan3A_366 : i32
        %get3A_368 = arith.constant 3 : i32
        %get3A_369 = arith.index_cast %get3A_368 : i32 to index
        %get3A_370 = arith.index_cast %scan3A_367 : i32 to index
        %get3A_371 = arith.constant 0 : index
        %get3A_372 = tpu.vector_load %arg7[%get3A_369, %get3A_370, %get3A_371] {strides = array<i32>} : memref<4x100x32xf32, #tpu.memory_space<vmem>>, vector<1x1x16xf32>,
        %get3A_373 = vector.shape_cast %get3A_372 : vector<1x1x16xf32> to vector<16xf32>
        %add3A_374 = arith.addf %add3A_358, %get3A_373 : vector<16xf32>
        %get3A_375 = arith.constant 3 : i32
        %get3A_376 = arith.index_cast %get3A_375 : i32 to index
        %get3A_377 = arith.index_cast %scan3A_367 : i32 to index
        %get3A_378 = arith.constant 16 : index
        %get3A_379 = tpu.vector_load %arg7[%get3A_376, %get3A_377, %get3A_378] {strides = array<i32>} : memref<4x100x32xf32, #tpu.memory_space<vmem>>, vector<1x1x16xf32>,
        %get3A_380 = vector.shape_cast %get3A_379 : vector<1x1x16xf32> to vector<16xf32>
        %add3A_381 = arith.addf %add3A_365, %get3A_380 : vector<16xf32>
        scf.yield %add3A_374, %add3A_381 : vector<16xf32>, vector<16xf32>
      }
      %scan3A_179 = arith.constant 100 : i32
      %lt3A_180 = arith.constant 252 : i32
      %lt3A_181 = arith.cmpi slt, %add3A_65, %lt3A_180 : i32
      %convert_element_type3A_182 = arith.extui %lt3A_181 : i1 to i32
      %cond3A_183 = arith.constant 0 : i32
      %cond3A_184 = arith.cmpi ne, %convert_element_type3A_182, %cond3A_183 : i32
      scf.if %cond3A_184 {
        %add3A_221 = arith.constant 3 : i32
        %add3A_222 = arith.addi %add3A_65, %add3A_221 : i32
        %add3A_223 = arith.constant 4 : i32
        %add3A_224 = arith.addi %add3A_222, %add3A_223 : i32
        %dma_start3A_225 = arith.constant 3 : i32
        %dma_start3A_226 = arith.constant 0 : i32
        %dma_start3A_227 = arith.constant 0 : i32
        %dma_start3A_228 = tpu.memref_slice %arg7[%dma_start3A_225, %dma_start3A_226, %dma_start3A_227] : memref<4x100x32xf32, #tpu.memory_space<vmem>> -> memref<1x100x32xf32, #tpu.memory_space<vmem>>
        %dma_start3A_229 = tpu.memref_squeeze %dma_start3A_228 : memref<1x100x32xf32, #tpu.memory_space<vmem>> -> memref<100x32xf32, #tpu.memory_space<vmem>>
        %dma_start3A_230 = arith.constant 0 : i32
        %dma_start3A_231 = tpu.memref_slice %arg6[%add3A_224, %dma_start3A_230] : memref<256x100xi32, #tpu.memory_space<vmem>> -> memref<1x100xi32, #tpu.memory_space<vmem>>
        %dma_start3A_232 = tpu.memref_squeeze %dma_start3A_231 : memref<1x100xi32, #tpu.memory_space<vmem>> -> memref<100xi32, #tpu.memory_space<vmem>>
        %dma_start3A_233 = arith.constant 0 : i32
        %dma_start3A_234 = arith.constant 0 : i32
        %dma_start3A_235 = tpu.memref_slice %arg3[%dma_start3A_233, %dma_start3A_234] : memref<1000000x32xf32, #tpu.memory_space<hbm>> -> memref<1000000x32xf32, #tpu.memory_space<hbm>>
        tpu.enqueue_indirect_dma source(%dma_start3A_235 : memref<1000000x32xf32, #tpu.memory_space<hbm>>) target(%dma_start3A_229 : memref<100x32xf32, #tpu.memory_space<vmem>>) offsets(%dma_start3A_232 : memref<100xi32, #tpu.memory_space<vmem>>) semaphore(%arg13 : memref<!tpu.dma_semaphore, #tpu.memory_space<semaphore_mem>>)
      } else {
      }
      %jit3A_185 = arith.constant 2 : i32
      %div3A_186 = arith.divsi %add3A_65, %jit3A_185 : i32
      %sign3A_187 = arith.constant 0 : i32
      %sign3A_188 = arith.cmpi sgt, %add3A_65, %sign3A_187 : i32
      %sign3A_189 = arith.extui %sign3A_188 : i1 to i32
      %sign3A_190 = arith.constant 0 : i32
      %sign3A_191 = arith.cmpi slt, %add3A_65, %sign3A_190 : i32
      %sign3A_192 = arith.extui %sign3A_191 : i1 to i32
      %sign3A_193 = arith.subi %sign3A_189, %sign3A_192 : i32
      %sign3A_194 = arith.constant 0 : i32
      %sign3A_195 = arith.cmpi sgt, %jit3A_185, %sign3A_194 : i32
      %sign3A_196 = arith.extui %sign3A_195 : i1 to i32
      %sign3A_197 = arith.constant 0 : i32
      %sign3A_198 = arith.cmpi slt, %jit3A_185, %sign3A_197 : i32
      %sign3A_199 = arith.extui %sign3A_198 : i1 to i32
      %sign3A_200 = arith.subi %sign3A_196, %sign3A_199 : i32
      %ne3A_201 = arith.cmpi ne, %sign3A_193, %sign3A_200 : i32
      %rem3A_202 = arith.remsi %add3A_65, %jit3A_185 : i32
      %ne3A_203 = arith.constant 0 : i32
      %ne3A_204 = arith.cmpi ne, %rem3A_202, %ne3A_203 : i32
      %and3A_205 = arith.andi %ne3A_201, %ne3A_204 : i1
      %sub3A_206 = arith.constant 1 : i32
      %sub3A_207 = arith.subi %div3A_186, %sub3A_206 : i32
      %select_n3A_208 = arith.select %and3A_205, %sub3A_207, %div3A_186 : i32
      %add3A_209 = arith.constant 1 : i32
      %add3A_210 = arith.addi %select_n3A_208, %add3A_209 : i32
      %swap3A_211 = arith.index_cast %add3A_210 : i32 to index
      %swap3A_212 = arith.constant 0 : index
      %swap3A_213 = tpu.vector_load %arg8[%swap3A_211, %swap3A_212] {strides = array<i32>} : memref<128x32xf32, #tpu.memory_space<vmem>>, vector<1x16xf32>,
      %swap3A_214 = vector.shape_cast %swap3A_213 : vector<1x16xf32> to vector<16xf32>
      %swap3A_215 = vector.shape_cast %scan3A_178#0 : vector<16xf32> to vector<1x16xf32>
      tpu.vector_store %arg8[%swap3A_211, %swap3A_212], %swap3A_215 {strides = array<i32>} : memref<128x32xf32, #tpu.memory_space<vmem>>, vector<1x16xf32>,
      %swap3A_216 = arith.index_cast %add3A_210 : i32 to index
      %swap3A_217 = arith.constant 16 : index
      %swap3A_218 = tpu.vector_load %arg8[%swap3A_216, %swap3A_217] {strides = array<i32>} : memref<128x32xf32, #tpu.memory_space<vmem>>, vector<1x16xf32>,
      %swap3A_219 = vector.shape_cast %swap3A_218 : vector<1x16xf32> to vector<16xf32>
      %swap3A_220 = vector.shape_cast %scan3A_178#1 : vector<16xf32> to vector<1x16xf32>
      tpu.vector_store %arg8[%swap3A_216, %swap3A_217], %swap3A_220 {strides = array<i32>} : memref<128x32xf32, #tpu.memory_space<vmem>>, vector<1x16xf32>,
    }
    %scan3A_58 = arith.constant 64 : i32
    %mul3A_59 = arith.constant 128 : i32
    %mul3A_60 = arith.muli %add3A, %mul3A_59 : i32
    "tpu.region"() ({
      %run_scoped3A = tpu.sem_alloc : memref<!tpu.dma_semaphore, #tpu.memory_space<semaphore_mem>>
      %dma_start3A_61 = arith.constant 0 : i32
      %dma_start3A_62 = tpu.memref_slice %arg5[%mul3A_60, %dma_start3A_61] : memref<4096x32xf32, #tpu.memory_space<hbm>> -> memref<128x32xf32, #tpu.memory_space<hbm>>
      %dma_start3A_63 = arith.constant 0 : i32
      %dma_start3A_64 = tpu.memref_slice %arg5[%mul3A_60, %dma_start3A_63] : memref<4096x32xf32, #tpu.memory_space<hbm>> -> memref<128x32xf32, #tpu.memory_space<hbm>>
      tpu.enqueue_dma source(%arg8 : memref<128x32xf32, #tpu.memory_space<vmem>>) target(%dma_start3A_64 : memref<128x32xf32, #tpu.memory_space<hbm>>) target_semaphore(%run_scoped3A : memref<!tpu.dma_semaphore, #tpu.memory_space<semaphore_mem>>)
      %dma_wait3A = arith.constant 0 : i32
      %dma_wait3A_65 = tpu.memref_slice %arg5[%mul3A_60, %dma_wait3A] : memref<4096x32xf32, #tpu.memory_space<hbm>> -> memref<128x32xf32, #tpu.memory_space<hbm>>
      %dma_wait3A_66 = arith.constant 0 : i32
      %dma_wait3A_67 = tpu.memref_slice %arg5[%mul3A_60, %dma_wait3A_66] : memref<4096x32xf32, #tpu.memory_space<hbm>> -> memref<128x32xf32, #tpu.memory_space<hbm>>
      tpu.wait_dma2 semaphore(%run_scoped3A : memref<!tpu.dma_semaphore, #tpu.memory_space<semaphore_mem>>) src(%arg8 : memref<128x32xf32, #tpu.memory_space<vmem>>) dst(%dma_wait3A_67 : memref<128x32xf32, #tpu.memory_space<hbm>>)
      tpu.yield
    }) : () -> ()
    return
  }
}

</mosaic_0001>

<sc_bundles>
// kernel: kernel.4.cloned.1.call-start
scs
__scs_entry_jumppad:
0x0: {  	(pc) =	sbr.rel $0x88, $3  }
0x1: {  	(tag) =	ssettag $0x0;
	lr =	simm.s32 $0x1  }
0x2: {  	[smem:$0x3F9E] =	sst lr;
	_ =	strace $0xD0000000  }
0x3: {  	_ = 	snop  }
0x4: {  	_ = 	snop  }
0x5: {  	_ = 	snop  }
0x6: {  	_ = 	snop  }
0x7: {  	_ = 	snop  }
__scs_overlays_trampoline_lowered:
0x8: {  	[smem:$0x3FAD] =	sst s0  }
0x9: {  	[smem:$0x3FAE] =	sst s1  }
0xa: {  	[smem:$0x3FAF] =	sst s2  }
0xb: {  	[smem:$0x3FB0] =	sst s3  }
0xc: {  	[smem:$0x3FB1] =	sst s4  }
0xd: {  	[smem:$0x3FB2] =	sst s5  }
0xe: {  	[smem:$0x3FB3] =	sst s6  }
0xf: {  	[smem:$0x3FB4] =	sst s7  }
0x10: {  	[smem:$0x3FB5] =	sst s8  }
0x11: {  	[smem:$0x3FB6] =	sst s9;
	s0 =	simm.s32 @!p0 $0x0  }
0x12: {  	s1 =	sld [smem:$0x3F9C];
	s0 =	simm.s32 @p0 $0x1  }
0x13: {  	[smem:$0x3FB7] =	sst s0;
	s0 =	simm.s32 @!p1 $0x0  }
0x14: {  	s2 =	sld [smem:$0x3F9B];
	s0 =	simm.s32 @p1 $0x1  }
0x15: {  	[smem:$0x3FB8] =	sst s0;
	s0 =	simm.s32 @!p2 $0x0  }
0x16: {  	s3 =	sld [smem:$0x3FDB];
	s0 =	simm.s32 @p2 $0x1  }
0x17: {  	s4 =	simm.s32 $0x1BF5;
	[smem:$0x3FBA] =	sst s0  }
0x18: {  	s0 =	sld [smem:$0x3F9D];
	_ =	swait.ge [sflag:s4], $0x0  }
0x19: {  	s7 =	sld [smem:$0x3F9E]  }
0x1a: {  	s8 =	sadd.s32 $0xFFFFE003, lr  }
0x1b: {  	s9 =	sadd.s32 $0xFFFFFEF7, lr;
	s5 =	simm.s32 $0xFFFFFFFF;
	p2 =	slt.u32 s8, $0xFFFFF086  }
0x1c: {  	p1 =	slt.u32 s9, $0xF7A;
	s5 =	simm.s32 @!p2 $0x0  }
0x1d: {  	s5 =	simm.s32 @p1 $0x1;
	p0 =	seq.s32 s7, s2  }
0x1e: {  	s7 =	smul.u32 @!p0 $0xF7A, s2;
	p2 =	seq.s32 @!p0 s5, $0x0  }
0x1f: {  	s9 =	smul.u32 $0xF7A, s1;
	s8 =	simm.s32 @!p0 $0x1BF5;
	p2 =	por !p2, p0  }
0x20: {  	[sflag:s8] =	ssyncset.s32 @!p0 $0xFFFFF086;
	s6 =	sadd.s32 @!p0 s3, s7;
	s7 =	simm.s32 @!p0 $0x108  }
0x21: {  	s3 =	sadd.s32 s3, s9;
	s6 =	sadd.s32 @!p0 $0x88, s6;
	s7 =	simm.s32 @p2 $0x1082  }
0x22: {  	[simem:s7], [sflag:s8] =	dma.local @!p0 [hbm:s6], $0xF7A  }
0x23: {  	s9 =	sor.u32 $0xD0000000, s2;
	s6 =	simm.s32 $0x108;
	_ =	swait.ge @!p0 [sflag:s8], $0x0  }
0x24: {  	s3 =	sadd.s32 $0x88, s3;
	s6 =	simm.s32 @!p1 $0x1082;
	[sflag:s4] =	ssyncset.s32 $0xFFFFF086  }
0x25: {  	[simem:s6], [sflag:s4] =	dma.local [hbm:s3], $0xF7A  }
0x26: {  	[smem:$0x3F9E] =	sst s1;
	(tag) =	ssettag s2;
	_ =	strace s9  }
0x27: {  	s1 =	sld [smem:$0x3FAE]  }
0x28: {  	s2 =	sld [smem:$0x3FAF]  }
0x29: {  	s4 =	sld [smem:$0x3FB1]  }
0x2a: {  	p0 =	seq.s32 s5, $0x0;
	s5 =	sld [smem:$0x3FB2]  }
0x2b: {  	s6 =	sld [smem:$0x3FB3]  }
0x2c: {  	s7 =	sld [smem:$0x3FB4]  }
0x2d: {  	s3 =	simm.s32 $0x108;
	s8 =	sld [smem:$0x3FB5]  }
0x2e: {  	s3 =	simm.s32 @!p0 $0x1082;
	s9 =	sld [smem:$0x3FB6]  }
0x2f: {  	lr =	sadd.s32 s0, s3;
	s0 =	sld [smem:$0x3FAD]  }
0x30: {  	s3 =	sld [smem:$0x3FB0]  }
0x31: {  	[smem:$0x3FB9] =	sst s10  }
0x32: {  	s10 =	sld [smem:$0x3FB7];
	_ =	sdelay $0x3  }
0x33: {  	p0 =	seq.s32 s10, $0x1;
	s10 =	sld [smem:$0x3FB9];
	_ =	sdelay $0x3  }
0x34: {  	[smem:$0x3FB9] =	sst s10  }
0x35: {  	s10 =	sld [smem:$0x3FB8];
	_ =	sdelay $0x3  }
0x36: {  	p1 =	seq.s32 s10, $0x1;
	s10 =	sld [smem:$0x3FB9];
	_ =	sdelay $0x3  }
0x37: {  	[smem:$0x3FB9] =	sst s10  }
0x38: {  	s10 =	sld [smem:$0x3FBA]  }
0x39: {  	_ = 	snop;
	(pc) =	sbr.ind lr, $3  }
0x3a: {  	_ = 	snop  }
0x3b: {  	_ = 	snop  }
0x3c: {  	p2 =	seq.s32 s10, $0x1;
	s10 =	sld [smem:$0x3FB9]  }
0x3d: {  	_ =	shalt  }
0x3e: {  	_ =	shalt  }
0x3f: {  	_ =	shalt  }
0x40: {  	_ =	shalt  }
0x41: {  	_ =	shalt  }
0x42: {  	_ =	shalt  }
0x43: {  	_ =	shalt  }
0x44: {  	_ =	shalt  }
0x45: {  	_ =	shalt  }
0x46: {  	_ =	shalt  }
0x47: {  	_ =	shalt  }
0x48: {  	_ =	shalt  }
0x49: {  	_ =	shalt  }
0x4a: {  	_ =	shalt  }
0x4b: {  	_ =	shalt  }
0x4c: {  	_ =	shalt  }
0x4d: {  	_ =	shalt  }
0x4e: {  	_ =	shalt  }
0x4f: {  	_ =	shalt  }
0x50: {  	_ =	shalt  }
0x51: {  	_ =	shalt  }
0x52: {  	_ =	shalt  }
0x53: {  	_ =	shalt  }
0x54: {  	_ =	shalt  }
0x55: {  	_ =	shalt  }
0x56: {  	_ =	shalt  }
0x57: {  	_ =	shalt  }
0x58: {  	_ =	shalt  }
0x59: {  	_ =	shalt  }
0x5a: {  	_ =	shalt  }
0x5b: {  	_ =	shalt  }
0x5c: {  	_ =	shalt  }
0x5d: {  	_ =	shalt  }
0x5e: {  	_ =	shalt  }
0x5f: {  	_ =	shalt  }
0x60: {  	_ =	shalt  }
0x61: {  	_ =	shalt  }
0x62: {  	_ =	shalt  }
0x63: {  	_ =	shalt  }
0x64: {  	_ =	shalt  }
0x65: {  	_ =	shalt  }
0x66: {  	_ =	shalt  }
0x67: {  	_ =	shalt  }
0x68: {  	_ =	shalt  }
0x69: {  	_ =	shalt  }
0x6a: {  	_ =	shalt  }
0x6b: {  	_ =	shalt  }
0x6c: {  	_ =	shalt  }
0x6d: {  	_ =	shalt  }
0x6e: {  	_ =	shalt  }
0x6f: {  	_ =	shalt  }
0x70: {  	_ =	shalt  }
0x71: {  	_ =	shalt  }
0x72: {  	_ =	shalt  }
0x73: {  	_ =	shalt  }
0x74: {  	_ =	shalt  }
0x75: {  	_ =	shalt  }
0x76: {  	_ =	shalt  }
0x77: {  	_ =	shalt  }
0x78: {  	_ =	shalt  }
0x79: {  	_ =	shalt  }
0x7a: {  	_ =	shalt  }
0x7b: {  	_ =	shalt  }
0x7c: {  	_ =	shalt  }
0x7d: {  	_ =	shalt  }
0x7e: {  	_ =	shalt  }
0x7f: {  	_ =	shalt  }
0x80: {  	_ =	shalt  }
0x81: {  	_ =	shalt  }
0x82: {  	_ =	shalt  }
0x83: {  	_ =	shalt  }
0x84: {  	_ =	shalt  }
0x85: {  	_ =	shalt  }
0x86: {  	_ =	shalt  }
0x87: {  	_ =	shalt  }
.Lfunc_end0:
.L_simem_size_0:
called_computation_lowered:
.L_overlay_start_0:
0x88: {  	s2 =	sld [smem:$0x3FD9]  }
0x89: {  	s3 =	sld [smem:$0x3FFE];
	_ =	sdelay $0x1  }
0x8a: {  	s1 =	srdreg.scid  }
0x8b: {  	s0 =	sand.u32 $0x1, s1  }
0x8c: {  	s17 =	sshll.u32 s0, $0xA;
	s2 =	sadd.s32 s3, s2  }
0x8d: {  	s2 =	sadd.s32 s2, s17  }
0x8e: {  	[smem:$0x3FC5] =	sst s2  }
0x8f: {  	_ = 	snop  }
0x90: {  	s2 =	sld [smem:$0x3FC8]  }
0x91: {  	s18 =	sld [smem:$0x3FD0];
	(tm) =	ssettm $0x1  }
0x92: {  	s4 =	sld [smem:$0x3FFB];
	_ =	sdelay $0x3  }
0x93: {  	_ =	strace s4  }
0x94: {  	s4 =	sld [smem:$0x3FFC];
	_ =	sdelay $0x3  }
0x95: {  	_ =	strace s4  }
0x96: {  	s4 =	sld [smem:$0x3FFD];
	_ =	sdelay $0x3  }
0x97: {  	_ =	strace s4  }
0x98: {  	_ =	strace $0x8FFFFFFF  }
0x99: {  	s19 =	sld [smem:$0x3FDB];
	_ =	sdelay $0x1  }
0x9a: {  	s5 =	simm.s32 $_scs_section_size  }
0x9b: {  	s6 =	simm.s32 $_size__tile_overlayer_lowered;
	s7 =	simm.s32 $_tile_overlayer_lowered  }
0x9c: {  	s22 =	simm.s32 $0x1BFF;
	s21 =	sshll.u32 s7, $0x1;
	s4 =	sadd.s32 s5, s19  }
0x9d: {  	s8 =	simm.s32 $0x0;
	s20 =	sshll.u32 s6, $0x1;
	s6 =	sadd.s32 s21, s4  }
0x9e: {  	[timem:s8], [sflag:s22] =	dma.local [hbm:s6], s20  }
0x9f: {  	_ =	swait.ge [sflag:s22], s20  }
0xa0: {  	s5 =	ssub.s32 $0x0, s20;
	[sflag:s22] =	ssyncset.done $0x0  }
0xa1: {  	[sflag:s22] =	ssyncadd.s32 s5;
	_ =	sdelay $0x1  }
0xa2: {  	s23 =	simm.s32 $0x1B8B  }
0xa3: {  	_ =	swait.ge [sflag:s23], $0x1  }
0xa4: {  	[sflag:s23] =	ssyncset.done $0x0  }
0xa5: {  	s25 =	simm.s32 $0x1B8E;
	s24 =	sld [smem:$0x3FFE];
	[sflag:s23] =	ssyncadd.s32 $0xFFFFFFFF  }
0xa6: {  	s26 =	simm.s32 $execute0_lowered;
	[smem:$0x3FD2] =	sst s25  }
0xa7: {  	s6 =	sshll.u32 s26, $0x1;
	_ =	strace $0x80000046;
	[dreg:$0x1] =	wrdreg $0xFFFFFFFF  }
0xa8: {  	s28 =	simm.s32 $_size_execute0_lowered;
	s4 =	sadd.s32 s4, s6;
	[dreg:$0x0] =	wrdreg $0x0  }
0xa9: {  	s6 =	sshll.u32 s28, $0x1;
	[dreg:$0x2] =	wrdreg s4  }
0xaa: {  	[dreg:$0x3] =	wrdreg s6  }
0xab: {  	[dreg:$0x4] =	wrdreg $0xC0  }
0xac: {  	_ =	task [dreg:s8], $0x5FFFF  }
0xad: {  	[dreg:$0x1] =	wrdreg $0xFFFFFFFF  }
0xae: {  	[dreg:$0x0] =	wrdreg $0x60  }
0xaf: {  	[dreg:$0x2] =	wrdreg s2  }
0xb0: {  	[dreg:$0x3] =	wrdreg s18  }
0xb1: {  	[dreg:$0x4] =	wrdreg s24  }
0xb2: {  	[dreg:$0x5] =	wrdreg $0x9  }
0xb3: {  	_ =	task.clear_ibuf [dreg:s8], $0x6FFFF;
	_ =	strace $0x90000046  }
0xb4: {  	s29 =	simm.s32 $0x9;
	_ =	strace $0x80000048  }
0xb5: {  	_ =	swait.ge [sflag:s29], $0x1  }
0xb6: {  	[sflag:s29] =	ssyncadd.s32 $0xFFFFFFFF  }
0xb7: {  	_ =	strace $0x90000048  }
0xb8: {  	_ =	sfence  }
0xb9: {  	s30 =	sld [smem:$0x0];
	_ =	sdelay $0x2  }
0xba: {  	s31 =	sshll.u32 s1, $0xD;
	s1 =	sshrl.u32 s1, $0x2  }
0xbb: {  	s3 =	sand.u32 $0x4000, s31;
	s1 =	sadd.s32 s1, s30  }
0xbc: {  	s0 =	sor.u32 s3, s0;
	s1 =	sshll.u32 s1, $0x11  }
0xbd: {  	s0 =	sor.u32 s1, s0  }
0xbe: {  	s0 =	sadd.s32 $0x8F2B, s0  }
0xbf: {  	[sflag:s0] =	ssyncadd.remote.s32 $0x1  }
0xc0: {  	_ =	sfence.sel $0xFFFF  }
0xc1: {  	[dreg:$0x0] =	wrdreg $0xFFFFFFFF;
	(pc) =	sbr.abs _section_cstart, $3  }
0xc2: {  	[dreg:$0x1] =	wrdreg $0xFFFFFFFF  }
0xc3: {  	_ =	task.clear_ibuf [dreg:s8], $0x2FFFF;
	_ =	strace $0x9FFFFFFF  }
0xc4: {  	(tm) =	ssettm $0x7FFFFFFF  }
0xc5: {  	_ =	shalt  }
tec
execute0_lowered:
.L_overlay_start_1:
0x0: {  	(tag) =	ssettag $0x1  }
0x1: {  	v0 =	vimm.s32 $0x70F  }
0x2: {  	vm15 =	vcmask $0x300;
	vm14 =	vcmask $0x704;
	vm13 =	vcmask $0xB08  }
0x3: {  	vm12 =	vcmask $0xF0C;
	vm11 =	vcmask $0x1310;
	vm10 =	vcmask $0x1714  }
0x4: {  	vm9 =	vcmask $0x1B18;
	vm8 =	vcmask $0x1F1C;
	v0 =	vsel vm15, $0x80, v0  }
0x5: {  	v4 =	vlaneseq.u32;
	vm7 =	vcmask $0x2320;
	v0 =	vsel vm14, $0x1, v0  }
0x6: {  	vm6 =	vcmask $0x2724;
	v1 =	vmul.u32 $0x20, v4;
	v0 =	vsel vm13, $0x182, v0  }
0x7: {  	vm4 =	vcmask $0x2B28;
	vm3 =	vcmask $0x2F2C;
	v0 =	vsel vm12, $0x103, v0  }
0x8: {  	vm2 =	vcmask $0x3330;
	[tilespmem:$0x1FBC0] =	vst v1;
	v1 =	vimm.s32 $0x68F;
	v0 =	vsel vm11, $0x284, v0  }
0x9: {  	vm1 =	vcmask $0x3734;
	v1 =	vsel vm15, $0x100, v1;
	v0 =	vsel vm10, $0x205, v0  }
0xa: {  	v2 =	vimm.s32 $0xEFCDAB89;
	v1 =	vsel vm14, $0x181, v1;
	v0 =	vsel vm9, $0x386, v0  }
0xb: {  	v3 =	vimm.s32 $0x67452301;
	v1 =	vsel vm13, $0x2, v1;
	v0 =	vsel vm8, $0x307, v0  }
0xc: {  	vm5 =	vcmask $0x3B38;
	v1 =	vsel vm12, $0x83, v1;
	v0 =	vsel vm7, $0x488, v0  }
0xd: {  	v2 =	vunpack.c.l.s4.s8 v2;
	v1 =	vsel vm11, $0x304, v1;
	v0 =	vsel vm6, $0x409, v0  }
0xe: {  	v3 =	vunpack.c.l.s4.s8 v3;
	v5 =	vsel vm10, $0x385, v1;
	v0 =	vsel vm4, $0x58A, v0  }
0xf: {  	v1 =	vunpack.c.0.s8.s32 v2;
	v2 =	vsel vm9, $0x206, v5;
	v0 =	vsel vm3, $0x50B, v0  }
0x10: {  	v29 =	vmul.u32 $0x81, v4;
	v2 =	vsel vm8, $0x287, v2;
	v0 =	vsel vm2, $0x68C, v0  }
0x11: {  	v4 =	vsel vm1, $0x60D, v0;
	v0 =	vunpack.c.0.s8.s32 v3;
	v3 =	vimm.s32 $0x60F  }
0x12: {  	v6 =	vimm.s32 $0x54761032;
	v2 =	vsel vm7, $0x508, v2;
	v3 =	vsel vm15, $0x180, v3  }
0x13: {  	v2 =	vsel vm6, $0x589, v2;
	v5 =	vcombine.low v0, v1;
	v3 =	vsel vm14, $0x101, v3  }
0x14: {  	v6 =	vunpack.c.l.s4.s8 v6;
	v2 =	vsel vm4, $0x40A, v2;
	v3 =	vsel vm13, $0x82, v3  }
0x15: {  	v48 =	vand.u32 $0xF, v5;
	v5 =	vimm.s32 $0xDCFE98BA;
	v3 =	vsel vm12, $0x3, v3  }
0x16: {  	v2 =	vsel vm3, $0x48B, v2;
	v5 =	vunpack.c.l.s4.s8 v5;
	v3 =	vsel vm11, $0x384, v3  }
0x17: {  	v23 =	vunpack.c.0.s8.s32 v6;
	v2 =	vsel vm2, $0x70C, v2;
	v3 =	vsel vm10, $0x305, v3  }
0x18: {  	v22 =	vunpack.c.0.s8.s32 v5;
	v3 =	vsel vm9, $0x286, v3;
	v5 =	vimm.s32 $0x58F  }
0x19: {  	v2 =	vsel vm1, $0x78D, v2;
	v3 =	vsel vm8, $0x207, v3;
	v5 =	vsel vm15, $0x200, v5  }
0x1a: {  	v2 =	vsel vm5, $0x60E, v2;
	v3 =	vsel vm7, $0x588, v3;
	v5 =	vsel vm14, $0x281, v5  }
0x1b: {  	v6 =	vcombine.low v23, v22;
	v3 =	vsel vm6, $0x509, v3;
	v7 =	vsel vm13, $0x302, v5  }
0x1c: {  	v9 =	vimm.s32 $0x50F;
	[tilespmem:$0x1FBD0] =	vst v2;
	v2 =	vsel vm4, $0x48A, v3;
	v3 =	vsel vm12, $0x383, v7  }
0x1d: {  	v10 =	vsel vm5, $0x78E, v4;
	v4 =	vand.u32 $0xF, v6;
	v3 =	vsel vm11, $0x4, v3  }
0x1e: {  	v7 =	vimm.s32 $0xCDEF89AB;
	v2 =	vsel vm3, $0x40B, v2;
	v3 =	vsel vm10, $0x85, v3  }
0x1f: {  	[tilespmem:$0x1FBE0] =	vst v4;
	v7 =	vunpack.c.l.s4.s8 v7;
	v4 =	vimm.s32 $0x45670123;
	v3 =	vsel vm9, $0x106, v3  }
0x20: {  	v2 =	vsel vm2, $0x78C, v2;
	v4 =	vunpack.c.l.s4.s8 v4;
	v3 =	vsel vm8, $0x187, v3  }
0x21: {  	v24 =	vunpack.c.0.s8.s32 v7;
	v7 =	vsel vm15, $0x280, v9;
	v3 =	vsel vm7, $0x608, v3  }
0x22: {  	v2 =	vsel vm1, $0x70D, v2;
	v7 =	vsel vm14, $0x201, v7;
	v3 =	vsel vm6, $0x689, v3  }
0x23: {  	v25 =	vunpack.c.0.s8.s32 v4;
	v7 =	vsel vm13, $0x382, v7;
	v3 =	vsel vm4, $0x70A, v3  }
0x24: {  	v6 =	vsel vm5, $0x68E, v2;
	v9 =	vsel vm12, $0x303, v7;
	v3 =	vsel vm3, $0x78B, v3  }
0x25: {  	v4 =	vmovc v10;
	v10 =	vimm.s32 $0x32107654;
	v2 =	vsel vm2, $0x40C, v3;
	v3 =	vsel vm11, $0x84, v9  }
0x26: {  	v10 =	vunpack.c.l.s4.s8 v10;
	v2 =	vsel vm1, $0x48D, v2;
	v3 =	vsel vm10, $0x5, v3  }
0x27: {  	v16 =	vsel vm5, $0x50E, v2;
	v2 =	vimm.s32 $0xBA98FEDC;
	v3 =	vsel vm9, $0x186, v3  }
0x28: {  	v11 =	vimm.s32 $0x48F;
	v2 =	vunpack.c.l.s4.s8 v2;
	v3 =	vsel vm8, $0x107, v3  }
0x29: {  	v27 =	vunpack.c.0.s8.s32 v10;
	v10 =	vimm.s32 $0xAB89EFCD;
	v3 =	vsel vm7, $0x688, v3  }
0x2a: {  	v26 =	vunpack.c.0.s8.s32 v2;
	v2 =	vsel vm6, $0x609, v3;
	v3 =	vsel vm15, $0x300, v11  }
0x2b: {  	v14 =	vimm.s32 $0x10325476;
	v10 =	vunpack.c.l.s4.s8 v10;
	v3 =	vsel vm14, $0x381, v3  }
0x2c: {  	v5 =	vcombine.low v25, v24;
	v11 =	vimm.s32 $0x23016745;
	v3 =	vsel vm13, $0x202, v3  }
0x2d: {  	v35 =	vunpack.c.0.s8.s32 v10;
	v11 =	vunpack.c.l.s4.s8 v11;
	v3 =	vsel vm12, $0x283, v3  }
0x2e: {  	v2 =	vsel vm4, $0x78A, v2;
	v12 =	vcombine.low v27, v26;
	v3 =	vsel vm11, $0x104, v3  }
0x2f: {  	v2 =	vsel vm3, $0x70B, v2;
	v20 =	vunpack.c.0.s8.s32 v11;
	v3 =	vsel vm10, $0x185, v3  }
0x30: {  	v2 =	vsel vm2, $0x48C, v2;
	v13 =	vand.u32 $0xF, v12;
	v3 =	vsel vm9, $0x6, v3  }
0x31: {  	v2 =	vsel vm1, $0x40D, v2;
	v12 =	vcombine.low v20, v35;
	v3 =	vsel vm8, $0x87, v3  }
0x32: {  	v18 =	vsel vm5, $0x58E, v2;
	v2 =	vsel vm7, $0x708, v3;
	v3 =	vimm.s32 $0x40F  }
0x33: {  	v14 =	vunpack.c.l.s4.s8 v14;
	v3 =	vsel vm15, $0x380, v3  }
0x34: {  	v15 =	vand.u32 $0xF, v5;
	v5 =	vand.u32 $0xF, v12;
	v3 =	vsel vm14, $0x301, v3  }
0x35: {  	[tilespmem:$0x1FBF0] =	vst v5;
	v5 =	vimm.s32 $0x98BADCFE;
	v2 =	vsel vm6, $0x789, v2;
	v3 =	vsel vm13, $0x282, v3  }
0x36: {  	v5 =	vunpack.c.l.s4.s8 v5;
	v2 =	vsel vm4, $0x60A, v2;
	v3 =	vsel vm12, $0x203, v3  }
0x37: {  	v30 =	vunpack.c.0.s8.s32 v14;
	v2 =	vsel vm3, $0x68B, v2;
	v3 =	vsel vm11, $0x184, v3  }
0x38: {  	v31 =	vunpack.c.0.s8.s32 v5;
	v5 =	vimm.s32 $0x38F;
	v3 =	vsel vm10, $0x105, v3  }
0x39: {  	v2 =	vsel vm2, $0x50C, v2;
	v5 =	vsel vm15, $0x400, v5;
	v3 =	vsel vm9, $0x86, v3  }
0x3a: {  	v2 =	vsel vm1, $0x58D, v2;
	v9 =	vsel vm14, $0x481, v5;
	v3 =	vsel vm8, $0x7, v3  }
0x3b: {  	v7 =	vsel vm5, $0x40E, v2;
	v2 =	vsel vm7, $0x788, v3;
	v3 =	vsel vm13, $0x502, v9  }
0x3c: {  	v17 =	vimm.s32 $0x30F;
	v14 =	vcombine.low v30, v31;
	v3 =	vsel vm12, $0x583, v3  }
0x3d: {  	v17 =	vsel vm15, $0x480, v17;
	v3 =	vsel vm11, $0x604, v3  }
0x3e: {  	v17 =	vsel vm14, $0x401, v17;
	v47 =	vand.u32 $0xF, v14;
	v3 =	vsel vm10, $0x685, v3  }
0x3f: {  	v5 =	vmovc v16;
	v16 =	vimm.s32 $0x1234567;
	v2 =	vsel vm6, $0x709, v2;
	v3 =	vsel vm9, $0x706, v3  }
0x40: {  	v16 =	vunpack.c.l.s4.s8 v16;
	v2 =	vsel vm4, $0x68A, v2;
	v3 =	vsel vm8, $0x787, v3  }
0x41: {  	v9 =	vimm.s32 $0x89ABCDEF;
	v2 =	vsel vm3, $0x60B, v2;
	v3 =	vsel vm7, $0x8, v3  }
0x42: {  	v14 =	vmovc v18;
	v18 =	vimm.s32 $0x76543210;
	v2 =	vsel vm2, $0x58C, v2;
	v3 =	vsel vm6, $0x89, v3  }
0x43: {  	v9 =	vunpack.c.l.s4.s8 v9;
	v2 =	vsel vm1, $0x50D, v2;
	v3 =	vsel vm4, $0x10A, v3  }
0x44: {  	v32 =	vsel vm5, $0x48E, v2;
	v2 =	vsel vm3, $0x18B, v3;
	v3 =	vsel vm13, $0x582, v17  }
0x45: {  	v16 =	vunpack.c.0.s8.s32 v16;
	v9 =	vunpack.c.0.s8.s32 v9;
	v3 =	vsel vm12, $0x503, v3  }
0x46: {  	v17 =	vimm.s32 $0xFEDCBA98;
	v2 =	vsel vm2, $0x20C, v2;
	v3 =	vsel vm11, $0x684, v3  }
0x47: {  	v19 =	vunpack.c.l.s4.s8 v17;
	v2 =	vsel vm1, $0x28D, v2;
	v3 =	vsel vm10, $0x605, v3  }
0x48: {  	v40 =	vsel vm5, $0x30E, v2;
	v2 =	vunpack.c.l.s4.s8 v18;
	v3 =	vsel vm9, $0x786, v3  }
0x49: {  	v18 =	vunpack.c.0.s8.s32 v19;
	v19 =	vimm.s32 $0x28F;
	v3 =	vsel vm8, $0x707, v3  }
0x4a: {  	v19 =	vsel vm15, $0x500, v19;
	v2 =	vunpack.c.0.s8.s32 v2;
	v3 =	vsel vm7, $0x88, v3  }
0x4b: {  	v18 =	vand.u32 $0xF, v18;
	v19 =	vsel vm14, $0x581, v19;
	v3 =	vsel vm6, $0x9, v3  }
0x4c: {  	v11 =	vmovc v6;
	v6 =	vcombine.low v18, v2;
	v2 =	vsel vm4, $0x18A, v3;
	v3 =	vsel vm13, $0x402, v19  }
0x4d: {  	v16 =	vcombine.low v16, v9;
	v2 =	vsel vm3, $0x10B, v2;
	v3 =	vsel vm12, $0x483, v3  }
0x4e: {  	v19 =	vimm.s32 $0x20F;
	v2 =	vsel vm2, $0x28C, v2;
	v3 =	vsel vm11, $0x704, v3  }
0x4f: {  	v19 =	vsel vm15, $0x580, v19;
	v2 =	vsel vm1, $0x20D, v2;
	v3 =	vsel vm10, $0x785, v3  }
0x50: {  	v9 =	vmovc v5;
	v5 =	vsel vm14, $0x501, v19;
	v62 =	vsel vm5, $0x38E, v2;
	v2 =	vsel vm9, $0x606, v3  }
0x51: {  	v1 =	vand.u32 $0xF, v1;
	v5 =	vsel vm13, $0x482, v5;
	v2 =	vsel vm8, $0x687, v2  }
0x52: {  	v33 =	vcombine.low v1, v0;
	v5 =	vsel vm12, $0x403, v5;
	v0 =	vsel vm7, $0x108, v2  }
0x53: {  	v1 =	vsel vm11, $0x784, v5;
	v0 =	vsel vm6, $0x189, v0  }
0x54: {  	v1 =	vsel vm10, $0x705, v1;
	v2 =	vimm.s32 $0x18F;
	v0 =	vsel vm4, $0xA, v0  }
0x55: {  	v1 =	vsel vm9, $0x686, v1;
	v2 =	vsel vm15, $0x600, v2;
	v0 =	vsel vm3, $0x8B, v0  }
0x56: {  	v1 =	vsel vm8, $0x607, v1;
	v2 =	vsel vm14, $0x681, v2;
	v0 =	vsel vm2, $0x30C, v0  }
0x57: {  	v1 =	vsel vm7, $0x188, v1;
	v2 =	vsel vm13, $0x702, v2;
	v0 =	vsel vm1, $0x38D, v0  }
0x58: {  	v1 =	vsel vm6, $0x109, v1;
	v2 =	vsel vm12, $0x783, v2;
	v5 =	vsel vm5, $0x20E, v0  }
0x59: {  	v0 =	vsel vm4, $0x8A, v1;
	v1 =	vsel vm11, $0x404, v2;
	v2 =	vand.u32 $0xF, v22  }
0x5a: {  	v0 =	vsel vm3, $0xB, v0;
	v1 =	vsel vm10, $0x485, v1;
	v2 =	vcombine.low v2, v23  }
0x5b: {  	v0 =	vsel vm2, $0x38C, v0;
	v1 =	vsel vm9, $0x506, v1  }
0x5c: {  	[tilespmem:$0x1FC00] =	vst v2;
	v0 =	vsel vm1, $0x30D, v0;
	v1 =	vsel vm8, $0x587, v1;
	v2 =	vimm.s32 $0x10F  }
0x5d: {  	v63 =	vsel vm5, $0x28E, v0;
	v0 =	vsel vm7, $0x208, v1;
	v1 =	vsel vm15, $0x680, v2  }
0x5e: {  	v2 =	vand.u32 $0xF, v24;
	v0 =	vsel vm6, $0x289, v0;
	v1 =	vsel vm14, $0x601, v1  }
0x5f: {  	v39 =	vcombine.low v2, v25;
	v0 =	vsel vm4, $0x30A, v0;
	v1 =	vsel vm13, $0x782, v1  }
0x60: {  	v2 =	vimm.s32 $0x8F;
	v0 =	vsel vm3, $0x38B, v0;
	v1 =	vsel vm12, $0x703, v1  }
0x61: {  	v2 =	vsel vm15, $0x700, v2;
	v0 =	vsel vm2, $0xC, v0;
	v1 =	vsel vm11, $0x484, v1  }
0x62: {  	v2 =	vsel vm14, $0x781, v2;
	v0 =	vsel vm1, $0x8D, v0;
	v1 =	vsel vm10, $0x405, v1  }
0x63: {  	v56 =	vsel vm5, $0x10E, v0;
	v0 =	vsel vm9, $0x586, v1;
	v1 =	vsel vm13, $0x602, v2  }
0x64: {  	v0 =	vsel vm8, $0x507, v0;
	v1 =	vsel vm12, $0x683, v1  }
0x65: {  	v2 =	vand.u32 $0xF, v26;
	v0 =	vsel vm7, $0x288, v0;
	v1 =	vsel vm11, $0x504, v1  }
0x66: {  	v58 =	vcombine.low v2, v27;
	v0 =	vsel vm6, $0x209, v0;
	v1 =	vsel vm10, $0x585, v1  }
0x67: {  	v2 =	vimm.s32 $0xF0F;
	v0 =	vsel vm4, $0x38A, v0;
	v1 =	vsel vm9, $0x406, v1  }
0x68: {  	v2 =	vsel vm15, $0x880, v2;
	v0 =	vsel vm3, $0x30B, v0;
	v1 =	vsel vm8, $0x487, v1  }
0x69: {  	v2 =	vsel vm14, $0x801, v2;
	v0 =	vsel vm2, $0x8C, v0;
	v1 =	vsel vm7, $0x308, v1  }
0x6a: {  	v2 =	vsel vm13, $0x982, v2;
	v0 =	vsel vm1, $0xD, v0;
	v1 =	vsel vm6, $0x389, v1  }
0x6b: {  	v25 =	vmovc v5;
	v2 =	vsel vm12, $0x903, v2;
	v5 =	vsel vm5, $0x18E, v0;
	v0 =	vsel vm4, $0x20A, v1  }
0x6c: {  	v1 =	vsel vm11, $0xA84, v2;
	v0 =	vsel vm3, $0x28B, v0  }
0x6d: {  	v2 =	vand.u32 $0xF, v35;
	v1 =	vsel vm10, $0xA05, v1;
	v0 =	vsel vm2, $0x10C, v0  }
0x6e: {  	v55 =	vcombine.low v2, v20;
	v1 =	vsel vm9, $0xB86, v1;
	v0 =	vsel vm1, $0x18D, v0  }
0x6f: {  	v2 =	vimm.s32 $0xE8F;
	v1 =	vsel vm8, $0xB07, v1;
	v0 =	vsel vm5, $0xE, v0  }
0x70: {  	[tilespmem:$0x1FC10] =	vst v0;
	v0 =	vsel vm7, $0xC88, v1;
	v1 =	vsel vm15, $0x900, v2  }
0x71: {  	v0 =	vsel vm6, $0xC09, v0;
	v1 =	vsel vm14, $0x981, v1  }
0x72: {  	v0 =	vsel vm4, $0xD8A, v0;
	v1 =	vsel vm13, $0x802, v1  }
0x73: {  	v8 =	vlaneseq.u32;
	v0 =	vsel vm3, $0xD0B, v0;
	v1 =	vsel vm12, $0x883, v1  }
0x74: {  	v22 =	vmovc v6;
	v6 =	vmul.u32 $0xFFFFFF81, v8;
	v0 =	vsel vm2, $0xE8C, v0;
	v1 =	vsel vm11, $0xB04, v1  }
0x75: {  	v2 =	vand.u32 $0xF, v31;
	v0 =	vsel vm1, $0xE0D, v0;
	v1 =	vsel vm10, $0xB85, v1  }
0x76: {  	v54 =	vsel vm5, $0xF8E, v0;
	v0 =	vimm.s32 $0x1A1B1819;
	v1 =	vsel vm9, $0xA06, v1  }
0x77: {  	v43 =	vcombine.low v2, v30;
	v36 =	vunpack.c.0.s8.s32 v0;
	v0 =	vsel vm8, $0xA87, v1  }
0x78: {  	v2 =	vimm.s32 $0xE0F;
	v1 =	vimm.s32 $0x1E1F1C1D;
	v0 =	vsel vm7, $0xD08, v0  }
0x79: {  	v37 =	vunpack.c.0.s8.s32 v1;
	v1 =	vsel vm15, $0x980, v2;
	v0 =	vsel vm6, $0xD89, v0  }
0x7a: {  	v1 =	vsel vm14, $0x901, v1;
	v0 =	vsel vm4, $0xC0A, v0  }
0x7b: {  	v49 =	vadd.s32 $0x780, v6;
	v1 =	vsel vm13, $0x882, v1;
	v0 =	vsel vm3, $0xC8B, v0  }
0x7c: {  	v2 =	vimm.s32 $0x12131011;
	v1 =	vsel vm12, $0x803, v1;
	v0 =	vsel vm2, $0xF0C, v0  }
0x7d: {  	v38 =	vunpack.c.0.s8.s32 v2;
	v1 =	vsel vm11, $0xB84, v1;
	v0 =	vsel vm1, $0xF8D, v0  }
0x7e: {  	v1 =	vsel vm10, $0xB05, v1;
	v57 =	vsel vm5, $0xE0E, v0;
	v0 =	vimm.s32 $0x19181B1A  }
0x7f: {  	v1 =	vsel vm9, $0xA86, v1;
	v41 =	vunpack.c.0.s8.s32 v0;
	v0 =	vimm.s32 $0x1D1C1F1E  }
0x80: {  	v2 =	vimm.s32 $0x16171415;
	v42 =	vunpack.c.0.s8.s32 v0;
	v0 =	vsel vm8, $0xA07, v1  }
0x81: {  	[tilespmem:$0x1FC20] =	vst v6;
	v6 =	vunpack.c.0.s8.s32 v2;
	v1 =	vimm.s32 $0xD8F;
	v0 =	vsel vm7, $0xD88, v0  }
0x82: {  	v2 =	vimm.s32 $0x11101312;
	v1 =	vsel vm15, $0xA00, v1;
	v0 =	vsel vm6, $0xD09, v0  }
0x83: {  	v27 =	vunpack.c.0.s8.s32 v2;
	v1 =	vsel vm14, $0xA81, v1;
	v0 =	vsel vm4, $0xC8A, v0  }
0x84: {  	v2 =	vimm.s32 $0x15141716;
	v1 =	vsel vm13, $0xB02, v1;
	v0 =	vsel vm3, $0xC0B, v0  }
0x85: {  	v45 =	vunpack.c.0.s8.s32 v2;
	v1 =	vsel vm12, $0xB83, v1;
	v0 =	vsel vm2, $0xF8C, v0  }
0x86: {  	v2 =	vimm.s32 $0xD0F;
	v1 =	vsel vm11, $0x804, v1;
	v0 =	vsel vm1, $0xF0D, v0  }
0x87: {  	v2 =	vsel vm15, $0xA80, v2;
	v1 =	vsel vm10, $0x885, v1;
	v0 =	vsel vm5, $0xE8E, v0  }
0x88: {  	[tilespmem:$0x1FC30] =	vst v0;
	v0 =	vsel vm9, $0x906, v1;
	v1 =	vsel vm14, $0xA01, v2;
	v2 =	vimm.s32 $0x18191A1B  }
0x89: {  	v2 =	vunpack.c.0.s8.s32 v2  }
0x8a: {  	v0 =	vsel vm8, $0x987, v0  }
0x8b: {  	v1 =	vsel vm13, $0xB82, v1;
	v0 =	vsel vm7, $0xE08, v0;
	[tilespmem:$0x1FC40] =	vst v2;
	v2 =	vimm.s32 $0x1C1D1E1F  }
0x8c: {  	v1 =	vsel vm12, $0xB03, v1;
	v0 =	vsel vm6, $0xE89, v0;
	v2 =	vunpack.c.0.s8.s32 v2  }
0x8d: {  	v1 =	vsel vm11, $0x884, v1;
	v0 =	vsel vm4, $0xF0A, v0  }
0x8e: {  	v1 =	vsel vm10, $0x805, v1;
	v0 =	vsel vm3, $0xF8B, v0;
	[tilespmem:$0x1FC50] =	vst v2;
	v2 =	vimm.s32 $0x10111213  }
0x8f: {  	v1 =	vsel vm9, $0x986, v1;
	v0 =	vsel vm2, $0xC0C, v0;
	v2 =	vunpack.c.0.s8.s32 v2  }
0x90: {  	v1 =	vsel vm8, $0x907, v1;
	v0 =	vsel vm1, $0xC8D, v0  }
0x91: {  	v1 =	vsel vm7, $0xE88, v1;
	v35 =	vsel vm5, $0xD0E, v0;
	[tilespmem:$0x1FC60] =	vst v2;
	v2 =	vimm.s32 $0x14151617  }
0x92: {  	v0 =	vsel vm6, $0xE09, v1;
	v1 =	vimm.s32 $0x1F1E1D1C;
	v2 =	vunpack.c.0.s8.s32 v2  }
0x93: {  	v0 =	vsel vm4, $0xF8A, v0;
	v1 =	vunpack.c.0.s8.s32 v1  }
0x94: {  	v0 =	vsel vm3, $0xF0B, v0;
	[tilespmem:$0x1FC70] =	vst v2;
	v2 =	vimm.s32 $0x1B1A1918  }
0x95: {  	[tilespmem:$0x1FC80] =	vst v1;
	v0 =	vsel vm2, $0xC8C, v0;
	v1 =	vunpack.c.0.s8.s32 v2  }
0x96: {  	v0 =	vsel vm1, $0xC0D, v0  }
0x97: {  	v0 =	vsel vm5, $0xD8E, v0;
	[tilespmem:$0x1FC90] =	vst v1;
	v1 =	vimm.s32 $0x17161514  }
0x98: {  	vm0 =	vcmask $0x1F10;
	[tilespmem:$0x1FCC0] =	vst v0;
	v0 =	vimm.s32 $0xC8F;
	v1 =	vunpack.c.0.s8.s32 v1  }
0x99: {  	v21 =	vmul.u32 $0xFFFFFFFF, v8;
	v2 =	vimm.s32 $0x13121110;
	v0 =	vsel vm15, $0xB00, v0  }
0x9a: {  	v0 =	vsel vm14, $0xB81, v0;
	[tilespmem:$0x1FCA0] =	vst v1;
	v1 =	vunpack.c.0.s8.s32 v2;
	v2 =	vimm.s32 $0xB8F  }
0x9b: {  	v10 =	vor.u32 $0x10, v8;
	v0 =	vsel vm13, $0xA02, v0;
	v2 =	vsel vm15, $0xC00, v2  }
0x9c: {  	v0 =	vsel vm12, $0xA83, v0;
	[tilespmem:$0x1FCB0] =	vst v1;
	v1 =	vimm.s32 $0xC0F;
	v2 =	vsel vm14, $0xC81, v2  }
0x9d: {  	s0 =	rddreg [dreg:$0x0];
	s5 =	simm.s32 $0x0;
	v0 =	vsel vm11, $0x904, v0;
	v1 =	vsel vm15, $0xB80, v1;
	v2 =	vsel vm13, $0xD02, v2  }
0x9e: {  	[smem:$0x7FF] =	sst s5;
	v0 =	vsel vm10, $0x985, v0;
	v1 =	vsel vm14, $0xB01, v1;
	v2 =	vsel vm12, $0xD83, v2  }
0x9f: {  	s2 =	rddreg [dreg:$0x2];
	v0 =	vsel vm9, $0x806, v0;
	_ =	strace $0x80000047;
	[tilespmem:$0x1FCD0] =	vst v21;
	v1 =	vsel vm13, $0xA82, v1;
	v2 =	vsel vm11, $0xE04, v2  }
0xa0: {  	[tilespmem:$0x1FD00] =	vst v36;
	v0 =	vsel vm8, $0x887, v0;
	v1 =	vsel vm12, $0xA03, v1;
	v2 =	vsel vm10, $0xE85, v2  }
0xa1: {  	[tilespmem:$0x1FD10] =	vst v37;
	v0 =	vsel vm7, $0xF08, v0;
	v1 =	vsel vm11, $0x984, v1;
	v2 =	vsel vm9, $0xF06, v2  }
0xa2: {  	[tilespmem:$0x1FD20] =	vst v38;
	v0 =	vsel vm6, $0xF89, v0;
	v1 =	vsel vm10, $0x905, v1;
	v2 =	vsel vm8, $0xF87, v2  }
0xa3: {  	[tilespmem:$0x1FD30] =	vst v6;
	v0 =	vsel vm4, $0xE0A, v0;
	v1 =	vsel vm9, $0x886, v1;
	v2 =	vsel vm7, $0x808, v2  }
0xa4: {  	[tilespmem:$0x1FD70] =	vst v41;
	v0 =	vsel vm3, $0xE8B, v0;
	v1 =	vsel vm8, $0x807, v1;
	v2 =	vsel vm6, $0x889, v2  }
0xa5: {  	[tilespmem:$0x1FD80] =	vst v42;
	v0 =	vsel vm2, $0xD0C, v0;
	v1 =	vsel vm7, $0xF88, v1;
	v2 =	vsel vm4, $0x90A, v2  }
0xa6: {  	[tilespmem:$0x1FDA0] =	vst v27;
	v0 =	vsel vm1, $0xD8D, v0;
	v1 =	vsel vm6, $0xF09, v1;
	v2 =	vsel vm3, $0x98B, v2  }
0xa7: {  	v26 =	vmovc v63;
	[tilespmem:$0x1FDB0] =	vst v45;
	v63 =	vsel vm5, $0xC0E, v0;
	v1 =	vsel vm4, $0xE8A, v1;
	v2 =	vsel vm2, $0xA0C, v2  }
0xa8: {  	[tilespmem:$0x1FDD0] =	vst v48;
	v1 =	vsel vm3, $0xE0B, v1;
	v0 =	vsel vm1, $0xA8D, v2;
	v2 =	vimm.s32 $0xA0F  }
0xa9: {  	[tilespmem:$0x1FDE0] =	vst v11;
	v1 =	vsel vm2, $0xD8C, v1;
	v31 =	vsel vm5, $0xB0E, v0;
	v0 =	vimm.s32 $0xB0F  }
0xaa: {  	[tilespmem:$0x1FDF0] =	vst v9;
	v2 =	vsel vm15, $0xD80, v2;
	v1 =	vsel vm1, $0xD0D, v1;
	v0 =	vsel vm15, $0xC80, v0  }
0xab: {  	v17 =	vmovc v7;
	[tilespmem:$0x1FE00] =	vst v14;
	v60 =	vsel vm5, $0xC8E, v1;
	v1 =	vimm.s32 $0xA8F;
	v0 =	vsel vm14, $0xC01, v0  }
0xac: {  	[tilespmem:$0x1FE10] =	vst v17;
	v2 =	vsel vm14, $0xD01, v2;
	v1 =	vsel vm15, $0xD00, v1;
	v0 =	vsel vm13, $0xD82, v0  }
0xad: {  	v19 =	vmovc v32;
	[tilespmem:$0x1FE20] =	vst v40;
	v2 =	vsel vm13, $0xC82, v2;
	v1 =	vsel vm14, $0xD81, v1;
	v0 =	vsel vm12, $0xD03, v0  }
0xae: {  	[tilespmem:$0x1FE30] =	vst v19;
	v2 =	vsel vm12, $0xC03, v2;
	v1 =	vsel vm13, $0xC02, v1;
	v0 =	vsel vm11, $0xE84, v0  }
0xaf: {  	[tilespmem:$0x1FE40] =	vst v22;
	v2 =	vsel vm11, $0xF84, v2;
	v1 =	vsel vm12, $0xC83, v1;
	v0 =	vsel vm10, $0xE05, v0  }
0xb0: {  	[tilespmem:$0x1FE50] =	vst v33;
	v2 =	vsel vm10, $0xF05, v2;
	v1 =	vsel vm11, $0xF04, v1;
	v0 =	vsel vm9, $0xF86, v0  }
0xb1: {  	[tilespmem:$0x1FE60] =	vst v5;
	v2 =	vsel vm9, $0xE86, v2;
	v1 =	vsel vm10, $0xF85, v1;
	v0 =	vsel vm8, $0xF07, v0  }
0xb2: {  	[tilespmem:$0x1FE70] =	vst v56;
	v2 =	vsel vm8, $0xE07, v2;
	v1 =	vsel vm9, $0xE06, v1;
	v0 =	vsel vm7, $0x888, v0  }
0xb3: {  	[tilespmem:$0x1FE80] =	vst v39;
	v2 =	vsel vm7, $0x988, v2;
	v1 =	vsel vm8, $0xE87, v1;
	v0 =	vsel vm6, $0x809, v0  }
0xb4: {  	[tilespmem:$0x1FE90] =	vst v58;
	v2 =	vsel vm6, $0x909, v2;
	v1 =	vsel vm7, $0x908, v1;
	v0 =	vsel vm4, $0x98A, v0  }
0xb5: {  	[tilespmem:$0x1FEA0] =	vst v55;
	v2 =	vsel vm4, $0x88A, v2;
	v1 =	vsel vm6, $0x989, v1;
	v0 =	vsel vm3, $0x90B, v0  }
0xb6: {  	[tilespmem:$0x1FEB0] =	vst v43;
	v2 =	vsel vm3, $0x80B, v2;
	v1 =	vsel vm4, $0x80A, v1;
	v0 =	vsel vm2, $0xA8C, v0  }
0xb7: {  	[tilespmem:$0x1FEC0] =	vst v49;
	v2 =	vsel vm2, $0xB8C, v2;
	v1 =	vsel vm3, $0x88B, v1;
	v0 =	vsel vm1, $0xA0D, v0  }
0xb8: {  	[tilespmem:$0x1FED0] =	vst v54;
	v1 =	vsel vm2, $0xB0C, v1;
	v44 =	vsel vm5, $0xB8E, v0;
	v0 =	vsel vm1, $0xB0D, v2  }
0xb9: {  	[tilespmem:$0x1FEE0] =	vst v57;
	v1 =	vsel vm1, $0xB8D, v1;
	v7 =	vsel vm5, $0xA8E, v0;
	v0 =	vimm.s32 $0x98F  }
0xba: {  	[tilespmem:$0x1FF80] =	vst v29;
	v18 =	vsel vm5, $0xA0E, v1;
	v1 =	vimm.s32 $0x90F;
	v0 =	vsel vm15, $0xE00, v0  }
0xbb: {  	v28 =	vand.u32 $0xF, v16;
	v3 =	vmovc v62;
	[tilespmem:$0x1FF90] =	vst v35;
	v1 =	vsel vm15, $0xE80, v1;
	v0 =	vsel vm14, $0xE81, v0  }
0xbc: {  	v37 =	vsel vm0, v37, v36;
	[tilespmem:$0x1FFA0] =	vst v3;
	v1 =	vsel vm14, $0xE01, v1;
	v0 =	vsel vm13, $0xF02, v0  }
0xbd: {  	[tilespmem:$0x1FFB0] =	vst v28;
	v2 =	vimm.s32 $0x88F;
	v1 =	vsel vm13, $0xF82, v1;
	v0 =	vsel vm12, $0xF83, v0  }
0xbe: {  	[tilespmem:$0x1FFC0] =	vst v4;
	v2 =	vsel vm15, $0xF00, v2;
	v1 =	vsel vm12, $0xF03, v1;
	v0 =	vsel vm11, $0xC04, v0  }
0xbf: {  	[tilespmem:$0x1FFD0] =	vst v47;
	v2 =	vsel vm14, $0xF81, v2;
	v1 =	vsel vm11, $0xC84, v1;
	v0 =	vsel vm10, $0xC85, v0  }
0xc0: {  	[tilespmem:$0x1FFE0] =	vst v10;
	v2 =	vsel vm13, $0xE02, v2;
	v1 =	vsel vm10, $0xC05, v1;
	v0 =	vsel vm9, $0xD06, v0  }
0xc1: {  	[tilespmem:$0x1FFF0] =	vst v15;
	v2 =	vsel vm12, $0xE83, v2;
	v1 =	vsel vm9, $0xD86, v1;
	v0 =	vsel vm8, $0xD87, v0  }
0xc2: {  	[tilespmem:$0x1FD40] =	vst v37;
	v2 =	vsel vm11, $0xD04, v2;
	v1 =	vsel vm8, $0xD07, v1;
	v0 =	vsel vm7, $0xA08, v0  }
0xc3: {  	[tilespmem:$0x1FF70] =	vst v63;
	v2 =	vsel vm10, $0xD85, v2;
	v1 =	vsel vm7, $0xA88, v1;
	v0 =	vsel vm6, $0xA89, v0  }
0xc4: {  	[tilespmem:$0x1FF00] =	vst v31;
	v2 =	vsel vm9, $0xC06, v2;
	v1 =	vsel vm6, $0xA09, v1;
	v0 =	vsel vm4, $0xB0A, v0  }
0xc5: {  	s18 =	simm.s32 $0x7A1400;
	[tilespmem:$0x1FEF0] =	vst v60;
	v2 =	vsel vm8, $0xC87, v2;
	v1 =	vsel vm4, $0xB8A, v1;
	v0 =	vsel vm3, $0xB8B, v0  }
0xc6: {  	s1 =	srdreg.scid;
	s19 =	simm.s32 $0x400;
	[tilespmem:$0x1FF10] =	vst v44;
	v2 =	vsel vm7, $0xB08, v2;
	v1 =	vsel vm3, $0xB0B, v1;
	v0 =	vsel vm2, $0x80C, v0  }
0xc7: {  	s3 =	stileid.u32;
	s20 =	simm.s32 $0x1000;
	s21 =	simm.s32 $0x2000;
	[tilespmem:$0x1FF30] =	vst v7;
	v2 =	vsel vm6, $0xB89, v2;
	v1 =	vsel vm2, $0x88C, v1;
	v0 =	vsel vm1, $0x88D, v0  }
0xc8: {  	s22 =	simm.s32 $0x1;
	s23 =	simm.s32 $0x3000;
	s24 =	simm.s32 $0x2;
	[tilespmem:$0x1FF20] =	vst v18;
	v2 =	vsel vm4, $0xA0A, v2;
	v1 =	vsel vm1, $0x80D, v1;
	v20 =	vsel vm5, $0x90E, v0  }
0xc9: {  	s25 =	simm.s32 $0x4000;
	s26 =	simm.s32 $0x3;
	s28 =	simm.s32 $0x5000;
	v2 =	vsel vm3, $0xA8B, v2;
	v23 =	vsel vm5, $0x98E, v1;
	v1 =	vadd.s32 $0xF, v21;
	[tilespmem:$0x1FF40] =	vst v20  }
0xca: {  	s29 =	simm.s32 $0x7;
	s1 =	sand.u32 $0x1, s1;
	s4 =	sshll.u32 s3, $0x1;
	v2 =	vsel vm2, $0x90C, v2;
	[tilespmem:$0x1FCE0] =	vst v1  }
0xcb: {  	s30 =	simm.s32 $0x0;
	s8 =	sadd.s32 $0xA00, s2;
	s6 =	sor.u32 s1, s4;
	v0 =	vsel vm1, $0x98D, v2;
	v1 =	vor.u32 $0x800, v29;
	[tilespmem:$0x1FF50] =	vst v23  }
0xcc: {  	s2 =	sadd.s32 $0x3D1200, s2;
	s1 =	ssub.s32 $0x2, s1;
	s31 =	sshll.u32 s6, $0x7;
	v51 =	vsel vm5, $0x80E, v0;
	[tilespmem:$0x1FCF0] =	vst v1;
	v1 =	vsel vm0, v6, v38  }
.Ltmp0:
0xcd: {  	s9 =	sshrl.u32 s1, $0x1;
	s11 =	sor.u32 $0x60, s6;
	[tilespmem:$0x1FF60] =	vst v51;
	v0 =	vcombine.low v1, v37;
	(pc) =	sbr.rel .LBB2_1-.Ltmp0, $4  }
0xce: {  	s12 =	sor.u32 $0x20, s6;
	s13 =	sor.u32 $0x80, s6;
	s7 =	sadd.s32 s0, s31;
	[tilespmem:$0x1FD50] =	vst v1  }
0xcf: {  	s14 =	sor.u32 $0x40, s6;
	s16 =	sor.u32 $0xA0, s6;
	s3 =	sadd.s32 $0x1000, s7;
	[tilespmem:$0x1FD60] =	vst v0;
	v0 =	vsel vm0, v42, v41  }
0xd0: {  	p0 =	sne.s32 s6, $0x0;
	s1 =	ssub.s32 s1, s9;
	[dreg:$0x4] =	wrdreg s3;
	[tilespmem:$0x1FD90] =	vst v0;
	v0 =	vsel vm0, v45, v27  }
0xd1: {  	s10 =	sadd.s32 $0x2000, s7;
	s17 =	smax.u32 s1, $0x1;
	v52 =	vmovc v10;
	v24 =	vmovc v33;
	[dreg:$0x5] =	wrdreg s2;
	v36 =	vmov v22;
	v2 =	vmov v29;
	v21 =	vmov v5;
	[tilespmem:$0x1FDC0] =	vst v0  }
.LBB2_19:
0xd2: {  	s30 =	sadd.s32 $0x1, s30  }
0xd3: {  	p1 =	sne.s32 s30, s17  }
.Ltmp1:
0xd4: {  	_ = 	snop;
	(pc) =	sbr.rel @!p1 .LBB2_20-.Ltmp1, $1  }
0xd5: {  	_ =	sdelay $0x3  }
.LBB2_1:
0xd6: {  	[tilespmem:s5], [sflag:$0x1] =	stream.strided.gather [hbm4b:s7+s19], $0x1000, s18, s19, $0x38;
	[tilespmem:$0x6000] =	vst v63  }
.Ltmp2:
0xd7: {  	_ = 	snop;
	(pc) =	sbr.rel .LBB2_2-.Ltmp2, $4  }
0xd8: {  	s1 =	rddreg [dreg:$0x4]  }
0xd9: {  	v7 =	vld [tilespmem:$0x1FCE0];
	[tilespmem:s20], [sflag:$0x2] =	stream.strided.gather [hbm4b:s1+s19], $0x1000, s18, s19, $0x38  }
0xda: {  	s31 =	simm.s32 $0x0;
	v45 =	vld [tilespmem:$0x1FCF0]  }
0xdb: {  	v6 =	vmov v28;
	v23 =	vmov v3;
	v29 =	vld [tilespmem:$0x1FC00];
	[tilespmem:s21], [sflag:$0x3] =	stream.strided.gather [hbm4b:s10+s19], $0x1000, s18, s19, $0x38  }
.LBB2_12:
0xdc: {  	v30 =	vmov v48;
	v48 =	vld [tilespmem:$0x1FDD0]  }
0xdd: {  	v15 =	vmov v11;
	v11 =	vld [tilespmem:$0x1FDE0]  }
0xde: {  	v9 =	vld [tilespmem:$0x1FDF0]  }
0xdf: {  	v14 =	vld [tilespmem:$0x1FE00]  }
0xe0: {  	v17 =	vld [tilespmem:$0x1FE10]  }
0xe1: {  	v40 =	vld [tilespmem:$0x1FE20]  }
0xe2: {  	v19 =	vld [tilespmem:$0x1FE30]  }
0xe3: {  	v36 =	vld [tilespmem:$0x1FE40]  }
0xe4: {  	v25 =	vmov v24;
	v24 =	vld [tilespmem:$0x1FE50]  }
0xe5: {  	v29 =	vld [tilespmem:$0x1FC00]  }
0xe6: {  	v59 =	vld [tilespmem:$0x1FB80]  }
0xe7: {  	v21 =	vld [tilespmem:$0x1FE60]  }
0xe8: {  	s1 =	sadd.s32 s16, s3;
	v56 =	vld [tilespmem:$0x1FE70]  }
0xe9: {  	v39 =	vld [tilespmem:$0x1FE80];
	p1 =	sgt.u32 s1, $0x1E83  }
0xea: {  	s31 =	sadd.s32 $0x1, s31;
	v58 =	vld [tilespmem:$0x1FE90];
	s1 =	sshll.u32 @!p1 s1, $0x7;
	s2 =	simm.s32 @!p1 $0x400  }
0xeb: {  	v55 =	vld [tilespmem:$0x1FEA0];
	s3 =	simm.s32 @!p1 $0x7A1400;
	s9 =	simm.s32 @!p1 $0x2000;
	s1 =	sadd.s32 @!p1 s0, s1  }
0xec: {  	v43 =	vld [tilespmem:$0x1FEB0];
	[tilespmem:s9], [sflag:$0x3] =	stream.strided.gather @!p1 [hbm4b:s1+s2], $0x1000, s3, s2, $0x38  }
0xed: {  	v49 =	vld [tilespmem:$0x1FEC0];
	p1 =	sne.s32 s31, $0x52  }
.Ltmp3:
0xee: {  	v54 =	vld [tilespmem:$0x1FED0];
	(pc) =	sbr.rel @!p1 .LBB2_13-.Ltmp3, $4  }
0xef: {  	v35 =	vmov v57;
	v57 =	vld [tilespmem:$0x1FEE0]  }
0xf0: {  	v60 =	vld [tilespmem:$0x1FEF0]  }
0xf1: {  	v51 =	vld [tilespmem:$0x1FF60]  }
0xf2: {  	v8 =	vlaneseq.u32;
	v41 =	vld [tilespmem:$0x1FBB0]  }
.LBB2_2:
0xf3: {  	_ =	swait.ge [sflag:s22], $0x1000  }
0xf4: {  	p1 =	seq.s32 s31, $0x0;
	[sflag:s22] =	ssyncset.done $0x0  }
0xf5: {  	s2 =	simm.s32 @!p1 $0x4;
	[sflag:s22] =	ssyncadd.s32 $0xFFFFF000  }
0xf6: {  	_ =	swait.ge @!p1 [sflag:s2], $0x1000  }
0xf7: {  	s1 =	simm.s32 $0x0;
	v3 =	vld [tilespmem:$0x1FBC0]  }
0xf8: {  	v0 =	vor.u32 s1, v2;
	_ =	sdelay $0x1  }
0xf9: {  	v1 =	vmov s1  }
0xfa: {  	v1 =	vshll.u32 v1, $0x5;
	[sflag:s2] =	ssyncset.done @!p1 $0x0  }
0xfb: {  	[sflag:s2] =	ssyncadd.s32 @!p1 $0xFFFFF000;
	v1 =	vor.u32 v3, v1  }
0xfc: {  	v5 =	vmov v2;
	v0 =	vld.idx.msk [tilespmem:v0+s5+$0x0], $0xffff;
	v2 =	vor.u32 v8, v1  }
0xfd: {  	v3 =	vor.u32 s1, v4;
	_ =	sdelay $0x3  }
0xfe: {  	[tilespmem:v2+s23+$0x0] =	vst.idx.msk $0xffff, v0  }
0xff: {  	v0 =	vld.idx.msk [tilespmem:v3+s5+$0x0], $0xffff  }
0x100: {  	v3 =	vld [tilespmem:$0x1FBD0];
	_ =	sdelay $0x3  }
0x101: {  	v2 =	vor.u32 v48, v1  }
0x102: {  	v10 =	vld [tilespmem:$0x1FBE0];
	v3 =	vor.u32 s1, v3;
	_ =	sdelay $0x3  }
0x103: {  	[tilespmem:v2+s23+$0x0] =	vst.idx.msk $0xffff, v0  }
0x104: {  	v2 =	vor.u32 v10, v1;
	v0 =	vld.idx.msk [tilespmem:v3+s5+$0x0], $0xffff  }
0x105: {  	v3 =	vor.u32 s1, v11;
	_ =	sdelay $0x3  }
0x106: {  	[tilespmem:v2+s23+$0x0] =	vst.idx.msk $0xffff, v0  }
0x107: {  	v2 =	vor.u32 v15, v1;
	v0 =	vld.idx.msk [tilespmem:v3+s5+$0x0], $0xffff  }
0x108: {  	v3 =	vor.u32 s1, v9;
	_ =	sdelay $0x3  }
0x109: {  	[tilespmem:v2+s23+$0x0] =	vst.idx.msk $0xffff, v0  }
0x10a: {  	v2 =	vor.u32 v13, v1;
	v0 =	vld.idx.msk [tilespmem:v3+s5+$0x0], $0xffff  }
0x10b: {  	v16 =	vld [tilespmem:$0x1FBF0];
	v3 =	vor.u32 s1, v14;
	_ =	sdelay $0x3  }
0x10c: {  	[tilespmem:v2+s23+$0x0] =	vst.idx.msk $0xffff, v0  }
0x10d: {  	v2 =	vor.u32 v16, v1;
	v0 =	vld.idx.msk [tilespmem:v3+s5+$0x0], $0xffff  }
0x10e: {  	v3 =	vor.u32 s1, v17;
	_ =	sdelay $0x3  }
0x10f: {  	[tilespmem:v2+s23+$0x0] =	vst.idx.msk $0xffff, v0  }
0x110: {  	v2 =	vor.u32 v47, v1;
	v0 =	vld.idx.msk [tilespmem:v3+s5+$0x0], $0xffff  }
0x111: {  	v3 =	vor.u32 s1, v19;
	_ =	sdelay $0x3  }
0x112: {  	[tilespmem:v2+s23+$0x0] =	vst.idx.msk $0xffff, v0  }
0x113: {  	v2 =	vor.u32 v6, v1;
	v0 =	vld.idx.msk [tilespmem:v3+s5+$0x0], $0xffff  }
0x114: {  	v3 =	vor.u32 s1, v40;
	_ =	sdelay $0x3  }
0x115: {  	[tilespmem:v2+s23+$0x0] =	vst.idx.msk $0xffff, v0  }
0x116: {  	v2 =	vor.u32 v36, v1;
	v0 =	vld.idx.msk [tilespmem:v3+s5+$0x0], $0xffff  }
0x117: {  	v3 =	vor.u32 s1, v23;
	_ =	sdelay $0x3  }
0x118: {  	[tilespmem:v2+s23+$0x0] =	vst.idx.msk $0xffff, v0  }
0x119: {  	v2 =	vor.u32 v24, v1;
	v0 =	vld.idx.msk [tilespmem:v3+s5+$0x0], $0xffff  }
0x11a: {  	v3 =	vor.u32 s1, v25;
	_ =	sdelay $0x3  }
0x11b: {  	[tilespmem:v2+s23+$0x0] =	vst.idx.msk $0xffff, v0  }
0x11c: {  	v2 =	vor.u32 v29, v1;
	v0 =	vld.idx.msk [tilespmem:v3+s5+$0x0], $0xffff  }
0x11d: {  	v3 =	vor.u32 s1, v26;
	_ =	sdelay $0x3  }
0x11e: {  	[tilespmem:v2+s23+$0x0] =	vst.idx.msk $0xffff, v0  }
0x11f: {  	v2 =	vor.u32 v39, v1;
	v0 =	vld.idx.msk [tilespmem:v3+s5+$0x0], $0xffff  }
0x120: {  	v3 =	vor.u32 s1, v56;
	_ =	sdelay $0x3  }
0x121: {  	[tilespmem:v2+s23+$0x0] =	vst.idx.msk $0xffff, v0  }
0x122: {  	v2 =	vor.u32 v58, v1;
	v0 =	vld.idx.msk [tilespmem:v3+s5+$0x0], $0xffff  }
0x123: {  	v3 =	vor.u32 s1, v21  }
0x124: {  	v39 =	vld [tilespmem:$0x1FC10];
	_ =	sdelay $0x2  }
0x125: {  	[tilespmem:v2+s23+$0x0] =	vst.idx.msk $0xffff, v0  }
0x126: {  	v2 =	vor.u32 v55, v1;
	v0 =	vld.idx.msk [tilespmem:v3+s5+$0x0], $0xffff  }
0x127: {  	v3 =	vor.u32 s1, v39;
	_ =	sdelay $0x3  }
0x128: {  	[tilespmem:v2+s23+$0x0] =	vst.idx.msk $0xffff, v0  }
0x129: {  	v2 =	vor.u32 v43, v1;
	v0 =	vld.idx.msk [tilespmem:v3+s5+$0x0], $0xffff  }
0x12a: {  	v3 =	vor.u32 s1, v49;
	_ =	sdelay $0x3  }
0x12b: {  	[tilespmem:v2+s23+$0x0] =	vst.idx.msk $0xffff, v0  }
0x12c: {  	v2 =	vor.u32 v7, v1;
	v0 =	vld.idx.msk [tilespmem:v3+s5+$0x0], $0xffff  }
0x12d: {  	v3 =	vor.u32 s1, v45;
	_ =	sdelay $0x3  }
0x12e: {  	[tilespmem:v2+s23+$0x0] =	vst.idx.msk $0xffff, v0  }
0x12f: {  	v2 =	vor.u32 v52, v1;
	v0 =	vld.idx.msk [tilespmem:v3+s5+$0x0], $0xffff  }
0x130: {  	v50 =	vld [tilespmem:$0x1FD60];
	v3 =	vor.u32 s1, v54;
	_ =	sdelay $0x3  }
0x131: {  	[tilespmem:v2+s23+$0x0] =	vst.idx.msk $0xffff, v0  }
0x132: {  	v2 =	vor.u32 v50, v1;
	v0 =	vld.idx.msk [tilespmem:v3+s5+$0x0], $0xffff  }
0x133: {  	v3 =	vor.u32 s1, v57  }
0x134: {  	v42 =	vld [tilespmem:$0x1FDC0]  }
0x135: {  	v53 =	vld [tilespmem:$0x1FC40]  }
0x136: {  	v15 =	vld [tilespmem:$0x1FD90]  }
0x137: {  	v61 =	vld [tilespmem:$0x1FC60];
	[tilespmem:v2+s23+$0x0] =	vst.idx.msk $0xffff, v0  }
0x138: {  	v0 =	vld.idx.msk [tilespmem:v3+s5+$0x0], $0xffff  }
0x139: {  	v3 =	vld [tilespmem:$0x1FC30]  }
0x13a: {  	v8 =	vld [tilespmem:$0x1FC70]  }
0x13b: {  	v18 =	vmov v47;
	v4 =	vcombine.low v42, v15;
	v47 =	vld [tilespmem:$0x1FC50];
	_ =	sdelay $0x1  }
0x13c: {  	v31 =	vld [tilespmem:$0x1FC80];
	v2 =	vor.u32 v4, v1  }
0x13d: {  	v34 =	vld [tilespmem:$0x1FC90];
	v3 =	vor.u32 s1, v3  }
0x13e: {  	v41 =	vld [tilespmem:$0x1FCB0]  }
0x13f: {  	v38 =	vmovc v52;
	v28 =	vmov v48;
	v22 =	vsel vm0, v8, v61;
	v48 =	vld [tilespmem:$0x1FCA0];
	v52 =	vsel vm0, v47, v53  }
0x140: {  	[tilespmem:$0x1FBA0] =	vst v4;
	v4 =	vcombine.low v22, v52  }
0x141: {  	[tilespmem:v2+s23+$0x0] =	vst.idx.msk $0xffff, v0  }
0x142: {  	v2 =	vor.u32 v4, v1;
	v0 =	vld.idx.msk [tilespmem:v3+s5+$0x0], $0xffff;
	_ =	sdelay $0x1  }
0x143: {  	v6 =	vsel vm0, v34, v31;
	v3 =	vor.u32 s1, v35;
	v35 =	vmovc v7;
	v7 =	vsel vm0, v41, v48  }
0x144: {  	v37 =	vld [tilespmem:$0x1FD10];
	[tilespmem:$0x1FBB0] =	vst v4;
	v4 =	vcombine.low v7, v6  }
0x145: {  	v58 =	vld [tilespmem:$0x1FCC0]  }
0x146: {  	v62 =	vmov v4;
	[tilespmem:v2+s23+$0x0] =	vst.idx.msk $0xffff, v0;
	v2 =	vor.u32 v4, v1;
	v4 =	vld [tilespmem:$0x1FD00];
	_ =	sdelay $0x2  }
0x147: {  	v55 =	vmov v14;
	v14 =	vmov v26;
	v26 =	vmov v51;
	v51 =	vld [tilespmem:$0x1FD30]  }
0x148: {  	v0 =	vld.idx.msk [tilespmem:v3+s5+$0x0], $0xffff  }
0x149: {  	v3 =	vor.u32 s1, v58;
	v58 =	vsel vm0, v4, v37;
	v4 =	vld [tilespmem:$0x1FD20];
	_ =	sdelay $0x4  }
0x14a: {  	[tilespmem:v2+s23+$0x0] =	vst.idx.msk $0xffff, v0;
	v44 =	vsel vm0, v4, v51  }
0x14b: {  	v59 =	vmov v63;
	v0 =	vld.idx.msk [tilespmem:v3+s5+$0x0], $0xffff;
	v4 =	vcombine.low v44, v58  }
0x14c: {  	v3 =	vor.u32 s1, v59;
	v59 =	vld [tilespmem:$0x1FD80]  }
0x14d: {  	v30 =	vmov v4;
	v2 =	vor.u32 v4, v1;
	v4 =	vld [tilespmem:$0x1FD70];
	_ =	sdelay $0x3  }
0x14e: {  	v37 =	vld [tilespmem:$0x1FDB0]  }
0x14f: {  	v56 =	vmov v21;
	v21 =	vsel vm0, v4, v59;
	v4 =	vld [tilespmem:$0x1FDA0];
	_ =	sdelay $0x4  }
0x150: {  	v32 =	vmov v13;
	v13 =	vmov v5;
	v5 =	vsel vm0, v4, v37  }
0x151: {  	v4 =	vcombine.low v5, v21  }
0x152: {  	[tilespmem:v2+s23+$0x0] =	vst.idx.msk $0xffff, v0  }
0x153: {  	v0 =	vld.idx.msk [tilespmem:v3+s5+$0x0], $0xffff;
	v2 =	vor.u32 v4, v1  }
0x154: {  	v3 =	vor.u32 s1, v60  }
0x155: {  	v33 =	vld [tilespmem:$0x1FF00]  }
0x156: {  	v9 =	vmovc v40;
	v40 =	vsel vm0, v61, v8;
	v51 =	vmov v4;
	v4 =	vsel vm0, v53, v47  }
0x157: {  	v4 =	vcombine.low v40, v4  }
0x158: {  	[tilespmem:v2+s23+$0x0] =	vst.idx.msk $0xffff, v0  }
0x159: {  	v2 =	vor.u32 v4, v1;
	v0 =	vld.idx.msk [tilespmem:v3+s5+$0x0], $0xffff  }
0x15a: {  	v3 =	vor.u32 s1, v33  }
0x15b: {  	v12 =	vmov v36;
	v36 =	vld [tilespmem:$0x1FF10]  }
0x15c: {  	v41 =	vsel vm0, v48, v41;
	v59 =	vsel vm0, v31, v34  }
0x15d: {  	v46 =	vmov v45;
	v45 =	vmov v60;
	v60 =	vld [tilespmem:$0x1FD50];
	v47 =	vcombine.low v59, v41  }
0x15e: {  	v53 =	vmov v4;
	v4 =	vld [tilespmem:$0x1FD40];
	[tilespmem:v2+s23+$0x0] =	vst.idx.msk $0xffff, v0  }
0x15f: {  	v2 =	vor.u32 v47, v1;
	v0 =	vld.idx.msk [tilespmem:v3+s5+$0x0], $0xffff  }
0x160: {  	v3 =	vor.u32 s1, v36  }
0x161: {  	v11 =	vmov v43;
	v43 =	vld [tilespmem:$0x1FF20];
	_ =	sdelay $0x1  }
0x162: {  	v4 =	vcombine.low v4, v60  }
0x163: {  	[tilespmem:v2+s23+$0x0] =	vst.idx.msk $0xffff, v0  }
0x164: {  	v2 =	vor.u32 v4, v1;
	v0 =	vld.idx.msk [tilespmem:v3+s5+$0x0], $0xffff  }
0x165: {  	v3 =	vor.u32 s1, v43  }
0x166: {  	v27 =	vld [tilespmem:$0x1FF30];
	_ =	sdelay $0x1  }
0x167: {  	v48 =	vmov v4;
	v4 =	vcombine.low v15, v42  }
0x168: {  	[tilespmem:v2+s23+$0x0] =	vst.idx.msk $0xffff, v0  }
0x169: {  	v2 =	vor.u32 v4, v1;
	v0 =	vld.idx.msk [tilespmem:v3+s5+$0x0], $0xffff  }
0x16a: {  	v3 =	vor.u32 s1, v27  }
0x16b: {  	v20 =	vmov v25;
	v25 =	vld [tilespmem:$0x1FF40];
	_ =	sdelay $0x1  }
0x16c: {  	v40 =	vmov v4;
	v4 =	vcombine.low v52, v22  }
0x16d: {  	[tilespmem:v2+s23+$0x0] =	vst.idx.msk $0xffff, v0  }
0x16e: {  	v2 =	vor.u32 v4, v1;
	v0 =	vld.idx.msk [tilespmem:v3+s5+$0x0], $0xffff  }
0x16f: {  	v3 =	vor.u32 s1, v25  }
0x170: {  	v63 =	vld [tilespmem:$0x1FF50];
	_ =	sdelay $0x1  }
0x171: {  	v41 =	vmov v4;
	v4 =	vcombine.low v6, v7  }
0x172: {  	[tilespmem:v2+s23+$0x0] =	vst.idx.msk $0xffff, v0  }
0x173: {  	v2 =	vor.u32 v4, v1;
	v0 =	vld.idx.msk [tilespmem:v3+s5+$0x0], $0xffff  }
0x174: {  	v3 =	vor.u32 s1, v63;
	_ =	sdelay $0x2  }
0x175: {  	v37 =	vmov v4;
	v4 =	vcombine.low v58, v44  }
0x176: {  	[tilespmem:v2+s23+$0x0] =	vst.idx.msk $0xffff, v0  }
0x177: {  	v2 =	vor.u32 v4, v1;
	v0 =	vld.idx.msk [tilespmem:v3+s5+$0x0], $0xffff  }
0x178: {  	v3 =	vor.u32 s1, v26;
	_ =	sdelay $0x1  }
0x179: {  	v8 =	vmov v28;
	v28 =	vld [tilespmem:$0x1FE80]  }
0x17a: {  	v31 =	vld [tilespmem:$0x1FE90]  }
0x17b: {  	v34 =	vld [tilespmem:$0x1FEA0];
	[tilespmem:v2+s23+$0x0] =	vst.idx.msk $0xffff, v0  }
0x17c: {  	v52 =	vcombine.low v21, v5;
	v0 =	vld.idx.msk [tilespmem:v3+s5+$0x0], $0xffff  }
0x17d: {  	v3 =	vld [tilespmem:$0x1FC20]  }
0x17e: {  	v5 =	vld [tilespmem:$0x1FBC0];
	v2 =	vor.u32 v52, v1  }
0x17f: {  	v21 =	vmov v9;
	v9 =	vld [tilespmem:$0x1FBD0]  }
0x180: {  	v22 =	vmov v12;
	v12 =	vld [tilespmem:$0x1FFF0]  }
0x181: {  	v61 =	vmovc v33;
	v33 =	vmovc v27;
	v27 =	vmov v14;
	v14 =	vmov v32;
	v32 =	vmov v56;
	v56 =	vld [tilespmem:$0x1FC30]  }
0x182: {  	v59 =	vmov v36;
	v7 =	vld [tilespmem:$0x1FFC0];
	v36 =	vadd.s32 $0xF80, v3  }
0x183: {  	[tilespmem:v2+s23+$0x0] =	vst.idx.msk $0xffff, v0;
	v0 =	vld [tilespmem:$0x1FCD0];
	v3 =	vor.u32 s1, v36  }
0x184: {  	v60 =	vmov v43;
	v43 =	vmov v25;
	v25 =	vmov v20;
	v20 =	vld [tilespmem:$0x1FFB0]  }
0x185: {  	v44 =	vmov v11;
	v11 =	vld [tilespmem:$0x1FDE0]  }
0x186: {  	v42 =	vmov v63;
	v63 =	vmov v55;
	v55 =	vmov v57;
	v57 =	vld [tilespmem:$0x1FF90]  }
0x187: {  	s3 =	smul.u32 $0x60, s31;
	v15 =	vmov v26;
	v26 =	vmov v29;
	v29 =	vld [tilespmem:$0x1FE70]  }
0x188: {  	s1 =	simm.s32 $0x10;
	v0 =	vadd.s32 $0x1F, v0;
	v2 =	vld.idx.msk [tilespmem:v3+s5+$0x0], $0xffff  }
0x189: {  	s15 =	simm.s32 $0x20;
	s2 =	sor.u32 s6, s3;
	v6 =	vmovc v13;
	v58 =	vmov v4;
	v1 =	vor.u32 v0, v1;
	v3 =	vor.u32 s1, v13;
	v13 =	vld [tilespmem:$0x1FDF0]  }
.LBB2_3:
0x18a: {  	_ =	sdelay $0x2  }
0x18b: {  	v4 =	vmov s1  }
0x18c: {  	v4 =	vshll.u32 v4, $0x5;
	[tilespmem:v1+s23+$0x0] =	vst.idx.msk $0xffff, v2  }
0x18d: {  	v1 =	vor.u32 v5, v4;
	v2 =	vld.idx.msk [tilespmem:v3+s5+$0x0], $0xffff;
	v3 =	vlaneseq.u32  }
0x18e: {  	v3 =	vor.u32 v3, v1  }
0x18f: {  	v4 =	vor.u32 s1, v7;
	_ =	sdelay $0x3  }
0x190: {  	[tilespmem:v3+s23+$0x0] =	vst.idx.msk $0xffff, v2  }
0x191: {  	v3 =	vor.u32 v8, v1;
	v2 =	vld.idx.msk [tilespmem:v4+s5+$0x0], $0xffff  }
0x192: {  	v4 =	vor.u32 s1, v9;
	_ =	sdelay $0x3  }
0x193: {  	[tilespmem:v3+s23+$0x0] =	vst.idx.msk $0xffff, v2  }
0x194: {  	v3 =	vor.u32 v10, v1;
	v2 =	vld.idx.msk [tilespmem:v4+s5+$0x0], $0xffff  }
0x195: {  	v4 =	vor.u32 s1, v11;
	_ =	sdelay $0x3  }
0x196: {  	[tilespmem:v3+s23+$0x0] =	vst.idx.msk $0xffff, v2  }
0x197: {  	v3 =	vor.u32 v12, v1;
	v2 =	vld.idx.msk [tilespmem:v4+s5+$0x0], $0xffff  }
0x198: {  	v4 =	vor.u32 s1, v13;
	_ =	sdelay $0x3  }
0x199: {  	[tilespmem:v3+s23+$0x0] =	vst.idx.msk $0xffff, v2  }
0x19a: {  	v3 =	vor.u32 v14, v1;
	v2 =	vld.idx.msk [tilespmem:v4+s5+$0x0], $0xffff  }
0x19b: {  	v4 =	vor.u32 s1, v63;
	_ =	sdelay $0x3  }
0x19c: {  	[tilespmem:v3+s23+$0x0] =	vst.idx.msk $0xffff, v2  }
0x19d: {  	v3 =	vor.u32 v16, v1;
	v2 =	vld.idx.msk [tilespmem:v4+s5+$0x0], $0xffff  }
0x19e: {  	v4 =	vor.u32 s1, v17;
	_ =	sdelay $0x3  }
0x19f: {  	[tilespmem:v3+s23+$0x0] =	vst.idx.msk $0xffff, v2  }
0x1a0: {  	v3 =	vor.u32 v18, v1;
	v2 =	vld.idx.msk [tilespmem:v4+s5+$0x0], $0xffff  }
0x1a1: {  	v4 =	vor.u32 s1, v19;
	_ =	sdelay $0x3  }
0x1a2: {  	[tilespmem:v3+s23+$0x0] =	vst.idx.msk $0xffff, v2  }
0x1a3: {  	v3 =	vor.u32 v20, v1;
	v2 =	vld.idx.msk [tilespmem:v4+s5+$0x0], $0xffff  }
0x1a4: {  	v4 =	vor.u32 s1, v21;
	_ =	sdelay $0x3  }
0x1a5: {  	[tilespmem:v3+s23+$0x0] =	vst.idx.msk $0xffff, v2  }
0x1a6: {  	v3 =	vor.u32 v22, v1;
	v2 =	vld.idx.msk [tilespmem:v4+s5+$0x0], $0xffff  }
0x1a7: {  	v4 =	vor.u32 s1, v23;
	_ =	sdelay $0x3  }
0x1a8: {  	[tilespmem:v3+s23+$0x0] =	vst.idx.msk $0xffff, v2  }
0x1a9: {  	v3 =	vor.u32 v24, v1;
	v2 =	vld.idx.msk [tilespmem:v4+s5+$0x0], $0xffff  }
0x1aa: {  	v4 =	vor.u32 s1, v25;
	_ =	sdelay $0x3  }
0x1ab: {  	[tilespmem:v3+s23+$0x0] =	vst.idx.msk $0xffff, v2  }
0x1ac: {  	v3 =	vor.u32 v26, v1;
	v2 =	vld.idx.msk [tilespmem:v4+s5+$0x0], $0xffff  }
0x1ad: {  	v4 =	vor.u32 s1, v27;
	_ =	sdelay $0x3  }
0x1ae: {  	[tilespmem:v3+s23+$0x0] =	vst.idx.msk $0xffff, v2  }
0x1af: {  	v3 =	vor.u32 v28, v1;
	v2 =	vld.idx.msk [tilespmem:v4+s5+$0x0], $0xffff  }
0x1b0: {  	v4 =	vor.u32 s1, v29;
	_ =	sdelay $0x3  }
0x1b1: {  	[tilespmem:v3+s23+$0x0] =	vst.idx.msk $0xffff, v2  }
0x1b2: {  	v3 =	vor.u32 v31, v1;
	v2 =	vld.idx.msk [tilespmem:v4+s5+$0x0], $0xffff  }
0x1b3: {  	v4 =	vor.u32 s1, v32;
	_ =	sdelay $0x3  }
0x1b4: {  	[tilespmem:v3+s23+$0x0] =	vst.idx.msk $0xffff, v2  }
0x1b5: {  	v3 =	vor.u32 v34, v1;
	v2 =	vld.idx.msk [tilespmem:v4+s5+$0x0], $0xffff  }
0x1b6: {  	v4 =	vor.u32 s1, v39;
	_ =	sdelay $0x3  }
0x1b7: {  	[tilespmem:v3+s23+$0x0] =	vst.idx.msk $0xffff, v2  }
0x1b8: {  	v3 =	vor.u32 v44, v1;
	v2 =	vld.idx.msk [tilespmem:v4+s5+$0x0], $0xffff  }
0x1b9: {  	v4 =	vor.u32 s1, v49;
	_ =	sdelay $0x3  }
0x1ba: {  	[tilespmem:v3+s23+$0x0] =	vst.idx.msk $0xffff, v2  }
0x1bb: {  	v3 =	vor.u32 v35, v1;
	v2 =	vld.idx.msk [tilespmem:v4+s5+$0x0], $0xffff  }
0x1bc: {  	v4 =	vor.u32 s1, v46;
	_ =	sdelay $0x3  }
0x1bd: {  	[tilespmem:v3+s23+$0x0] =	vst.idx.msk $0xffff, v2  }
0x1be: {  	v3 =	vor.u32 v38, v1;
	v2 =	vld.idx.msk [tilespmem:v4+s5+$0x0], $0xffff  }
0x1bf: {  	v4 =	vor.u32 s1, v54;
	_ =	sdelay $0x3  }
0x1c0: {  	[tilespmem:v3+s23+$0x0] =	vst.idx.msk $0xffff, v2  }
0x1c1: {  	v3 =	vor.u32 v50, v1;
	v2 =	vld.idx.msk [tilespmem:v4+s5+$0x0], $0xffff;
	_ =	sdelay $0x4  }
0x1c2: {  	v4 =	vor.u32 s1, v55;
	[tilespmem:v3+s23+$0x0] =	vst.idx.msk $0xffff, v2;
	v3 =	vld [tilespmem:$0x1FBA0];
	_ =	sdelay $0x4  }
0x1c3: {  	v2 =	vld.idx.msk [tilespmem:v4+s5+$0x0], $0xffff;
	v3 =	vor.u32 v3, v1;
	_ =	sdelay $0x4  }
0x1c4: {  	v4 =	vor.u32 s1, v56;
	[tilespmem:v3+s23+$0x0] =	vst.idx.msk $0xffff, v2;
	v3 =	vld [tilespmem:$0x1FBB0];
	_ =	sdelay $0x4  }
0x1c5: {  	v2 =	vld.idx.msk [tilespmem:v4+s5+$0x0], $0xffff;
	v3 =	vor.u32 v3, v1  }
0x1c6: {  	v4 =	vor.u32 s1, v57;
	_ =	sdelay $0x3  }
0x1c7: {  	[tilespmem:v3+s23+$0x0] =	vst.idx.msk $0xffff, v2  }
0x1c8: {  	v2 =	vld.idx.msk [tilespmem:v4+s5+$0x0], $0xffff  }
0x1c9: {  	v4 =	vld [tilespmem:$0x1FCC0];
	_ =	sdelay $0x3  }
0x1ca: {  	v3 =	vor.u32 v62, v1  }
0x1cb: {  	v4 =	vor.u32 s1, v4;
	_ =	sdelay $0x3  }
0x1cc: {  	[tilespmem:v3+s23+$0x0] =	vst.idx.msk $0xffff, v2  }
0x1cd: {  	v2 =	vld.idx.msk [tilespmem:v4+s5+$0x0], $0xffff  }
0x1ce: {  	v4 =	vld [tilespmem:$0x1FF70];
	_ =	sdelay $0x3  }
0x1cf: {  	v3 =	vor.u32 v30, v1  }
0x1d0: {  	v4 =	vor.u32 s1, v4;
	_ =	sdelay $0x3  }
0x1d1: {  	[tilespmem:v3+s23+$0x0] =	vst.idx.msk $0xffff, v2  }
0x1d2: {  	v3 =	vor.u32 v51, v1;
	v2 =	vld.idx.msk [tilespmem:v4+s5+$0x0], $0xffff  }
0x1d3: {  	v4 =	vor.u32 s1, v45;
	_ =	sdelay $0x3  }
0x1d4: {  	[tilespmem:v3+s23+$0x0] =	vst.idx.msk $0xffff, v2  }
0x1d5: {  	v3 =	vor.u32 v53, v1;
	v2 =	vld.idx.msk [tilespmem:v4+s5+$0x0], $0xffff  }
0x1d6: {  	v4 =	vor.u32 s1, v61;
	_ =	sdelay $0x3  }
0x1d7: {  	[tilespmem:v3+s23+$0x0] =	vst.idx.msk $0xffff, v2  }
0x1d8: {  	v3 =	vor.u32 v47, v1;
	v2 =	vld.idx.msk [tilespmem:v4+s5+$0x0], $0xffff  }
0x1d9: {  	v4 =	vor.u32 s1, v59;
	_ =	sdelay $0x3  }
0x1da: {  	[tilespmem:v3+s23+$0x0] =	vst.idx.msk $0xffff, v2  }
0x1db: {  	v3 =	vor.u32 v48, v1;
	v2 =	vld.idx.msk [tilespmem:v4+s5+$0x0], $0xffff  }
0x1dc: {  	v4 =	vor.u32 s1, v60;
	_ =	sdelay $0x3  }
0x1dd: {  	[tilespmem:v3+s23+$0x0] =	vst.idx.msk $0xffff, v2  }
0x1de: {  	v3 =	vor.u32 v40, v1;
	v2 =	vld.idx.msk [tilespmem:v4+s5+$0x0], $0xffff  }
0x1df: {  	v4 =	vor.u32 s1, v33;
	_ =	sdelay $0x3  }
0x1e0: {  	[tilespmem:v3+s23+$0x0] =	vst.idx.msk $0xffff, v2  }
0x1e1: {  	v3 =	vor.u32 v41, v1;
	v2 =	vld.idx.msk [tilespmem:v4+s5+$0x0], $0xffff  }
0x1e2: {  	v4 =	vor.u32 s1, v43;
	_ =	sdelay $0x3  }
0x1e3: {  	[tilespmem:v3+s23+$0x0] =	vst.idx.msk $0xffff, v2  }
0x1e4: {  	v3 =	vor.u32 v37, v1;
	v2 =	vld.idx.msk [tilespmem:v4+s5+$0x0], $0xffff  }
0x1e5: {  	v4 =	vor.u32 s1, v42;
	_ =	sdelay $0x3  }
0x1e6: {  	[tilespmem:v3+s23+$0x0] =	vst.idx.msk $0xffff, v2  }
0x1e7: {  	v3 =	vor.u32 v58, v1;
	v2 =	vld.idx.msk [tilespmem:v4+s5+$0x0], $0xffff  }
0x1e8: {  	v4 =	vor.u32 s1, v15;
	_ =	sdelay $0x3  }
0x1e9: {  	[tilespmem:v3+s23+$0x0] =	vst.idx.msk $0xffff, v2  }
0x1ea: {  	v3 =	vor.u32 v52, v1;
	v2 =	vld.idx.msk [tilespmem:v4+s5+$0x0], $0xffff  }
0x1eb: {  	p2 =	sne.s32 s15, $0x70;
	v4 =	vor.u32 s1, v36  }
.Ltmp4:
0x1ec: {  	_ = 	snop;
	(pc) =	sbr.rel @p2 .LBB2_3-.Ltmp4, $3  }
0x1ed: {  	_ =	sdelay $0x1  }
0x1ee: {  	s1 =	smov.u32 s15;
	[tilespmem:v3+s23+$0x0] =	vst.idx.msk $0xffff, v2  }
0x1ef: {  	v1 =	vor.u32 v0, v1;
	s15 =	sadd.s32 $0x10, s15;
	v3 =	vor.u32 s1, v6;
	v2 =	vld.idx.msk [tilespmem:v4+s5+$0x0], $0xffff  }
0x1f0: {  	_ =	sdelay $0x2  }
0x1f1: {  	v4 =	vmov s1  }
0x1f2: {  	v4 =	vshll.u32 v4, $0x5;
	[tilespmem:v1+s23+$0x0] =	vst.idx.msk $0xffff, v2  }
0x1f3: {  	v1 =	vor.u32 v5, v4;
	v2 =	vld.idx.msk [tilespmem:v3+s5+$0x0], $0xffff;
	v3 =	vlaneseq.u32  }
0x1f4: {  	v3 =	vor.u32 v3, v1  }
0x1f5: {  	v4 =	vor.u32 s1, v7;
	_ =	sdelay $0x3  }
0x1f6: {  	[tilespmem:v3+s23+$0x0] =	vst.idx.msk $0xffff, v2  }
0x1f7: {  	v3 =	vor.u32 v8, v1;
	v2 =	vld.idx.msk [tilespmem:v4+s5+$0x0], $0xffff  }
0x1f8: {  	v4 =	vor.u32 s1, v9;
	_ =	sdelay $0x3  }
0x1f9: {  	[tilespmem:v3+s23+$0x0] =	vst.idx.msk $0xffff, v2  }
0x1fa: {  	v3 =	vor.u32 v10, v1;
	v2 =	vld.idx.msk [tilespmem:v4+s5+$0x0], $0xffff  }
0x1fb: {  	v4 =	vor.u32 s1, v11;
	_ =	sdelay $0x3  }
0x1fc: {  	[tilespmem:v3+s23+$0x0] =	vst.idx.msk $0xffff, v2  }
0x1fd: {  	v3 =	vor.u32 v12, v1;
	v2 =	vld.idx.msk [tilespmem:v4+s5+$0x0], $0xffff  }
0x1fe: {  	v4 =	vor.u32 s1, v13;
	_ =	sdelay $0x3  }
0x1ff: {  	[tilespmem:v3+s23+$0x0] =	vst.idx.msk $0xffff, v2  }
0x200: {  	v3 =	vor.u32 v14, v1;
	v2 =	vld.idx.msk [tilespmem:v4+s5+$0x0], $0xffff  }
0x201: {  	v4 =	vor.u32 s1, v63;
	_ =	sdelay $0x3  }
0x202: {  	[tilespmem:v3+s23+$0x0] =	vst.idx.msk $0xffff, v2  }
0x203: {  	v3 =	vor.u32 v16, v1;
	v2 =	vld.idx.msk [tilespmem:v4+s5+$0x0], $0xffff  }
0x204: {  	v4 =	vor.u32 s1, v17;
	_ =	sdelay $0x3  }
0x205: {  	[tilespmem:v3+s23+$0x0] =	vst.idx.msk $0xffff, v2  }
0x206: {  	v3 =	vor.u32 v18, v1;
	v2 =	vld.idx.msk [tilespmem:v4+s5+$0x0], $0xffff  }
0x207: {  	v4 =	vor.u32 s1, v19;
	_ =	sdelay $0x3  }
0x208: {  	[tilespmem:v3+s23+$0x0] =	vst.idx.msk $0xffff, v2  }
0x209: {  	v3 =	vor.u32 v20, v1;
	v2 =	vld.idx.msk [tilespmem:v4+s5+$0x0], $0xffff  }
0x20a: {  	v4 =	vor.u32 s1, v21;
	_ =	sdelay $0x3  }
0x20b: {  	[tilespmem:v3+s23+$0x0] =	vst.idx.msk $0xffff, v2  }
0x20c: {  	v3 =	vor.u32 v22, v1;
	v2 =	vld.idx.msk [tilespmem:v4+s5+$0x0], $0xffff  }
0x20d: {  	v4 =	vor.u32 s1, v23;
	_ =	sdelay $0x3  }
0x20e: {  	[tilespmem:v3+s23+$0x0] =	vst.idx.msk $0xffff, v2  }
0x20f: {  	v3 =	vor.u32 v24, v1;
	v2 =	vld.idx.msk [tilespmem:v4+s5+$0x0], $0xffff  }
0x210: {  	v4 =	vor.u32 s1, v25;
	_ =	sdelay $0x3  }
0x211: {  	[tilespmem:v3+s23+$0x0] =	vst.idx.msk $0xffff, v2  }
0x212: {  	v3 =	vor.u32 v26, v1;
	v2 =	vld.idx.msk [tilespmem:v4+s5+$0x0], $0xffff  }
0x213: {  	v4 =	vor.u32 s1, v27;
	_ =	sdelay $0x3  }
0x214: {  	[tilespmem:v3+s23+$0x0] =	vst.idx.msk $0xffff, v2  }
0x215: {  	v3 =	vor.u32 v28, v1;
	v2 =	vld.idx.msk [tilespmem:v4+s5+$0x0], $0xffff  }
0x216: {  	v4 =	vor.u32 s1, v29;
	_ =	sdelay $0x3  }
0x217: {  	[tilespmem:v3+s23+$0x0] =	vst.idx.msk $0xffff, v2  }
0x218: {  	v3 =	vor.u32 v31, v1;
	v2 =	vld.idx.msk [tilespmem:v4+s5+$0x0], $0xffff  }
0x219: {  	v4 =	vor.u32 s1, v32;
	_ =	sdelay $0x3  }
0x21a: {  	[tilespmem:v3+s23+$0x0] =	vst.idx.msk $0xffff, v2  }
0x21b: {  	v3 =	vor.u32 v34, v1;
	v2 =	vld.idx.msk [tilespmem:v4+s5+$0x0], $0xffff  }
0x21c: {  	v4 =	vor.u32 s1, v39;
	_ =	sdelay $0x3  }
0x21d: {  	[tilespmem:v3+s23+$0x0] =	vst.idx.msk $0xffff, v2  }
0x21e: {  	v3 =	vor.u32 v44, v1;
	v2 =	vld.idx.msk [tilespmem:v4+s5+$0x0], $0xffff  }
0x21f: {  	v4 =	vor.u32 s1, v49;
	_ =	sdelay $0x3  }
0x220: {  	[tilespmem:v3+s23+$0x0] =	vst.idx.msk $0xffff, v2  }
0x221: {  	v3 =	vor.u32 v35, v1;
	v2 =	vld.idx.msk [tilespmem:v4+s5+$0x0], $0xffff  }
0x222: {  	v4 =	vor.u32 s1, v46;
	_ =	sdelay $0x3  }
0x223: {  	[tilespmem:v3+s23+$0x0] =	vst.idx.msk $0xffff, v2  }
0x224: {  	v3 =	vor.u32 v38, v1;
	v2 =	vld.idx.msk [tilespmem:v4+s5+$0x0], $0xffff  }
0x225: {  	v4 =	vor.u32 s1, v54;
	_ =	sdelay $0x3  }
0x226: {  	[tilespmem:v3+s23+$0x0] =	vst.idx.msk $0xffff, v2  }
0x227: {  	v3 =	vor.u32 v50, v1;
	v2 =	vld.idx.msk [tilespmem:v4+s5+$0x0], $0xffff;
	_ =	sdelay $0x4  }
0x228: {  	v4 =	vor.u32 s1, v55;
	[tilespmem:v3+s23+$0x0] =	vst.idx.msk $0xffff, v2;
	v3 =	vld [tilespmem:$0x1FBA0];
	_ =	sdelay $0x4  }
0x229: {  	v2 =	vld.idx.msk [tilespmem:v4+s5+$0x0], $0xffff;
	v3 =	vor.u32 v3, v1  }
0x22a: {  	v46 =	vld [tilespmem:$0x1FBB0];
	v4 =	vor.u32 s1, v56;
	_ =	sdelay $0x3  }
0x22b: {  	[tilespmem:v3+s23+$0x0] =	vst.idx.msk $0xffff, v2  }
0x22c: {  	v3 =	vor.u32 v46, v1;
	v2 =	vld.idx.msk [tilespmem:v4+s5+$0x0], $0xffff  }
0x22d: {  	v4 =	vor.u32 s1, v57;
	_ =	sdelay $0x3  }
0x22e: {  	[tilespmem:v3+s23+$0x0] =	vst.idx.msk $0xffff, v2  }
0x22f: {  	v2 =	vld.idx.msk [tilespmem:v4+s5+$0x0], $0xffff  }
0x230: {  	v4 =	vld [tilespmem:$0x1FCC0];
	_ =	sdelay $0x3  }
0x231: {  	v3 =	vor.u32 v62, v1  }
0x232: {  	v4 =	vor.u32 s1, v4  }
0x233: {  	v63 =	vld [tilespmem:$0x1FF70];
	_ =	sdelay $0x2  }
0x234: {  	[tilespmem:v3+s23+$0x0] =	vst.idx.msk $0xffff, v2  }
0x235: {  	v3 =	vor.u32 v30, v1;
	v2 =	vld.idx.msk [tilespmem:v4+s5+$0x0], $0xffff  }
0x236: {  	v4 =	vor.u32 s1, v63;
	_ =	sdelay $0x3  }
0x237: {  	[tilespmem:v3+s23+$0x0] =	vst.idx.msk $0xffff, v2  }
0x238: {  	v3 =	vor.u32 v51, v1;
	v2 =	vld.idx.msk [tilespmem:v4+s5+$0x0], $0xffff  }
0x239: {  	v4 =	vor.u32 s1, v45;
	_ =	sdelay $0x3  }
0x23a: {  	[tilespmem:v3+s23+$0x0] =	vst.idx.msk $0xffff, v2  }
0x23b: {  	v3 =	vor.u32 v53, v1;
	v2 =	vld.idx.msk [tilespmem:v4+s5+$0x0], $0xffff  }
0x23c: {  	v4 =	vor.u32 s1, v61;
	_ =	sdelay $0x3  }
0x23d: {  	[tilespmem:v3+s23+$0x0] =	vst.idx.msk $0xffff, v2  }
0x23e: {  	v3 =	vor.u32 v47, v1;
	v2 =	vld.idx.msk [tilespmem:v4+s5+$0x0], $0xffff  }
0x23f: {  	v4 =	vor.u32 s1, v59;
	_ =	sdelay $0x3  }
0x240: {  	[tilespmem:v3+s23+$0x0] =	vst.idx.msk $0xffff, v2  }
0x241: {  	v3 =	vor.u32 v48, v1;
	v2 =	vld.idx.msk [tilespmem:v4+s5+$0x0], $0xffff  }
0x242: {  	v4 =	vor.u32 s1, v60;
	_ =	sdelay $0x3  }
0x243: {  	[tilespmem:v3+s23+$0x0] =	vst.idx.msk $0xffff, v2  }
0x244: {  	v3 =	vor.u32 v40, v1;
	v2 =	vld.idx.msk [tilespmem:v4+s5+$0x0], $0xffff  }
0x245: {  	v4 =	vor.u32 s1, v33;
	_ =	sdelay $0x3  }
0x246: {  	[tilespmem:v3+s23+$0x0] =	vst.idx.msk $0xffff, v2  }
0x247: {  	v3 =	vor.u32 v41, v1;
	v2 =	vld.idx.msk [tilespmem:v4+s5+$0x0], $0xffff  }
0x248: {  	v4 =	vor.u32 s1, v43;
	_ =	sdelay $0x3  }
0x249: {  	[tilespmem:v3+s23+$0x0] =	vst.idx.msk $0xffff, v2  }
0x24a: {  	v3 =	vor.u32 v37, v1;
	v2 =	vld.idx.msk [tilespmem:v4+s5+$0x0], $0xffff  }
0x24b: {  	v4 =	vor.u32 s1, v42;
	_ =	sdelay $0x3  }
0x24c: {  	[tilespmem:v3+s23+$0x0] =	vst.idx.msk $0xffff, v2  }
0x24d: {  	v3 =	vor.u32 v58, v1;
	v2 =	vld.idx.msk [tilespmem:v4+s5+$0x0], $0xffff  }
0x24e: {  	v4 =	vor.u32 s1, v15;
	_ =	sdelay $0x3  }
0x24f: {  	[tilespmem:v3+s23+$0x0] =	vst.idx.msk $0xffff, v2  }
0x250: {  	v3 =	vor.u32 v52, v1;
	v2 =	vld.idx.msk [tilespmem:v4+s5+$0x0], $0xffff  }
0x251: {  	v4 =	vor.u32 s1, v36;
	_ =	sdelay $0x3  }
0x252: {  	[tilespmem:v3+s23+$0x0] =	vst.idx.msk $0xffff, v2  }
0x253: {  	v1 =	vor.u32 v0, v1;
	v2 =	vld.idx.msk [tilespmem:v4+s5+$0x0], $0xffff;
	_ =	sdelay $0x3  }
0x254: {  	s15 =	sshll.u32 s2, $0x9  }
0x255: {  	s1 =	sadd.s32 s8, s15;
	[tilespmem:v1+s23+$0x0] =	vst.idx.msk $0xffff, v2  }
0x256: {  	[hbm4b:s1+s5] =	stream.linear.scatter [tilespmem:s23], [sflag:$0x4], $0x1000, $0x38;
	[tilespmem:$0x6000] =	vst v63  }
0x257: {  	s1 =	sadd.s32 s11, s3  }
0x258: {  	p2 =	sgt.u32 s1, $0x1E83  }
0x259: {  	s1 =	sshll.u32 @!p2 s1, $0x7;
	s2 =	simm.s32 @!p2 $0x400  }
0x25a: {  	s15 =	simm.s32 @!p2 $0x7A1400;
	s9 =	simm.s32 @!p2 $0x0;
	s1 =	sadd.s32 @!p2 s0, s1  }
0x25b: {  	[tilespmem:s9], [sflag:$0x1] =	stream.strided.gather @!p2 [hbm4b:s1+s2], $0x1000, s15, s2, $0x38;
	[tilespmem:$0x6000] =	vst v63  }
0x25c: {  	s2 =	sadd.s32 s12, s3  }
0x25d: {  	v50 =	vmov v62;
	p2 =	sgt.u32 s2, $0x1E83  }
.Ltmp5:
0x25e: {  	[tilespmem:$0x1FB50] =	vst v47;
	(pc) =	sbr.rel @p2 .LBB2_8-.Ltmp5, $4  }
0x25f: {  	[tilespmem:$0x1FB60] =	vst v41;
	v11 =	vmov v12;
	v13 =	vmov v14;
	v24 =	vmov v25;
	v62 =	vld [tilespmem:$0x1FBA0]  }
0x260: {  	[tilespmem:$0x1FB70] =	vst v52;
	v26 =	vmovc v27;
	v32 =	vmovc v56;
	v38 =	vmov v30;
	v12 =	vmov v50;
	v50 =	vmov v51;
	v45 =	vld [tilespmem:$0x1FCF0]  }
0x261: {  	[tilespmem:$0x1FB80] =	vst v36;
	v46 =	vmovc v53;
	v53 =	vmovc v58;
	v47 =	vmov v18;
	v52 =	vld [tilespmem:$0x1FFE0];
	v36 =	vmov v33;
	v33 =	vmov v42  }
0x262: {  	[tilespmem:$0x1FB90] =	vst v0;
	v42 =	vmovc v48;
	v48 =	vmovc v40;
	v4 =	vmov v7;
	v7 =	vld [tilespmem:$0x1FCE0];
	v2 =	vmov v6;
	v6 =	vmov v20  }
0x263: {  	_ =	swait.ge [sflag:s24], $0x1000;
	s1 =	simm.s32 $0x0  }
0x264: {  	[sflag:s24] =	ssyncset.done $0x0;
	v1 =	vor.u32 s1, v2  }
0x265: {  	s9 =	simm.s32 @!p1 $0x5;
	[sflag:s24] =	ssyncadd.s32 $0xFFFFF000  }
0x266: {  	v2 =	vmov s1;
	_ =	swait.ge @!p1 [sflag:s9], $0x1000  }
0x267: {  	v2 =	vshll.u32 v2, $0x5;
	[sflag:s9] =	ssyncset.done @!p1 $0x0  }
0x268: {  	v0 =	vlaneseq.u32;
	v3 =	vor.u32 v5, v2;
	[sflag:s9] =	ssyncadd.s32 @!p1 $0xFFFFF000  }
0x269: {  	v2 =	vor.u32 v0, v3;
	v1 =	vld.idx.msk [tilespmem:v1+s20+$0x0], $0xffff  }
0x26a: {  	v10 =	vmov v4;
	v4 =	vor.u32 s1, v4;
	v8 =	vld [tilespmem:$0x1FDD0]  }
0x26b: {  	v43 =	vld [tilespmem:$0x1FBD0];
	_ =	sdelay $0x2  }
0x26c: {  	[tilespmem:v2+s25+$0x0] =	vst.idx.msk $0xffff, v1  }
0x26d: {  	v2 =	vor.u32 v8, v3;
	v1 =	vld.idx.msk [tilespmem:v4+s20+$0x0], $0xffff  }
0x26e: {  	v18 =	vld [tilespmem:$0x1FBE0];
	v4 =	vor.u32 s1, v43  }
0x26f: {  	v19 =	vmov v11;
	v11 =	vld [tilespmem:$0x1FDE0];
	_ =	sdelay $0x2  }
0x270: {  	[tilespmem:v2+s25+$0x0] =	vst.idx.msk $0xffff, v1  }
0x271: {  	v2 =	vor.u32 v18, v3;
	v1 =	vld.idx.msk [tilespmem:v4+s20+$0x0], $0xffff  }
0x272: {  	v4 =	vor.u32 s1, v11  }
0x273: {  	v20 =	vmov v13;
	v13 =	vld [tilespmem:$0x1FDF0];
	_ =	sdelay $0x2  }
0x274: {  	[tilespmem:v2+s25+$0x0] =	vst.idx.msk $0xffff, v1  }
0x275: {  	v2 =	vor.u32 v19, v3;
	v1 =	vld.idx.msk [tilespmem:v4+s20+$0x0], $0xffff  }
0x276: {  	v4 =	vor.u32 s1, v13  }
0x277: {  	v15 =	vld [tilespmem:$0x1FE00];
	_ =	sdelay $0x2  }
0x278: {  	[tilespmem:v2+s25+$0x0] =	vst.idx.msk $0xffff, v1  }
0x279: {  	v2 =	vor.u32 v20, v3;
	v1 =	vld.idx.msk [tilespmem:v4+s20+$0x0], $0xffff  }
0x27a: {  	v21 =	vld [tilespmem:$0x1FBF0];
	v17 =	vmovc v18;
	v18 =	vmovc v19;
	v19 =	vmov v20;
	v20 =	vmov v47;
	v4 =	vor.u32 s1, v15  }
0x27b: {  	v22 =	vmov v20;
	v20 =	vld [tilespmem:$0x1FE10];
	_ =	sdelay $0x2  }
0x27c: {  	[tilespmem:v2+s25+$0x0] =	vst.idx.msk $0xffff, v1  }
0x27d: {  	v2 =	vor.u32 v21, v3;
	v1 =	vld.idx.msk [tilespmem:v4+s20+$0x0], $0xffff  }
0x27e: {  	v4 =	vor.u32 s1, v20  }
0x27f: {  	v25 =	vld [tilespmem:$0x1FE30];
	_ =	sdelay $0x2  }
0x280: {  	[tilespmem:v2+s25+$0x0] =	vst.idx.msk $0xffff, v1  }
0x281: {  	v2 =	vor.u32 v22, v3;
	v1 =	vld.idx.msk [tilespmem:v4+s20+$0x0], $0xffff  }
0x282: {  	v4 =	vor.u32 s1, v25  }
0x283: {  	v27 =	vld [tilespmem:$0x1FE20];
	_ =	sdelay $0x2  }
0x284: {  	[tilespmem:v2+s25+$0x0] =	vst.idx.msk $0xffff, v1  }
0x285: {  	v2 =	vor.u32 v6, v3;
	v1 =	vld.idx.msk [tilespmem:v4+s20+$0x0], $0xffff  }
0x286: {  	v47 =	vmov v21;
	v21 =	vmov v22;
	v22 =	vld [tilespmem:$0x1FE40];
	v4 =	vor.u32 s1, v27;
	_ =	sdelay $0x3  }
0x287: {  	[tilespmem:v2+s25+$0x0] =	vst.idx.msk $0xffff, v1  }
0x288: {  	v2 =	vor.u32 v22, v3;
	v1 =	vld.idx.msk [tilespmem:v4+s20+$0x0], $0xffff  }
0x289: {  	v59 =	vld [tilespmem:$0x1FE50];
	v4 =	vor.u32 s1, v23;
	_ =	sdelay $0x3  }
0x28a: {  	[tilespmem:v2+s25+$0x0] =	vst.idx.msk $0xffff, v1  }
0x28b: {  	v2 =	vor.u32 v59, v3;
	v1 =	vld.idx.msk [tilespmem:v4+s20+$0x0], $0xffff  }
0x28c: {  	v58 =	vld [tilespmem:$0x1FC00];
	v4 =	vor.u32 s1, v24;
	_ =	sdelay $0x3  }
0x28d: {  	[tilespmem:v2+s25+$0x0] =	vst.idx.msk $0xffff, v1  }
0x28e: {  	v2 =	vor.u32 v58, v3;
	v1 =	vld.idx.msk [tilespmem:v4+s20+$0x0], $0xffff  }
0x28f: {  	v34 =	vld [tilespmem:$0x1FE80];
	v4 =	vor.u32 s1, v26  }
0x290: {  	v31 =	vld [tilespmem:$0x1FE70];
	_ =	sdelay $0x2  }
0x291: {  	[tilespmem:v2+s25+$0x0] =	vst.idx.msk $0xffff, v1  }
0x292: {  	v2 =	vor.u32 v34, v3;
	v1 =	vld.idx.msk [tilespmem:v4+s20+$0x0], $0xffff  }
0x293: {  	v49 =	vld [tilespmem:$0x1FE90];
	v4 =	vor.u32 s1, v31  }
0x294: {  	v28 =	vld [tilespmem:$0x1FE60];
	_ =	sdelay $0x2  }
0x295: {  	[tilespmem:v2+s25+$0x0] =	vst.idx.msk $0xffff, v1  }
0x296: {  	v2 =	vor.u32 v49, v3;
	v1 =	vld.idx.msk [tilespmem:v4+s20+$0x0], $0xffff  }
0x297: {  	v54 =	vld [tilespmem:$0x1FEA0];
	v4 =	vor.u32 s1, v28;
	_ =	sdelay $0x3  }
0x298: {  	[tilespmem:v2+s25+$0x0] =	vst.idx.msk $0xffff, v1  }
0x299: {  	v2 =	vor.u32 v54, v3;
	v1 =	vld.idx.msk [tilespmem:v4+s20+$0x0], $0xffff  }
0x29a: {  	v55 =	vld [tilespmem:$0x1FEB0];
	v4 =	vor.u32 s1, v39  }
0x29b: {  	v56 =	vld [tilespmem:$0x1FEC0];
	_ =	sdelay $0x2  }
0x29c: {  	[tilespmem:v2+s25+$0x0] =	vst.idx.msk $0xffff, v1  }
0x29d: {  	v2 =	vor.u32 v55, v3;
	v1 =	vld.idx.msk [tilespmem:v4+s20+$0x0], $0xffff  }
0x29e: {  	v4 =	vor.u32 s1, v56;
	_ =	sdelay $0x3  }
0x29f: {  	v0 =	vmov v7;
	[tilespmem:v2+s25+$0x0] =	vst.idx.msk $0xffff, v1  }
0x2a0: {  	v2 =	vor.u32 v0, v3;
	v1 =	vld.idx.msk [tilespmem:v4+s20+$0x0], $0xffff  }
0x2a1: {  	v4 =	vor.u32 s1, v45  }
0x2a2: {  	v7 =	vmov v6;
	v6 =	vmov v57;
	v57 =	vld [tilespmem:$0x1FED0];
	_ =	sdelay $0x2  }
0x2a3: {  	[tilespmem:v2+s25+$0x0] =	vst.idx.msk $0xffff, v1  }
0x2a4: {  	v2 =	vor.u32 v52, v3;
	v1 =	vld.idx.msk [tilespmem:v4+s20+$0x0], $0xffff  }
0x2a5: {  	v41 =	vmov v52;
	v52 =	vld [tilespmem:$0x1FD60];
	v4 =	vor.u32 s1, v57  }
0x2a6: {  	v0 =	vmov v32;
	v32 =	vld [tilespmem:$0x1FEE0];
	_ =	sdelay $0x2  }
0x2a7: {  	[tilespmem:v2+s25+$0x0] =	vst.idx.msk $0xffff, v1  }
0x2a8: {  	v2 =	vor.u32 v52, v3;
	v1 =	vld.idx.msk [tilespmem:v4+s20+$0x0], $0xffff  }
0x2a9: {  	v4 =	vor.u32 s1, v32;
	_ =	sdelay $0x3  }
0x2aa: {  	[tilespmem:v2+s25+$0x0] =	vst.idx.msk $0xffff, v1  }
0x2ab: {  	v2 =	vor.u32 v62, v3;
	v1 =	vld.idx.msk [tilespmem:v4+s20+$0x0], $0xffff  }
0x2ac: {  	v51 =	vld [tilespmem:$0x1FBB0];
	v4 =	vor.u32 s1, v0;
	_ =	sdelay $0x3  }
0x2ad: {  	[tilespmem:v2+s25+$0x0] =	vst.idx.msk $0xffff, v1  }
0x2ae: {  	v2 =	vor.u32 v51, v3;
	v1 =	vld.idx.msk [tilespmem:v4+s20+$0x0], $0xffff  }
0x2af: {  	v4 =	vor.u32 s1, v6  }
0x2b0: {  	v29 =	vld [tilespmem:$0x1FCC0];
	_ =	sdelay $0x2  }
0x2b1: {  	[tilespmem:v2+s25+$0x0] =	vst.idx.msk $0xffff, v1  }
0x2b2: {  	v2 =	vor.u32 v12, v3;
	v1 =	vld.idx.msk [tilespmem:v4+s20+$0x0], $0xffff  }
0x2b3: {  	v4 =	vor.u32 s1, v29;
	_ =	sdelay $0x3  }
0x2b4: {  	[tilespmem:v2+s25+$0x0] =	vst.idx.msk $0xffff, v1  }
0x2b5: {  	v44 =	vmov v63;
	v2 =	vor.u32 v38, v3;
	v1 =	vld.idx.msk [tilespmem:v4+s20+$0x0], $0xffff  }
0x2b6: {  	v4 =	vor.u32 s1, v44  }
0x2b7: {  	v14 =	vmov v5;
	v5 =	vmov v42;
	v42 =	vmov v60;
	v60 =	vld [tilespmem:$0x1FEF0];
	_ =	sdelay $0x2  }
0x2b8: {  	[tilespmem:v2+s25+$0x0] =	vst.idx.msk $0xffff, v1  }
0x2b9: {  	v2 =	vor.u32 v50, v3;
	v1 =	vld.idx.msk [tilespmem:v4+s20+$0x0], $0xffff  }
0x2ba: {  	v4 =	vor.u32 s1, v60  }
0x2bb: {  	v61 =	vld [tilespmem:$0x1FF00];
	_ =	sdelay $0x2  }
0x2bc: {  	[tilespmem:v2+s25+$0x0] =	vst.idx.msk $0xffff, v1  }
0x2bd: {  	v2 =	vor.u32 v46, v3;
	v1 =	vld.idx.msk [tilespmem:v4+s20+$0x0], $0xffff  }
0x2be: {  	v30 =	vmov v50;
	v50 =	vld [tilespmem:$0x1FB50];
	v4 =	vor.u32 s1, v61  }
0x2bf: {  	v35 =	vmov v44;
	v44 =	vld [tilespmem:$0x1FF10];
	_ =	sdelay $0x2  }
0x2c0: {  	[tilespmem:v2+s25+$0x0] =	vst.idx.msk $0xffff, v1  }
0x2c1: {  	v2 =	vor.u32 v50, v3;
	v1 =	vld.idx.msk [tilespmem:v4+s20+$0x0], $0xffff  }
0x2c2: {  	v4 =	vor.u32 s1, v44;
	_ =	sdelay $0x3  }
0x2c3: {  	[tilespmem:v2+s25+$0x0] =	vst.idx.msk $0xffff, v1  }
0x2c4: {  	v2 =	vor.u32 v5, v3;
	v1 =	vld.idx.msk [tilespmem:v4+s20+$0x0], $0xffff  }
0x2c5: {  	v4 =	vor.u32 s1, v42;
	_ =	sdelay $0x3  }
0x2c6: {  	v0 =	vmovc v53;
	v53 =	vmov v46;
	v46 =	vmov v36;
	v36 =	vmov v48;
	[tilespmem:v2+s25+$0x0] =	vst.idx.msk $0xffff, v1  }
0x2c7: {  	v2 =	vor.u32 v36, v3;
	v1 =	vld.idx.msk [tilespmem:v4+s20+$0x0], $0xffff  }
0x2c8: {  	v48 =	vld [tilespmem:$0x1FB60];
	v4 =	vor.u32 s1, v46  }
0x2c9: {  	v9 =	vmov v33;
	v33 =	vld [tilespmem:$0x1FF40];
	_ =	sdelay $0x2  }
0x2ca: {  	[tilespmem:v2+s25+$0x0] =	vst.idx.msk $0xffff, v1  }
0x2cb: {  	v2 =	vor.u32 v48, v3;
	v1 =	vld.idx.msk [tilespmem:v4+s20+$0x0], $0xffff  }
0x2cc: {  	v4 =	vor.u32 s1, v33;
	_ =	sdelay $0x3  }
0x2cd: {  	v40 =	vmov v45;
	v45 =	vmov v37;
	[tilespmem:v2+s25+$0x0] =	vst.idx.msk $0xffff, v1  }
0x2ce: {  	v2 =	vor.u32 v45, v3;
	v1 =	vld.idx.msk [tilespmem:v4+s20+$0x0], $0xffff  }
0x2cf: {  	v4 =	vor.u32 s1, v9  }
0x2d0: {  	v16 =	vmov v36;
	v36 =	vmov v46;
	v46 =	vld [tilespmem:$0x1FF60];
	_ =	sdelay $0x2  }
0x2d1: {  	[tilespmem:v2+s25+$0x0] =	vst.idx.msk $0xffff, v1  }
0x2d2: {  	v2 =	vor.u32 v0, v3;
	v1 =	vld.idx.msk [tilespmem:v4+s20+$0x0], $0xffff  }
0x2d3: {  	v9 =	vld [tilespmem:$0x1FB70];
	v4 =	vor.u32 s1, v46;
	_ =	sdelay $0x2  }
0x2d4: {  	v63 =	vmov v29;
	v29 =	vmov v42;
	v42 =	vld [tilespmem:$0x1FB80]  }
0x2d5: {  	v6 =	vmov v40;
	v40 =	vmov v48;
	v48 =	vld [tilespmem:$0x1FB90];
	[tilespmem:v2+s25+$0x0] =	vst.idx.msk $0xffff, v1  }
0x2d6: {  	v2 =	vor.u32 v9, v3;
	v1 =	vld.idx.msk [tilespmem:v4+s20+$0x0], $0xffff;
	_ =	sdelay $0x4  }
0x2d7: {  	v4 =	vor.u32 s1, v42;
	[tilespmem:v2+s25+$0x0] =	vst.idx.msk $0xffff, v1;
	v1 =	vor.u32 v48, v3;
	v3 =	vld [tilespmem:$0x1FF80];
	_ =	sdelay $0x3  }
0x2d8: {  	v37 =	vmovc v5;
	v5 =	vmovc v52;
	v52 =	vmov v45;
	v45 =	vmov v0;
	v0 =	vmov v12;
	v12 =	vld [tilespmem:$0x1FCE0];
	s1 =	simm.s32 $0x10  }
0x2d9: {  	s15 =	simm.s32 $0x20;
	v2 =	vld.idx.msk [tilespmem:v4+s20+$0x0], $0xffff;
	v3 =	vor.u32 s1, v3  }
.LBB2_6:
0x2da: {  	_ =	sdelay $0x2  }
0x2db: {  	v4 =	vmov s1  }
0x2dc: {  	v4 =	vshll.u32 v4, $0x5;
	[tilespmem:v1+s25+$0x0] =	vst.idx.msk $0xffff, v2  }
0x2dd: {  	v1 =	vor.u32 v14, v4;
	v2 =	vld.idx.msk [tilespmem:v3+s20+$0x0], $0xffff;
	v3 =	vlaneseq.u32  }
0x2de: {  	v3 =	vor.u32 v3, v1  }
0x2df: {  	v4 =	vor.u32 s1, v10;
	_ =	sdelay $0x3  }
0x2e0: {  	[tilespmem:v3+s25+$0x0] =	vst.idx.msk $0xffff, v2  }
0x2e1: {  	v3 =	vor.u32 v8, v1;
	v2 =	vld.idx.msk [tilespmem:v4+s20+$0x0], $0xffff  }
0x2e2: {  	v4 =	vor.u32 s1, v43;
	_ =	sdelay $0x3  }
0x2e3: {  	[tilespmem:v3+s25+$0x0] =	vst.idx.msk $0xffff, v2  }
0x2e4: {  	v3 =	vor.u32 v17, v1;
	v2 =	vld.idx.msk [tilespmem:v4+s20+$0x0], $0xffff  }
0x2e5: {  	v4 =	vor.u32 s1, v11;
	_ =	sdelay $0x3  }
0x2e6: {  	[tilespmem:v3+s25+$0x0] =	vst.idx.msk $0xffff, v2  }
0x2e7: {  	v3 =	vor.u32 v18, v1;
	v2 =	vld.idx.msk [tilespmem:v4+s20+$0x0], $0xffff  }
0x2e8: {  	v4 =	vor.u32 s1, v13;
	_ =	sdelay $0x3  }
0x2e9: {  	[tilespmem:v3+s25+$0x0] =	vst.idx.msk $0xffff, v2  }
0x2ea: {  	v3 =	vor.u32 v19, v1;
	v2 =	vld.idx.msk [tilespmem:v4+s20+$0x0], $0xffff  }
0x2eb: {  	v4 =	vor.u32 s1, v15;
	_ =	sdelay $0x3  }
0x2ec: {  	[tilespmem:v3+s25+$0x0] =	vst.idx.msk $0xffff, v2  }
0x2ed: {  	v3 =	vor.u32 v47, v1;
	v2 =	vld.idx.msk [tilespmem:v4+s20+$0x0], $0xffff  }
0x2ee: {  	v4 =	vor.u32 s1, v20;
	_ =	sdelay $0x3  }
0x2ef: {  	[tilespmem:v3+s25+$0x0] =	vst.idx.msk $0xffff, v2  }
0x2f0: {  	v3 =	vor.u32 v21, v1;
	v2 =	vld.idx.msk [tilespmem:v4+s20+$0x0], $0xffff  }
0x2f1: {  	v4 =	vor.u32 s1, v25;
	_ =	sdelay $0x3  }
0x2f2: {  	[tilespmem:v3+s25+$0x0] =	vst.idx.msk $0xffff, v2  }
0x2f3: {  	v3 =	vor.u32 v7, v1;
	v2 =	vld.idx.msk [tilespmem:v4+s20+$0x0], $0xffff  }
0x2f4: {  	v4 =	vor.u32 s1, v27;
	_ =	sdelay $0x3  }
0x2f5: {  	[tilespmem:v3+s25+$0x0] =	vst.idx.msk $0xffff, v2  }
0x2f6: {  	v3 =	vor.u32 v22, v1;
	v2 =	vld.idx.msk [tilespmem:v4+s20+$0x0], $0xffff  }
0x2f7: {  	v4 =	vor.u32 s1, v23;
	_ =	sdelay $0x3  }
0x2f8: {  	[tilespmem:v3+s25+$0x0] =	vst.idx.msk $0xffff, v2  }
0x2f9: {  	v3 =	vor.u32 v59, v1;
	v2 =	vld.idx.msk [tilespmem:v4+s20+$0x0], $0xffff  }
0x2fa: {  	v4 =	vor.u32 s1, v24;
	_ =	sdelay $0x3  }
0x2fb: {  	[tilespmem:v3+s25+$0x0] =	vst.idx.msk $0xffff, v2  }
0x2fc: {  	v3 =	vor.u32 v58, v1;
	v2 =	vld.idx.msk [tilespmem:v4+s20+$0x0], $0xffff  }
0x2fd: {  	v4 =	vor.u32 s1, v26;
	_ =	sdelay $0x3  }
0x2fe: {  	[tilespmem:v3+s25+$0x0] =	vst.idx.msk $0xffff, v2  }
0x2ff: {  	v3 =	vor.u32 v34, v1;
	v2 =	vld.idx.msk [tilespmem:v4+s20+$0x0], $0xffff  }
0x300: {  	v4 =	vor.u32 s1, v31;
	_ =	sdelay $0x3  }
0x301: {  	[tilespmem:v3+s25+$0x0] =	vst.idx.msk $0xffff, v2  }
0x302: {  	v3 =	vor.u32 v49, v1;
	v2 =	vld.idx.msk [tilespmem:v4+s20+$0x0], $0xffff  }
0x303: {  	v4 =	vor.u32 s1, v28;
	_ =	sdelay $0x3  }
0x304: {  	[tilespmem:v3+s25+$0x0] =	vst.idx.msk $0xffff, v2  }
0x305: {  	v3 =	vor.u32 v54, v1;
	v2 =	vld.idx.msk [tilespmem:v4+s20+$0x0], $0xffff  }
0x306: {  	v4 =	vor.u32 s1, v39;
	_ =	sdelay $0x3  }
0x307: {  	[tilespmem:v3+s25+$0x0] =	vst.idx.msk $0xffff, v2  }
0x308: {  	v3 =	vor.u32 v55, v1;
	v2 =	vld.idx.msk [tilespmem:v4+s20+$0x0], $0xffff  }
0x309: {  	v4 =	vor.u32 s1, v56;
	_ =	sdelay $0x3  }
0x30a: {  	[tilespmem:v3+s25+$0x0] =	vst.idx.msk $0xffff, v2  }
0x30b: {  	v3 =	vor.u32 v12, v1;
	v2 =	vld.idx.msk [tilespmem:v4+s20+$0x0], $0xffff  }
0x30c: {  	v4 =	vor.u32 s1, v6;
	_ =	sdelay $0x3  }
0x30d: {  	[tilespmem:v3+s25+$0x0] =	vst.idx.msk $0xffff, v2  }
0x30e: {  	v3 =	vor.u32 v41, v1;
	v2 =	vld.idx.msk [tilespmem:v4+s20+$0x0], $0xffff  }
0x30f: {  	v4 =	vor.u32 s1, v57;
	_ =	sdelay $0x3  }
0x310: {  	[tilespmem:v3+s25+$0x0] =	vst.idx.msk $0xffff, v2  }
0x311: {  	v3 =	vor.u32 v5, v1;
	v2 =	vld.idx.msk [tilespmem:v4+s20+$0x0], $0xffff  }
0x312: {  	v4 =	vor.u32 s1, v32;
	_ =	sdelay $0x3  }
0x313: {  	[tilespmem:v3+s25+$0x0] =	vst.idx.msk $0xffff, v2  }
0x314: {  	v2 =	vld.idx.msk [tilespmem:v4+s20+$0x0], $0xffff  }
0x315: {  	v4 =	vld [tilespmem:$0x1FC30];
	_ =	sdelay $0x3  }
0x316: {  	v3 =	vor.u32 v62, v1  }
0x317: {  	v4 =	vor.u32 s1, v4;
	_ =	sdelay $0x3  }
0x318: {  	[tilespmem:v3+s25+$0x0] =	vst.idx.msk $0xffff, v2  }
0x319: {  	v2 =	vld.idx.msk [tilespmem:v4+s20+$0x0], $0xffff  }
0x31a: {  	v4 =	vld [tilespmem:$0x1FF90];
	_ =	sdelay $0x3  }
0x31b: {  	v3 =	vor.u32 v51, v1  }
0x31c: {  	v4 =	vor.u32 s1, v4;
	_ =	sdelay $0x3  }
0x31d: {  	[tilespmem:v3+s25+$0x0] =	vst.idx.msk $0xffff, v2  }
0x31e: {  	v3 =	vor.u32 v0, v1;
	v2 =	vld.idx.msk [tilespmem:v4+s20+$0x0], $0xffff  }
0x31f: {  	v4 =	vor.u32 s1, v63;
	_ =	sdelay $0x3  }
0x320: {  	[tilespmem:v3+s25+$0x0] =	vst.idx.msk $0xffff, v2  }
0x321: {  	v3 =	vor.u32 v38, v1;
	v2 =	vld.idx.msk [tilespmem:v4+s20+$0x0], $0xffff  }
0x322: {  	v4 =	vor.u32 s1, v35;
	_ =	sdelay $0x3  }
0x323: {  	[tilespmem:v3+s25+$0x0] =	vst.idx.msk $0xffff, v2  }
0x324: {  	v3 =	vor.u32 v30, v1;
	v2 =	vld.idx.msk [tilespmem:v4+s20+$0x0], $0xffff  }
0x325: {  	v4 =	vor.u32 s1, v60;
	_ =	sdelay $0x3  }
0x326: {  	[tilespmem:v3+s25+$0x0] =	vst.idx.msk $0xffff, v2  }
0x327: {  	v3 =	vor.u32 v53, v1;
	v2 =	vld.idx.msk [tilespmem:v4+s20+$0x0], $0xffff  }
0x328: {  	v4 =	vor.u32 s1, v61;
	_ =	sdelay $0x3  }
0x329: {  	[tilespmem:v3+s25+$0x0] =	vst.idx.msk $0xffff, v2  }
0x32a: {  	v3 =	vor.u32 v50, v1;
	v2 =	vld.idx.msk [tilespmem:v4+s20+$0x0], $0xffff  }
0x32b: {  	v4 =	vor.u32 s1, v44;
	_ =	sdelay $0x3  }
0x32c: {  	[tilespmem:v3+s25+$0x0] =	vst.idx.msk $0xffff, v2  }
0x32d: {  	v3 =	vor.u32 v37, v1;
	v2 =	vld.idx.msk [tilespmem:v4+s20+$0x0], $0xffff  }
0x32e: {  	v4 =	vor.u32 s1, v29;
	_ =	sdelay $0x3  }
0x32f: {  	[tilespmem:v3+s25+$0x0] =	vst.idx.msk $0xffff, v2  }
0x330: {  	v3 =	vor.u32 v16, v1;
	v2 =	vld.idx.msk [tilespmem:v4+s20+$0x0], $0xffff  }
0x331: {  	v4 =	vor.u32 s1, v36;
	_ =	sdelay $0x3  }
0x332: {  	[tilespmem:v3+s25+$0x0] =	vst.idx.msk $0xffff, v2  }
0x333: {  	v3 =	vor.u32 v40, v1;
	v2 =	vld.idx.msk [tilespmem:v4+s20+$0x0], $0xffff  }
0x334: {  	v4 =	vor.u32 s1, v33;
	_ =	sdelay $0x3  }
0x335: {  	[tilespmem:v3+s25+$0x0] =	vst.idx.msk $0xffff, v2  }
0x336: {  	v2 =	vld.idx.msk [tilespmem:v4+s20+$0x0], $0xffff  }
0x337: {  	v4 =	vld [tilespmem:$0x1FF50];
	_ =	sdelay $0x3  }
0x338: {  	v3 =	vor.u32 v52, v1  }
0x339: {  	v4 =	vor.u32 s1, v4;
	_ =	sdelay $0x3  }
0x33a: {  	[tilespmem:v3+s25+$0x0] =	vst.idx.msk $0xffff, v2  }
0x33b: {  	v3 =	vor.u32 v45, v1;
	v2 =	vld.idx.msk [tilespmem:v4+s20+$0x0], $0xffff  }
0x33c: {  	v4 =	vor.u32 s1, v46;
	_ =	sdelay $0x3  }
0x33d: {  	[tilespmem:v3+s25+$0x0] =	vst.idx.msk $0xffff, v2  }
0x33e: {  	v3 =	vor.u32 v9, v1;
	v2 =	vld.idx.msk [tilespmem:v4+s20+$0x0], $0xffff;
	_ =	sdelay $0x4  }
0x33f: {  	p2 =	sne.s32 s15, $0x70;
	v4 =	vor.u32 s1, v42;
	[tilespmem:v3+s25+$0x0] =	vst.idx.msk $0xffff, v2;
	v3 =	vld [tilespmem:$0x1FF80]  }
.Ltmp6:
0x340: {  	_ = 	snop;
	(pc) =	sbr.rel @p2 .LBB2_6-.Ltmp6, $3  }
0x341: {  	_ =	sdelay $0x1  }
0x342: {  	s1 =	smov.u32 s15  }
0x343: {  	v1 =	vor.u32 v48, v1;
	s15 =	sadd.s32 $0x10, s15;
	v2 =	vld.idx.msk [tilespmem:v4+s20+$0x0], $0xffff;
	v3 =	vor.u32 s1, v3  }
0x344: {  	_ =	sdelay $0x2  }
0x345: {  	v4 =	vmov s1  }
0x346: {  	v4 =	vshll.u32 v4, $0x5;
	[tilespmem:v1+s25+$0x0] =	vst.idx.msk $0xffff, v2  }
0x347: {  	v1 =	vor.u32 v14, v4;
	v2 =	vld.idx.msk [tilespmem:v3+s20+$0x0], $0xffff;
	v3 =	vlaneseq.u32  }
0x348: {  	v3 =	vor.u32 v3, v1  }
0x349: {  	v4 =	vor.u32 s1, v10;
	_ =	sdelay $0x3  }
0x34a: {  	[tilespmem:v3+s25+$0x0] =	vst.idx.msk $0xffff, v2  }
0x34b: {  	v3 =	vor.u32 v8, v1;
	v2 =	vld.idx.msk [tilespmem:v4+s20+$0x0], $0xffff  }
0x34c: {  	v4 =	vor.u32 s1, v43;
	_ =	sdelay $0x3  }
0x34d: {  	[tilespmem:v3+s25+$0x0] =	vst.idx.msk $0xffff, v2  }
0x34e: {  	v3 =	vor.u32 v17, v1;
	v2 =	vld.idx.msk [tilespmem:v4+s20+$0x0], $0xffff  }
0x34f: {  	v4 =	vor.u32 s1, v11;
	_ =	sdelay $0x3  }
0x350: {  	[tilespmem:v3+s25+$0x0] =	vst.idx.msk $0xffff, v2  }
0x351: {  	v3 =	vor.u32 v18, v1;
	v2 =	vld.idx.msk [tilespmem:v4+s20+$0x0], $0xffff  }
0x352: {  	v4 =	vor.u32 s1, v13;
	_ =	sdelay $0x3  }
0x353: {  	[tilespmem:v3+s25+$0x0] =	vst.idx.msk $0xffff, v2  }
0x354: {  	v3 =	vor.u32 v19, v1;
	v2 =	vld.idx.msk [tilespmem:v4+s20+$0x0], $0xffff  }
0x355: {  	v4 =	vor.u32 s1, v15;
	_ =	sdelay $0x3  }
0x356: {  	[tilespmem:v3+s25+$0x0] =	vst.idx.msk $0xffff, v2  }
0x357: {  	v3 =	vor.u32 v47, v1;
	v2 =	vld.idx.msk [tilespmem:v4+s20+$0x0], $0xffff  }
0x358: {  	v4 =	vor.u32 s1, v20;
	_ =	sdelay $0x3  }
0x359: {  	[tilespmem:v3+s25+$0x0] =	vst.idx.msk $0xffff, v2  }
0x35a: {  	v3 =	vor.u32 v21, v1;
	v2 =	vld.idx.msk [tilespmem:v4+s20+$0x0], $0xffff  }
0x35b: {  	v4 =	vor.u32 s1, v25;
	_ =	sdelay $0x3  }
0x35c: {  	[tilespmem:v3+s25+$0x0] =	vst.idx.msk $0xffff, v2  }
0x35d: {  	v3 =	vor.u32 v7, v1;
	v2 =	vld.idx.msk [tilespmem:v4+s20+$0x0], $0xffff  }
0x35e: {  	v4 =	vor.u32 s1, v27;
	_ =	sdelay $0x3  }
0x35f: {  	[tilespmem:v3+s25+$0x0] =	vst.idx.msk $0xffff, v2  }
0x360: {  	v3 =	vor.u32 v22, v1;
	v2 =	vld.idx.msk [tilespmem:v4+s20+$0x0], $0xffff  }
0x361: {  	v4 =	vor.u32 s1, v23;
	_ =	sdelay $0x3  }
0x362: {  	[tilespmem:v3+s25+$0x0] =	vst.idx.msk $0xffff, v2  }
0x363: {  	v3 =	vor.u32 v59, v1;
	v2 =	vld.idx.msk [tilespmem:v4+s20+$0x0], $0xffff  }
0x364: {  	v4 =	vor.u32 s1, v24;
	_ =	sdelay $0x3  }
0x365: {  	[tilespmem:v3+s25+$0x0] =	vst.idx.msk $0xffff, v2  }
0x366: {  	v3 =	vor.u32 v58, v1;
	v2 =	vld.idx.msk [tilespmem:v4+s20+$0x0], $0xffff  }
0x367: {  	v4 =	vor.u32 s1, v26;
	_ =	sdelay $0x3  }
0x368: {  	[tilespmem:v3+s25+$0x0] =	vst.idx.msk $0xffff, v2  }
0x369: {  	v3 =	vor.u32 v34, v1;
	v2 =	vld.idx.msk [tilespmem:v4+s20+$0x0], $0xffff  }
0x36a: {  	v4 =	vor.u32 s1, v31;
	_ =	sdelay $0x3  }
0x36b: {  	[tilespmem:v3+s25+$0x0] =	vst.idx.msk $0xffff, v2  }
0x36c: {  	v3 =	vor.u32 v49, v1;
	v2 =	vld.idx.msk [tilespmem:v4+s20+$0x0], $0xffff  }
0x36d: {  	v4 =	vor.u32 s1, v28;
	_ =	sdelay $0x3  }
0x36e: {  	[tilespmem:v3+s25+$0x0] =	vst.idx.msk $0xffff, v2  }
0x36f: {  	v3 =	vor.u32 v54, v1;
	v2 =	vld.idx.msk [tilespmem:v4+s20+$0x0], $0xffff  }
0x370: {  	v4 =	vor.u32 s1, v39;
	_ =	sdelay $0x3  }
0x371: {  	[tilespmem:v3+s25+$0x0] =	vst.idx.msk $0xffff, v2  }
0x372: {  	v3 =	vor.u32 v55, v1;
	v2 =	vld.idx.msk [tilespmem:v4+s20+$0x0], $0xffff  }
0x373: {  	v4 =	vor.u32 s1, v56;
	_ =	sdelay $0x3  }
0x374: {  	[tilespmem:v3+s25+$0x0] =	vst.idx.msk $0xffff, v2  }
0x375: {  	v3 =	vor.u32 v12, v1;
	v2 =	vld.idx.msk [tilespmem:v4+s20+$0x0], $0xffff  }
0x376: {  	v4 =	vor.u32 s1, v6;
	_ =	sdelay $0x3  }
0x377: {  	[tilespmem:v3+s25+$0x0] =	vst.idx.msk $0xffff, v2  }
0x378: {  	v3 =	vor.u32 v41, v1;
	v2 =	vld.idx.msk [tilespmem:v4+s20+$0x0], $0xffff  }
0x379: {  	v4 =	vor.u32 s1, v57;
	_ =	sdelay $0x3  }
0x37a: {  	[tilespmem:v3+s25+$0x0] =	vst.idx.msk $0xffff, v2  }
0x37b: {  	v3 =	vor.u32 v5, v1;
	v2 =	vld.idx.msk [tilespmem:v4+s20+$0x0], $0xffff  }
0x37c: {  	v4 =	vor.u32 s1, v32  }
0x37d: {  	v32 =	vld [tilespmem:$0x1FC30];
	_ =	sdelay $0x2  }
0x37e: {  	[tilespmem:v3+s25+$0x0] =	vst.idx.msk $0xffff, v2  }
0x37f: {  	v3 =	vor.u32 v62, v1;
	v2 =	vld.idx.msk [tilespmem:v4+s20+$0x0], $0xffff  }
0x380: {  	v4 =	vor.u32 s1, v32  }
0x381: {  	v57 =	vld [tilespmem:$0x1FF90];
	_ =	sdelay $0x2  }
0x382: {  	[tilespmem:v3+s25+$0x0] =	vst.idx.msk $0xffff, v2  }
0x383: {  	v3 =	vor.u32 v51, v1;
	v2 =	vld.idx.msk [tilespmem:v4+s20+$0x0], $0xffff  }
0x384: {  	v4 =	vor.u32 s1, v57;
	_ =	sdelay $0x3  }
0x385: {  	[tilespmem:v3+s25+$0x0] =	vst.idx.msk $0xffff, v2  }
0x386: {  	v3 =	vor.u32 v0, v1;
	v2 =	vld.idx.msk [tilespmem:v4+s20+$0x0], $0xffff  }
0x387: {  	v4 =	vor.u32 s1, v63;
	_ =	sdelay $0x3  }
0x388: {  	[tilespmem:v3+s25+$0x0] =	vst.idx.msk $0xffff, v2  }
0x389: {  	v3 =	vor.u32 v38, v1;
	v2 =	vld.idx.msk [tilespmem:v4+s20+$0x0], $0xffff  }
0x38a: {  	v4 =	vor.u32 s1, v35;
	_ =	sdelay $0x3  }
0x38b: {  	[tilespmem:v3+s25+$0x0] =	vst.idx.msk $0xffff, v2  }
0x38c: {  	v3 =	vor.u32 v30, v1;
	v2 =	vld.idx.msk [tilespmem:v4+s20+$0x0], $0xffff  }
0x38d: {  	v4 =	vor.u32 s1, v60;
	_ =	sdelay $0x3  }
0x38e: {  	[tilespmem:v3+s25+$0x0] =	vst.idx.msk $0xffff, v2  }
0x38f: {  	v3 =	vor.u32 v53, v1;
	v2 =	vld.idx.msk [tilespmem:v4+s20+$0x0], $0xffff  }
0x390: {  	v4 =	vor.u32 s1, v61;
	_ =	sdelay $0x3  }
0x391: {  	[tilespmem:v3+s25+$0x0] =	vst.idx.msk $0xffff, v2  }
0x392: {  	v3 =	vor.u32 v50, v1;
	v2 =	vld.idx.msk [tilespmem:v4+s20+$0x0], $0xffff  }
0x393: {  	v4 =	vor.u32 s1, v44;
	_ =	sdelay $0x3  }
0x394: {  	[tilespmem:v3+s25+$0x0] =	vst.idx.msk $0xffff, v2  }
0x395: {  	v3 =	vor.u32 v37, v1;
	v2 =	vld.idx.msk [tilespmem:v4+s20+$0x0], $0xffff  }
0x396: {  	v4 =	vor.u32 s1, v29;
	_ =	sdelay $0x3  }
0x397: {  	[tilespmem:v3+s25+$0x0] =	vst.idx.msk $0xffff, v2  }
0x398: {  	v3 =	vor.u32 v16, v1;
	v2 =	vld.idx.msk [tilespmem:v4+s20+$0x0], $0xffff  }
0x399: {  	v4 =	vor.u32 s1, v36;
	_ =	sdelay $0x3  }
0x39a: {  	[tilespmem:v3+s25+$0x0] =	vst.idx.msk $0xffff, v2  }
0x39b: {  	v3 =	vor.u32 v40, v1;
	v2 =	vld.idx.msk [tilespmem:v4+s20+$0x0], $0xffff  }
0x39c: {  	v4 =	vor.u32 s1, v33  }
0x39d: {  	v58 =	vld [tilespmem:$0x1FF50];
	_ =	sdelay $0x2  }
0x39e: {  	[tilespmem:v3+s25+$0x0] =	vst.idx.msk $0xffff, v2  }
0x39f: {  	v3 =	vor.u32 v52, v1;
	v2 =	vld.idx.msk [tilespmem:v4+s20+$0x0], $0xffff  }
0x3a0: {  	v4 =	vor.u32 s1, v58;
	_ =	sdelay $0x3  }
0x3a1: {  	[tilespmem:v3+s25+$0x0] =	vst.idx.msk $0xffff, v2  }
0x3a2: {  	v3 =	vor.u32 v45, v1;
	v2 =	vld.idx.msk [tilespmem:v4+s20+$0x0], $0xffff  }
0x3a3: {  	v4 =	vor.u32 s1, v46;
	_ =	sdelay $0x3  }
0x3a4: {  	[tilespmem:v3+s25+$0x0] =	vst.idx.msk $0xffff, v2  }
0x3a5: {  	v3 =	vor.u32 v9, v1;
	v2 =	vld.idx.msk [tilespmem:v4+s20+$0x0], $0xffff  }
0x3a6: {  	v4 =	vor.u32 s1, v42;
	_ =	sdelay $0x3  }
0x3a7: {  	[tilespmem:v3+s25+$0x0] =	vst.idx.msk $0xffff, v2  }
0x3a8: {  	v1 =	vor.u32 v48, v1;
	v2 =	vld.idx.msk [tilespmem:v4+s20+$0x0], $0xffff;
	_ =	sdelay $0x2  }
0x3a9: {  	v11 =	vmov v18;
	v13 =	vmov v19;
	v47 =	vmov v21  }
0x3aa: {  	s15 =	sshll.u32 s2, $0x9;
	v59 =	vmovc v7;
	v7 =	vmovc v12;
	v56 =	vmov v53;
	v12 =	vmov v0;
	v63 =	vmov v35  }
0x3ab: {  	v5 =	vld [tilespmem:$0x1FBC0];
	v53 =	vmovc v45;
	v50 =	vmovc v30;
	v45 =	vmov v6;
	v6 =	vmov v59;
	v46 =	vmov v56;
	s1 =	sadd.s32 s8, s15;
	[tilespmem:v1+s25+$0x0] =	vst.idx.msk $0xffff, v2  }
0x3ac: {  	v48 =	vmovc v16;
	v42 =	vmovc v37;
	v37 =	vmov v52;
	v52 =	vmov v41;
	v4 =	vmov v10;
	v2 =	vld [tilespmem:$0x1FF80];
	[hbm4b:s1+s5] =	stream.linear.scatter [tilespmem:s25], [sflag:$0x5], $0x1000, $0x38  }
.LBB2_8:
0x3ad: {  	s1 =	sadd.s32 s13, s3  }
0x3ae: {  	p2 =	sgt.u32 s1, $0x1E83  }
0x3af: {  	s1 =	sshll.u32 @!p2 s1, $0x7;
	s2 =	simm.s32 @!p2 $0x400  }
0x3b0: {  	s9 =	simm.s32 @!p2 $0x7A1400;
	s15 =	simm.s32 @!p2 $0x1000;
	s1 =	sadd.s32 @!p2 s0, s1  }
0x3b1: {  	[tilespmem:s15], [sflag:$0x2] =	stream.strided.gather @!p2 [hbm4b:s1+s2], $0x1000, s9, s2, $0x38;
	[tilespmem:$0x6000] =	vst v63  }
0x3b2: {  	s2 =	sadd.s32 s14, s3  }
0x3b3: {  	p2 =	sgt.u32 s2, $0x1E83  }
.Ltmp7:
0x3b4: {  	_ = 	snop;
	(pc) =	sbr.rel @p2 .LBB2_12-.Ltmp7, $1  }
0x3b5: {  	_ =	sdelay $0x3  }
0x3b6: {  	_ =	swait.ge [sflag:s26], $0x1000;
	s1 =	simm.s32 $0x0  }
0x3b7: {  	[sflag:s26] =	ssyncset.done $0x0;
	v1 =	vor.u32 s1, v2  }
0x3b8: {  	s9 =	simm.s32 @!p1 $0x6;
	[sflag:s26] =	ssyncadd.s32 $0xFFFFF000  }
0x3b9: {  	v2 =	vmov s1;
	_ =	swait.ge @!p1 [sflag:s9], $0x1000  }
0x3ba: {  	v2 =	vshll.u32 v2, $0x5;
	[sflag:s9] =	ssyncset.done @!p1 $0x0  }
0x3bb: {  	v0 =	vlaneseq.u32;
	v3 =	vor.u32 v5, v2;
	[sflag:s9] =	ssyncadd.s32 @!p1 $0xFFFFF000  }
0x3bc: {  	v2 =	vor.u32 v0, v3;
	v1 =	vld.idx.msk [tilespmem:v1+s21+$0x0], $0xffff  }
0x3bd: {  	v44 =	vmov v4;
	v4 =	vor.u32 s1, v4;
	v8 =	vld [tilespmem:$0x1FDD0]  }
0x3be: {  	v9 =	vld [tilespmem:$0x1FBD0];
	_ =	sdelay $0x2  }
0x3bf: {  	[tilespmem:v2+s28+$0x0] =	vst.idx.msk $0xffff, v1  }
0x3c0: {  	v2 =	vor.u32 v8, v3;
	v1 =	vld.idx.msk [tilespmem:v4+s21+$0x0], $0xffff  }
0x3c1: {  	v14 =	vld [tilespmem:$0x1FBE0];
	v4 =	vor.u32 s1, v9  }
0x3c2: {  	v17 =	vmov v11;
	v11 =	vld [tilespmem:$0x1FDE0];
	_ =	sdelay $0x2  }
0x3c3: {  	[tilespmem:v2+s28+$0x0] =	vst.idx.msk $0xffff, v1  }
0x3c4: {  	v2 =	vor.u32 v14, v3;
	v1 =	vld.idx.msk [tilespmem:v4+s21+$0x0], $0xffff  }
0x3c5: {  	v4 =	vor.u32 s1, v11;
	_ =	sdelay $0x3  }
0x3c6: {  	v15 =	vmov v13;
	v13 =	vld [tilespmem:$0x1FDF0];
	[tilespmem:v2+s28+$0x0] =	vst.idx.msk $0xffff, v1  }
0x3c7: {  	v2 =	vor.u32 v17, v3;
	v1 =	vld.idx.msk [tilespmem:v4+s21+$0x0], $0xffff;
	_ =	sdelay $0x3  }
0x3c8: {  	v4 =	vor.u32 s1, v13  }
0x3c9: {  	v20 =	vmov v15;
	[tilespmem:v2+s28+$0x0] =	vst.idx.msk $0xffff, v1;
	v2 =	vor.u32 v15, v3;
	v15 =	vld [tilespmem:$0x1FE00];
	_ =	sdelay $0x3  }
0x3ca: {  	v1 =	vld.idx.msk [tilespmem:v4+s21+$0x0], $0xffff  }
0x3cb: {  	v61 =	vld [tilespmem:$0x1FBF0];
	v4 =	vor.u32 s1, v15  }
0x3cc: {  	v0 =	vmovc v6;
	v6 =	vmov v12;
	v12 =	vmov v14;
	v14 =	vmov v17;
	v17 =	vld [tilespmem:$0x1FE10];
	_ =	sdelay $0x2  }
0x3cd: {  	[tilespmem:v2+s28+$0x0] =	vst.idx.msk $0xffff, v1  }
0x3ce: {  	v2 =	vor.u32 v61, v3;
	v1 =	vld.idx.msk [tilespmem:v4+s21+$0x0], $0xffff  }
0x3cf: {  	v4 =	vor.u32 s1, v17  }
0x3d0: {  	v19 =	vld [tilespmem:$0x1FE30];
	_ =	sdelay $0x2  }
0x3d1: {  	v18 =	vmov v47;
	[tilespmem:v2+s28+$0x0] =	vst.idx.msk $0xffff, v1  }
0x3d2: {  	v2 =	vor.u32 v18, v3;
	v1 =	vld.idx.msk [tilespmem:v4+s21+$0x0], $0xffff  }
0x3d3: {  	v4 =	vor.u32 s1, v19  }
0x3d4: {  	v21 =	vld [tilespmem:$0x1FE20];
	_ =	sdelay $0x2  }
0x3d5: {  	[tilespmem:v2+s28+$0x0] =	vst.idx.msk $0xffff, v1  }
0x3d6: {  	v2 =	vor.u32 v0, v3;
	v1 =	vld.idx.msk [tilespmem:v4+s21+$0x0], $0xffff  }
0x3d7: {  	v22 =	vld [tilespmem:$0x1FE40];
	v4 =	vor.u32 s1, v21;
	_ =	sdelay $0x3  }
0x3d8: {  	[tilespmem:v2+s28+$0x0] =	vst.idx.msk $0xffff, v1  }
0x3d9: {  	v2 =	vor.u32 v22, v3;
	v1 =	vld.idx.msk [tilespmem:v4+s21+$0x0], $0xffff  }
0x3da: {  	v4 =	vor.u32 s1, v23;
	_ =	sdelay $0x3  }
0x3db: {  	[tilespmem:v2+s28+$0x0] =	vst.idx.msk $0xffff, v1  }
0x3dc: {  	v1 =	vld.idx.msk [tilespmem:v4+s21+$0x0], $0xffff  }
0x3dd: {  	v4 =	vmov v24;
	v24 =	vld [tilespmem:$0x1FE50];
	_ =	sdelay $0x4  }
0x3de: {  	v2 =	vor.u32 v24, v3  }
0x3df: {  	v29 =	vmov v4;
	v4 =	vor.u32 s1, v4;
	_ =	sdelay $0x3  }
0x3e0: {  	[tilespmem:v2+s28+$0x0] =	vst.idx.msk $0xffff, v1  }
0x3e1: {  	v1 =	vld.idx.msk [tilespmem:v4+s21+$0x0], $0xffff  }
0x3e2: {  	v4 =	vmov v26;
	v26 =	vld [tilespmem:$0x1FC00];
	_ =	sdelay $0x4  }
0x3e3: {  	v2 =	vor.u32 v26, v3  }
0x3e4: {  	v34 =	vld [tilespmem:$0x1FE80];
	v59 =	vmov v4;
	v4 =	vor.u32 s1, v4  }
0x3e5: {  	v31 =	vld [tilespmem:$0x1FE70];
	_ =	sdelay $0x2  }
0x3e6: {  	[tilespmem:v2+s28+$0x0] =	vst.idx.msk $0xffff, v1  }
0x3e7: {  	v2 =	vor.u32 v34, v3;
	v1 =	vld.idx.msk [tilespmem:v4+s21+$0x0], $0xffff  }
0x3e8: {  	v49 =	vld [tilespmem:$0x1FE90];
	v4 =	vor.u32 s1, v31  }
0x3e9: {  	v28 =	vld [tilespmem:$0x1FE60];
	_ =	sdelay $0x2  }
0x3ea: {  	[tilespmem:v2+s28+$0x0] =	vst.idx.msk $0xffff, v1  }
0x3eb: {  	v2 =	vor.u32 v49, v3;
	v1 =	vld.idx.msk [tilespmem:v4+s21+$0x0], $0xffff  }
0x3ec: {  	v54 =	vld [tilespmem:$0x1FEA0];
	v4 =	vor.u32 s1, v28;
	_ =	sdelay $0x3  }
0x3ed: {  	[tilespmem:v2+s28+$0x0] =	vst.idx.msk $0xffff, v1  }
0x3ee: {  	v2 =	vor.u32 v54, v3;
	v1 =	vld.idx.msk [tilespmem:v4+s21+$0x0], $0xffff  }
0x3ef: {  	v55 =	vld [tilespmem:$0x1FEB0];
	v4 =	vor.u32 s1, v39  }
0x3f0: {  	v56 =	vld [tilespmem:$0x1FEC0];
	_ =	sdelay $0x2  }
0x3f1: {  	[tilespmem:v2+s28+$0x0] =	vst.idx.msk $0xffff, v1  }
0x3f2: {  	v2 =	vor.u32 v55, v3;
	v1 =	vld.idx.msk [tilespmem:v4+s21+$0x0], $0xffff  }
0x3f3: {  	v4 =	vor.u32 s1, v56;
	_ =	sdelay $0x3  }
0x3f4: {  	[tilespmem:v2+s28+$0x0] =	vst.idx.msk $0xffff, v1  }
0x3f5: {  	v2 =	vor.u32 v7, v3;
	v1 =	vld.idx.msk [tilespmem:v4+s21+$0x0], $0xffff  }
0x3f6: {  	v4 =	vor.u32 s1, v45  }
0x3f7: {  	v33 =	vmov v57;
	v57 =	vld [tilespmem:$0x1FED0];
	_ =	sdelay $0x2  }
0x3f8: {  	[tilespmem:v2+s28+$0x0] =	vst.idx.msk $0xffff, v1  }
0x3f9: {  	v2 =	vor.u32 v52, v3;
	v1 =	vld.idx.msk [tilespmem:v4+s21+$0x0], $0xffff  }
0x3fa: {  	v16 =	vmov v5;
	v5 =	vld [tilespmem:$0x1FD60];
	v4 =	vor.u32 s1, v57  }
0x3fb: {  	v0 =	vmov v32;
	v32 =	vld [tilespmem:$0x1FEE0];
	_ =	sdelay $0x2  }
0x3fc: {  	[tilespmem:v2+s28+$0x0] =	vst.idx.msk $0xffff, v1  }
0x3fd: {  	v2 =	vor.u32 v5, v3;
	v1 =	vld.idx.msk [tilespmem:v4+s21+$0x0], $0xffff  }
0x3fe: {  	v4 =	vor.u32 s1, v32;
	_ =	sdelay $0x3  }
0x3ff: {  	[tilespmem:v2+s28+$0x0] =	vst.idx.msk $0xffff, v1  }
0x400: {  	v2 =	vor.u32 v62, v3;
	v1 =	vld.idx.msk [tilespmem:v4+s21+$0x0], $0xffff  }
0x401: {  	v25 =	vmov v18;
	v18 =	vld [tilespmem:$0x1FBB0];
	v4 =	vor.u32 s1, v0;
	_ =	sdelay $0x3  }
0x402: {  	[tilespmem:v2+s28+$0x0] =	vst.idx.msk $0xffff, v1  }
0x403: {  	v2 =	vor.u32 v18, v3;
	v1 =	vld.idx.msk [tilespmem:v4+s21+$0x0], $0xffff  }
0x404: {  	v4 =	vor.u32 s1, v33  }
0x405: {  	v35 =	vld [tilespmem:$0x1FCC0];
	_ =	sdelay $0x2  }
0x406: {  	[tilespmem:v2+s28+$0x0] =	vst.idx.msk $0xffff, v1  }
0x407: {  	v2 =	vor.u32 v6, v3;
	v1 =	vld.idx.msk [tilespmem:v4+s21+$0x0], $0xffff  }
0x408: {  	v4 =	vor.u32 s1, v35;
	_ =	sdelay $0x3  }
0x409: {  	[tilespmem:v2+s28+$0x0] =	vst.idx.msk $0xffff, v1  }
0x40a: {  	v2 =	vor.u32 v38, v3;
	v1 =	vld.idx.msk [tilespmem:v4+s21+$0x0], $0xffff  }
0x40b: {  	v4 =	vor.u32 s1, v63  }
0x40c: {  	v60 =	vld [tilespmem:$0x1FEF0];
	_ =	sdelay $0x2  }
0x40d: {  	[tilespmem:v2+s28+$0x0] =	vst.idx.msk $0xffff, v1  }
0x40e: {  	v2 =	vor.u32 v50, v3;
	v1 =	vld.idx.msk [tilespmem:v4+s21+$0x0], $0xffff  }
0x40f: {  	v4 =	vor.u32 s1, v60  }
0x410: {  	v27 =	vmov v61;
	v61 =	vld [tilespmem:$0x1FF00];
	_ =	sdelay $0x2  }
0x411: {  	[tilespmem:v2+s28+$0x0] =	vst.idx.msk $0xffff, v1  }
0x412: {  	v2 =	vor.u32 v46, v3;
	v1 =	vld.idx.msk [tilespmem:v4+s21+$0x0], $0xffff  }
0x413: {  	v47 =	vld [tilespmem:$0x1FB50];
	v4 =	vor.u32 s1, v61;
	_ =	sdelay $0x3  }
0x414: {  	v51 =	vld [tilespmem:$0x1FF10];
	[tilespmem:v2+s28+$0x0] =	vst.idx.msk $0xffff, v1  }
0x415: {  	v2 =	vor.u32 v47, v3;
	v1 =	vld.idx.msk [tilespmem:v4+s21+$0x0], $0xffff;
	_ =	sdelay $0x3  }
0x416: {  	v43 =	vmov v63;
	v63 =	vmov v42;
	v4 =	vor.u32 s1, v51  }
0x417: {  	v36 =	vmovc v48;
	v48 =	vmov v45;
	v45 =	vmov v63;
	[tilespmem:v2+s28+$0x0] =	vst.idx.msk $0xffff, v1;
	v2 =	vor.u32 v63, v3;
	v63 =	vld [tilespmem:$0x1FF20];
	_ =	sdelay $0x3  }
0x418: {  	v1 =	vld.idx.msk [tilespmem:v4+s21+$0x0], $0xffff  }
0x419: {  	v4 =	vor.u32 s1, v63  }
0x41a: {  	v41 =	vld [tilespmem:$0x1FF30];
	_ =	sdelay $0x2  }
0x41b: {  	[tilespmem:v2+s28+$0x0] =	vst.idx.msk $0xffff, v1  }
0x41c: {  	v2 =	vor.u32 v36, v3;
	v1 =	vld.idx.msk [tilespmem:v4+s21+$0x0], $0xffff  }
0x41d: {  	v35 =	vld [tilespmem:$0x1FB60];
	v4 =	vor.u32 s1, v41  }
0x41e: {  	v23 =	vmov v33;
	v33 =	vld [tilespmem:$0x1FF40];
	_ =	sdelay $0x2  }
0x41f: {  	[tilespmem:v2+s28+$0x0] =	vst.idx.msk $0xffff, v1  }
0x420: {  	v2 =	vor.u32 v35, v3;
	v1 =	vld.idx.msk [tilespmem:v4+s21+$0x0], $0xffff  }
0x421: {  	v4 =	vor.u32 s1, v33  }
0x422: {  	v58 =	vmov v39;
	v39 =	vmov v37;
	v37 =	vmov v35;
	v35 =	vld [tilespmem:$0x1FF50];
	_ =	sdelay $0x2  }
0x423: {  	[tilespmem:v2+s28+$0x0] =	vst.idx.msk $0xffff, v1  }
0x424: {  	v2 =	vor.u32 v39, v3;
	v1 =	vld.idx.msk [tilespmem:v4+s21+$0x0], $0xffff  }
0x425: {  	v4 =	vor.u32 s1, v35  }
0x426: {  	v10 =	vmov v0;
	v0 =	vmov v6;
	v6 =	vld [tilespmem:$0x1FF60];
	_ =	sdelay $0x2  }
0x427: {  	v42 =	vmov v53;
	[tilespmem:v2+s28+$0x0] =	vst.idx.msk $0xffff, v1  }
0x428: {  	v2 =	vor.u32 v42, v3;
	v1 =	vld.idx.msk [tilespmem:v4+s21+$0x0], $0xffff  }
0x429: {  	v30 =	vmov v50;
	v50 =	vmov v36;
	v36 =	vld [tilespmem:$0x1FB70];
	v4 =	vor.u32 s1, v6;
	_ =	sdelay $0x2  }
0x42a: {  	v53 =	vmov v52;
	v52 =	vmov v39;
	v39 =	vld [tilespmem:$0x1FB90]  }
0x42b: {  	v40 =	vmov v42;
	v42 =	vld [tilespmem:$0x1FB80];
	[tilespmem:v2+s28+$0x0] =	vst.idx.msk $0xffff, v1  }
0x42c: {  	v2 =	vor.u32 v36, v3;
	v1 =	vld.idx.msk [tilespmem:v4+s21+$0x0], $0xffff;
	_ =	sdelay $0x4  }
0x42d: {  	v4 =	vor.u32 s1, v42;
	[tilespmem:v2+s28+$0x0] =	vst.idx.msk $0xffff, v1;
	v1 =	vor.u32 v39, v3;
	v3 =	vld [tilespmem:$0x1FF80];
	_ =	sdelay $0x3  }
0x42e: {  	s1 =	simm.s32 $0x10  }
0x42f: {  	s15 =	simm.s32 $0x20;
	v2 =	vld.idx.msk [tilespmem:v4+s21+$0x0], $0xffff;
	v3 =	vor.u32 s1, v3  }
.LBB2_10:
0x430: {  	_ =	sdelay $0x2  }
0x431: {  	v4 =	vmov s1  }
0x432: {  	v4 =	vshll.u32 v4, $0x5;
	[tilespmem:v1+s28+$0x0] =	vst.idx.msk $0xffff, v2  }
0x433: {  	v1 =	vor.u32 v16, v4;
	v2 =	vld.idx.msk [tilespmem:v3+s21+$0x0], $0xffff;
	v3 =	vlaneseq.u32  }
0x434: {  	v3 =	vor.u32 v3, v1  }
0x435: {  	v4 =	vor.u32 s1, v44;
	_ =	sdelay $0x3  }
0x436: {  	[tilespmem:v3+s28+$0x0] =	vst.idx.msk $0xffff, v2  }
0x437: {  	v3 =	vor.u32 v8, v1;
	v2 =	vld.idx.msk [tilespmem:v4+s21+$0x0], $0xffff  }
0x438: {  	v4 =	vor.u32 s1, v9;
	_ =	sdelay $0x3  }
0x439: {  	[tilespmem:v3+s28+$0x0] =	vst.idx.msk $0xffff, v2  }
0x43a: {  	v3 =	vor.u32 v12, v1;
	v2 =	vld.idx.msk [tilespmem:v4+s21+$0x0], $0xffff  }
0x43b: {  	v4 =	vor.u32 s1, v11;
	_ =	sdelay $0x3  }
0x43c: {  	[tilespmem:v3+s28+$0x0] =	vst.idx.msk $0xffff, v2  }
0x43d: {  	v3 =	vor.u32 v14, v1;
	v2 =	vld.idx.msk [tilespmem:v4+s21+$0x0], $0xffff  }
0x43e: {  	v4 =	vor.u32 s1, v13;
	_ =	sdelay $0x3  }
0x43f: {  	[tilespmem:v3+s28+$0x0] =	vst.idx.msk $0xffff, v2  }
0x440: {  	v3 =	vor.u32 v20, v1;
	v2 =	vld.idx.msk [tilespmem:v4+s21+$0x0], $0xffff  }
0x441: {  	v4 =	vor.u32 s1, v15;
	_ =	sdelay $0x3  }
0x442: {  	[tilespmem:v3+s28+$0x0] =	vst.idx.msk $0xffff, v2  }
0x443: {  	v3 =	vor.u32 v27, v1;
	v2 =	vld.idx.msk [tilespmem:v4+s21+$0x0], $0xffff  }
0x444: {  	v4 =	vor.u32 s1, v17;
	_ =	sdelay $0x3  }
0x445: {  	[tilespmem:v3+s28+$0x0] =	vst.idx.msk $0xffff, v2  }
0x446: {  	v3 =	vor.u32 v25, v1;
	v2 =	vld.idx.msk [tilespmem:v4+s21+$0x0], $0xffff;
	_ =	sdelay $0x4  }
0x447: {  	v4 =	vor.u32 s1, v19;
	[tilespmem:v3+s28+$0x0] =	vst.idx.msk $0xffff, v2;
	v3 =	vld [tilespmem:$0x1FFB0];
	_ =	sdelay $0x4  }
0x448: {  	v2 =	vld.idx.msk [tilespmem:v4+s21+$0x0], $0xffff;
	v3 =	vor.u32 v3, v1  }
0x449: {  	v4 =	vor.u32 s1, v21;
	_ =	sdelay $0x3  }
0x44a: {  	[tilespmem:v3+s28+$0x0] =	vst.idx.msk $0xffff, v2  }
0x44b: {  	v2 =	vld.idx.msk [tilespmem:v4+s21+$0x0], $0xffff  }
0x44c: {  	v4 =	vld [tilespmem:$0x1FFA0];
	_ =	sdelay $0x3  }
0x44d: {  	v3 =	vor.u32 v22, v1  }
0x44e: {  	v4 =	vor.u32 s1, v4;
	_ =	sdelay $0x3  }
0x44f: {  	[tilespmem:v3+s28+$0x0] =	vst.idx.msk $0xffff, v2  }
0x450: {  	v3 =	vor.u32 v24, v1;
	v2 =	vld.idx.msk [tilespmem:v4+s21+$0x0], $0xffff  }
0x451: {  	v4 =	vor.u32 s1, v29;
	_ =	sdelay $0x3  }
0x452: {  	[tilespmem:v3+s28+$0x0] =	vst.idx.msk $0xffff, v2  }
0x453: {  	v3 =	vor.u32 v26, v1;
	v2 =	vld.idx.msk [tilespmem:v4+s21+$0x0], $0xffff  }
0x454: {  	v4 =	vor.u32 s1, v59;
	_ =	sdelay $0x3  }
0x455: {  	[tilespmem:v3+s28+$0x0] =	vst.idx.msk $0xffff, v2  }
0x456: {  	v3 =	vor.u32 v34, v1;
	v2 =	vld.idx.msk [tilespmem:v4+s21+$0x0], $0xffff  }
0x457: {  	v4 =	vor.u32 s1, v31;
	_ =	sdelay $0x3  }
0x458: {  	[tilespmem:v3+s28+$0x0] =	vst.idx.msk $0xffff, v2  }
0x459: {  	v3 =	vor.u32 v49, v1;
	v2 =	vld.idx.msk [tilespmem:v4+s21+$0x0], $0xffff  }
0x45a: {  	v4 =	vor.u32 s1, v28;
	_ =	sdelay $0x3  }
0x45b: {  	[tilespmem:v3+s28+$0x0] =	vst.idx.msk $0xffff, v2  }
0x45c: {  	v3 =	vor.u32 v54, v1;
	v2 =	vld.idx.msk [tilespmem:v4+s21+$0x0], $0xffff  }
0x45d: {  	v4 =	vor.u32 s1, v58;
	_ =	sdelay $0x3  }
0x45e: {  	[tilespmem:v3+s28+$0x0] =	vst.idx.msk $0xffff, v2  }
0x45f: {  	v3 =	vor.u32 v55, v1;
	v2 =	vld.idx.msk [tilespmem:v4+s21+$0x0], $0xffff  }
0x460: {  	v4 =	vor.u32 s1, v56;
	_ =	sdelay $0x3  }
0x461: {  	[tilespmem:v3+s28+$0x0] =	vst.idx.msk $0xffff, v2  }
0x462: {  	v3 =	vor.u32 v7, v1;
	v2 =	vld.idx.msk [tilespmem:v4+s21+$0x0], $0xffff  }
0x463: {  	v4 =	vor.u32 s1, v48;
	_ =	sdelay $0x3  }
0x464: {  	[tilespmem:v3+s28+$0x0] =	vst.idx.msk $0xffff, v2  }
0x465: {  	v3 =	vor.u32 v53, v1;
	v2 =	vld.idx.msk [tilespmem:v4+s21+$0x0], $0xffff  }
0x466: {  	v4 =	vor.u32 s1, v57;
	_ =	sdelay $0x3  }
0x467: {  	[tilespmem:v3+s28+$0x0] =	vst.idx.msk $0xffff, v2  }
0x468: {  	v3 =	vor.u32 v5, v1;
	v2 =	vld.idx.msk [tilespmem:v4+s21+$0x0], $0xffff  }
0x469: {  	v4 =	vor.u32 s1, v32;
	_ =	sdelay $0x3  }
0x46a: {  	[tilespmem:v3+s28+$0x0] =	vst.idx.msk $0xffff, v2  }
0x46b: {  	v3 =	vor.u32 v62, v1;
	v2 =	vld.idx.msk [tilespmem:v4+s21+$0x0], $0xffff  }
0x46c: {  	v4 =	vor.u32 s1, v10;
	_ =	sdelay $0x3  }
0x46d: {  	[tilespmem:v3+s28+$0x0] =	vst.idx.msk $0xffff, v2  }
0x46e: {  	v3 =	vor.u32 v18, v1;
	v2 =	vld.idx.msk [tilespmem:v4+s21+$0x0], $0xffff  }
0x46f: {  	v4 =	vor.u32 s1, v23;
	_ =	sdelay $0x3  }
0x470: {  	[tilespmem:v3+s28+$0x0] =	vst.idx.msk $0xffff, v2  }
0x471: {  	v2 =	vld.idx.msk [tilespmem:v4+s21+$0x0], $0xffff  }
0x472: {  	v4 =	vld [tilespmem:$0x1FCC0];
	_ =	sdelay $0x3  }
0x473: {  	v3 =	vor.u32 v0, v1  }
0x474: {  	v4 =	vor.u32 s1, v4;
	_ =	sdelay $0x3  }
0x475: {  	[tilespmem:v3+s28+$0x0] =	vst.idx.msk $0xffff, v2  }
0x476: {  	v3 =	vor.u32 v38, v1;
	v2 =	vld.idx.msk [tilespmem:v4+s21+$0x0], $0xffff  }
0x477: {  	v4 =	vor.u32 s1, v43;
	_ =	sdelay $0x3  }
0x478: {  	[tilespmem:v3+s28+$0x0] =	vst.idx.msk $0xffff, v2  }
0x479: {  	v3 =	vor.u32 v30, v1;
	v2 =	vld.idx.msk [tilespmem:v4+s21+$0x0], $0xffff  }
0x47a: {  	v4 =	vor.u32 s1, v60;
	_ =	sdelay $0x3  }
0x47b: {  	[tilespmem:v3+s28+$0x0] =	vst.idx.msk $0xffff, v2  }
0x47c: {  	v3 =	vor.u32 v46, v1;
	v2 =	vld.idx.msk [tilespmem:v4+s21+$0x0], $0xffff  }
0x47d: {  	v4 =	vor.u32 s1, v61;
	_ =	sdelay $0x3  }
0x47e: {  	[tilespmem:v3+s28+$0x0] =	vst.idx.msk $0xffff, v2  }
0x47f: {  	v3 =	vor.u32 v47, v1;
	v2 =	vld.idx.msk [tilespmem:v4+s21+$0x0], $0xffff  }
0x480: {  	v4 =	vor.u32 s1, v51;
	_ =	sdelay $0x3  }
0x481: {  	[tilespmem:v3+s28+$0x0] =	vst.idx.msk $0xffff, v2  }
0x482: {  	v3 =	vor.u32 v45, v1;
	v2 =	vld.idx.msk [tilespmem:v4+s21+$0x0], $0xffff  }
0x483: {  	v4 =	vor.u32 s1, v63;
	_ =	sdelay $0x3  }
0x484: {  	[tilespmem:v3+s28+$0x0] =	vst.idx.msk $0xffff, v2  }
0x485: {  	v3 =	vor.u32 v50, v1;
	v2 =	vld.idx.msk [tilespmem:v4+s21+$0x0], $0xffff  }
0x486: {  	v4 =	vor.u32 s1, v41;
	_ =	sdelay $0x3  }
0x487: {  	[tilespmem:v3+s28+$0x0] =	vst.idx.msk $0xffff, v2  }
0x488: {  	v3 =	vor.u32 v37, v1;
	v2 =	vld.idx.msk [tilespmem:v4+s21+$0x0], $0xffff  }
0x489: {  	v4 =	vor.u32 s1, v33;
	_ =	sdelay $0x3  }
0x48a: {  	[tilespmem:v3+s28+$0x0] =	vst.idx.msk $0xffff, v2  }
0x48b: {  	v3 =	vor.u32 v52, v1;
	v2 =	vld.idx.msk [tilespmem:v4+s21+$0x0], $0xffff  }
0x48c: {  	v4 =	vor.u32 s1, v35;
	_ =	sdelay $0x3  }
0x48d: {  	[tilespmem:v3+s28+$0x0] =	vst.idx.msk $0xffff, v2  }
0x48e: {  	v3 =	vor.u32 v40, v1;
	v2 =	vld.idx.msk [tilespmem:v4+s21+$0x0], $0xffff  }
0x48f: {  	v4 =	vor.u32 s1, v6;
	_ =	sdelay $0x3  }
0x490: {  	[tilespmem:v3+s28+$0x0] =	vst.idx.msk $0xffff, v2  }
0x491: {  	v3 =	vor.u32 v36, v1;
	v2 =	vld.idx.msk [tilespmem:v4+s21+$0x0], $0xffff;
	_ =	sdelay $0x4  }
0x492: {  	p1 =	sne.s32 s15, $0x70;
	v4 =	vor.u32 s1, v42;
	[tilespmem:v3+s28+$0x0] =	vst.idx.msk $0xffff, v2;
	v3 =	vld [tilespmem:$0x1FF80]  }
.Ltmp8:
0x493: {  	_ = 	snop;
	(pc) =	sbr.rel @p1 .LBB2_10-.Ltmp8, $3  }
0x494: {  	_ =	sdelay $0x1  }
0x495: {  	s1 =	smov.u32 s15  }
0x496: {  	v1 =	vor.u32 v39, v1;
	s15 =	sadd.s32 $0x10, s15;
	v2 =	vld.idx.msk [tilespmem:v4+s21+$0x0], $0xffff;
	v3 =	vor.u32 s1, v3  }
0x497: {  	_ =	sdelay $0x2  }
0x498: {  	v4 =	vmov s1  }
0x499: {  	v4 =	vshll.u32 v4, $0x5;
	[tilespmem:v1+s28+$0x0] =	vst.idx.msk $0xffff, v2  }
0x49a: {  	v1 =	vor.u32 v16, v4;
	v2 =	vld.idx.msk [tilespmem:v3+s21+$0x0], $0xffff;
	v3 =	vlaneseq.u32  }
0x49b: {  	v3 =	vor.u32 v3, v1  }
0x49c: {  	v4 =	vor.u32 s1, v44;
	_ =	sdelay $0x3  }
0x49d: {  	[tilespmem:v3+s28+$0x0] =	vst.idx.msk $0xffff, v2  }
0x49e: {  	v3 =	vor.u32 v8, v1;
	v2 =	vld.idx.msk [tilespmem:v4+s21+$0x0], $0xffff  }
0x49f: {  	v4 =	vor.u32 s1, v9;
	_ =	sdelay $0x3  }
0x4a0: {  	[tilespmem:v3+s28+$0x0] =	vst.idx.msk $0xffff, v2  }
0x4a1: {  	v3 =	vor.u32 v12, v1;
	v2 =	vld.idx.msk [tilespmem:v4+s21+$0x0], $0xffff  }
0x4a2: {  	v4 =	vor.u32 s1, v11;
	_ =	sdelay $0x3  }
0x4a3: {  	[tilespmem:v3+s28+$0x0] =	vst.idx.msk $0xffff, v2  }
0x4a4: {  	v3 =	vor.u32 v14, v1;
	v2 =	vld.idx.msk [tilespmem:v4+s21+$0x0], $0xffff  }
0x4a5: {  	v4 =	vor.u32 s1, v13;
	_ =	sdelay $0x3  }
0x4a6: {  	[tilespmem:v3+s28+$0x0] =	vst.idx.msk $0xffff, v2  }
0x4a7: {  	v3 =	vor.u32 v20, v1;
	v2 =	vld.idx.msk [tilespmem:v4+s21+$0x0], $0xffff  }
0x4a8: {  	v4 =	vor.u32 s1, v15;
	_ =	sdelay $0x3  }
0x4a9: {  	[tilespmem:v3+s28+$0x0] =	vst.idx.msk $0xffff, v2  }
0x4aa: {  	v3 =	vor.u32 v27, v1;
	v2 =	vld.idx.msk [tilespmem:v4+s21+$0x0], $0xffff  }
0x4ab: {  	v4 =	vor.u32 s1, v17;
	_ =	sdelay $0x3  }
0x4ac: {  	[tilespmem:v3+s28+$0x0] =	vst.idx.msk $0xffff, v2  }
0x4ad: {  	v3 =	vor.u32 v25, v1;
	v2 =	vld.idx.msk [tilespmem:v4+s21+$0x0], $0xffff  }
0x4ae: {  	v11 =	vmov v14;
	v14 =	vld [tilespmem:$0x1FFB0];
	v4 =	vor.u32 s1, v19;
	_ =	sdelay $0x3  }
0x4af: {  	[tilespmem:v3+s28+$0x0] =	vst.idx.msk $0xffff, v2  }
0x4b0: {  	v3 =	vor.u32 v14, v1;
	v2 =	vld.idx.msk [tilespmem:v4+s21+$0x0], $0xffff  }
0x4b1: {  	v4 =	vor.u32 s1, v21  }
0x4b2: {  	v16 =	vld [tilespmem:$0x1FFA0];
	_ =	sdelay $0x2  }
0x4b3: {  	[tilespmem:v3+s28+$0x0] =	vst.idx.msk $0xffff, v2  }
0x4b4: {  	v3 =	vor.u32 v22, v1;
	v2 =	vld.idx.msk [tilespmem:v4+s21+$0x0], $0xffff  }
0x4b5: {  	v4 =	vor.u32 s1, v16;
	_ =	sdelay $0x3  }
0x4b6: {  	[tilespmem:v3+s28+$0x0] =	vst.idx.msk $0xffff, v2  }
0x4b7: {  	v3 =	vor.u32 v24, v1;
	v2 =	vld.idx.msk [tilespmem:v4+s21+$0x0], $0xffff  }
0x4b8: {  	v4 =	vor.u32 s1, v29;
	_ =	sdelay $0x3  }
0x4b9: {  	[tilespmem:v3+s28+$0x0] =	vst.idx.msk $0xffff, v2  }
0x4ba: {  	v3 =	vor.u32 v26, v1;
	v2 =	vld.idx.msk [tilespmem:v4+s21+$0x0], $0xffff  }
0x4bb: {  	v4 =	vor.u32 s1, v59;
	_ =	sdelay $0x3  }
0x4bc: {  	[tilespmem:v3+s28+$0x0] =	vst.idx.msk $0xffff, v2  }
0x4bd: {  	v3 =	vor.u32 v34, v1;
	v2 =	vld.idx.msk [tilespmem:v4+s21+$0x0], $0xffff  }
0x4be: {  	v4 =	vor.u32 s1, v31;
	_ =	sdelay $0x3  }
0x4bf: {  	[tilespmem:v3+s28+$0x0] =	vst.idx.msk $0xffff, v2  }
0x4c0: {  	v3 =	vor.u32 v49, v1;
	v2 =	vld.idx.msk [tilespmem:v4+s21+$0x0], $0xffff  }
0x4c1: {  	v4 =	vor.u32 s1, v28;
	_ =	sdelay $0x3  }
0x4c2: {  	[tilespmem:v3+s28+$0x0] =	vst.idx.msk $0xffff, v2  }
0x4c3: {  	v3 =	vor.u32 v54, v1;
	v2 =	vld.idx.msk [tilespmem:v4+s21+$0x0], $0xffff  }
0x4c4: {  	v4 =	vor.u32 s1, v58;
	_ =	sdelay $0x3  }
0x4c5: {  	[tilespmem:v3+s28+$0x0] =	vst.idx.msk $0xffff, v2  }
0x4c6: {  	v3 =	vor.u32 v55, v1;
	v2 =	vld.idx.msk [tilespmem:v4+s21+$0x0], $0xffff  }
0x4c7: {  	v4 =	vor.u32 s1, v56;
	_ =	sdelay $0x3  }
0x4c8: {  	[tilespmem:v3+s28+$0x0] =	vst.idx.msk $0xffff, v2  }
0x4c9: {  	v3 =	vor.u32 v7, v1;
	v2 =	vld.idx.msk [tilespmem:v4+s21+$0x0], $0xffff  }
0x4ca: {  	v4 =	vor.u32 s1, v48;
	_ =	sdelay $0x3  }
0x4cb: {  	[tilespmem:v3+s28+$0x0] =	vst.idx.msk $0xffff, v2  }
0x4cc: {  	v3 =	vor.u32 v53, v1;
	v2 =	vld.idx.msk [tilespmem:v4+s21+$0x0], $0xffff  }
0x4cd: {  	v4 =	vor.u32 s1, v57;
	_ =	sdelay $0x3  }
0x4ce: {  	[tilespmem:v3+s28+$0x0] =	vst.idx.msk $0xffff, v2  }
0x4cf: {  	v3 =	vor.u32 v5, v1;
	v2 =	vld.idx.msk [tilespmem:v4+s21+$0x0], $0xffff  }
0x4d0: {  	v4 =	vor.u32 s1, v32;
	_ =	sdelay $0x3  }
0x4d1: {  	[tilespmem:v3+s28+$0x0] =	vst.idx.msk $0xffff, v2  }
0x4d2: {  	v3 =	vor.u32 v62, v1;
	v2 =	vld.idx.msk [tilespmem:v4+s21+$0x0], $0xffff  }
0x4d3: {  	v4 =	vor.u32 s1, v10;
	_ =	sdelay $0x3  }
0x4d4: {  	[tilespmem:v3+s28+$0x0] =	vst.idx.msk $0xffff, v2  }
0x4d5: {  	v3 =	vor.u32 v18, v1;
	v2 =	vld.idx.msk [tilespmem:v4+s21+$0x0], $0xffff;
	_ =	sdelay $0x3  }
0x4d6: {  	v4 =	vor.u32 s1, v23  }
0x4d7: {  	v10 =	vmov v0;
	[tilespmem:v3+s28+$0x0] =	vst.idx.msk $0xffff, v2;
	v3 =	vor.u32 v0, v1;
	v0 =	vld [tilespmem:$0x1FCC0];
	_ =	sdelay $0x3  }
0x4d8: {  	v2 =	vld.idx.msk [tilespmem:v4+s21+$0x0], $0xffff  }
0x4d9: {  	v4 =	vor.u32 s1, v0;
	_ =	sdelay $0x3  }
0x4da: {  	[tilespmem:v3+s28+$0x0] =	vst.idx.msk $0xffff, v2  }
0x4db: {  	v3 =	vor.u32 v38, v1;
	v2 =	vld.idx.msk [tilespmem:v4+s21+$0x0], $0xffff  }
0x4dc: {  	v4 =	vor.u32 s1, v43;
	_ =	sdelay $0x3  }
0x4dd: {  	[tilespmem:v3+s28+$0x0] =	vst.idx.msk $0xffff, v2  }
0x4de: {  	v3 =	vor.u32 v30, v1;
	v2 =	vld.idx.msk [tilespmem:v4+s21+$0x0], $0xffff  }
0x4df: {  	v4 =	vor.u32 s1, v60;
	_ =	sdelay $0x3  }
0x4e0: {  	[tilespmem:v3+s28+$0x0] =	vst.idx.msk $0xffff, v2  }
0x4e1: {  	v3 =	vor.u32 v46, v1;
	v2 =	vld.idx.msk [tilespmem:v4+s21+$0x0], $0xffff  }
0x4e2: {  	v4 =	vor.u32 s1, v61;
	_ =	sdelay $0x3  }
0x4e3: {  	[tilespmem:v3+s28+$0x0] =	vst.idx.msk $0xffff, v2  }
0x4e4: {  	v3 =	vor.u32 v47, v1;
	v2 =	vld.idx.msk [tilespmem:v4+s21+$0x0], $0xffff  }
0x4e5: {  	v4 =	vor.u32 s1, v51;
	_ =	sdelay $0x3  }
0x4e6: {  	[tilespmem:v3+s28+$0x0] =	vst.idx.msk $0xffff, v2  }
0x4e7: {  	v3 =	vor.u32 v45, v1;
	v2 =	vld.idx.msk [tilespmem:v4+s21+$0x0], $0xffff  }
0x4e8: {  	v4 =	vor.u32 s1, v63;
	_ =	sdelay $0x3  }
0x4e9: {  	[tilespmem:v3+s28+$0x0] =	vst.idx.msk $0xffff, v2  }
0x4ea: {  	v3 =	vor.u32 v50, v1;
	v2 =	vld.idx.msk [tilespmem:v4+s21+$0x0], $0xffff  }
0x4eb: {  	v4 =	vor.u32 s1, v41;
	_ =	sdelay $0x3  }
0x4ec: {  	[tilespmem:v3+s28+$0x0] =	vst.idx.msk $0xffff, v2  }
0x4ed: {  	v3 =	vor.u32 v37, v1;
	v2 =	vld.idx.msk [tilespmem:v4+s21+$0x0], $0xffff  }
0x4ee: {  	v4 =	vor.u32 s1, v33;
	_ =	sdelay $0x3  }
0x4ef: {  	[tilespmem:v3+s28+$0x0] =	vst.idx.msk $0xffff, v2  }
0x4f0: {  	v3 =	vor.u32 v52, v1;
	v2 =	vld.idx.msk [tilespmem:v4+s21+$0x0], $0xffff  }
0x4f1: {  	v4 =	vor.u32 s1, v35;
	_ =	sdelay $0x3  }
0x4f2: {  	[tilespmem:v3+s28+$0x0] =	vst.idx.msk $0xffff, v2  }
0x4f3: {  	v3 =	vor.u32 v40, v1;
	v2 =	vld.idx.msk [tilespmem:v4+s21+$0x0], $0xffff  }
0x4f4: {  	v4 =	vor.u32 s1, v6;
	_ =	sdelay $0x3  }
0x4f5: {  	[tilespmem:v3+s28+$0x0] =	vst.idx.msk $0xffff, v2  }
0x4f6: {  	v3 =	vor.u32 v36, v1;
	v2 =	vld.idx.msk [tilespmem:v4+s21+$0x0], $0xffff  }
0x4f7: {  	v4 =	vor.u32 s1, v42;
	_ =	sdelay $0x3  }
0x4f8: {  	[tilespmem:v3+s28+$0x0] =	vst.idx.msk $0xffff, v2  }
0x4f9: {  	v1 =	vor.u32 v39, v1;
	v2 =	vld.idx.msk [tilespmem:v4+s21+$0x0], $0xffff;
	_ =	sdelay $0x1  }
.Ltmp9:
0x4fa: {  	_ = 	snop;
	(pc) =	sbr.rel .LBB2_12-.Ltmp9, $4  }
0x4fb: {  	v9 =	vmov v48;
	v13 =	vmov v20;
	v24 =	vmov v29  }
0x4fc: {  	s15 =	sshll.u32 s2, $0x9;
	v26 =	vmovc v59;
	v34 =	vmovc v53;
	v48 =	vmov v50;
	v53 =	vmov v40;
	v57 =	vmov v23  }
0x4fd: {  	v12 =	vmovc v10;
	v23 =	vmovc v16;
	v47 =	vmov v25;
	v63 =	vmov v43;
	v50 =	vmov v30;
	s1 =	sadd.s32 s8, s15;
	v4 =	vld [tilespmem:$0x1FFC0];
	[tilespmem:v1+s28+$0x0] =	vst.idx.msk $0xffff, v2  }
0x4fe: {  	v37 =	vmovc v52;
	v52 =	vmovc v34;
	v6 =	vmov v14;
	v42 =	vmov v45;
	v45 =	vmov v9;
	v2 =	vld [tilespmem:$0x1FF80];
	[hbm4b:s1+s5] =	stream.linear.scatter [tilespmem:s28], [sflag:$0x6], $0x1000, $0x38  }
.LBB2_13:
0x4ff: {  	s1 =	sadd.s32 $0xFFFFE140, s4  }
0x500: {  	s2 =	sadd.s32 $0x9C, s1  }
0x501: {  	p1 =	sgt.u32 s2, $0x5F  }
0x502: {  	[tilespmem:$0x1FB40] =	vst v46;
	s2 =	simm.s32 @!p1 $0x4  }
0x503: {  	s3 =	sadd.s32 $0xBC, s1;
	_ =	swait.ge @!p1 [sflag:s2], $0x1000  }
0x504: {  	p2 =	sgt.u32 s3, $0x5F;
	[sflag:s2] =	ssyncset.done @!p1 $0x0  }
0x505: {  	[sflag:s2] =	ssyncadd.s32 @!p1 $0xFFFFF000;
	s2 =	simm.s32 @!p2 $0x5  }
0x506: {  	s15 =	sadd.s32 $0xDC, s1;
	_ =	swait.ge @!p2 [sflag:s2], $0x1000  }
0x507: {  	s9 =	sadd.s32 $0xFFFFE1A0, s4;
	p1 =	sgt.u32 s15, $0x5F;
	[sflag:s2] =	ssyncset.done @!p2 $0x0  }
0x508: {  	s1 =	simm.s32 $0xFFFFE200;
	s15 =	simm.s32 @!p1 $0x6;
	[sflag:s2] =	ssyncadd.s32 @!p2 $0xFFFFF000  }
0x509: {  	s31 =	sadd.s32 $0x9C, s9;
	s3 =	sadd.s32 $0xBC, s9;
	_ =	swait.ge @!p1 [sflag:s15], $0x1000  }
0x50a: {  	v3 =	vmov v23;
	v28 =	vmov v6;
	p2 =	sgt.u32 s31, $0x5F;
	s2 =	sadd.s32 $0xDC, s9;
	[sflag:s15] =	ssyncset.done @!p1 $0x0  }
.LBB2_14:
0x50b: {  	s9 =	simm.s32 @!p2 $0x4  }
0x50c: {  	[sflag:s15] =	ssyncadd.s32 @!p1 $0xFFFFF000;
	s15 =	smov.u32 s1;
	s1 =	sadd.s32 $0x60, s1  }
0x50d: {  	p3 =	sne.s32 s1, $0x0;
	_ =	swait.ge @!p2 [sflag:s9], $0x1000  }
0x50e: {  	p4 =	sgt.u32 s3, $0x5F;
	[sflag:s9] =	ssyncset.done @!p2 $0x0  }
0x50f: {  	s3 =	simm.s32 @!p4 $0x5;
	[sflag:s9] =	ssyncadd.s32 @!p2 $0xFFFFF000  }
.Ltmp10:
0x510: {  	_ =	swait.ge @!p4 [sflag:s3], $0x1000;
	(pc) =	sbr.rel @p3 .LBB2_14-.Ltmp10, $4  }
0x511: {  	p1 =	sgt.u32 s2, $0x5F;
	[sflag:s3] =	ssyncset.done @!p4 $0x0  }
0x512: {  	s2 =	sadd.s32 s15, s4;
	s15 =	simm.s32 @!p1 $0x6;
	[sflag:s3] =	ssyncadd.s32 @!p4 $0xFFFFF000  }
0x513: {  	s9 =	sadd.s32 $0x9C, s2;
	s3 =	sadd.s32 $0xBC, s2;
	_ =	swait.ge @!p1 [sflag:s15], $0x1000  }
0x514: {  	p2 =	sgt.u32 s9, $0x5F;
	s2 =	sadd.s32 $0xDC, s2;
	[sflag:s15] =	ssyncset.done @!p1 $0x0  }
0x515: {  	s1 =	simm.s32 @!p2 $0x4;
	[sflag:s15] =	ssyncadd.s32 @!p1 $0xFFFFF000  }
0x516: {  	_ =	swait.ge @!p2 [sflag:s1], $0x1000  }
0x517: {  	p1 =	sgt.u32 s3, $0x5F;
	[sflag:s1] =	ssyncset.done @!p2 $0x0  }
0x518: {  	[sflag:s1] =	ssyncadd.s32 @!p2 $0xFFFFF000;
	s1 =	simm.s32 @!p1 $0x5  }
0x519: {  	_ =	swait.ge @!p1 [sflag:s1], $0x1000  }
0x51a: {  	p2 =	sgt.u32 s2, $0x5F;
	[sflag:s1] =	ssyncset.done @!p1 $0x0  }
.Ltmp11:
0x51b: {  	[sflag:s1] =	ssyncadd.s32 @!p1 $0xFFFFF000;
	s1 =	simm.s32 @!p2 $0x6;
	(pc) =	sbr.rel @p0 .LBB2_19-.Ltmp11, $4  }
0x51c: {  	_ =	swait.ge @!p2 [sflag:s1], $0x1000  }
0x51d: {  	v31 =	vld [tilespmem:$0x1FF00]  }
0x51e: {  	[sflag:s1] =	ssyncset.done @!p2 $0x0;
	v44 =	vld [tilespmem:$0x1FF10]  }
0x51f: {  	v18 =	vld [tilespmem:$0x1FF20];
	[sflag:s1] =	ssyncadd.s32 @!p2 $0xFFFFF000  }
0x520: {  	s1 =	simm.s32 $0x0;
	s2 =	rddreg [dreg:$0x1]  }
0x521: {  	[tilespmem:s1], [sflag:$0x7] =	stream.linear.gather [hbm4b:s2+s1], $0x1000, $0x38;
	[tilespmem:$0x6000] =	vst v63  }
0x522: {  	_ =	swait.ge [sflag:s29], $0x1000  }
0x523: {  	v0 =	vld [tilespmem:$0x1FBC0]  }
0x524: {  	v5 =	vor.u32 s1, v2;
	_ =	sdelay $0x1  }
0x525: {  	v2 =	vmov s1  }
0x526: {  	v2 =	vshll.u32 v2, $0x5;
	[sflag:s29] =	ssyncset.done $0x0  }
0x527: {  	v22 =	vmov v3;
	[sflag:s29] =	ssyncadd.s32 $0xFFFFF000;
	v3 =	vor.u32 v0, v2  }
0x528: {  	v6 =	vld.idx.msk [tilespmem:v5+s5+$0x0], $0xffff;
	v2 =	vor.u32 v8, v3  }
0x529: {  	v4 =	vor.u32 s1, v4  }
0x52a: {  	v61 =	vmov v24;
	v24 =	vmov v47;
	v47 =	vld [tilespmem:$0x1FBD0];
	_ =	sdelay $0x2  }
0x52b: {  	[tilespmem:v2+s23+$0x0] =	vst.idx.msk $0xffff, v6  }
0x52c: {  	v2 =	vor.u32 v48, v3;
	v6 =	vld.idx.msk [tilespmem:v4+s5+$0x0], $0xffff  }
0x52d: {  	v1 =	vmov v14;
	v14 =	vld [tilespmem:$0x1FBE0];
	v4 =	vor.u32 s1, v47;
	_ =	sdelay $0x3  }
0x52e: {  	[tilespmem:v2+s23+$0x0] =	vst.idx.msk $0xffff, v6  }
0x52f: {  	v2 =	vor.u32 v14, v3;
	v6 =	vld.idx.msk [tilespmem:v4+s5+$0x0], $0xffff  }
0x530: {  	v4 =	vor.u32 s1, v11;
	_ =	sdelay $0x3  }
0x531: {  	[tilespmem:v2+s23+$0x0] =	vst.idx.msk $0xffff, v6  }
0x532: {  	v2 =	vor.u32 v15, v3;
	v6 =	vld.idx.msk [tilespmem:v4+s5+$0x0], $0xffff  }
0x533: {  	v4 =	vor.u32 s1, v9;
	_ =	sdelay $0x3  }
0x534: {  	[tilespmem:v2+s23+$0x0] =	vst.idx.msk $0xffff, v6  }
0x535: {  	v2 =	vor.u32 v13, v3;
	v6 =	vld.idx.msk [tilespmem:v4+s5+$0x0], $0xffff  }
0x536: {  	v16 =	vld [tilespmem:$0x1FBF0];
	v4 =	vor.u32 s1, v1;
	_ =	sdelay $0x3  }
0x537: {  	[tilespmem:v2+s23+$0x0] =	vst.idx.msk $0xffff, v6  }
0x538: {  	v46 =	vmovc v36;
	v36 =	vmov v53;
	v53 =	vmov v1;
	v2 =	vor.u32 v16, v3;
	v1 =	vld.idx.msk [tilespmem:v4+s5+$0x0], $0xffff  }
0x539: {  	v4 =	vor.u32 s1, v17;
	_ =	sdelay $0x3  }
0x53a: {  	[tilespmem:v2+s23+$0x0] =	vst.idx.msk $0xffff, v1  }
0x53b: {  	v10 =	vmov v19;
	v2 =	vor.u32 v24, v3;
	v1 =	vld.idx.msk [tilespmem:v4+s5+$0x0], $0xffff  }
0x53c: {  	v4 =	vor.u32 s1, v10;
	_ =	sdelay $0x3  }
0x53d: {  	[tilespmem:v2+s23+$0x0] =	vst.idx.msk $0xffff, v1  }
0x53e: {  	v29 =	vmov v40;
	v2 =	vor.u32 v28, v3;
	v1 =	vld.idx.msk [tilespmem:v4+s5+$0x0], $0xffff  }
0x53f: {  	v4 =	vor.u32 s1, v29;
	_ =	sdelay $0x3  }
0x540: {  	[tilespmem:v2+s23+$0x0] =	vst.idx.msk $0xffff, v1  }
0x541: {  	v2 =	vor.u32 v46, v3;
	v1 =	vld.idx.msk [tilespmem:v4+s5+$0x0], $0xffff  }
0x542: {  	v4 =	vor.u32 s1, v22;
	_ =	sdelay $0x3  }
0x543: {  	[tilespmem:v2+s23+$0x0] =	vst.idx.msk $0xffff, v1  }
0x544: {  	v2 =	vor.u32 v61, v3;
	v1 =	vld.idx.msk [tilespmem:v4+s5+$0x0], $0xffff  }
0x545: {  	v19 =	vmov v9;
	v9 =	vld [tilespmem:$0x1FC00];
	v4 =	vor.u32 s1, v25;
	_ =	sdelay $0x3  }
0x546: {  	[tilespmem:v2+s23+$0x0] =	vst.idx.msk $0xffff, v1  }
0x547: {  	v27 =	vmov v26;
	v2 =	vor.u32 v9, v3;
	v1 =	vld.idx.msk [tilespmem:v4+s5+$0x0], $0xffff  }
0x548: {  	v4 =	vor.u32 s1, v27;
	_ =	sdelay $0x3  }
0x549: {  	[tilespmem:v2+s23+$0x0] =	vst.idx.msk $0xffff, v1  }
0x54a: {  	v2 =	vor.u32 v39, v3;
	v1 =	vld.idx.msk [tilespmem:v4+s5+$0x0], $0xffff  }
0x54b: {  	v4 =	vor.u32 s1, v56;
	_ =	sdelay $0x3  }
0x54c: {  	[tilespmem:v2+s23+$0x0] =	vst.idx.msk $0xffff, v1  }
0x54d: {  	v2 =	vor.u32 v58, v3;
	v1 =	vld.idx.msk [tilespmem:v4+s5+$0x0], $0xffff  }
0x54e: {  	v34 =	vmovc v15;
	v15 =	vmov v16;
	v16 =	vmov v24;
	v4 =	vor.u32 s1, v21  }
0x54f: {  	v24 =	vmovc v28;
	v28 =	vmovc v38;
	v38 =	vmov v46;
	v46 =	vmov v27;
	v27 =	vmov v39;
	v39 =	vld [tilespmem:$0x1FC10];
	_ =	sdelay $0x2  }
0x550: {  	[tilespmem:v2+s23+$0x0] =	vst.idx.msk $0xffff, v1  }
0x551: {  	v2 =	vor.u32 v55, v3;
	v1 =	vld.idx.msk [tilespmem:v4+s5+$0x0], $0xffff  }
0x552: {  	v4 =	vor.u32 s1, v39;
	_ =	sdelay $0x3  }
0x553: {  	[tilespmem:v2+s23+$0x0] =	vst.idx.msk $0xffff, v1  }
0x554: {  	v2 =	vor.u32 v43, v3;
	v1 =	vld.idx.msk [tilespmem:v4+s5+$0x0], $0xffff  }
0x555: {  	v32 =	vmov v50;
	v50 =	vld [tilespmem:$0x1FCE0];
	v4 =	vor.u32 s1, v49  }
0x556: {  	v6 =	vmov v43;
	v43 =	vld [tilespmem:$0x1FCF0];
	_ =	sdelay $0x2  }
0x557: {  	[tilespmem:v2+s23+$0x0] =	vst.idx.msk $0xffff, v1  }
0x558: {  	v2 =	vor.u32 v50, v3;
	v1 =	vld.idx.msk [tilespmem:v4+s5+$0x0], $0xffff  }
0x559: {  	v4 =	vor.u32 s1, v43;
	_ =	sdelay $0x3  }
0x55a: {  	[tilespmem:v2+s23+$0x0] =	vst.idx.msk $0xffff, v1  }
0x55b: {  	v2 =	vor.u32 v52, v3;
	v1 =	vld.idx.msk [tilespmem:v4+s5+$0x0], $0xffff  }
0x55c: {  	v5 =	vmovc v12;
	v12 =	vmov v14;
	v14 =	vmov v11;
	v11 =	vld [tilespmem:$0x1FD60];
	v4 =	vor.u32 s1, v54;
	_ =	sdelay $0x3  }
0x55d: {  	[tilespmem:v2+s23+$0x0] =	vst.idx.msk $0xffff, v1  }
0x55e: {  	v2 =	vor.u32 v11, v3;
	v1 =	vld.idx.msk [tilespmem:v4+s5+$0x0], $0xffff  }
0x55f: {  	v4 =	vor.u32 s1, v57  }
0x560: {  	v26 =	vmov v17;
	v17 =	vmov v22;
	v22 =	vmov v25;
	v25 =	vld [tilespmem:$0x1FC30];
	_ =	sdelay $0x2  }
0x561: {  	[tilespmem:v2+s23+$0x0] =	vst.idx.msk $0xffff, v1  }
0x562: {  	v2 =	vor.u32 v62, v3;
	v1 =	vld.idx.msk [tilespmem:v4+s5+$0x0], $0xffff  }
0x563: {  	v4 =	vor.u32 s1, v25;
	_ =	sdelay $0x3  }
0x564: {  	[tilespmem:v2+s23+$0x0] =	vst.idx.msk $0xffff, v1  }
0x565: {  	v2 =	vor.u32 v41, v3;
	v1 =	vld.idx.msk [tilespmem:v4+s5+$0x0], $0xffff  }
0x566: {  	v4 =	vor.u32 s1, v35  }
0x567: {  	v7 =	vld [tilespmem:$0x1FCC0];
	_ =	sdelay $0x2  }
0x568: {  	v20 =	vmov v5;
	[tilespmem:v2+s23+$0x0] =	vst.idx.msk $0xffff, v1  }
0x569: {  	v2 =	vor.u32 v20, v3;
	v1 =	vld.idx.msk [tilespmem:v4+s5+$0x0], $0xffff  }
0x56a: {  	v4 =	vor.u32 s1, v7;
	_ =	sdelay $0x3  }
0x56b: {  	[tilespmem:v2+s23+$0x0] =	vst.idx.msk $0xffff, v1  }
0x56c: {  	v2 =	vor.u32 v28, v3;
	v1 =	vld.idx.msk [tilespmem:v4+s5+$0x0], $0xffff  }
0x56d: {  	v4 =	vor.u32 s1, v63;
	_ =	sdelay $0x3  }
0x56e: {  	[tilespmem:v2+s23+$0x0] =	vst.idx.msk $0xffff, v1  }
0x56f: {  	v23 =	vmov v60;
	v40 =	vmov v18;
	v2 =	vor.u32 v32, v3;
	v1 =	vld.idx.msk [tilespmem:v4+s5+$0x0], $0xffff  }
0x570: {  	v18 =	vmovc v10;
	v10 =	vmovc v44;
	v44 =	vmov v55;
	v55 =	vmov v57;
	v57 =	vld [tilespmem:$0x1FB40];
	v4 =	vor.u32 s1, v23;
	_ =	sdelay $0x3  }
0x571: {  	[tilespmem:v2+s23+$0x0] =	vst.idx.msk $0xffff, v1  }
0x572: {  	v33 =	vmovc v29;
	v29 =	vmov v61;
	v61 =	vmov v31;
	v2 =	vor.u32 v57, v3;
	v1 =	vld.idx.msk [tilespmem:v4+s5+$0x0], $0xffff  }
0x573: {  	v51 =	vmovc v40;
	v40 =	vmovc v37;
	v37 =	vmov v32;
	v32 =	vmov v21;
	v21 =	vld [tilespmem:$0x1FB50];
	v4 =	vor.u32 s1, v61;
	_ =	sdelay $0x3  }
0x574: {  	[tilespmem:v2+s23+$0x0] =	vst.idx.msk $0xffff, v1  }
0x575: {  	v2 =	vor.u32 v21, v3;
	v1 =	vld.idx.msk [tilespmem:v4+s5+$0x0], $0xffff  }
0x576: {  	v4 =	vor.u32 s1, v10;
	_ =	sdelay $0x3  }
0x577: {  	v48 =	vmov v42;
	[tilespmem:v2+s23+$0x0] =	vst.idx.msk $0xffff, v1  }
0x578: {  	v2 =	vor.u32 v48, v3;
	v1 =	vld.idx.msk [tilespmem:v4+s5+$0x0], $0xffff  }
0x579: {  	v4 =	vor.u32 s1, v51;
	_ =	sdelay $0x3  }
0x57a: {  	[tilespmem:v2+s23+$0x0] =	vst.idx.msk $0xffff, v1  }
0x57b: {  	v1 =	vld.idx.msk [tilespmem:v4+s5+$0x0], $0xffff  }
0x57c: {  	v4 =	vld [tilespmem:$0x1FF30];
	_ =	sdelay $0x2  }
0x57d: {  	v45 =	vmov v30  }
0x57e: {  	v2 =	vor.u32 v45, v3  }
0x57f: {  	v8 =	vmovc v23;
	v23 =	vmov v10;
	v10 =	vmov v4;
	v4 =	vor.u32 s1, v4;
	_ =	sdelay $0x3  }
0x580: {  	v42 =	vmov v11;
	v11 =	vmov v35;
	v35 =	vld [tilespmem:$0x1FB60];
	[tilespmem:v2+s23+$0x0] =	vst.idx.msk $0xffff, v1  }
0x581: {  	v1 =	vld.idx.msk [tilespmem:v4+s5+$0x0], $0xffff  }
0x582: {  	v4 =	vld [tilespmem:$0x1FF40];
	_ =	sdelay $0x3  }
0x583: {  	v5 =	vmov v52;
	v2 =	vor.u32 v35, v3  }
0x584: {  	v52 =	vmovc v20;
	v20 =	vmovc v48;
	v48 =	vmov v35;
	v35 =	vmov v4;
	v4 =	vor.u32 s1, v4;
	_ =	sdelay $0x3  }
0x585: {  	[tilespmem:v2+s23+$0x0] =	vst.idx.msk $0xffff, v1  }
0x586: {  	v1 =	vld.idx.msk [tilespmem:v4+s5+$0x0], $0xffff  }
0x587: {  	v4 =	vld [tilespmem:$0x1FF50];
	_ =	sdelay $0x3  }
0x588: {  	v2 =	vor.u32 v40, v3  }
0x589: {  	v31 =	vmovc v58;
	v58 =	vmov v62;
	v62 =	vmov v4;
	v4 =	vor.u32 s1, v4;
	_ =	sdelay $0x3  }
0x58a: {  	[tilespmem:v2+s23+$0x0] =	vst.idx.msk $0xffff, v1  }
0x58b: {  	v1 =	vld.idx.msk [tilespmem:v4+s5+$0x0], $0xffff  }
0x58c: {  	v2 =	vor.u32 v36, v3;
	v4 =	vld [tilespmem:$0x1FF60];
	_ =	sdelay $0x4  }
0x58d: {  	v60 =	vmovc v7;
	v7 =	vmovc v61;
	v61 =	vmov v51;
	v51 =	vmov v4;
	v4 =	vor.u32 s1, v4;
	[tilespmem:v2+s23+$0x0] =	vst.idx.msk $0xffff, v1;
	v2 =	vld [tilespmem:$0x1FB70];
	_ =	sdelay $0x4  }
0x58e: {  	v1 =	vld.idx.msk [tilespmem:v4+s5+$0x0], $0xffff;
	v2 =	vor.u32 v2, v3;
	_ =	sdelay $0x4  }
0x58f: {  	[tilespmem:v2+s23+$0x0] =	vst.idx.msk $0xffff, v1;
	v1 =	vld [tilespmem:$0x1FB90];
	_ =	sdelay $0x4  }
0x590: {  	[tilespmem:$0x1FB30] =	vst v45;
	v45 =	vmovc v40;
	v40 =	vmovc v36;
	v4 =	vor.u32 s1, v59;
	v36 =	vmov v1;
	v1 =	vor.u32 v1, v3;
	v3 =	vld [tilespmem:$0x1FF80];
	_ =	sdelay $0x2  }
0x591: {  	v30 =	vld [tilespmem:$0x1FFC0]  }
0x592: {  	[tilespmem:$0x1FB20] =	vst v28;
	v28 =	vld [tilespmem:$0x1FDD0];
	s1 =	simm.s32 $0x10  }
0x593: {  	s2 =	simm.s32 $0x20;
	v2 =	vld.idx.msk [tilespmem:v4+s5+$0x0], $0xffff;
	v3 =	vor.u32 s1, v3  }
.LBB2_17:
0x594: {  	_ =	sdelay $0x2  }
0x595: {  	v4 =	vmov s1  }
0x596: {  	v4 =	vshll.u32 v4, $0x5;
	[tilespmem:v1+s23+$0x0] =	vst.idx.msk $0xffff, v2  }
0x597: {  	v1 =	vor.u32 v0, v4;
	v2 =	vld.idx.msk [tilespmem:v3+s5+$0x0], $0xffff;
	v3 =	vlaneseq.u32  }
0x598: {  	v3 =	vor.u32 v3, v1  }
0x599: {  	v4 =	vor.u32 s1, v30;
	_ =	sdelay $0x3  }
0x59a: {  	[tilespmem:v3+s23+$0x0] =	vst.idx.msk $0xffff, v2  }
0x59b: {  	v3 =	vor.u32 v28, v1;
	v2 =	vld.idx.msk [tilespmem:v4+s5+$0x0], $0xffff  }
0x59c: {  	v4 =	vor.u32 s1, v47;
	_ =	sdelay $0x3  }
0x59d: {  	[tilespmem:v3+s23+$0x0] =	vst.idx.msk $0xffff, v2  }
0x59e: {  	v3 =	vor.u32 v12, v1;
	v2 =	vld.idx.msk [tilespmem:v4+s5+$0x0], $0xffff  }
0x59f: {  	v4 =	vor.u32 s1, v14;
	_ =	sdelay $0x3  }
0x5a0: {  	[tilespmem:v3+s23+$0x0] =	vst.idx.msk $0xffff, v2  }
0x5a1: {  	v3 =	vor.u32 v34, v1;
	v2 =	vld.idx.msk [tilespmem:v4+s5+$0x0], $0xffff  }
0x5a2: {  	v4 =	vor.u32 s1, v19;
	_ =	sdelay $0x3  }
0x5a3: {  	[tilespmem:v3+s23+$0x0] =	vst.idx.msk $0xffff, v2  }
0x5a4: {  	v3 =	vor.u32 v13, v1;
	v2 =	vld.idx.msk [tilespmem:v4+s5+$0x0], $0xffff  }
0x5a5: {  	v4 =	vor.u32 s1, v53;
	_ =	sdelay $0x3  }
0x5a6: {  	[tilespmem:v3+s23+$0x0] =	vst.idx.msk $0xffff, v2  }
0x5a7: {  	v3 =	vor.u32 v15, v1;
	v2 =	vld.idx.msk [tilespmem:v4+s5+$0x0], $0xffff  }
0x5a8: {  	v4 =	vor.u32 s1, v26;
	_ =	sdelay $0x3  }
0x5a9: {  	[tilespmem:v3+s23+$0x0] =	vst.idx.msk $0xffff, v2  }
0x5aa: {  	v3 =	vor.u32 v16, v1;
	v2 =	vld.idx.msk [tilespmem:v4+s5+$0x0], $0xffff  }
0x5ab: {  	v4 =	vor.u32 s1, v18;
	_ =	sdelay $0x3  }
0x5ac: {  	[tilespmem:v3+s23+$0x0] =	vst.idx.msk $0xffff, v2  }
0x5ad: {  	v3 =	vor.u32 v24, v1;
	v2 =	vld.idx.msk [tilespmem:v4+s5+$0x0], $0xffff  }
0x5ae: {  	v4 =	vor.u32 s1, v33;
	_ =	sdelay $0x3  }
0x5af: {  	[tilespmem:v3+s23+$0x0] =	vst.idx.msk $0xffff, v2  }
0x5b0: {  	v3 =	vor.u32 v38, v1;
	v2 =	vld.idx.msk [tilespmem:v4+s5+$0x0], $0xffff  }
0x5b1: {  	v4 =	vor.u32 s1, v17;
	_ =	sdelay $0x3  }
0x5b2: {  	[tilespmem:v3+s23+$0x0] =	vst.idx.msk $0xffff, v2  }
0x5b3: {  	v3 =	vor.u32 v29, v1;
	v2 =	vld.idx.msk [tilespmem:v4+s5+$0x0], $0xffff  }
0x5b4: {  	v4 =	vor.u32 s1, v22;
	_ =	sdelay $0x3  }
0x5b5: {  	[tilespmem:v3+s23+$0x0] =	vst.idx.msk $0xffff, v2  }
0x5b6: {  	v3 =	vor.u32 v9, v1;
	v2 =	vld.idx.msk [tilespmem:v4+s5+$0x0], $0xffff  }
0x5b7: {  	v4 =	vor.u32 s1, v46;
	_ =	sdelay $0x3  }
0x5b8: {  	[tilespmem:v3+s23+$0x0] =	vst.idx.msk $0xffff, v2  }
0x5b9: {  	v3 =	vor.u32 v27, v1;
	v2 =	vld.idx.msk [tilespmem:v4+s5+$0x0], $0xffff  }
0x5ba: {  	v4 =	vor.u32 s1, v56;
	_ =	sdelay $0x3  }
0x5bb: {  	[tilespmem:v3+s23+$0x0] =	vst.idx.msk $0xffff, v2  }
0x5bc: {  	v3 =	vor.u32 v31, v1;
	v2 =	vld.idx.msk [tilespmem:v4+s5+$0x0], $0xffff  }
0x5bd: {  	v4 =	vor.u32 s1, v32;
	_ =	sdelay $0x3  }
0x5be: {  	[tilespmem:v3+s23+$0x0] =	vst.idx.msk $0xffff, v2  }
0x5bf: {  	v3 =	vor.u32 v44, v1;
	v2 =	vld.idx.msk [tilespmem:v4+s5+$0x0], $0xffff  }
0x5c0: {  	v4 =	vor.u32 s1, v39;
	_ =	sdelay $0x3  }
0x5c1: {  	[tilespmem:v3+s23+$0x0] =	vst.idx.msk $0xffff, v2  }
0x5c2: {  	v3 =	vor.u32 v6, v1;
	v2 =	vld.idx.msk [tilespmem:v4+s5+$0x0], $0xffff  }
0x5c3: {  	v4 =	vor.u32 s1, v49;
	_ =	sdelay $0x3  }
0x5c4: {  	[tilespmem:v3+s23+$0x0] =	vst.idx.msk $0xffff, v2  }
0x5c5: {  	v3 =	vor.u32 v50, v1;
	v2 =	vld.idx.msk [tilespmem:v4+s5+$0x0], $0xffff  }
0x5c6: {  	v4 =	vor.u32 s1, v43;
	_ =	sdelay $0x3  }
0x5c7: {  	[tilespmem:v3+s23+$0x0] =	vst.idx.msk $0xffff, v2  }
0x5c8: {  	v3 =	vor.u32 v5, v1;
	v2 =	vld.idx.msk [tilespmem:v4+s5+$0x0], $0xffff  }
0x5c9: {  	v4 =	vor.u32 s1, v54;
	_ =	sdelay $0x3  }
0x5ca: {  	[tilespmem:v3+s23+$0x0] =	vst.idx.msk $0xffff, v2  }
0x5cb: {  	v3 =	vor.u32 v42, v1;
	v2 =	vld.idx.msk [tilespmem:v4+s5+$0x0], $0xffff  }
0x5cc: {  	v4 =	vor.u32 s1, v55;
	_ =	sdelay $0x3  }
0x5cd: {  	[tilespmem:v3+s23+$0x0] =	vst.idx.msk $0xffff, v2  }
0x5ce: {  	v3 =	vor.u32 v58, v1;
	v2 =	vld.idx.msk [tilespmem:v4+s5+$0x0], $0xffff  }
0x5cf: {  	v4 =	vor.u32 s1, v25;
	_ =	sdelay $0x3  }
0x5d0: {  	[tilespmem:v3+s23+$0x0] =	vst.idx.msk $0xffff, v2  }
0x5d1: {  	v3 =	vor.u32 v41, v1;
	v2 =	vld.idx.msk [tilespmem:v4+s5+$0x0], $0xffff  }
0x5d2: {  	v4 =	vor.u32 s1, v11;
	_ =	sdelay $0x3  }
0x5d3: {  	[tilespmem:v3+s23+$0x0] =	vst.idx.msk $0xffff, v2  }
0x5d4: {  	v3 =	vor.u32 v52, v1;
	v2 =	vld.idx.msk [tilespmem:v4+s5+$0x0], $0xffff;
	_ =	sdelay $0x4  }
0x5d5: {  	v4 =	vor.u32 s1, v60;
	[tilespmem:v3+s23+$0x0] =	vst.idx.msk $0xffff, v2;
	v3 =	vld [tilespmem:$0x1FB20];
	_ =	sdelay $0x4  }
0x5d6: {  	v2 =	vld.idx.msk [tilespmem:v4+s5+$0x0], $0xffff;
	v3 =	vor.u32 v3, v1  }
0x5d7: {  	v4 =	vor.u32 s1, v63;
	_ =	sdelay $0x3  }
0x5d8: {  	[tilespmem:v3+s23+$0x0] =	vst.idx.msk $0xffff, v2  }
0x5d9: {  	v3 =	vor.u32 v37, v1;
	v2 =	vld.idx.msk [tilespmem:v4+s5+$0x0], $0xffff  }
0x5da: {  	v4 =	vor.u32 s1, v8;
	_ =	sdelay $0x3  }
0x5db: {  	[tilespmem:v3+s23+$0x0] =	vst.idx.msk $0xffff, v2  }
0x5dc: {  	v3 =	vor.u32 v57, v1;
	v2 =	vld.idx.msk [tilespmem:v4+s5+$0x0], $0xffff  }
0x5dd: {  	v4 =	vor.u32 s1, v7;
	_ =	sdelay $0x3  }
0x5de: {  	[tilespmem:v3+s23+$0x0] =	vst.idx.msk $0xffff, v2  }
0x5df: {  	v3 =	vor.u32 v21, v1;
	v2 =	vld.idx.msk [tilespmem:v4+s5+$0x0], $0xffff  }
0x5e0: {  	v4 =	vor.u32 s1, v23;
	_ =	sdelay $0x3  }
0x5e1: {  	[tilespmem:v3+s23+$0x0] =	vst.idx.msk $0xffff, v2  }
0x5e2: {  	v3 =	vor.u32 v20, v1;
	v2 =	vld.idx.msk [tilespmem:v4+s5+$0x0], $0xffff;
	_ =	sdelay $0x4  }
0x5e3: {  	v4 =	vor.u32 s1, v61;
	[tilespmem:v3+s23+$0x0] =	vst.idx.msk $0xffff, v2;
	v3 =	vld [tilespmem:$0x1FB30];
	_ =	sdelay $0x4  }
0x5e4: {  	v2 =	vld.idx.msk [tilespmem:v4+s5+$0x0], $0xffff;
	v3 =	vor.u32 v3, v1  }
0x5e5: {  	v4 =	vor.u32 s1, v10;
	_ =	sdelay $0x3  }
0x5e6: {  	[tilespmem:v3+s23+$0x0] =	vst.idx.msk $0xffff, v2  }
0x5e7: {  	v3 =	vor.u32 v48, v1;
	v2 =	vld.idx.msk [tilespmem:v4+s5+$0x0], $0xffff  }
0x5e8: {  	v4 =	vor.u32 s1, v35;
	_ =	sdelay $0x3  }
0x5e9: {  	[tilespmem:v3+s23+$0x0] =	vst.idx.msk $0xffff, v2  }
0x5ea: {  	v3 =	vor.u32 v45, v1;
	v2 =	vld.idx.msk [tilespmem:v4+s5+$0x0], $0xffff  }
0x5eb: {  	v4 =	vor.u32 s1, v62;
	_ =	sdelay $0x3  }
0x5ec: {  	[tilespmem:v3+s23+$0x0] =	vst.idx.msk $0xffff, v2  }
0x5ed: {  	v3 =	vor.u32 v40, v1;
	v2 =	vld.idx.msk [tilespmem:v4+s5+$0x0], $0xffff;
	_ =	sdelay $0x4  }
0x5ee: {  	v4 =	vor.u32 s1, v51;
	[tilespmem:v3+s23+$0x0] =	vst.idx.msk $0xffff, v2;
	v3 =	vld [tilespmem:$0x1FB70];
	_ =	sdelay $0x4  }
0x5ef: {  	v2 =	vld.idx.msk [tilespmem:v4+s5+$0x0], $0xffff;
	v3 =	vor.u32 v3, v1;
	_ =	sdelay $0x4  }
0x5f0: {  	p1 =	sne.s32 s2, $0x30;
	v4 =	vor.u32 s1, v59;
	[tilespmem:v3+s23+$0x0] =	vst.idx.msk $0xffff, v2;
	v3 =	vld [tilespmem:$0x1FF80]  }
.Ltmp12:
0x5f1: {  	_ = 	snop;
	(pc) =	sbr.rel @p1 .LBB2_17-.Ltmp12, $3  }
0x5f2: {  	_ =	sdelay $0x1  }
0x5f3: {  	s1 =	smov.u32 s2  }
0x5f4: {  	s2 =	sadd.s32 $0x10, s2;
	v1 =	vor.u32 v36, v1;
	v2 =	vld.idx.msk [tilespmem:v4+s5+$0x0], $0xffff;
	v3 =	vor.u32 s1, v3  }
0x5f5: {  	_ =	sdelay $0x1  }
0x5f6: {  	v4 =	vmov s1  }
0x5f7: {  	v4 =	vshll.u32 v4, $0x5  }
0x5f8: {  	[tilespmem:v1+s23+$0x0] =	vst.idx.msk $0xffff, v2;
	v1 =	vor.u32 v0, v4;
	v0 =	vlaneseq.u32  }
0x5f9: {  	v2 =	vld.idx.msk [tilespmem:v3+s5+$0x0], $0xffff;
	v3 =	vor.u32 v0, v1  }
0x5fa: {  	v4 =	vor.u32 s1, v30;
	_ =	sdelay $0x3  }
0x5fb: {  	[tilespmem:v3+s23+$0x0] =	vst.idx.msk $0xffff, v2  }
0x5fc: {  	v3 =	vor.u32 v28, v1;
	v2 =	vld.idx.msk [tilespmem:v4+s5+$0x0], $0xffff  }
0x5fd: {  	v4 =	vor.u32 s1, v47;
	_ =	sdelay $0x3  }
0x5fe: {  	[tilespmem:v3+s23+$0x0] =	vst.idx.msk $0xffff, v2  }
0x5ff: {  	v3 =	vor.u32 v12, v1;
	v2 =	vld.idx.msk [tilespmem:v4+s5+$0x0], $0xffff  }
0x600: {  	v4 =	vor.u32 s1, v14;
	_ =	sdelay $0x3  }
0x601: {  	[tilespmem:v3+s23+$0x0] =	vst.idx.msk $0xffff, v2  }
0x602: {  	v3 =	vor.u32 v34, v1;
	v2 =	vld.idx.msk [tilespmem:v4+s5+$0x0], $0xffff  }
0x603: {  	v4 =	vor.u32 s1, v19;
	_ =	sdelay $0x3  }
0x604: {  	[tilespmem:v3+s23+$0x0] =	vst.idx.msk $0xffff, v2  }
0x605: {  	v3 =	vor.u32 v13, v1;
	v2 =	vld.idx.msk [tilespmem:v4+s5+$0x0], $0xffff  }
0x606: {  	v4 =	vor.u32 s1, v53;
	_ =	sdelay $0x3  }
0x607: {  	[tilespmem:v3+s23+$0x0] =	vst.idx.msk $0xffff, v2  }
0x608: {  	v3 =	vor.u32 v15, v1;
	v2 =	vld.idx.msk [tilespmem:v4+s5+$0x0], $0xffff  }
0x609: {  	v4 =	vor.u32 s1, v26;
	_ =	sdelay $0x3  }
0x60a: {  	[tilespmem:v3+s23+$0x0] =	vst.idx.msk $0xffff, v2  }
0x60b: {  	v3 =	vor.u32 v16, v1;
	v2 =	vld.idx.msk [tilespmem:v4+s5+$0x0], $0xffff  }
0x60c: {  	v4 =	vor.u32 s1, v18;
	_ =	sdelay $0x3  }
0x60d: {  	[tilespmem:v3+s23+$0x0] =	vst.idx.msk $0xffff, v2  }
0x60e: {  	v3 =	vor.u32 v24, v1;
	v2 =	vld.idx.msk [tilespmem:v4+s5+$0x0], $0xffff  }
0x60f: {  	v4 =	vor.u32 s1, v33;
	_ =	sdelay $0x3  }
0x610: {  	[tilespmem:v3+s23+$0x0] =	vst.idx.msk $0xffff, v2  }
0x611: {  	v3 =	vor.u32 v38, v1;
	v2 =	vld.idx.msk [tilespmem:v4+s5+$0x0], $0xffff  }
0x612: {  	v4 =	vor.u32 s1, v17;
	_ =	sdelay $0x3  }
0x613: {  	[tilespmem:v3+s23+$0x0] =	vst.idx.msk $0xffff, v2  }
0x614: {  	v3 =	vor.u32 v29, v1;
	v2 =	vld.idx.msk [tilespmem:v4+s5+$0x0], $0xffff  }
0x615: {  	v4 =	vor.u32 s1, v22;
	_ =	sdelay $0x3  }
0x616: {  	[tilespmem:v3+s23+$0x0] =	vst.idx.msk $0xffff, v2  }
0x617: {  	v3 =	vor.u32 v9, v1;
	v2 =	vld.idx.msk [tilespmem:v4+s5+$0x0], $0xffff  }
0x618: {  	v4 =	vor.u32 s1, v46;
	_ =	sdelay $0x3  }
0x619: {  	[tilespmem:v3+s23+$0x0] =	vst.idx.msk $0xffff, v2  }
0x61a: {  	v3 =	vor.u32 v27, v1;
	v2 =	vld.idx.msk [tilespmem:v4+s5+$0x0], $0xffff  }
0x61b: {  	v4 =	vor.u32 s1, v56;
	_ =	sdelay $0x3  }
0x61c: {  	[tilespmem:v3+s23+$0x0] =	vst.idx.msk $0xffff, v2  }
0x61d: {  	v3 =	vor.u32 v31, v1;
	v2 =	vld.idx.msk [tilespmem:v4+s5+$0x0], $0xffff  }
0x61e: {  	v4 =	vor.u32 s1, v32;
	_ =	sdelay $0x3  }
0x61f: {  	[tilespmem:v3+s23+$0x0] =	vst.idx.msk $0xffff, v2  }
0x620: {  	v3 =	vor.u32 v44, v1;
	v2 =	vld.idx.msk [tilespmem:v4+s5+$0x0], $0xffff  }
0x621: {  	v4 =	vor.u32 s1, v39;
	_ =	sdelay $0x3  }
0x622: {  	[tilespmem:v3+s23+$0x0] =	vst.idx.msk $0xffff, v2  }
0x623: {  	v3 =	vor.u32 v6, v1;
	v2 =	vld.idx.msk [tilespmem:v4+s5+$0x0], $0xffff  }
0x624: {  	v4 =	vor.u32 s1, v49;
	_ =	sdelay $0x3  }
0x625: {  	[tilespmem:v3+s23+$0x0] =	vst.idx.msk $0xffff, v2  }
0x626: {  	v3 =	vor.u32 v50, v1;
	v2 =	vld.idx.msk [tilespmem:v4+s5+$0x0], $0xffff  }
0x627: {  	v4 =	vor.u32 s1, v43;
	_ =	sdelay $0x3  }
0x628: {  	[tilespmem:v3+s23+$0x0] =	vst.idx.msk $0xffff, v2  }
0x629: {  	v3 =	vor.u32 v5, v1;
	v2 =	vld.idx.msk [tilespmem:v4+s5+$0x0], $0xffff  }
0x62a: {  	v4 =	vor.u32 s1, v54;
	_ =	sdelay $0x3  }
0x62b: {  	[tilespmem:v3+s23+$0x0] =	vst.idx.msk $0xffff, v2  }
0x62c: {  	v3 =	vor.u32 v42, v1;
	v2 =	vld.idx.msk [tilespmem:v4+s5+$0x0], $0xffff  }
0x62d: {  	v4 =	vor.u32 s1, v55;
	_ =	sdelay $0x3  }
0x62e: {  	[tilespmem:v3+s23+$0x0] =	vst.idx.msk $0xffff, v2  }
0x62f: {  	v3 =	vor.u32 v58, v1;
	v2 =	vld.idx.msk [tilespmem:v4+s5+$0x0], $0xffff  }
0x630: {  	v4 =	vor.u32 s1, v25;
	_ =	sdelay $0x3  }
0x631: {  	[tilespmem:v3+s23+$0x0] =	vst.idx.msk $0xffff, v2  }
0x632: {  	v3 =	vor.u32 v41, v1;
	v2 =	vld.idx.msk [tilespmem:v4+s5+$0x0], $0xffff  }
0x633: {  	v4 =	vor.u32 s1, v11;
	_ =	sdelay $0x3  }
0x634: {  	[tilespmem:v3+s23+$0x0] =	vst.idx.msk $0xffff, v2  }
0x635: {  	v3 =	vor.u32 v52, v1;
	v2 =	vld.idx.msk [tilespmem:v4+s5+$0x0], $0xffff  }
0x636: {  	v0 =	vld [tilespmem:$0x1FB20];
	v4 =	vor.u32 s1, v60;
	_ =	sdelay $0x3  }
0x637: {  	[tilespmem:v3+s23+$0x0] =	vst.idx.msk $0xffff, v2  }
0x638: {  	v3 =	vor.u32 v0, v1;
	v2 =	vld.idx.msk [tilespmem:v4+s5+$0x0], $0xffff  }
0x639: {  	v4 =	vor.u32 s1, v63;
	_ =	sdelay $0x3  }
0x63a: {  	[tilespmem:v3+s23+$0x0] =	vst.idx.msk $0xffff, v2  }
0x63b: {  	v3 =	vor.u32 v37, v1;
	v2 =	vld.idx.msk [tilespmem:v4+s5+$0x0], $0xffff  }
0x63c: {  	v4 =	vor.u32 s1, v8;
	_ =	sdelay $0x3  }
0x63d: {  	[tilespmem:v3+s23+$0x0] =	vst.idx.msk $0xffff, v2  }
0x63e: {  	v3 =	vor.u32 v57, v1;
	v2 =	vld.idx.msk [tilespmem:v4+s5+$0x0], $0xffff  }
0x63f: {  	v4 =	vor.u32 s1, v7;
	_ =	sdelay $0x3  }
0x640: {  	[tilespmem:v3+s23+$0x0] =	vst.idx.msk $0xffff, v2  }
0x641: {  	v3 =	vor.u32 v21, v1;
	v2 =	vld.idx.msk [tilespmem:v4+s5+$0x0], $0xffff  }
0x642: {  	v4 =	vor.u32 s1, v23;
	_ =	sdelay $0x3  }
0x643: {  	[tilespmem:v3+s23+$0x0] =	vst.idx.msk $0xffff, v2  }
0x644: {  	v3 =	vor.u32 v20, v1;
	v2 =	vld.idx.msk [tilespmem:v4+s5+$0x0], $0xffff  }
0x645: {  	v0 =	vld [tilespmem:$0x1FB30];
	v4 =	vor.u32 s1, v61;
	_ =	sdelay $0x3  }
0x646: {  	[tilespmem:v3+s23+$0x0] =	vst.idx.msk $0xffff, v2  }
0x647: {  	v3 =	vor.u32 v0, v1;
	v2 =	vld.idx.msk [tilespmem:v4+s5+$0x0], $0xffff  }
0x648: {  	v4 =	vor.u32 s1, v10;
	_ =	sdelay $0x3  }
0x649: {  	[tilespmem:v3+s23+$0x0] =	vst.idx.msk $0xffff, v2  }
0x64a: {  	v3 =	vor.u32 v48, v1;
	v2 =	vld.idx.msk [tilespmem:v4+s5+$0x0], $0xffff  }
0x64b: {  	v4 =	vor.u32 s1, v35;
	_ =	sdelay $0x3  }
0x64c: {  	[tilespmem:v3+s23+$0x0] =	vst.idx.msk $0xffff, v2  }
0x64d: {  	v3 =	vor.u32 v45, v1;
	v2 =	vld.idx.msk [tilespmem:v4+s5+$0x0], $0xffff  }
0x64e: {  	v4 =	vor.u32 s1, v62;
	_ =	sdelay $0x3  }
0x64f: {  	[tilespmem:v3+s23+$0x0] =	vst.idx.msk $0xffff, v2  }
0x650: {  	v3 =	vor.u32 v40, v1;
	v2 =	vld.idx.msk [tilespmem:v4+s5+$0x0], $0xffff  }
0x651: {  	v0 =	vld [tilespmem:$0x1FB70];
	v4 =	vor.u32 s1, v51;
	_ =	sdelay $0x3  }
0x652: {  	[tilespmem:v3+s23+$0x0] =	vst.idx.msk $0xffff, v2  }
0x653: {  	v3 =	vor.u32 v0, v1;
	v2 =	vld.idx.msk [tilespmem:v4+s5+$0x0], $0xffff  }
0x654: {  	v4 =	vor.u32 s1, v59;
	_ =	sdelay $0x3  }
0x655: {  	[tilespmem:v3+s23+$0x0] =	vst.idx.msk $0xffff, v2  }
0x656: {  	v0 =	vor.u32 v36, v1;
	v1 =	vld.idx.msk [tilespmem:v4+s5+$0x0], $0xffff;
	_ =	sdelay $0x4  }
0x657: {  	s31 =	rddreg [dreg:$0x5];
	[tilespmem:v0+s23+$0x0] =	vst.idx.msk $0xffff, v1  }
0x658: {  	[hbm4b:s31+s5] =	stream.linear.scatter [tilespmem:s23], [sflag:$0x7], $0x800, $0x38;
	[tilespmem:$0x6000] =	vst v63  }
0x659: {  	_ =	swait.ge [sflag:s29], $0x800  }
0x65a: {  	v2 =	vld [tilespmem:$0x1FF80]  }
0x65b: {  	v30 =	vmov v8;
	v14 =	vmov v53;
	v4 =	vld [tilespmem:$0x1FFC0]  }
.Ltmp13:
0x65c: {  	v19 =	vmovc v33;
	v18 =	vmovc v24;
	v24 =	vmov v38;
	v33 =	vmov v11;
	v38 =	vmov v6;
	v11 =	vld [tilespmem:$0x1FDE0];
	(pc) =	sbr.rel .LBB2_19-.Ltmp13, $4  }
0x65d: {  	v15 =	vmovc v34;
	v26 =	vmovc v46;
	v39 =	vmov v27;
	v6 =	vmov v55;
	v43 =	vmov v38;
	v9 =	vld [tilespmem:$0x1FDF0]  }
0x65e: {  	v55 =	vmovc v44;
	v58 =	vmovc v31;
	v25 =	vmov v22;
	v52 =	vmov v5;
	v3 =	vmov v17;
	v17 =	vld [tilespmem:$0x1FE10]  }
0x65f: {  	v60 =	vmovc v30;
	v8 =	vlaneseq.u32;
	v57 =	vmovc v6;
	v21 =	vmov v32;
	v40 =	vmov v19;
	[sflag:s29] =	ssyncset.done $0x0;
	v19 =	vld [tilespmem:$0x1FE30]  }
0x660: {  	v48 =	vmovc v28;
	v28 =	vmovc v18;
	v35 =	vmov v33;
	v36 =	vmov v24;
	v24 =	vmov v29;
	v47 =	vld [tilespmem:$0x1FFD0];
	[sflag:s29] =	ssyncadd.s32 $0xFFFFF800  }
.LBB2_20:
0x661: {  	_ =	sfence.sel $0x180000  }
0x662: {  	[bflag:$0x0] =	sbarrier.arrive $0xFFFF  }
0x663: {  	_ =	strace $0x90000047  }
0x664: {  	s0 =	stileid.u32;
	[bflag:$0x2] =	sbarrier.arrive $0xFFFF  }
0x665: {  	p0 =	sne.s32 s0, $0x0;
	s0 =	rddreg [dreg:$0x3]  }
0x666: {  	s0 =	sadd.s32 @!p0 $0x100000, s0  }
0x667: {  	[sflag:s0] =	ssyncadd.tile.s32 @!p0 $0x1;
	_ =	shalt  }
.Lfunc_end2:
_tile_overlayer_lowered:
.L_overlay_start_2:
0x668: {  	(tag) =	ssettag $0x2  }
0x669: {  	s0 =	rddreg [dreg:$0x0];
	s2 =	stileid.u32  }
0x66a: {  	s1 =	rddreg [dreg:$0x1];
	p0 =	sne.s32 s2, $0x0  }
0x66b: {  	s3 =	rddreg [dreg:$0x2];
	[bflag:$0x3] =	sbarrier.arrive $0xFFFF;
	s2 =	simm.s32 @!p0 $0x1C07  }
0x66c: {  	[timem:s3], [sflag:s2] =	dma.local @!p0 [hbm:s0], s1  }
0x66d: {  	s0 =	simm.s32 @!p0 $0x7  }
0x66e: {  	_ =	swait.ge @!p0 [sflag:s0], s1  }
0x66f: {  	s1 =	ssub.s32 @!p0 $0x0, s1;
	[sflag:s0] =	ssyncset.done @!p0 $0x0  }
0x670: {  	[sflag:s0] =	ssyncadd.s32 @!p0 s1  }
0x671: {  	[bflag:$0x3] =	sbarrier.arrive $0xFFFF  }
0x672: {  	_ =	shalt  }

// kernel: kernel.7.cloned.1.call-start
scs
__scs_entry_jumppad:
0x0: {  	(pc) =	sbr.rel $0x88, $3  }
0x1: {  	(tag) =	ssettag $0x0;
	lr =	simm.s32 $0x1  }
0x2: {  	[smem:$0x3F9E] =	sst lr;
	_ =	strace $0xD0000000  }
0x3: {  	_ = 	snop  }
0x4: {  	_ = 	snop  }
0x5: {  	_ = 	snop  }
0x6: {  	_ = 	snop  }
0x7: {  	_ = 	snop  }
__scs_overlays_trampoline_lowered:
0x8: {  	[smem:$0x3FAD] =	sst s0  }
0x9: {  	[smem:$0x3FAE] =	sst s1  }
0xa: {  	[smem:$0x3FAF] =	sst s2  }
0xb: {  	[smem:$0x3FB0] =	sst s3  }
0xc: {  	[smem:$0x3FB1] =	sst s4  }
0xd: {  	[smem:$0x3FB2] =	sst s5  }
0xe: {  	[smem:$0x3FB3] =	sst s6  }
0xf: {  	[smem:$0x3FB4] =	sst s7  }
0x10: {  	[smem:$0x3FB5] =	sst s8  }
0x11: {  	[smem:$0x3FB6] =	sst s9;
	s0 =	simm.s32 @!p0 $0x0  }
0x12: {  	s1 =	sld [smem:$0x3F9C];
	s0 =	simm.s32 @p0 $0x1  }
0x13: {  	[smem:$0x3FB7] =	sst s0;
	s0 =	simm.s32 @!p1 $0x0  }
0x14: {  	s2 =	sld [smem:$0x3F9B];
	s0 =	simm.s32 @p1 $0x1  }
0x15: {  	[smem:$0x3FB8] =	sst s0;
	s0 =	simm.s32 @!p2 $0x0  }
0x16: {  	s3 =	sld [smem:$0x3FDB];
	s0 =	simm.s32 @p2 $0x1  }
0x17: {  	s4 =	simm.s32 $0x1BF5;
	[smem:$0x3FBA] =	sst s0  }
0x18: {  	s0 =	sld [smem:$0x3F9D];
	_ =	swait.ge [sflag:s4], $0x0  }
0x19: {  	s7 =	sld [smem:$0x3F9E]  }
0x1a: {  	s8 =	sadd.s32 $0xFFFFE003, lr  }
0x1b: {  	s9 =	sadd.s32 $0xFFFFFEF7, lr;
	s5 =	simm.s32 $0xFFFFFFFF;
	p2 =	slt.u32 s8, $0xFFFFF086  }
0x1c: {  	p1 =	slt.u32 s9, $0xF7A;
	s5 =	simm.s32 @!p2 $0x0  }
0x1d: {  	s5 =	simm.s32 @p1 $0x1;
	p0 =	seq.s32 s7, s2  }
0x1e: {  	s7 =	smul.u32 @!p0 $0xF7A, s2;
	p2 =	seq.s32 @!p0 s5, $0x0  }
0x1f: {  	s9 =	smul.u32 $0xF7A, s1;
	s8 =	simm.s32 @!p0 $0x1BF5;
	p2 =	por !p2, p0  }
0x20: {  	[sflag:s8] =	ssyncset.s32 @!p0 $0xFFFFF086;
	s6 =	sadd.s32 @!p0 s3, s7;
	s7 =	simm.s32 @!p0 $0x108  }
0x21: {  	s3 =	sadd.s32 s3, s9;
	s6 =	sadd.s32 @!p0 $0x88, s6;
	s7 =	simm.s32 @p2 $0x1082  }
0x22: {  	[simem:s7], [sflag:s8] =	dma.local @!p0 [hbm:s6], $0xF7A  }
0x23: {  	s9 =	sor.u32 $0xD0000000, s2;
	s6 =	simm.s32 $0x108;
	_ =	swait.ge @!p0 [sflag:s8], $0x0  }
0x24: {  	s3 =	sadd.s32 $0x88, s3;
	s6 =	simm.s32 @!p1 $0x1082;
	[sflag:s4] =	ssyncset.s32 $0xFFFFF086  }
0x25: {  	[simem:s6], [sflag:s4] =	dma.local [hbm:s3], $0xF7A  }
0x26: {  	[smem:$0x3F9E] =	sst s1;
	(tag) =	ssettag s2;
	_ =	strace s9  }
0x27: {  	s1 =	sld [smem:$0x3FAE]  }
0x28: {  	s2 =	sld [smem:$0x3FAF]  }
0x29: {  	s4 =	sld [smem:$0x3FB1]  }
0x2a: {  	p0 =	seq.s32 s5, $0x0;
	s5 =	sld [smem:$0x3FB2]  }
0x2b: {  	s6 =	sld [smem:$0x3FB3]  }
0x2c: {  	s7 =	sld [smem:$0x3FB4]  }
0x2d: {  	s3 =	simm.s32 $0x108;
	s8 =	sld [smem:$0x3FB5]  }
0x2e: {  	s3 =	simm.s32 @!p0 $0x1082;
	s9 =	sld [smem:$0x3FB6]  }
0x2f: {  	lr =	sadd.s32 s0, s3;
	s0 =	sld [smem:$0x3FAD]  }
0x30: {  	s3 =	sld [smem:$0x3FB0]  }
0x31: {  	[smem:$0x3FB9] =	sst s10  }
0x32: {  	s10 =	sld [smem:$0x3FB7];
	_ =	sdelay $0x3  }
0x33: {  	p0 =	seq.s32 s10, $0x1;
	s10 =	sld [smem:$0x3FB9];
	_ =	sdelay $0x3  }
0x34: {  	[smem:$0x3FB9] =	sst s10  }
0x35: {  	s10 =	sld [smem:$0x3FB8];
	_ =	sdelay $0x3  }
0x36: {  	p1 =	seq.s32 s10, $0x1;
	s10 =	sld [smem:$0x3FB9];
	_ =	sdelay $0x3  }
0x37: {  	[smem:$0x3FB9] =	sst s10  }
0x38: {  	s10 =	sld [smem:$0x3FBA]  }
0x39: {  	_ = 	snop;
	(pc) =	sbr.ind lr, $3  }
0x3a: {  	_ = 	snop  }
0x3b: {  	_ = 	snop  }
0x3c: {  	p2 =	seq.s32 s10, $0x1;
	s10 =	sld [smem:$0x3FB9]  }
0x3d: {  	_ =	shalt  }
0x3e: {  	_ =	shalt  }
0x3f: {  	_ =	shalt  }
0x40: {  	_ =	shalt  }
0x41: {  	_ =	shalt  }
0x42: {  	_ =	shalt  }
0x43: {  	_ =	shalt  }
0x44: {  	_ =	shalt  }
0x45: {  	_ =	shalt  }
0x46: {  	_ =	shalt  }
0x47: {  	_ =	shalt  }
0x48: {  	_ =	shalt  }
0x49: {  	_ =	shalt  }
0x4a: {  	_ =	shalt  }
0x4b: {  	_ =	shalt  }
0x4c: {  	_ =	shalt  }
0x4d: {  	_ =	shalt  }
0x4e: {  	_ =	shalt  }
0x4f: {  	_ =	shalt  }
0x50: {  	_ =	shalt  }
0x51: {  	_ =	shalt  }
0x52: {  	_ =	shalt  }
0x53: {  	_ =	shalt  }
0x54: {  	_ =	shalt  }
0x55: {  	_ =	shalt  }
0x56: {  	_ =	shalt  }
0x57: {  	_ =	shalt  }
0x58: {  	_ =	shalt  }
0x59: {  	_ =	shalt  }
0x5a: {  	_ =	shalt  }
0x5b: {  	_ =	shalt  }
0x5c: {  	_ =	shalt  }
0x5d: {  	_ =	shalt  }
0x5e: {  	_ =	shalt  }
0x5f: {  	_ =	shalt  }
0x60: {  	_ =	shalt  }
0x61: {  	_ =	shalt  }
0x62: {  	_ =	shalt  }
0x63: {  	_ =	shalt  }
0x64: {  	_ =	shalt  }
0x65: {  	_ =	shalt  }
0x66: {  	_ =	shalt  }
0x67: {  	_ =	shalt  }
0x68: {  	_ =	shalt  }
0x69: {  	_ =	shalt  }
0x6a: {  	_ =	shalt  }
0x6b: {  	_ =	shalt  }
0x6c: {  	_ =	shalt  }
0x6d: {  	_ =	shalt  }
0x6e: {  	_ =	shalt  }
0x6f: {  	_ =	shalt  }
0x70: {  	_ =	shalt  }
0x71: {  	_ =	shalt  }
0x72: {  	_ =	shalt  }
0x73: {  	_ =	shalt  }
0x74: {  	_ =	shalt  }
0x75: {  	_ =	shalt  }
0x76: {  	_ =	shalt  }
0x77: {  	_ =	shalt  }
0x78: {  	_ =	shalt  }
0x79: {  	_ =	shalt  }
0x7a: {  	_ =	shalt  }
0x7b: {  	_ =	shalt  }
0x7c: {  	_ =	shalt  }
0x7d: {  	_ =	shalt  }
0x7e: {  	_ =	shalt  }
0x7f: {  	_ =	shalt  }
0x80: {  	_ =	shalt  }
0x81: {  	_ =	shalt  }
0x82: {  	_ =	shalt  }
0x83: {  	_ =	shalt  }
0x84: {  	_ =	shalt  }
0x85: {  	_ =	shalt  }
0x86: {  	_ =	shalt  }
0x87: {  	_ =	shalt  }
.Lfunc_end0:
.L_simem_size_0:
called_computation.1_lowered:
.L_overlay_start_0:
0x88: {  	s2 =	sld [smem:$0x3FD9]  }
0x89: {  	s3 =	sld [smem:$0x3FFE];
	_ =	sdelay $0x1  }
0x8a: {  	s1 =	srdreg.scid  }
0x8b: {  	s0 =	sand.u32 $0x1, s1  }
0x8c: {  	s17 =	sshll.u32 s0, $0xA;
	s2 =	sadd.s32 s3, s2  }
0x8d: {  	s2 =	sadd.s32 s2, s17  }
0x8e: {  	[smem:$0x3FC5] =	sst s2  }
0x8f: {  	_ = 	snop  }
0x90: {  	s2 =	sld [smem:$0x3FC7]  }
0x91: {  	s18 =	sld [smem:$0x3FD0];
	(tm) =	ssettm $0x1  }
0x92: {  	s4 =	sld [smem:$0x3FFB];
	_ =	sdelay $0x3  }
0x93: {  	_ =	strace s4  }
0x94: {  	s4 =	sld [smem:$0x3FFC];
	_ =	sdelay $0x3  }
0x95: {  	_ =	strace s4  }
0x96: {  	s4 =	sld [smem:$0x3FFD];
	_ =	sdelay $0x3  }
0x97: {  	_ =	strace s4  }
0x98: {  	_ =	strace $0x8FFFFFFF  }
0x99: {  	s19 =	sld [smem:$0x3FDB];
	_ =	sdelay $0x1  }
0x9a: {  	s5 =	simm.s32 $_scs_section_size  }
0x9b: {  	s6 =	simm.s32 $_size__tile_overlayer_lowered;
	s7 =	simm.s32 $_tile_overlayer_lowered  }
0x9c: {  	s22 =	simm.s32 $0x1BFF;
	s21 =	sshll.u32 s7, $0x1;
	s4 =	sadd.s32 s5, s19  }
0x9d: {  	s8 =	simm.s32 $0x0;
	s20 =	sshll.u32 s6, $0x1;
	s6 =	sadd.s32 s21, s4  }
0x9e: {  	[timem:s8], [sflag:s22] =	dma.local [hbm:s6], s20  }
0x9f: {  	_ =	swait.ge [sflag:s22], s20  }
0xa0: {  	s5 =	ssub.s32 $0x0, s20;
	[sflag:s22] =	ssyncset.done $0x0  }
0xa1: {  	[sflag:s22] =	ssyncadd.s32 s5;
	_ =	sdelay $0x1  }
0xa2: {  	s23 =	simm.s32 $0x1B8B  }
0xa3: {  	_ =	swait.ge [sflag:s23], $0x1  }
0xa4: {  	[sflag:s23] =	ssyncset.done $0x0  }
0xa5: {  	s25 =	simm.s32 $0x1B8E;
	s24 =	sld [smem:$0x3FFE];
	[sflag:s23] =	ssyncadd.s32 $0xFFFFFFFF  }
0xa6: {  	s26 =	simm.s32 $execute0_lowered;
	[smem:$0x3FD2] =	sst s25  }
0xa7: {  	s6 =	sshll.u32 s26, $0x1;
	_ =	strace $0x80000049;
	[dreg:$0x1] =	wrdreg $0xFFFFFFFF  }
0xa8: {  	s28 =	simm.s32 $_size_execute0_lowered;
	s4 =	sadd.s32 s4, s6;
	[dreg:$0x0] =	wrdreg $0x0  }
0xa9: {  	s6 =	sshll.u32 s28, $0x1;
	[dreg:$0x2] =	wrdreg s4  }
0xaa: {  	[dreg:$0x3] =	wrdreg s6  }
0xab: {  	[dreg:$0x4] =	wrdreg $0xC0  }
0xac: {  	_ =	task [dreg:s8], $0x5FFFF  }
0xad: {  	[dreg:$0x1] =	wrdreg $0xFFFFFFFF  }
0xae: {  	[dreg:$0x0] =	wrdreg $0x60  }
0xaf: {  	[dreg:$0x2] =	wrdreg s24  }
0xb0: {  	[dreg:$0x3] =	wrdreg s2  }
0xb1: {  	[dreg:$0x4] =	wrdreg s18  }
0xb2: {  	[dreg:$0x5] =	wrdreg $0x9  }
0xb3: {  	_ =	task.clear_ibuf [dreg:s8], $0x6FFFF;
	_ =	strace $0x90000049  }
0xb4: {  	s29 =	simm.s32 $0x9;
	_ =	strace $0x8000004B  }
0xb5: {  	_ =	swait.ge [sflag:s29], $0x1  }
0xb6: {  	[sflag:s29] =	ssyncadd.s32 $0xFFFFFFFF  }
0xb7: {  	_ =	strace $0x9000004B  }
0xb8: {  	_ =	sfence  }
0xb9: {  	s30 =	sld [smem:$0x0];
	_ =	sdelay $0x2  }
0xba: {  	s31 =	sshll.u32 s1, $0xD;
	s1 =	sshrl.u32 s1, $0x2  }
0xbb: {  	s3 =	sand.u32 $0x4000, s31;
	s1 =	sadd.s32 s1, s30  }
0xbc: {  	s0 =	sor.u32 s3, s0;
	s1 =	sshll.u32 s1, $0x11  }
0xbd: {  	s0 =	sor.u32 s1, s0  }
0xbe: {  	s0 =	sadd.s32 $0x8F2B, s0  }
0xbf: {  	[sflag:s0] =	ssyncadd.remote.s32 $0x1  }
0xc0: {  	_ =	sfence.sel $0xFFFF  }
0xc1: {  	[dreg:$0x0] =	wrdreg $0xFFFFFFFF;
	(pc) =	sbr.abs _section_cstart, $3  }
0xc2: {  	[dreg:$0x1] =	wrdreg $0xFFFFFFFF  }
0xc3: {  	_ =	task.clear_ibuf [dreg:s8], $0x2FFFF;
	_ =	strace $0x9FFFFFFF  }
0xc4: {  	(tm) =	ssettm $0x7FFFFFFF  }
0xc5: {  	_ =	shalt  }
tec
execute0_lowered:
.L_overlay_start_1:
0x0: {  	(tag) =	ssettag $0x1  }
0x1: {  	s4 =	rddreg [dreg:$0x0]  }
0x2: {  	s2 =	rddreg [dreg:$0x1];
	s1 =	srdreg.scid  }
0x3: {  	s0 =	stileid.u32;
	s6 =	rddreg [dreg:$0x2];
	s3 =	simm.s32 $0x0  }
0x4: {  	s10 =	simm.s32 $0x64;
	s11 =	simm.s32 $0x6800;
	s12 =	simm.s32 $0x68  }
0x5: {  	s13 =	simm.s32 $0x7480;
	s14 =	simm.s32 $0xD0;
	s15 =	simm.s32 $0x8100  }
0x6: {  	s16 =	simm.s32 $0x138;
	s17 =	simm.s32 $0x8D80;
	s18 =	simm.s32 $0x1  }
0x7: {  	s19 =	simm.s32 $0x2;
	s20 =	simm.s32 $0x3;
	s21 =	simm.s32 $0x4  }
0x8: {  	s22 =	simm.s32 $0x9A00;
	s5 =	sand.u32 $0x1, s1;
	s1 =	rddreg [dreg:$0x3]  }
0x9: {  	s23 =	simm.s32 $0x0;
	s7 =	sshll.u32 s0, $0x1;
	[smem:$0x7FF] =	sst s3  }
.Ltmp0:
0xa: {  	s7 =	sor.u32 s5, s7;
	s5 =	ssub.s32 $0x2, s5;
	(pc) =	sbr.rel .LBB2_1-.Ltmp0, $4  }
0xb: {  	s8 =	smul.u32 $0xD00, s7;
	s9 =	sshrl.u32 s5, $0x1;
	s7 =	sshll.u32 s7, $0x9  }
0xc: {  	_ =	strace $0x8000004A;
	s9 =	ssub.s32 s5, s9;
	s6 =	sadd.s32 s6, s7  }
0xd: {  	s8 =	sadd.s32 s8, s4;
	s4 =	sadd.s32 $0xA00, s4;
	s7 =	smax.u32 s9, $0x1  }
0xe: {  	s9 =	simm.s32 $0xAA00;
	s5 =	sadd.s32 $0x3D1400, s8;
	s8 =	simm.s32 $0x5  }
.LBB2_12:
0xf: {  	s23 =	sadd.s32 $0x1, s23  }
0x10: {  	[tilespmem:s25+$0x9A20] =	vst v3;
	p0 =	sne.s32 s23, s7  }
.Ltmp1:
0x11: {  	[tilespmem:s25+$0x9A30] =	vst v2;
	(pc) =	sbr.rel @!p0 .LBB2_13-.Ltmp1, $4  }
0x12: {  	[hbm4b:s6+s3] =	stream.linear.scatter [tilespmem:s22], [sflag:$0x5], $0x1000, $0x38;
	[tilespmem:$0xAA20] =	vst v63  }
0x13: {  	_ =	swait.ge [sflag:s8], $0x1000  }
0x14: {  	[sflag:s8] =	ssyncset.done $0x0  }
0x15: {  	[sflag:s8] =	ssyncadd.s32 $0xFFFFF000  }
.LBB2_1:
0x16: {  	[tilespmem:s3], [sflag:$0x5] =	stream.linear.gather [hbm4b:s5+s3], $0x6800, $0x38;
	[tilespmem:$0xAA20] =	vst v63  }
0x17: {  	_ =	swait.ge [sflag:s8], $0x6800  }
0x18: {  	[sflag:s8] =	ssyncset.done $0x0  }
0x19: {  	[sflag:s8] =	ssyncadd.s32 $0xFFFF9800  }
0x1a: {  	[tilespmem:s9], [sflag:$0x5] =	stream.linear.gather [hbm4b:s2+s3], $0x20, $0x38;
	[tilespmem:$0xAA20] =	vst v63  }
0x1b: {  	_ =	swait.ge [sflag:s8], $0x20  }
0x1c: {  	[sflag:s8] =	ssyncset.done $0x0  }
0x1d: {  	[sflag:s8] =	ssyncadd.s32 $0xFFFFFFE0  }
0x1e: {  	v0 =	vld [tilespmem:$0xAA00]  }
0x1f: {  	v1 =	vld [tilespmem:$0xAA10];
	[tilespmem:s11], [sflag:$0x1] =	stream.indirect.gather [hbm4b:s4+s10], $0x20, s3, s10, $0xb8  }
0x20: {  	_ = 	snop  }
0x21: {  	[tilespmem:s13], [sflag:$0x2] =	stream.indirect.gather [hbm4b:s4+s10], $0x20, s12, s10, $0xb8;
	[tilespmem:$0xAA20] =	vst v63  }
0x22: {  	_ = 	snop  }
0x23: {  	[tilespmem:s15], [sflag:$0x3] =	stream.indirect.gather [hbm4b:s4+s10], $0x20, s14, s10, $0xb8;
	[tilespmem:$0xAA20] =	vst v63  }
0x24: {  	s24 =	simm.s32 $0x0  }
0x25: {  	[tilespmem:s17], [sflag:$0x4] =	stream.indirect.gather [hbm4b:s4+s10], $0x20, s16, s10, $0xb8;
	[tilespmem:$0xAA20] =	vst v63  }
.LBB2_2:
0x26: {  	_ =	swait.ge [sflag:s18], $0xC80  }
0x27: {  	[sflag:s18] =	ssyncset.done $0x0  }
0x28: {  	s26 =	simm.s32 $0x68A0;
	[sflag:s18] =	ssyncadd.s32 $0xFFFFF380  }
0x29: {  	v2 =	vld [tilespmem:s26+$0xFFFFFF60]  }
0x2a: {  	v3 =	vld [tilespmem:s26+$0xFFFFFF70]  }
0x2b: {  	v4 =	vld [tilespmem:s26+$0xFFFFFF80]  }
0x2c: {  	v5 =	vld [tilespmem:s26+$0xFFFFFF90]  }
0x2d: {  	v6 =	vld [tilespmem:s26+$0xFFFFFFA0]  }
0x2e: {  	v7 =	vld [tilespmem:s26+$0xFFFFFFB0]  }
0x2f: {  	v8 =	vld [tilespmem:s26+$0xFFFFFFC0];
	v2 =	vadd.f32 v2, v0;
	v3 =	vadd.f32 v3, v1  }
0x30: {  	v9 =	vld [tilespmem:s26+$0xFFFFFFD0]  }
0x31: {  	v10 =	vld [tilespmem:s26+$0xFFFFFFE0];
	v2 =	vadd.f32 v4, v2;
	v3 =	vadd.f32 v5, v3  }
0x32: {  	v5 =	vld [tilespmem:s26+$0xFFFFFFF0]  }
0x33: {  	v11 =	vld [tilespmem:s26+$0x0];
	v2 =	vadd.f32 v6, v2;
	v3 =	vadd.f32 v7, v3  }
0x34: {  	v6 =	vld [tilespmem:s26+$0x10]  }
0x35: {  	v12 =	vld [tilespmem:s26+$0x20];
	v2 =	vadd.f32 v8, v2;
	v3 =	vadd.f32 v9, v3  }
0x36: {  	v9 =	vld [tilespmem:s26+$0x30]  }
0x37: {  	v4 =	vld [tilespmem:s26+$0x40];
	v8 =	vadd.f32 v10, v2;
	v3 =	vadd.f32 v5, v3  }
0x38: {  	v7 =	vld [tilespmem:s26+$0x50]  }
0x39: {  	v2 =	vld [tilespmem:s26+$0x60];
	v8 =	vadd.f32 v11, v8;
	v6 =	vadd.f32 v6, v3  }
0x3a: {  	v5 =	vld [tilespmem:s26+$0x70]  }
0x3b: {  	v3 =	vld [tilespmem:s26+$0x80];
	v8 =	vadd.f32 v12, v8;
	v9 =	vadd.f32 v9, v6  }
0x3c: {  	s25 =	simm.s32 $0x0;
	v6 =	vld [tilespmem:s26+$0x90];
	s26 =	simm.s32 $0x69E0  }
.LBB2_3:
0x3d: {  	v10 =	vld [tilespmem:s26+$0xFFFFFF60];
	v4 =	vadd.f32 v4, v8;
	v7 =	vadd.f32 v7, v9  }
0x3e: {  	s25 =	sadd.s32 $0xA, s25;
	v8 =	vld [tilespmem:s26+$0xFFFFFF70]  }
0x3f: {  	p0 =	slt.u32 s25, $0x5A;
	v9 =	vld [tilespmem:s26+$0xFFFFFF80];
	v2 =	vadd.f32 v2, v4;
	v4 =	vadd.f32 v5, v7  }
0x40: {  	v5 =	vld [tilespmem:s26+$0xFFFFFF90]  }
0x41: {  	v7 =	vld [tilespmem:s26+$0xFFFFFFA0];
	v2 =	vadd.f32 v3, v2;
	v3 =	vadd.f32 v6, v4  }
0x42: {  	v4 =	vld [tilespmem:s26+$0xFFFFFFB0]  }
0x43: {  	v2 =	vadd.f32 v10, v2;
	v3 =	vadd.f32 v8, v3;
	v6 =	vld [tilespmem:s26+$0xFFFFFFC0]  }
0x44: {  	v8 =	vld [tilespmem:s26+$0xFFFFFFD0]  }
0x45: {  	v2 =	vadd.f32 v9, v2;
	v3 =	vadd.f32 v5, v3;
	v5 =	vld [tilespmem:s26+$0xFFFFFFE0]  }
0x46: {  	v9 =	vld [tilespmem:s26+$0xFFFFFFF0]  }
0x47: {  	v2 =	vadd.f32 v7, v2;
	v3 =	vadd.f32 v4, v3;
	v10 =	vld [tilespmem:s26+$0x0]  }
0x48: {  	v11 =	vld [tilespmem:s26+$0x10]  }
0x49: {  	v2 =	vadd.f32 v6, v2;
	v3 =	vadd.f32 v8, v3;
	v6 =	vld [tilespmem:s26+$0x20]  }
0x4a: {  	v12 =	vld [tilespmem:s26+$0x30]  }
0x4b: {  	v2 =	vadd.f32 v5, v2;
	v3 =	vadd.f32 v9, v3;
	v4 =	vld [tilespmem:s26+$0x40]  }
.Ltmp2:
0x4c: {  	v7 =	vld [tilespmem:s26+$0x50];
	(pc) =	sbr.rel @p0 .LBB2_3-.Ltmp2, $4  }
0x4d: {  	v8 =	vadd.f32 v10, v2;
	v3 =	vadd.f32 v11, v3;
	v2 =	vld [tilespmem:s26+$0x60]  }
0x4e: {  	v5 =	vld [tilespmem:s26+$0x70]  }
0x4f: {  	v8 =	vadd.f32 v6, v8;
	v9 =	vadd.f32 v12, v3;
	v3 =	vld [tilespmem:s26+$0x80]  }
0x50: {  	v6 =	vld [tilespmem:s26+$0x90];
	s26 =	sadd.s32 $0x140, s26  }
0x51: {  	p0 =	seq.s32 s24, $0x3F  }
0x52: {  	s25 =	smul.u32 @!p0 $0x680, s24;
	_ =	sdelay $0x1  }
0x53: {  	s26 =	sshra.s32 @!p0 s25, $0x2  }
0x54: {  	s28 =	simm.s32 @!p0 $0x64;
	s29 =	simm.s32 @!p0 $0x6800;
	s25 =	sadd.s32 @!p0 $0x1A0, s26  }
0x55: {  	[tilespmem:s29], [sflag:$0x1] =	stream.indirect.gather @!p0 [hbm4b:s4+s28], $0x20, s25, s28, $0xb8;
	[tilespmem:$0xAA20] =	vst v63  }
0x56: {  	_ =	swait.ge [sflag:s19], $0xC80  }
0x57: {  	[sflag:s19] =	ssyncset.done $0x0  }
0x58: {  	s28 =	simm.s32 $0x75B0;
	[sflag:s19] =	ssyncadd.s32 $0xFFFFF380  }
0x59: {  	v4 =	vadd.f32 v4, v8;
	v7 =	vadd.f32 v7, v9;
	v10 =	vld [tilespmem:s28+$0xFFFFFED0]  }
0x5a: {  	v8 =	vld [tilespmem:s28+$0xFFFFFEE0]  }
0x5b: {  	v2 =	vadd.f32 v2, v4;
	v4 =	vadd.f32 v5, v7;
	v9 =	vld [tilespmem:s28+$0xFFFFFEF0]  }
0x5c: {  	v5 =	vld [tilespmem:s28+$0xFFFFFF00]  }
0x5d: {  	v2 =	vadd.f32 v3, v2;
	v3 =	vadd.f32 v6, v4;
	v7 =	vld [tilespmem:s28+$0xFFFFFF10]  }
0x5e: {  	v4 =	vld [tilespmem:s28+$0xFFFFFF20]  }
0x5f: {  	v6 =	vld [tilespmem:s28+$0xFFFFFF30];
	v2 =	vadd.f32 v10, v2;
	v3 =	vadd.f32 v8, v3  }
0x60: {  	v8 =	vld [tilespmem:s28+$0xFFFFFF40]  }
0x61: {  	v10 =	vld [tilespmem:s28+$0xFFFFFF50];
	v2 =	vadd.f32 v9, v2;
	v3 =	vadd.f32 v5, v3  }
0x62: {  	v5 =	vld [tilespmem:s28+$0xFFFFFF60]  }
0x63: {  	v11 =	vld [tilespmem:s28+$0xFFFFFF80];
	v2 =	vadd.f32 v7, v2;
	v3 =	vadd.f32 v4, v3  }
0x64: {  	v9 =	vld [tilespmem:s28+$0xFFFFFF70]  }
0x65: {  	v12 =	vld [tilespmem:s28+$0xFFFFFF90];
	v2 =	vadd.f32 v6, v2;
	v4 =	vadd.f32 v8, v3  }
0x66: {  	v6 =	vld [tilespmem:s28+$0xFFFFFFA0]  }
0x67: {  	v7 =	vld [tilespmem:s28+$0xFFFFFFC0];
	v2 =	vadd.f32 v10, v2;
	v5 =	vadd.f32 v5, v4  }
0x68: {  	v3 =	vld [tilespmem:s28+$0xFFFFFFB0]  }
0x69: {  	v4 =	vld [tilespmem:s28+$0xFFFFFFD0];
	v8 =	vadd.f32 v9, v2;
	v9 =	vadd.f32 v11, v5  }
0x6a: {  	v5 =	vld [tilespmem:s28+$0xFFFFFFE0]  }
0x6b: {  	v2 =	vld [tilespmem:s28+$0xFFFFFFF0];
	v8 =	vadd.f32 v12, v8;
	v9 =	vadd.f32 v6, v9  }
0x6c: {  	s25 =	simm.s32 $0x0;
	v6 =	vld [tilespmem:s28+$0x0];
	s28 =	simm.s32 $0x76F0  }
.LBB2_5:
0x6d: {  	v10 =	vld [tilespmem:s28+$0xFFFFFED0];
	v3 =	vadd.f32 v3, v8;
	v7 =	vadd.f32 v7, v9  }
0x6e: {  	s25 =	sadd.s32 $0xA, s25;
	v8 =	vld [tilespmem:s28+$0xFFFFFEE0]  }
0x6f: {  	p1 =	slt.u32 s25, $0x5A;
	v9 =	vld [tilespmem:s28+$0xFFFFFEF0];
	v3 =	vadd.f32 v4, v3;
	v4 =	vadd.f32 v5, v7  }
0x70: {  	v5 =	vld [tilespmem:s28+$0xFFFFFF00]  }
0x71: {  	v7 =	vld [tilespmem:s28+$0xFFFFFF10];
	v2 =	vadd.f32 v2, v3;
	v3 =	vadd.f32 v6, v4  }
0x72: {  	v4 =	vld [tilespmem:s28+$0xFFFFFF20]  }
0x73: {  	v2 =	vadd.f32 v10, v2;
	v3 =	vadd.f32 v8, v3;
	v6 =	vld [tilespmem:s28+$0xFFFFFF30]  }
0x74: {  	v8 =	vld [tilespmem:s28+$0xFFFFFF40]  }
0x75: {  	v2 =	vadd.f32 v9, v2;
	v3 =	vadd.f32 v5, v3;
	v5 =	vld [tilespmem:s28+$0xFFFFFF50]  }
0x76: {  	v9 =	vld [tilespmem:s28+$0xFFFFFF60]  }
0x77: {  	v2 =	vadd.f32 v7, v2;
	v3 =	vadd.f32 v4, v3;
	v4 =	vld [tilespmem:s28+$0xFFFFFF70]  }
0x78: {  	v10 =	vld [tilespmem:s28+$0xFFFFFF80]  }
0x79: {  	v2 =	vadd.f32 v6, v2;
	v3 =	vadd.f32 v8, v3;
	v6 =	vld [tilespmem:s28+$0xFFFFFF90]  }
0x7a: {  	v11 =	vld [tilespmem:s28+$0xFFFFFFA0]  }
0x7b: {  	v2 =	vadd.f32 v5, v2;
	v5 =	vadd.f32 v9, v3;
	v3 =	vld [tilespmem:s28+$0xFFFFFFB0]  }
.Ltmp3:
0x7c: {  	v7 =	vld [tilespmem:s28+$0xFFFFFFC0];
	(pc) =	sbr.rel @p1 .LBB2_5-.Ltmp3, $4  }
0x7d: {  	v2 =	vadd.f32 v4, v2;
	v9 =	vadd.f32 v10, v5;
	v4 =	vld [tilespmem:s28+$0xFFFFFFD0]  }
0x7e: {  	v5 =	vld [tilespmem:s28+$0xFFFFFFE0]  }
0x7f: {  	v8 =	vadd.f32 v6, v2;
	v9 =	vadd.f32 v11, v9;
	v2 =	vld [tilespmem:s28+$0xFFFFFFF0]  }
0x80: {  	v6 =	vld [tilespmem:s28+$0x0];
	s28 =	sadd.s32 $0x140, s28  }
0x81: {  	v3 =	vadd.f32 v3, v8  }
0x82: {  	v7 =	vadd.f32 v7, v9  }
0x83: {  	s25 =	sadd.s32 @!p0 $0x208, s26;
	v3 =	vadd.f32 v4, v3  }
0x84: {  	s28 =	simm.s32 @!p0 $0x64;
	s29 =	simm.s32 @!p0 $0x7480;
	s31 =	sshll.u32 s24, $0x6;
	v4 =	vadd.f32 v5, v7  }
0x85: {  	[tilespmem:s29], [sflag:$0x2] =	stream.indirect.gather @!p0 [hbm4b:s4+s28], $0x20, s25, s28, $0xb8;
	v2 =	vadd.f32 v2, v3;
	[tilespmem:$0xAA20] =	vst v63  }
0x86: {  	s25 =	sand.u32 $0x3FFFFFC0, s31;
	v3 =	vadd.f32 v6, v4  }
0x87: {  	[tilespmem:s25+$0x9A00] =	vst v2  }
0x88: {  	[tilespmem:s25+$0x9A10] =	vst v3  }
0x89: {  	_ =	swait.ge [sflag:s20], $0xC80  }
0x8a: {  	[sflag:s20] =	ssyncset.done $0x0  }
0x8b: {  	s29 =	simm.s32 $0x8230;
	[sflag:s20] =	ssyncadd.s32 $0xFFFFF380  }
0x8c: {  	v2 =	vld [tilespmem:s29+$0xFFFFFED0]  }
0x8d: {  	v3 =	vld [tilespmem:s29+$0xFFFFFEE0]  }
0x8e: {  	v4 =	vld [tilespmem:s29+$0xFFFFFEF0]  }
0x8f: {  	v5 =	vld [tilespmem:s29+$0xFFFFFF00]  }
0x90: {  	v6 =	vld [tilespmem:s29+$0xFFFFFF10]  }
0x91: {  	v7 =	vld [tilespmem:s29+$0xFFFFFF20]  }
0x92: {  	v8 =	vld [tilespmem:s29+$0xFFFFFF30];
	v2 =	vadd.f32 v2, v0;
	v3 =	vadd.f32 v3, v1  }
0x93: {  	v9 =	vld [tilespmem:s29+$0xFFFFFF40]  }
0x94: {  	v10 =	vld [tilespmem:s29+$0xFFFFFF50];
	v2 =	vadd.f32 v4, v2;
	v3 =	vadd.f32 v5, v3  }
0x95: {  	v5 =	vld [tilespmem:s29+$0xFFFFFF60]  }
0x96: {  	v11 =	vld [tilespmem:s29+$0xFFFFFF70];
	v2 =	vadd.f32 v6, v2;
	v3 =	vadd.f32 v7, v3  }
0x97: {  	v6 =	vld [tilespmem:s29+$0xFFFFFF80]  }
0x98: {  	v12 =	vld [tilespmem:s29+$0xFFFFFF90];
	v2 =	vadd.f32 v8, v2;
	v3 =	vadd.f32 v9, v3  }
0x99: {  	v9 =	vld [tilespmem:s29+$0xFFFFFFA0]  }
0x9a: {  	v4 =	vld [tilespmem:s29+$0xFFFFFFB0];
	v8 =	vadd.f32 v10, v2;
	v3 =	vadd.f32 v5, v3  }
0x9b: {  	v7 =	vld [tilespmem:s29+$0xFFFFFFC0]  }
0x9c: {  	v2 =	vld [tilespmem:s29+$0xFFFFFFD0];
	v8 =	vadd.f32 v11, v8;
	v6 =	vadd.f32 v6, v3  }
0x9d: {  	v5 =	vld [tilespmem:s29+$0xFFFFFFE0]  }
0x9e: {  	v3 =	vld [tilespmem:s29+$0xFFFFFFF0];
	v8 =	vadd.f32 v12, v8;
	v9 =	vadd.f32 v9, v6  }
0x9f: {  	s28 =	simm.s32 $0x0;
	v6 =	vld [tilespmem:s29+$0x0];
	s29 =	simm.s32 $0x8370  }
.LBB2_7:
0xa0: {  	v10 =	vld [tilespmem:s29+$0xFFFFFED0];
	v4 =	vadd.f32 v4, v8;
	v7 =	vadd.f32 v7, v9  }
0xa1: {  	s28 =	sadd.s32 $0xA, s28;
	v8 =	vld [tilespmem:s29+$0xFFFFFEE0]  }
0xa2: {  	p1 =	slt.u32 s28, $0x5A;
	v9 =	vld [tilespmem:s29+$0xFFFFFEF0];
	v2 =	vadd.f32 v2, v4;
	v4 =	vadd.f32 v5, v7  }
0xa3: {  	v5 =	vld [tilespmem:s29+$0xFFFFFF00]  }
0xa4: {  	v7 =	vld [tilespmem:s29+$0xFFFFFF10];
	v2 =	vadd.f32 v3, v2;
	v3 =	vadd.f32 v6, v4  }
0xa5: {  	v4 =	vld [tilespmem:s29+$0xFFFFFF20]  }
0xa6: {  	v2 =	vadd.f32 v10, v2;
	v3 =	vadd.f32 v8, v3;
	v6 =	vld [tilespmem:s29+$0xFFFFFF30]  }
0xa7: {  	v8 =	vld [tilespmem:s29+$0xFFFFFF40]  }
0xa8: {  	v2 =	vadd.f32 v9, v2;
	v3 =	vadd.f32 v5, v3;
	v5 =	vld [tilespmem:s29+$0xFFFFFF50]  }
0xa9: {  	v9 =	vld [tilespmem:s29+$0xFFFFFF60]  }
0xaa: {  	v2 =	vadd.f32 v7, v2;
	v3 =	vadd.f32 v4, v3;
	v10 =	vld [tilespmem:s29+$0xFFFFFF70]  }
0xab: {  	v11 =	vld [tilespmem:s29+$0xFFFFFF80]  }
0xac: {  	v2 =	vadd.f32 v6, v2;
	v3 =	vadd.f32 v8, v3;
	v6 =	vld [tilespmem:s29+$0xFFFFFF90]  }
0xad: {  	v12 =	vld [tilespmem:s29+$0xFFFFFFA0]  }
0xae: {  	v2 =	vadd.f32 v5, v2;
	v3 =	vadd.f32 v9, v3;
	v4 =	vld [tilespmem:s29+$0xFFFFFFB0]  }
.Ltmp4:
0xaf: {  	v7 =	vld [tilespmem:s29+$0xFFFFFFC0];
	(pc) =	sbr.rel @p1 .LBB2_7-.Ltmp4, $4  }
0xb0: {  	v8 =	vadd.f32 v10, v2;
	v3 =	vadd.f32 v11, v3;
	v2 =	vld [tilespmem:s29+$0xFFFFFFD0]  }
0xb1: {  	v5 =	vld [tilespmem:s29+$0xFFFFFFE0]  }
0xb2: {  	v8 =	vadd.f32 v6, v8;
	v9 =	vadd.f32 v12, v3;
	v3 =	vld [tilespmem:s29+$0xFFFFFFF0]  }
0xb3: {  	v6 =	vld [tilespmem:s29+$0x0];
	s29 =	sadd.s32 $0x140, s29  }
0xb4: {  	s26 =	sadd.s32 @!p0 $0x270, s26;
	s28 =	simm.s32 @!p0 $0x64;
	s29 =	simm.s32 @!p0 $0x8100  }
0xb5: {  	[tilespmem:s29], [sflag:$0x3] =	stream.indirect.gather @!p0 [hbm4b:s4+s28], $0x20, s26, s28, $0xb8;
	[tilespmem:$0xAA20] =	vst v63  }
0xb6: {  	_ =	swait.ge [sflag:s21], $0xC80  }
0xb7: {  	[sflag:s21] =	ssyncset.done $0x0  }
0xb8: {  	s28 =	simm.s32 $0x8EB0;
	[sflag:s21] =	ssyncadd.s32 $0xFFFFF380  }
0xb9: {  	v4 =	vadd.f32 v4, v8;
	v7 =	vadd.f32 v7, v9;
	v10 =	vld [tilespmem:s28+$0xFFFFFED0]  }
0xba: {  	v8 =	vld [tilespmem:s28+$0xFFFFFEE0]  }
0xbb: {  	v2 =	vadd.f32 v2, v4;
	v4 =	vadd.f32 v5, v7;
	v9 =	vld [tilespmem:s28+$0xFFFFFEF0]  }
0xbc: {  	v5 =	vld [tilespmem:s28+$0xFFFFFF00]  }
0xbd: {  	v2 =	vadd.f32 v3, v2;
	v3 =	vadd.f32 v6, v4;
	v7 =	vld [tilespmem:s28+$0xFFFFFF10]  }
0xbe: {  	v4 =	vld [tilespmem:s28+$0xFFFFFF20]  }
0xbf: {  	v6 =	vld [tilespmem:s28+$0xFFFFFF30];
	v2 =	vadd.f32 v10, v2;
	v3 =	vadd.f32 v8, v3  }
0xc0: {  	v8 =	vld [tilespmem:s28+$0xFFFFFF40]  }
0xc1: {  	v10 =	vld [tilespmem:s28+$0xFFFFFF50];
	v2 =	vadd.f32 v9, v2;
	v3 =	vadd.f32 v5, v3  }
0xc2: {  	v5 =	vld [tilespmem:s28+$0xFFFFFF60]  }
0xc3: {  	v9 =	vld [tilespmem:s28+$0xFFFFFF70];
	v2 =	vadd.f32 v7, v2;
	v3 =	vadd.f32 v4, v3  }
0xc4: {  	v4 =	vld [tilespmem:s28+$0xFFFFFF80]  }
0xc5: {  	v11 =	vld [tilespmem:s28+$0xFFFFFFA0];
	v6 =	vadd.f32 v6, v2;
	v3 =	vadd.f32 v8, v3  }
0xc6: {  	v7 =	vld [tilespmem:s28+$0xFFFFFF90]  }
0xc7: {  	v2 =	vld [tilespmem:s28+$0xFFFFFFB0];
	v6 =	vadd.f32 v10, v6;
	v8 =	vadd.f32 v5, v3  }
0xc8: {  	v5 =	vld [tilespmem:s28+$0xFFFFFFC0]  }
0xc9: {  	v3 =	vld [tilespmem:s28+$0xFFFFFFD0];
	v9 =	vadd.f32 v9, v6;
	v10 =	vadd.f32 v4, v8  }
0xca: {  	v6 =	vld [tilespmem:s28+$0xFFFFFFE0]  }
0xcb: {  	v4 =	vld [tilespmem:s28+$0xFFFFFFF0];
	v8 =	vadd.f32 v7, v9;
	v9 =	vadd.f32 v11, v10  }
0xcc: {  	s26 =	simm.s32 $0x0;
	v7 =	vld [tilespmem:s28+$0x0];
	s28 =	simm.s32 $0x8FF0  }
.LBB2_9:
0xcd: {  	v10 =	vld [tilespmem:s28+$0xFFFFFED0];
	v2 =	vadd.f32 v2, v8;
	v5 =	vadd.f32 v5, v9  }
0xce: {  	s26 =	sadd.s32 $0xA, s26;
	v8 =	vld [tilespmem:s28+$0xFFFFFEE0]  }
0xcf: {  	p1 =	slt.u32 s26, $0x5A;
	v9 =	vld [tilespmem:s28+$0xFFFFFEF0];
	v2 =	vadd.f32 v3, v2;
	v3 =	vadd.f32 v6, v5  }
0xd0: {  	v5 =	vld [tilespmem:s28+$0xFFFFFF00]  }
0xd1: {  	v6 =	vld [tilespmem:s28+$0xFFFFFF10];
	v2 =	vadd.f32 v4, v2;
	v3 =	vadd.f32 v7, v3  }
0xd2: {  	v4 =	vld [tilespmem:s28+$0xFFFFFF20]  }
0xd3: {  	v2 =	vadd.f32 v10, v2;
	v3 =	vadd.f32 v8, v3;
	v7 =	vld [tilespmem:s28+$0xFFFFFF30]  }
0xd4: {  	v8 =	vld [tilespmem:s28+$0xFFFFFF40]  }
0xd5: {  	v2 =	vadd.f32 v9, v2;
	v3 =	vadd.f32 v5, v3;
	v5 =	vld [tilespmem:s28+$0xFFFFFF50]  }
0xd6: {  	v9 =	vld [tilespmem:s28+$0xFFFFFF60]  }
0xd7: {  	v2 =	vadd.f32 v6, v2;
	v3 =	vadd.f32 v4, v3;
	v4 =	vld [tilespmem:s28+$0xFFFFFF70]  }
0xd8: {  	v6 =	vld [tilespmem:s28+$0xFFFFFF80]  }
0xd9: {  	v2 =	vadd.f32 v7, v2;
	v3 =	vadd.f32 v8, v3;
	v7 =	vld [tilespmem:s28+$0xFFFFFF90]  }
0xda: {  	v10 =	vld [tilespmem:s28+$0xFFFFFFA0]  }
0xdb: {  	v8 =	vadd.f32 v5, v2;
	v3 =	vadd.f32 v9, v3;
	v2 =	vld [tilespmem:s28+$0xFFFFFFB0]  }
.Ltmp5:
0xdc: {  	v5 =	vld [tilespmem:s28+$0xFFFFFFC0];
	(pc) =	sbr.rel @p1 .LBB2_9-.Ltmp5, $4  }
0xdd: {  	v4 =	vadd.f32 v4, v8;
	v9 =	vadd.f32 v6, v3;
	v3 =	vld [tilespmem:s28+$0xFFFFFFD0]  }
0xde: {  	v6 =	vld [tilespmem:s28+$0xFFFFFFE0]  }
0xdf: {  	v8 =	vadd.f32 v7, v4;
	v9 =	vadd.f32 v10, v9;
	v4 =	vld [tilespmem:s28+$0xFFFFFFF0]  }
0xe0: {  	v7 =	vld [tilespmem:s28+$0x0];
	s28 =	sadd.s32 $0x140, s28  }
.Ltmp6:
0xe1: {  	v2 =	vadd.f32 v2, v8;
	v5 =	vadd.f32 v5, v9;
	(pc) =	sbr.rel @p0 .LBB2_12-.Ltmp6, $3  }
0xe2: {  	_ = 	snop  }
0xe3: {  	v2 =	vadd.f32 v3, v2;
	v5 =	vadd.f32 v6, v5;
	_ =	sdelay $0x1  }
0xe4: {  	v3 =	vadd.f32 v4, v2;
	v2 =	vadd.f32 v7, v5  }
0xe5: {  	s26 =	smul.u32 $0x680, s24;
	_ =	sdelay $0x1  }
.Ltmp7:
0xe6: {  	s26 =	sshra.s32 s26, $0x2;
	(pc) =	sbr.rel .LBB2_2-.Ltmp7, $4  }
0xe7: {  	s26 =	sadd.s32 $0x2D8, s26  }
0xe8: {  	[tilespmem:s17], [sflag:$0x4] =	stream.indirect.gather [hbm4b:s4+s10], $0x20, s26, s10, $0xb8;
	[tilespmem:$0xAA20] =	vst v63  }
0xe9: {  	[tilespmem:s25+$0x9A20] =	vst v3  }
0xea: {  	s24 =	sadd.s32 $0x1, s24;
	[tilespmem:s25+$0x9A30] =	vst v2  }
.LBB2_13:
0xeb: {  	_ =	sfence.sel $0x180000  }
0xec: {  	[bflag:$0x0] =	sbarrier.arrive $0xFFFF  }
0xed: {  	p0 =	sne.s32 s0, $0x0;
	_ =	strace $0x9000004A  }
0xee: {  	s0 =	sadd.s32 @!p0 $0x100000, s1;
	[bflag:$0x2] =	sbarrier.arrive $0xFFFF  }
0xef: {  	[sflag:s0] =	ssyncadd.tile.s32 @!p0 $0x1;
	_ =	shalt  }
.Lfunc_end2:
_tile_overlayer_lowered:
.L_overlay_start_2:
0xf0: {  	(tag) =	ssettag $0x2  }
0xf1: {  	s0 =	rddreg [dreg:$0x0];
	s2 =	stileid.u32  }
0xf2: {  	s1 =	rddreg [dreg:$0x1];
	p0 =	sne.s32 s2, $0x0  }
0xf3: {  	s3 =	rddreg [dreg:$0x2];
	[bflag:$0x3] =	sbarrier.arrive $0xFFFF;
	s2 =	simm.s32 @!p0 $0x1C05  }
0xf4: {  	[timem:s3], [sflag:s2] =	dma.local @!p0 [hbm:s0], s1  }
0xf5: {  	s0 =	simm.s32 @!p0 $0x5  }
0xf6: {  	_ =	swait.ge @!p0 [sflag:s0], s1  }
0xf7: {  	s1 =	ssub.s32 @!p0 $0x0, s1;
	[sflag:s0] =	ssyncset.done @!p0 $0x0  }
0xf8: {  	[sflag:s0] =	ssyncadd.s32 @!p0 s1  }
0xf9: {  	[bflag:$0x3] =	sbarrier.arrive $0xFFFF  }
0xfa: {  	_ =	shalt  }

</sc_bundles>
